<compile_context>
chip_gen: v7x
topology: tpu7x:2x2x1
jax: 0.10.2.dev20260603
libtpu: 0.0.44.dev20260713+nightly
codegen_flags: <defaults>
</compile_context>

<pallas_src>
import jax
import jax.numpy as jnp
from jax import lax
from jax.experimental import pallas as pl
from jax.experimental.pallas import tpu as pltpu
from jax.experimental.pallas import tpu_sc as plsc

B = 4096
L = 50
D = 32
R = 5
V = 1000000

NW = 32
ROWS = B * L
RPW = ROWS // NW
CH = 128
GRP = 10
NGRP = RPW // (CH * GRP)
NPW = B // NW

BB = 128
NBLK = B // BB
MB = BB * L
MP = MB // 4
RP = ROWS // 4


def _sc_hist_body(v2e, uvidx, out, idx_v, buf, sem):
    cid = lax.axis_index("c")
    sid = lax.axis_index("s")
    wid = sid * 2 + cid
    pltpu.sync_copy(uvidx.at[wid], idx_v)
    base = wid * RPW

    def grp(g, c):
        cps = [
            pltpu.async_copy(v2e.at[idx_v.at[g * GRP + j]],
                             buf.at[pl.ds(j * CH, CH)], sem)
            for j in range(GRP)
        ]
        for cp in cps:
            cp.wait()
        pltpu.sync_copy(buf, out.at[pl.ds(base + g * (GRP * CH), GRP * CH)])
        return c

    lax.fori_loop(0, NGRP, grp, 0)


_VEDGE = (V // 128) * 128


def _sc_node_stage_body(u2eT, nidx, staged, idx_v, chunks, sem):
    cid = lax.axis_index("c")
    sid = lax.axis_index("s")
    wid = sid * 2 + cid
    pltpu.sync_copy(nidx.at[wid], idx_v)

    def grp(g, c):
        idx16 = idx_v[pl.ds(g * 16, 16)]
        for b in range(16):
            r = idx16[b]
            s = pl.multiple_of(
                jnp.where(r >= _VEDGE, 0, (r // 128) * 128), 128)
            pltpu.async_copy(u2eT.at[:, pl.ds(s, 128)], chunks.at[b], sem)
        for b in range(16):
            pltpu.make_async_copy(u2eT.at[:, pl.ds(0, 128)],
                                  chunks.at[b], sem).wait()
        pltpu.sync_copy(chunks, staged.at[pl.ds((wid * 8 + g) * 16, 16)])
        return c

    lax.fori_loop(0, NPW // 16, grp, 0)


def _sc_node_extract_body(staged, nidx, edge_tab, out, idx_v, etab_v, chunks,
                          rowbuf, sem):
    cid = lax.axis_index("c")
    sid = lax.axis_index("s")
    wid = sid * 2 + cid
    pltpu.sync_copy(nidx.at[wid], idx_v)
    pltpu.sync_copy(edge_tab, etab_v)
    lane = lax.iota(jnp.int32, 16)

    def grp(g, c):
        idx16 = idx_v[pl.ds(g * 16, 16)]
        base = (wid * 8 + g) * 16
        pltpu.async_copy(staged.at[pl.ds(base, 16)], chunks, sem).wait()
        for b in range(16):
            r = idx16[b]
            edge = r >= _VEDGE
            rcol = jnp.full((16,), r % 128, jnp.int32)
            erow = jnp.full((16,), jnp.where(edge, r - _VEDGE, 0), jnp.int32)
            for h in range(2):
                vc = plsc.load_gather(chunks.at[b], [lane + 16 * h, rcol])
                ve = plsc.load_gather(etab_v, [erow, lane + 16 * h])
                v = jnp.where(edge, ve, vc)
                rowbuf[g * 4 + b // 4,
                       pl.ds(32 * (b % 4) + 16 * h, 16)] = v
        return c

    lax.fori_loop(0, NPW // 16, grp, 0)
    pltpu.sync_copy(rowbuf, out.at[pl.ds(wid * (NPW // 4), NPW // 4)])


def _linearize(table):
    return lax.optimization_barrier(table.reshape(V * D)).reshape(V, D)


def _sc_gather_hist(v2e, uvidx):
    mesh = plsc.VectorSubcoreMesh(core_axis_name="c", subcore_axis_name="s")
    k = pl.kernel(
        _sc_hist_body,
        mesh=mesh,
        out_type=jax.ShapeDtypeStruct((ROWS, D), jnp.float32),
        scratch_types=[
            pltpu.VMEM((RPW // CH, CH), jnp.int32),
            pltpu.VMEM((GRP * CH, D), jnp.float32),
            pltpu.SemaphoreType.DMA,
        ],
        compiler_params=pltpu.CompilerParams(use_tc_tiling_on_sc=False),
    )
    return k(v2e, uvidx)


def _sc_gather_nodes(u2eT, nidx, edge_tab):
    mesh = plsc.VectorSubcoreMesh(core_axis_name="c", subcore_axis_name="s")
    stage = pl.kernel(
        _sc_node_stage_body,
        mesh=mesh,
        out_type=jax.ShapeDtypeStruct((B, D, 128), jnp.float32),
        scratch_types=[
            pltpu.VMEM((NPW,), jnp.int32),
            pltpu.VMEM((16, D, 128), jnp.float32),
            pltpu.SemaphoreType.DMA,
        ],
        compiler_params=pltpu.CompilerParams(use_tc_tiling_on_sc=True),
    )
    staged = stage(u2eT, nidx)
    extract = pl.kernel(
        _sc_node_extract_body,
        mesh=mesh,
        out_type=jax.ShapeDtypeStruct((B // 4, 128), jnp.float32),
        scratch_types=[
            pltpu.VMEM((NPW,), jnp.int32),
            pltpu.VMEM((64, D), jnp.float32),
            pltpu.VMEM((16, D, 128), jnp.float32),
            pltpu.VMEM((NPW // 4, 128), jnp.float32),
            pltpu.SemaphoreType.DMA,
        ],
        compiler_params=pltpu.CompilerParams(use_tc_tiling_on_sc=False,
                                             needs_layout_passes=False),
    )
    return extract(staged, nidx, edge_tab)


def _tc_body(e_ref, oh_ref, u_ref, w1bd_ref, rwbd_ref, w2bd_ref, b2p_ref,
             a1tbd_ref, a1b_ref, b1a_ref, a2bd_ref, b2ap_ref, w3bc_ref,
             a2p_ref, gb4_ref, mask_ref, out_ref):
    f32 = jnp.float32
    x = jnp.maximum(
        jnp.dot(e_ref[...], w1bd_ref[...], preferred_element_type=f32)
        + jnp.dot(oh_ref[...], rwbd_ref[...], preferred_element_type=f32),
        0.0)
    o = jnp.maximum(
        jnp.dot(x, w2bd_ref[...], preferred_element_type=f32) + b2p_ref[...],
        0.0)
    ub = jnp.dot(u_ref[...], a1b_ref[...], preferred_element_type=f32) \
        + b1a_ref[...]
    vert = jnp.concatenate([ub, ub, ub, ub], axis=0)
    tiled = jnp.concatenate([vert, vert, vert, vert], axis=1)
    bd = tiled * mask_ref[...]
    ube = jnp.dot(a2p_ref[...], bd, preferred_element_type=f32)
    a = jnp.maximum(
        jnp.dot(o, a1tbd_ref[...], preferred_element_type=f32) + ube, 0.0)
    a = jnp.maximum(
        jnp.dot(a, a2bd_ref[...], preferred_element_type=f32) + b2ap_ref[...],
        0.0)
    s = jnp.dot(a, w3bc_ref[...], preferred_element_type=f32)
    es = jnp.exp(s)
    wo = o * es
    gb4 = gb4_ref[...]
    num = jnp.zeros((BB, D), f32)
    den = jnp.zeros((BB, D), f32)
    for j in range(4):
        gj = gb4[128 * j:128 * (j + 1), :]
        num += jnp.dot(gj, wo[:, 32 * j:32 * (j + 1)],
                       preferred_element_type=f32)
        den += jnp.dot(gj, es[:, 32 * j:32 * (j + 1)],
                       preferred_element_type=f32)
    out_ref[...] = num / den


def _tc_call(e_p, oh32, u_rows, w1bd, rwbd, w2bd, b2p, a1tbd, a1b, b1a,
             a2bd, b2ap, w3bc, a2p, gb4, maskbd):
    full = lambda shape: pl.BlockSpec(shape, lambda i: (0, 0))
    return pl.pallas_call(
        _tc_body,
        grid=(NBLK,),
        in_specs=[
            pl.BlockSpec((MP, 128), lambda i: (i, 0)),
            pl.BlockSpec((MP, 128), lambda i: (i, 0)),
            pl.BlockSpec((BB, D), lambda i: (i, 0)),
            full((128, 128)),
            full((128, 128)),
            full((128, 128)),
            full((1, 128)),
            full((128, 128)),
            full((D, D)),
            full((1, D)),
            full((128, 128)),
            full((1, 128)),
            full((128, 128)),
            full((MP, 512)),
            full((512, MP)),
            full((512, 128)),
        ],
        out_specs=pl.BlockSpec((BB, D), lambda i: (i, 0)),
        out_shape=jax.ShapeDtypeStruct((B, D), jnp.float32),
    )(e_p, oh32, u_rows, w1bd, rwbd, w2bd, b2p, a1tbd, a1b, b1a,
      a2bd, b2ap, w3bc, a2p, gb4, maskbd)


def _prep(history_r, r2e_table, w_r1_W, w_r1_b, w_r2_b, att1_W, att1_b,
          att2_W, att2_b, att3_W):
    f32 = jnp.float32
    i4 = jnp.eye(4, dtype=f32)
    hr4 = history_r.reshape(RP, 4)
    oh32 = (hr4[:, :, None]
            == jnp.arange(32, dtype=jnp.int32)[None, None, :]
            ).reshape(RP, 128).astype(f32)
    rw = r2e_table @ w_r1_W[D:] + w_r1_b
    rw32 = jnp.zeros((D, D), f32).at[:R].set(rw)
    w1bd = jnp.kron(i4, w_r1_W[:D])
    rwbd = jnp.kron(i4, rw32)
    m = jnp.arange(MP, dtype=jnp.int32)[:, None]
    k = jnp.arange(512, dtype=jnp.int32)[None, :]
    a2p = ((4 * m + k // 128) // L == k % 128).astype(f32)
    kk = jnp.arange(512, dtype=jnp.int32)[:, None]
    mm = jnp.arange(MP, dtype=jnp.int32)[None, :]
    gb4 = ((4 * mm + kk // 128) // L == kk % 128).astype(f32)
    jj = jnp.arange(512, dtype=jnp.int32)[:, None] // 128
    ll = jnp.arange(128, dtype=jnp.int32)[None, :] // 32
    maskbd = (jj == ll).astype(f32)
    w3bc = jnp.kron(i4, att3_W @ jnp.ones((1, D), f32))
    return oh32, w1bd, rwbd, a2p, gb4, maskbd, w3bc


def kernel(nodes, history_uv, history_r, v2e_table, u2e_table, r2e_table,
           w_r1_W, w_r1_b, w_r2_W, w_r2_b,
           att1_W, att1_b, att2_W, att2_b, att3_W, att3_b):
    f32 = jnp.float32
    i4 = jnp.eye(4, dtype=f32)
    nodes = nodes.astype(jnp.int32)
    history_r = history_r.astype(jnp.int32)
    uvidx = history_uv.astype(jnp.int32).reshape(NW, RPW // CH, CH)
    nidx = nodes.reshape(NW, NPW)

    e_rows = _sc_gather_hist(_linearize(v2e_table), uvidx)
    u_rows = _sc_gather_nodes(
        u2e_table.T, nidx, u2e_table[_VEDGE:]).reshape(B, D)
    e_p = e_rows.reshape(RP, 128)

    oh32, w1bd, rwbd, a2p, gb4, maskbd, w3bc = _prep(
        history_r, r2e_table, w_r1_W, w_r1_b, w_r2_b, att1_W, att1_b,
        att2_W, att2_b, att3_W)
    w2bd = jnp.kron(i4, w_r2_W)
    a1tbd = jnp.kron(i4, att1_W[:D])
    a2bd = jnp.kron(i4, att2_W)
    b2p = jnp.tile(w_r2_b, 4)[None, :]
    b2ap = jnp.tile(att2_b, 4)[None, :]
    return _tc_call(
        e_p, oh32, u_rows, w1bd, rwbd, w2bd, b2p, a1tbd, att1_W[D:],
        att1_b[None, :], a2bd, b2ap, w3bc, a2p, gb4, maskbd)

# --- scband reference (transcript-rebuilt; emitter-appended) ---
"""Pipeline reference for scband-uv-aggregator-73538430042664 (READ-ONLY COPY).

The authoritative reference and input builder live on the scoring server;
editing this copy changes nothing except your own understanding.
"""

import jax, jax.numpy as jnp
import numpy as np

B = 4096
L = 50
D = 32
V = 1000000
R = 5

def setup_inputs(seed: int = 0) -> dict:
    key = jax.random.key(seed)
    ks = jax.random.split(key, 16)
    inp = {}
    inp["nodes"] = jax.random.randint(ks[0], (B,), 0, V, dtype=jnp.int64 if jax.config.jax_enable_x64 else jnp.int32)
    inp["history_uv"] = jax.random.randint(ks[1], (B, L), 0, V, dtype=jnp.int64 if jax.config.jax_enable_x64 else jnp.int32)
    inp["history_r"] = jax.random.randint(ks[2], (B, L), 0, R, dtype=jnp.int64 if jax.config.jax_enable_x64 else jnp.int32)
    # learned parameters: embedding tables (v2e, u2e, r2e)
    inp["v2e_table"] = jax.random.normal(ks[3], (V, D), dtype=jnp.float32) * 0.1
    inp["u2e_table"] = jax.random.normal(ks[4], (V, D), dtype=jnp.float32) * 0.1
    inp["r2e_table"] = jax.random.normal(ks[5], (R, D), dtype=jnp.float32) * 0.1
    # dense layers w_r1: Dense(D) on 2D input, w_r2: Dense(D) on D input (keras kernel layout [in, out])
    inp["w_r1_W"] = jax.random.normal(ks[6], (2 * D, D), dtype=jnp.float32) * 0.05
    inp["w_r1_b"] = jnp.zeros((D,), dtype=jnp.float32)
    inp["w_r2_W"] = jax.random.normal(ks[7], (D, D), dtype=jnp.float32) * 0.05
    inp["w_r2_b"] = jnp.zeros((D,), dtype=jnp.float32)
    # Attention(embed_dim): att1 Dense(D) on 2D input, att2 Dense(D), att3 Dense(1)
    inp["att1_W"] = jax.random.normal(ks[8], (2 * D, D), dtype=jnp.float32) * 0.05
    inp["att1_b"] = jnp.zeros((D,), dtype=jnp.float32)
    inp["att2_W"] = jax.random.normal(ks[9], (D, D), dtype=jnp.float32) * 0.05
    inp["att2_b"] = jnp.zeros((D,), dtype=jnp.float32)
    inp["att3_W"] = jax.random.normal(ks[10], (D, 1), dtype=jnp.float32) * 0.05
    inp["att3_b"] = jnp.zeros((1,), dtype=jnp.float32)
    return inp


def reference(nodes, history_uv, history_r,
              v2e_table, u2e_table, r2e_table,
              w_r1_W, w_r1_b, w_r2_W, w_r2_b,
              att1_W, att1_b, att2_W, att2_b, att3_W, att3_b):
    # uv == True: history items embedded via v2e, center node via u2e
    e_uv = jnp.take(v2e_table, history_uv, axis=0)        # [B, L, D]  (SparseCore gather)
    uv_rep = jnp.take(u2e_table, nodes, axis=0)           # [B, D]
    e_r = jnp.take(r2e_table, history_r, axis=0)          # [B, L, D]
    # x = relu(w_r1(concat(e_uv, e_r)))
    x = jnp.concatenate([e_uv, e_r], axis=-1)             # [B, L, 2D]
    x = jax.nn.relu(x @ w_r1_W + w_r1_b)                  # [B, L, D]
    o_history = jax.nn.relu(x @ w_r2_W + w_r2_b)          # [B, L, D]
    # Attention: tile uv_rep over history, MLP -> scalar score -> softmax over history axis
    uv_reps = jnp.broadcast_to(uv_rep[:, None, :], o_history.shape)  # [B, L, D]
    a = jnp.concatenate([o_history, uv_reps], axis=-1)    # [B, L, 2D]
    a = jax.nn.relu(a @ att1_W + att1_b)
    a = jax.nn.relu(a @ att2_W + att2_b)
    a = a @ att3_W + att3_b                               # [B, L, 1]
    att_w = jax.nn.softmax(a, axis=1)                     # softmax over the L history items
    # att_history = o_history^T @ att_w, transposed -> weighted sum over history
    to_feats = jnp.sum(o_history * att_w, axis=1)         # [B, D]
    return to_feats


if False:  # reference __main__ guard neutralized (emitter)
    out = reference(**setup_inputs())
    print(out.shape, out.dtype)

if __name__ == "__main__":
    import jax
    _d = setup_inputs()
    print(jax.jit(kernel)(*tuple(_d.values())))

</pallas_src>

<mosaic_0001>
#map = affine_map<(d0, d1) -> (0, 0)>
#map1 = affine_map<(d0, d1) -> (0, 0, 0)>
module attributes {stable_mosaic.version = 14 : i64} {
  func.func @_sc_node_stage_body(%arg0: i32, %arg1: i32, %arg2: memref<32x1000000xf32, #tpu.memory_space<hbm>>, %arg3: memref<32x128xi32, #tpu.memory_space<hbm>>, %arg4: memref<4096x32x128xf32, #tpu.memory_space<hbm>>, %arg5: memref<128xi32, #tpu.memory_space<vmem>>, %arg6: memref<16x32x128xf32, #tpu.memory_space<vmem>>, %arg7: memref<!tpu.dma_semaphore, #tpu.memory_space<semaphore_mem>>) attributes {dimension_semantics = [#tpu.dimension_semantics<core_parallel>, #tpu.dimension_semantics<subcore_parallel>], iteration_bounds = array<i64: 2, 16>, scalar_prefetch = 0 : i64, scratch_operands = 3 : i64, tpu.core_type = #tpu.core_type<sc_vector_subcore>, window_params = [{transform_indices = #map}, {transform_indices = #map}, {transform_indices = #map1}]} {
    %mul3A = arith.constant 2 : i32
    %mul3A_0 = arith.muli %arg1, %mul3A : i32
    %add3A = arith.addi %mul3A_0, %arg0 : i32
    "tpu.region"() ({
      %run_scoped3A = tpu.sem_alloc : memref<!tpu.dma_semaphore, #tpu.memory_space<semaphore_mem>>
      %dma_start3A = arith.constant 0 : i32
      %dma_start3A_6 = tpu.memref_slice %arg3[%add3A, %dma_start3A] : memref<32x128xi32, #tpu.memory_space<hbm>> -> memref<1x128xi32, #tpu.memory_space<hbm>>
      %dma_start3A_7 = tpu.memref_squeeze %dma_start3A_6 : memref<1x128xi32, #tpu.memory_space<hbm>> -> memref<128xi32, #tpu.memory_space<hbm>>
      %dma_start3A_8 = arith.constant 0 : i32
      %dma_start3A_9 = tpu.memref_slice %arg3[%add3A, %dma_start3A_8] : memref<32x128xi32, #tpu.memory_space<hbm>> -> memref<1x128xi32, #tpu.memory_space<hbm>>
      %dma_start3A_10 = tpu.memref_squeeze %dma_start3A_9 : memref<1x128xi32, #tpu.memory_space<hbm>> -> memref<128xi32, #tpu.memory_space<hbm>>
      tpu.enqueue_dma source(%dma_start3A_10 : memref<128xi32, #tpu.memory_space<hbm>>) target(%arg5 : memref<128xi32, #tpu.memory_space<vmem>>) target_semaphore(%run_scoped3A : memref<!tpu.dma_semaphore, #tpu.memory_space<semaphore_mem>>)
      %dma_wait3A = arith.constant 0 : i32
      %dma_wait3A_11 = tpu.memref_slice %arg3[%add3A, %dma_wait3A] : memref<32x128xi32, #tpu.memory_space<hbm>> -> memref<1x128xi32, #tpu.memory_space<hbm>>
      %dma_wait3A_12 = tpu.memref_squeeze %dma_wait3A_11 : memref<1x128xi32, #tpu.memory_space<hbm>> -> memref<128xi32, #tpu.memory_space<hbm>>
      %dma_wait3A_13 = arith.constant 0 : i32
      %dma_wait3A_14 = tpu.memref_slice %arg3[%add3A, %dma_wait3A_13] : memref<32x128xi32, #tpu.memory_space<hbm>> -> memref<1x128xi32, #tpu.memory_space<hbm>>
      %dma_wait3A_15 = tpu.memref_squeeze %dma_wait3A_14 : memref<1x128xi32, #tpu.memory_space<hbm>> -> memref<128xi32, #tpu.memory_space<hbm>>
      tpu.wait_dma2 semaphore(%run_scoped3A : memref<!tpu.dma_semaphore, #tpu.memory_space<semaphore_mem>>) src(%dma_wait3A_15 : memref<128xi32, #tpu.memory_space<hbm>>) dst(%arg5 : memref<128xi32, #tpu.memory_space<vmem>>)
      tpu.yield
    }) : () -> ()
    %scan3A = arith.constant 0 : i32
    %scan3A_1 = arith.constant 0 : i32
    %scan3A_2 = arith.constant 8 : i32
    %scan3A_3 = arith.addi %scan3A_1, %scan3A_2 : i32
    %scan3A_4 = arith.constant 1 : i32
    scf.for %scan3A_6 = %scan3A_1 to %scan3A_3 step %scan3A_4  : i32 {
      %mul3A_7 = arith.constant 16 : i32
      %mul3A_8 = arith.muli %scan3A_6, %mul3A_7 : i32
      %get3A = arith.index_cast %mul3A_8 : i32 to index
      %get3A_9 = tpu.vector_load %arg5[%get3A] {strides = array<i32>} : memref<128xi32, #tpu.memory_space<vmem>>, vector<16xi32>,
      %get3A_10 = vector.shape_cast %get3A_9 : vector<16xi32> to vector<16xi32>
      %slice3A = vector.extract_strided_slice %get3A_10 {offsets = [0], sizes = [1], strides = [1]} : vector<16xi32> to vector<1xi32>
      %squeeze3A = vector.extract %slice3A[0] : i32 from vector<1xi32>
      %ge3A = arith.constant 999936 : i32
      %ge3A_11 = arith.cmpi sge, %squeeze3A, %ge3A : i32
      %jit3A = arith.constant 128 : i32
      %div3A = arith.divsi %squeeze3A, %jit3A : i32
      %sign3A = arith.constant 0 : i32
      %sign3A_12 = arith.cmpi sgt, %squeeze3A, %sign3A : i32
      %sign3A_13 = arith.extui %sign3A_12 : i1 to i32
      %sign3A_14 = arith.constant 0 : i32
      %sign3A_15 = arith.cmpi slt, %squeeze3A, %sign3A_14 : i32
      %sign3A_16 = arith.extui %sign3A_15 : i1 to i32
      %sign3A_17 = arith.subi %sign3A_13, %sign3A_16 : i32
      %sign3A_18 = arith.constant 0 : i32
      %sign3A_19 = arith.cmpi sgt, %jit3A, %sign3A_18 : i32
      %sign3A_20 = arith.extui %sign3A_19 : i1 to i32
      %sign3A_21 = arith.constant 0 : i32
      %sign3A_22 = arith.cmpi slt, %jit3A, %sign3A_21 : i32
      %sign3A_23 = arith.extui %sign3A_22 : i1 to i32
      %sign3A_24 = arith.subi %sign3A_20, %sign3A_23 : i32
      %ne3A = arith.cmpi ne, %sign3A_17, %sign3A_24 : i32
      %rem3A = arith.remsi %squeeze3A, %jit3A : i32
      %ne3A_25 = arith.constant 0 : i32
      %ne3A_26 = arith.cmpi ne, %rem3A, %ne3A_25 : i32
      %and3A = arith.andi %ne3A, %ne3A_26 : i1
      %sub3A = arith.constant 1 : i32
      %sub3A_27 = arith.subi %div3A, %sub3A : i32
      %select_n3A = arith.select %and3A, %sub3A_27, %div3A : i32
      %mul3A_28 = arith.constant 128 : i32
      %mul3A_29 = arith.muli %select_n3A, %mul3A_28 : i32
      %jit3A_30 = arith.constant 0 : i32
      %select_n3A_31 = arith.select %ge3A_11, %jit3A_30, %mul3A_29 : i32
      %multiple_of3A = tpu.assume_multiple %select_n3A_31, 128 : i32
      %dma_start3A = arith.constant 0 : i32
      %dma_start3A_32 = arith.constant 0 : i32
      %dma_start3A_33 = arith.constant 0 : i32
      %dma_start3A_34 = tpu.memref_slice %arg6[%dma_start3A, %dma_start3A_32, %dma_start3A_33] : memref<16x32x128xf32, #tpu.memory_space<vmem>> -> memref<1x32x128xf32, #tpu.memory_space<vmem>>
      %dma_start3A_35 = tpu.memref_squeeze %dma_start3A_34 : memref<1x32x128xf32, #tpu.memory_space<vmem>> -> memref<32x128xf32, #tpu.memory_space<vmem>>
      %dma_start3A_36 = arith.constant 0 : i32
      %dma_start3A_37 = tpu.memref_slice %arg2[%dma_start3A_36, %multiple_of3A] : memref<32x1000000xf32, #tpu.memory_space<hbm>> -> memref<32x128xf32, #tpu.memory_space<hbm>>
      %dma_start3A_38 = arith.constant 0 : i32
      %dma_start3A_39 = arith.constant 0 : i32
      %dma_start3A_40 = tpu.memref_slice %arg6[%dma_start3A, %dma_start3A_38, %dma_start3A_39] : memref<16x32x128xf32, #tpu.memory_space<vmem>> -> memref<1x32x128xf32, #tpu.memory_space<vmem>>
      %dma_start3A_41 = tpu.memref_squeeze %dma_start3A_40 : memref<1x32x128xf32, #tpu.memory_space<vmem>> -> memref<32x128xf32, #tpu.memory_space<vmem>>
      %dma_start3A_42 = arith.constant 0 : i32
      %dma_start3A_43 = tpu.memref_slice %arg2[%dma_start3A_42, %multiple_of3A] : memref<32x1000000xf32, #tpu.memory_space<hbm>> -> memref<32x128xf32, #tpu.memory_space<hbm>>
      tpu.enqueue_dma source(%dma_start3A_43 : memref<32x128xf32, #tpu.memory_space<hbm>>) target(%dma_start3A_41 : memref<32x128xf32, #tpu.memory_space<vmem>>) target_semaphore(%arg7 : memref<!tpu.dma_semaphore, #tpu.memory_space<semaphore_mem>>)
      %slice3A_44 = vector.extract_strided_slice %get3A_10 {offsets = [1], sizes = [1], strides = [1]} : vector<16xi32> to vector<1xi32>
      %squeeze3A_45 = vector.extract %slice3A_44[0] : i32 from vector<1xi32>
      %ge3A_46 = arith.constant 999936 : i32
      %ge3A_47 = arith.cmpi sge, %squeeze3A_45, %ge3A_46 : i32
      %jit3A_48 = arith.constant 128 : i32
      %div3A_49 = arith.divsi %squeeze3A_45, %jit3A_48 : i32
      %sign3A_50 = arith.constant 0 : i32
      %sign3A_51 = arith.cmpi sgt, %squeeze3A_45, %sign3A_50 : i32
      %sign3A_52 = arith.extui %sign3A_51 : i1 to i32
      %sign3A_53 = arith.constant 0 : i32
      %sign3A_54 = arith.cmpi slt, %squeeze3A_45, %sign3A_53 : i32
      %sign3A_55 = arith.extui %sign3A_54 : i1 to i32
      %sign3A_56 = arith.subi %sign3A_52, %sign3A_55 : i32
      %sign3A_57 = arith.constant 0 : i32
      %sign3A_58 = arith.cmpi sgt, %jit3A_48, %sign3A_57 : i32
      %sign3A_59 = arith.extui %sign3A_58 : i1 to i32
      %sign3A_60 = arith.constant 0 : i32
      %sign3A_61 = arith.cmpi slt, %jit3A_48, %sign3A_60 : i32
      %sign3A_62 = arith.extui %sign3A_61 : i1 to i32
      %sign3A_63 = arith.subi %sign3A_59, %sign3A_62 : i32
      %ne3A_64 = arith.cmpi ne, %sign3A_56, %sign3A_63 : i32
      %rem3A_65 = arith.remsi %squeeze3A_45, %jit3A_48 : i32
      %ne3A_66 = arith.constant 0 : i32
      %ne3A_67 = arith.cmpi ne, %rem3A_65, %ne3A_66 : i32
      %and3A_68 = arith.andi %ne3A_64, %ne3A_67 : i1
      %sub3A_69 = arith.constant 1 : i32
      %sub3A_70 = arith.subi %div3A_49, %sub3A_69 : i32
      %select_n3A_71 = arith.select %and3A_68, %sub3A_70, %div3A_49 : i32
      %mul3A_72 = arith.constant 128 : i32
      %mul3A_73 = arith.muli %select_n3A_71, %mul3A_72 : i32
      %jit3A_74 = arith.constant 0 : i32
      %select_n3A_75 = arith.select %ge3A_47, %jit3A_74, %mul3A_73 : i32
      %multiple_of3A_76 = tpu.assume_multiple %select_n3A_75, 128 : i32
      %dma_start3A_77 = arith.constant 1 : i32
      %dma_start3A_78 = arith.constant 0 : i32
      %dma_start3A_79 = arith.constant 0 : i32
      %dma_start3A_80 = tpu.memref_slice %arg6[%dma_start3A_77, %dma_start3A_78, %dma_start3A_79] : memref<16x32x128xf32, #tpu.memory_space<vmem>> -> memref<1x32x128xf32, #tpu.memory_space<vmem>>
      %dma_start3A_81 = tpu.memref_squeeze %dma_start3A_80 : memref<1x32x128xf32, #tpu.memory_space<vmem>> -> memref<32x128xf32, #tpu.memory_space<vmem>>
      %dma_start3A_82 = arith.constant 0 : i32
      %dma_start3A_83 = tpu.memref_slice %arg2[%dma_start3A_82, %multiple_of3A_76] : memref<32x1000000xf32, #tpu.memory_space<hbm>> -> memref<32x128xf32, #tpu.memory_space<hbm>>
      %dma_start3A_84 = arith.constant 0 : i32
      %dma_start3A_85 = arith.constant 0 : i32
      %dma_start3A_86 = tpu.memref_slice %arg6[%dma_start3A_77, %dma_start3A_84, %dma_start3A_85] : memref<16x32x128xf32, #tpu.memory_space<vmem>> -> memref<1x32x128xf32, #tpu.memory_space<vmem>>
      %dma_start3A_87 = tpu.memref_squeeze %dma_start3A_86 : memref<1x32x128xf32, #tpu.memory_space<vmem>> -> memref<32x128xf32, #tpu.memory_space<vmem>>
      %dma_start3A_88 = arith.constant 0 : i32
      %dma_start3A_89 = tpu.memref_slice %arg2[%dma_start3A_88, %multiple_of3A_76] : memref<32x1000000xf32, #tpu.memory_space<hbm>> -> memref<32x128xf32, #tpu.memory_space<hbm>>
      tpu.enqueue_dma source(%dma_start3A_89 : memref<32x128xf32, #tpu.memory_space<hbm>>) target(%dma_start3A_87 : memref<32x128xf32, #tpu.memory_space<vmem>>) target_semaphore(%arg7 : memref<!tpu.dma_semaphore, #tpu.memory_space<semaphore_mem>>)
      %slice3A_90 = vector.extract_strided_slice %get3A_10 {offsets = [2], sizes = [1], strides = [1]} : vector<16xi32> to vector<1xi32>
      %squeeze3A_91 = vector.extract %slice3A_90[0] : i32 from vector<1xi32>
      %ge3A_92 = arith.constant 999936 : i32
      %ge3A_93 = arith.cmpi sge, %squeeze3A_91, %ge3A_92 : i32
      %jit3A_94 = arith.constant 128 : i32
      %div3A_95 = arith.divsi %squeeze3A_91, %jit3A_94 : i32
      %sign3A_96 = arith.constant 0 : i32
      %sign3A_97 = arith.cmpi sgt, %squeeze3A_91, %sign3A_96 : i32
      %sign3A_98 = arith.extui %sign3A_97 : i1 to i32
      %sign3A_99 = arith.constant 0 : i32
      %sign3A_100 = arith.cmpi slt, %squeeze3A_91, %sign3A_99 : i32
      %sign3A_101 = arith.extui %sign3A_100 : i1 to i32
      %sign3A_102 = arith.subi %sign3A_98, %sign3A_101 : i32
      %sign3A_103 = arith.constant 0 : i32
      %sign3A_104 = arith.cmpi sgt, %jit3A_94, %sign3A_103 : i32
      %sign3A_105 = arith.extui %sign3A_104 : i1 to i32
      %sign3A_106 = arith.constant 0 : i32
      %sign3A_107 = arith.cmpi slt, %jit3A_94, %sign3A_106 : i32
      %sign3A_108 = arith.extui %sign3A_107 : i1 to i32
      %sign3A_109 = arith.subi %sign3A_105, %sign3A_108 : i32
      %ne3A_110 = arith.cmpi ne, %sign3A_102, %sign3A_109 : i32
      %rem3A_111 = arith.remsi %squeeze3A_91, %jit3A_94 : i32
      %ne3A_112 = arith.constant 0 : i32
      %ne3A_113 = arith.cmpi ne, %rem3A_111, %ne3A_112 : i32
      %and3A_114 = arith.andi %ne3A_110, %ne3A_113 : i1
      %sub3A_115 = arith.constant 1 : i32
      %sub3A_116 = arith.subi %div3A_95, %sub3A_115 : i32
      %select_n3A_117 = arith.select %and3A_114, %sub3A_116, %div3A_95 : i32
      %mul3A_118 = arith.constant 128 : i32
      %mul3A_119 = arith.muli %select_n3A_117, %mul3A_118 : i32
      %jit3A_120 = arith.constant 0 : i32
      %select_n3A_121 = arith.select %ge3A_93, %jit3A_120, %mul3A_119 : i32
      %multiple_of3A_122 = tpu.assume_multiple %select_n3A_121, 128 : i32
      %dma_start3A_123 = arith.constant 2 : i32
      %dma_start3A_124 = arith.constant 0 : i32
      %dma_start3A_125 = arith.constant 0 : i32
      %dma_start3A_126 = tpu.memref_slice %arg6[%dma_start3A_123, %dma_start3A_124, %dma_start3A_125] : memref<16x32x128xf32, #tpu.memory_space<vmem>> -> memref<1x32x128xf32, #tpu.memory_space<vmem>>
      %dma_start3A_127 = tpu.memref_squeeze %dma_start3A_126 : memref<1x32x128xf32, #tpu.memory_space<vmem>> -> memref<32x128xf32, #tpu.memory_space<vmem>>
      %dma_start3A_128 = arith.constant 0 : i32
      %dma_start3A_129 = tpu.memref_slice %arg2[%dma_start3A_128, %multiple_of3A_122] : memref<32x1000000xf32, #tpu.memory_space<hbm>> -> memref<32x128xf32, #tpu.memory_space<hbm>>
      %dma_start3A_130 = arith.constant 0 : i32
      %dma_start3A_131 = arith.constant 0 : i32
      %dma_start3A_132 = tpu.memref_slice %arg6[%dma_start3A_123, %dma_start3A_130, %dma_start3A_131] : memref<16x32x128xf32, #tpu.memory_space<vmem>> -> memref<1x32x128xf32, #tpu.memory_space<vmem>>
      %dma_start3A_133 = tpu.memref_squeeze %dma_start3A_132 : memref<1x32x128xf32, #tpu.memory_space<vmem>> -> memref<32x128xf32, #tpu.memory_space<vmem>>
      %dma_start3A_134 = arith.constant 0 : i32
      %dma_start3A_135 = tpu.memref_slice %arg2[%dma_start3A_134, %multiple_of3A_122] : memref<32x1000000xf32, #tpu.memory_space<hbm>> -> memref<32x128xf32, #tpu.memory_space<hbm>>
      tpu.enqueue_dma source(%dma_start3A_135 : memref<32x128xf32, #tpu.memory_space<hbm>>) target(%dma_start3A_133 : memref<32x128xf32, #tpu.memory_space<vmem>>) target_semaphore(%arg7 : memref<!tpu.dma_semaphore, #tpu.memory_space<semaphore_mem>>)
      %slice3A_136 = vector.extract_strided_slice %get3A_10 {offsets = [3], sizes = [1], strides = [1]} : vector<16xi32> to vector<1xi32>
      %squeeze3A_137 = vector.extract %slice3A_136[0] : i32 from vector<1xi32>
      %ge3A_138 = arith.constant 999936 : i32
      %ge3A_139 = arith.cmpi sge, %squeeze3A_137, %ge3A_138 : i32
      %jit3A_140 = arith.constant 128 : i32
      %div3A_141 = arith.divsi %squeeze3A_137, %jit3A_140 : i32
      %sign3A_142 = arith.constant 0 : i32
      %sign3A_143 = arith.cmpi sgt, %squeeze3A_137, %sign3A_142 : i32
      %sign3A_144 = arith.extui %sign3A_143 : i1 to i32
      %sign3A_145 = arith.constant 0 : i32
      %sign3A_146 = arith.cmpi slt, %squeeze3A_137, %sign3A_145 : i32
      %sign3A_147 = arith.extui %sign3A_146 : i1 to i32
      %sign3A_148 = arith.subi %sign3A_144, %sign3A_147 : i32
      %sign3A_149 = arith.constant 0 : i32
      %sign3A_150 = arith.cmpi sgt, %jit3A_140, %sign3A_149 : i32
      %sign3A_151 = arith.extui %sign3A_150 : i1 to i32
      %sign3A_152 = arith.constant 0 : i32
      %sign3A_153 = arith.cmpi slt, %jit3A_140, %sign3A_152 : i32
      %sign3A_154 = arith.extui %sign3A_153 : i1 to i32
      %sign3A_155 = arith.subi %sign3A_151, %sign3A_154 : i32
      %ne3A_156 = arith.cmpi ne, %sign3A_148, %sign3A_155 : i32
      %rem3A_157 = arith.remsi %squeeze3A_137, %jit3A_140 : i32
      %ne3A_158 = arith.constant 0 : i32
      %ne3A_159 = arith.cmpi ne, %rem3A_157, %ne3A_158 : i32
      %and3A_160 = arith.andi %ne3A_156, %ne3A_159 : i1
      %sub3A_161 = arith.constant 1 : i32
      %sub3A_162 = arith.subi %div3A_141, %sub3A_161 : i32
      %select_n3A_163 = arith.select %and3A_160, %sub3A_162, %div3A_141 : i32
      %mul3A_164 = arith.constant 128 : i32
      %mul3A_165 = arith.muli %select_n3A_163, %mul3A_164 : i32
      %jit3A_166 = arith.constant 0 : i32
      %select_n3A_167 = arith.select %ge3A_139, %jit3A_166, %mul3A_165 : i32
      %multiple_of3A_168 = tpu.assume_multiple %select_n3A_167, 128 : i32
      %dma_start3A_169 = arith.constant 3 : i32
      %dma_start3A_170 = arith.constant 0 : i32
      %dma_start3A_171 = arith.constant 0 : i32
      %dma_start3A_172 = tpu.memref_slice %arg6[%dma_start3A_169, %dma_start3A_170, %dma_start3A_171] : memref<16x32x128xf32, #tpu.memory_space<vmem>> -> memref<1x32x128xf32, #tpu.memory_space<vmem>>
      %dma_start3A_173 = tpu.memref_squeeze %dma_start3A_172 : memref<1x32x128xf32, #tpu.memory_space<vmem>> -> memref<32x128xf32, #tpu.memory_space<vmem>>
      %dma_start3A_174 = arith.constant 0 : i32
      %dma_start3A_175 = tpu.memref_slice %arg2[%dma_start3A_174, %multiple_of3A_168] : memref<32x1000000xf32, #tpu.memory_space<hbm>> -> memref<32x128xf32, #tpu.memory_space<hbm>>
      %dma_start3A_176 = arith.constant 0 : i32
      %dma_start3A_177 = arith.constant 0 : i32
      %dma_start3A_178 = tpu.memref_slice %arg6[%dma_start3A_169, %dma_start3A_176, %dma_start3A_177] : memref<16x32x128xf32, #tpu.memory_space<vmem>> -> memref<1x32x128xf32, #tpu.memory_space<vmem>>
      %dma_start3A_179 = tpu.memref_squeeze %dma_start3A_178 : memref<1x32x128xf32, #tpu.memory_space<vmem>> -> memref<32x128xf32, #tpu.memory_space<vmem>>
      %dma_start3A_180 = arith.constant 0 : i32
      %dma_start3A_181 = tpu.memref_slice %arg2[%dma_start3A_180, %multiple_of3A_168] : memref<32x1000000xf32, #tpu.memory_space<hbm>> -> memref<32x128xf32, #tpu.memory_space<hbm>>
      tpu.enqueue_dma source(%dma_start3A_181 : memref<32x128xf32, #tpu.memory_space<hbm>>) target(%dma_start3A_179 : memref<32x128xf32, #tpu.memory_space<vmem>>) target_semaphore(%arg7 : memref<!tpu.dma_semaphore, #tpu.memory_space<semaphore_mem>>)
      %slice3A_182 = vector.extract_strided_slice %get3A_10 {offsets = [4], sizes = [1], strides = [1]} : vector<16xi32> to vector<1xi32>
      %squeeze3A_183 = vector.extract %slice3A_182[0] : i32 from vector<1xi32>
      %ge3A_184 = arith.constant 999936 : i32
      %ge3A_185 = arith.cmpi sge, %squeeze3A_183, %ge3A_184 : i32
      %jit3A_186 = arith.constant 128 : i32
      %div3A_187 = arith.divsi %squeeze3A_183, %jit3A_186 : i32
      %sign3A_188 = arith.constant 0 : i32
      %sign3A_189 = arith.cmpi sgt, %squeeze3A_183, %sign3A_188 : i32
      %sign3A_190 = arith.extui %sign3A_189 : i1 to i32
      %sign3A_191 = arith.constant 0 : i32
      %sign3A_192 = arith.cmpi slt, %squeeze3A_183, %sign3A_191 : i32
      %sign3A_193 = arith.extui %sign3A_192 : i1 to i32
      %sign3A_194 = arith.subi %sign3A_190, %sign3A_193 : i32
      %sign3A_195 = arith.constant 0 : i32
      %sign3A_196 = arith.cmpi sgt, %jit3A_186, %sign3A_195 : i32
      %sign3A_197 = arith.extui %sign3A_196 : i1 to i32
      %sign3A_198 = arith.constant 0 : i32
      %sign3A_199 = arith.cmpi slt, %jit3A_186, %sign3A_198 : i32
      %sign3A_200 = arith.extui %sign3A_199 : i1 to i32
      %sign3A_201 = arith.subi %sign3A_197, %sign3A_200 : i32
      %ne3A_202 = arith.cmpi ne, %sign3A_194, %sign3A_201 : i32
      %rem3A_203 = arith.remsi %squeeze3A_183, %jit3A_186 : i32
      %ne3A_204 = arith.constant 0 : i32
      %ne3A_205 = arith.cmpi ne, %rem3A_203, %ne3A_204 : i32
      %and3A_206 = arith.andi %ne3A_202, %ne3A_205 : i1
      %sub3A_207 = arith.constant 1 : i32
      %sub3A_208 = arith.subi %div3A_187, %sub3A_207 : i32
      %select_n3A_209 = arith.select %and3A_206, %sub3A_208, %div3A_187 : i32
      %mul3A_210 = arith.constant 128 : i32
      %mul3A_211 = arith.muli %select_n3A_209, %mul3A_210 : i32
      %jit3A_212 = arith.constant 0 : i32
      %select_n3A_213 = arith.select %ge3A_185, %jit3A_212, %mul3A_211 : i32
      %multiple_of3A_214 = tpu.assume_multiple %select_n3A_213, 128 : i32
      %dma_start3A_215 = arith.constant 4 : i32
      %dma_start3A_216 = arith.constant 0 : i32
      %dma_start3A_217 = arith.constant 0 : i32
      %dma_start3A_218 = tpu.memref_slice %arg6[%dma_start3A_215, %dma_start3A_216, %dma_start3A_217] : memref<16x32x128xf32, #tpu.memory_space<vmem>> -> memref<1x32x128xf32, #tpu.memory_space<vmem>>
      %dma_start3A_219 = tpu.memref_squeeze %dma_start3A_218 : memref<1x32x128xf32, #tpu.memory_space<vmem>> -> memref<32x128xf32, #tpu.memory_space<vmem>>
      %dma_start3A_220 = arith.constant 0 : i32
      %dma_start3A_221 = tpu.memref_slice %arg2[%dma_start3A_220, %multiple_of3A_214] : memref<32x1000000xf32, #tpu.memory_space<hbm>> -> memref<32x128xf32, #tpu.memory_space<hbm>>
      %dma_start3A_222 = arith.constant 0 : i32
      %dma_start3A_223 = arith.constant 0 : i32
      %dma_start3A_224 = tpu.memref_slice %arg6[%dma_start3A_215, %dma_start3A_222, %dma_start3A_223] : memref<16x32x128xf32, #tpu.memory_space<vmem>> -> memref<1x32x128xf32, #tpu.memory_space<vmem>>
      %dma_start3A_225 = tpu.memref_squeeze %dma_start3A_224 : memref<1x32x128xf32, #tpu.memory_space<vmem>> -> memref<32x128xf32, #tpu.memory_space<vmem>>
      %dma_start3A_226 = arith.constant 0 : i32
      %dma_start3A_227 = tpu.memref_slice %arg2[%dma_start3A_226, %multiple_of3A_214] : memref<32x1000000xf32, #tpu.memory_space<hbm>> -> memref<32x128xf32, #tpu.memory_space<hbm>>
      tpu.enqueue_dma source(%dma_start3A_227 : memref<32x128xf32, #tpu.memory_space<hbm>>) target(%dma_start3A_225 : memref<32x128xf32, #tpu.memory_space<vmem>>) target_semaphore(%arg7 : memref<!tpu.dma_semaphore, #tpu.memory_space<semaphore_mem>>)
      %slice3A_228 = vector.extract_strided_slice %get3A_10 {offsets = [5], sizes = [1], strides = [1]} : vector<16xi32> to vector<1xi32>
      %squeeze3A_229 = vector.extract %slice3A_228[0] : i32 from vector<1xi32>
      %ge3A_230 = arith.constant 999936 : i32
      %ge3A_231 = arith.cmpi sge, %squeeze3A_229, %ge3A_230 : i32
      %jit3A_232 = arith.constant 128 : i32
      %div3A_233 = arith.divsi %squeeze3A_229, %jit3A_232 : i32
      %sign3A_234 = arith.constant 0 : i32
      %sign3A_235 = arith.cmpi sgt, %squeeze3A_229, %sign3A_234 : i32
      %sign3A_236 = arith.extui %sign3A_235 : i1 to i32
      %sign3A_237 = arith.constant 0 : i32
      %sign3A_238 = arith.cmpi slt, %squeeze3A_229, %sign3A_237 : i32
      %sign3A_239 = arith.extui %sign3A_238 : i1 to i32
      %sign3A_240 = arith.subi %sign3A_236, %sign3A_239 : i32
      %sign3A_241 = arith.constant 0 : i32
      %sign3A_242 = arith.cmpi sgt, %jit3A_232, %sign3A_241 : i32
      %sign3A_243 = arith.extui %sign3A_242 : i1 to i32
      %sign3A_244 = arith.constant 0 : i32
      %sign3A_245 = arith.cmpi slt, %jit3A_232, %sign3A_244 : i32
      %sign3A_246 = arith.extui %sign3A_245 : i1 to i32
      %sign3A_247 = arith.subi %sign3A_243, %sign3A_246 : i32
      %ne3A_248 = arith.cmpi ne, %sign3A_240, %sign3A_247 : i32
      %rem3A_249 = arith.remsi %squeeze3A_229, %jit3A_232 : i32
      %ne3A_250 = arith.constant 0 : i32
      %ne3A_251 = arith.cmpi ne, %rem3A_249, %ne3A_250 : i32
      %and3A_252 = arith.andi %ne3A_248, %ne3A_251 : i1
      %sub3A_253 = arith.constant 1 : i32
      %sub3A_254 = arith.subi %div3A_233, %sub3A_253 : i32
      %select_n3A_255 = arith.select %and3A_252, %sub3A_254, %div3A_233 : i32
      %mul3A_256 = arith.constant 128 : i32
      %mul3A_257 = arith.muli %select_n3A_255, %mul3A_256 : i32
      %jit3A_258 = arith.constant 0 : i32
      %select_n3A_259 = arith.select %ge3A_231, %jit3A_258, %mul3A_257 : i32
      %multiple_of3A_260 = tpu.assume_multiple %select_n3A_259, 128 : i32
      %dma_start3A_261 = arith.constant 5 : i32
      %dma_start3A_262 = arith.constant 0 : i32
      %dma_start3A_263 = arith.constant 0 : i32
      %dma_start3A_264 = tpu.memref_slice %arg6[%dma_start3A_261, %dma_start3A_262, %dma_start3A_263] : memref<16x32x128xf32, #tpu.memory_space<vmem>> -> memref<1x32x128xf32, #tpu.memory_space<vmem>>
      %dma_start3A_265 = tpu.memref_squeeze %dma_start3A_264 : memref<1x32x128xf32, #tpu.memory_space<vmem>> -> memref<32x128xf32, #tpu.memory_space<vmem>>
      %dma_start3A_266 = arith.constant 0 : i32
      %dma_start3A_267 = tpu.memref_slice %arg2[%dma_start3A_266, %multiple_of3A_260] : memref<32x1000000xf32, #tpu.memory_space<hbm>> -> memref<32x128xf32, #tpu.memory_space<hbm>>
      %dma_start3A_268 = arith.constant 0 : i32
      %dma_start3A_269 = arith.constant 0 : i32
      %dma_start3A_270 = tpu.memref_slice %arg6[%dma_start3A_261, %dma_start3A_268, %dma_start3A_269] : memref<16x32x128xf32, #tpu.memory_space<vmem>> -> memref<1x32x128xf32, #tpu.memory_space<vmem>>
      %dma_start3A_271 = tpu.memref_squeeze %dma_start3A_270 : memref<1x32x128xf32, #tpu.memory_space<vmem>> -> memref<32x128xf32, #tpu.memory_space<vmem>>
      %dma_start3A_272 = arith.constant 0 : i32
      %dma_start3A_273 = tpu.memref_slice %arg2[%dma_start3A_272, %multiple_of3A_260] : memref<32x1000000xf32, #tpu.memory_space<hbm>> -> memref<32x128xf32, #tpu.memory_space<hbm>>
      tpu.enqueue_dma source(%dma_start3A_273 : memref<32x128xf32, #tpu.memory_space<hbm>>) target(%dma_start3A_271 : memref<32x128xf32, #tpu.memory_space<vmem>>) target_semaphore(%arg7 : memref<!tpu.dma_semaphore, #tpu.memory_space<semaphore_mem>>)
      %slice3A_274 = vector.extract_strided_slice %get3A_10 {offsets = [6], sizes = [1], strides = [1]} : vector<16xi32> to vector<1xi32>
      %squeeze3A_275 = vector.extract %slice3A_274[0] : i32 from vector<1xi32>
      %ge3A_276 = arith.constant 999936 : i32
      %ge3A_277 = arith.cmpi sge, %squeeze3A_275, %ge3A_276 : i32
      %jit3A_278 = arith.constant 128 : i32
      %div3A_279 = arith.divsi %squeeze3A_275, %jit3A_278 : i32
      %sign3A_280 = arith.constant 0 : i32
      %sign3A_281 = arith.cmpi sgt, %squeeze3A_275, %sign3A_280 : i32
      %sign3A_282 = arith.extui %sign3A_281 : i1 to i32
      %sign3A_283 = arith.constant 0 : i32
      %sign3A_284 = arith.cmpi slt, %squeeze3A_275, %sign3A_283 : i32
      %sign3A_285 = arith.extui %sign3A_284 : i1 to i32
      %sign3A_286 = arith.subi %sign3A_282, %sign3A_285 : i32
      %sign3A_287 = arith.constant 0 : i32
      %sign3A_288 = arith.cmpi sgt, %jit3A_278, %sign3A_287 : i32
      %sign3A_289 = arith.extui %sign3A_288 : i1 to i32
      %sign3A_290 = arith.constant 0 : i32
      %sign3A_291 = arith.cmpi slt, %jit3A_278, %sign3A_290 : i32
      %sign3A_292 = arith.extui %sign3A_291 : i1 to i32
      %sign3A_293 = arith.subi %sign3A_289, %sign3A_292 : i32
      %ne3A_294 = arith.cmpi ne, %sign3A_286, %sign3A_293 : i32
      %rem3A_295 = arith.remsi %squeeze3A_275, %jit3A_278 : i32
      %ne3A_296 = arith.constant 0 : i32
      %ne3A_297 = arith.cmpi ne, %rem3A_295, %ne3A_296 : i32
      %and3A_298 = arith.andi %ne3A_294, %ne3A_297 : i1
      %sub3A_299 = arith.constant 1 : i32
      %sub3A_300 = arith.subi %div3A_279, %sub3A_299 : i32
      %select_n3A_301 = arith.select %and3A_298, %sub3A_300, %div3A_279 : i32
      %mul3A_302 = arith.constant 128 : i32
      %mul3A_303 = arith.muli %select_n3A_301, %mul3A_302 : i32
      %jit3A_304 = arith.constant 0 : i32
      %select_n3A_305 = arith.select %ge3A_277, %jit3A_304, %mul3A_303 : i32
      %multiple_of3A_306 = tpu.assume_multiple %select_n3A_305, 128 : i32
      %dma_start3A_307 = arith.constant 6 : i32
      %dma_start3A_308 = arith.constant 0 : i32
      %dma_start3A_309 = arith.constant 0 : i32
      %dma_start3A_310 = tpu.memref_slice %arg6[%dma_start3A_307, %dma_start3A_308, %dma_start3A_309] : memref<16x32x128xf32, #tpu.memory_space<vmem>> -> memref<1x32x128xf32, #tpu.memory_space<vmem>>
      %dma_start3A_311 = tpu.memref_squeeze %dma_start3A_310 : memref<1x32x128xf32, #tpu.memory_space<vmem>> -> memref<32x128xf32, #tpu.memory_space<vmem>>
      %dma_start3A_312 = arith.constant 0 : i32
      %dma_start3A_313 = tpu.memref_slice %arg2[%dma_start3A_312, %multiple_of3A_306] : memref<32x1000000xf32, #tpu.memory_space<hbm>> -> memref<32x128xf32, #tpu.memory_space<hbm>>
      %dma_start3A_314 = arith.constant 0 : i32
      %dma_start3A_315 = arith.constant 0 : i32
      %dma_start3A_316 = tpu.memref_slice %arg6[%dma_start3A_307, %dma_start3A_314, %dma_start3A_315] : memref<16x32x128xf32, #tpu.memory_space<vmem>> -> memref<1x32x128xf32, #tpu.memory_space<vmem>>
      %dma_start3A_317 = tpu.memref_squeeze %dma_start3A_316 : memref<1x32x128xf32, #tpu.memory_space<vmem>> -> memref<32x128xf32, #tpu.memory_space<vmem>>
      %dma_start3A_318 = arith.constant 0 : i32
      %dma_start3A_319 = tpu.memref_slice %arg2[%dma_start3A_318, %multiple_of3A_306] : memref<32x1000000xf32, #tpu.memory_space<hbm>> -> memref<32x128xf32, #tpu.memory_space<hbm>>
      tpu.enqueue_dma source(%dma_start3A_319 : memref<32x128xf32, #tpu.memory_space<hbm>>) target(%dma_start3A_317 : memref<32x128xf32, #tpu.memory_space<vmem>>) target_semaphore(%arg7 : memref<!tpu.dma_semaphore, #tpu.memory_space<semaphore_mem>>)
      %slice3A_320 = vector.extract_strided_slice %get3A_10 {offsets = [7], sizes = [1], strides = [1]} : vector<16xi32> to vector<1xi32>
      %squeeze3A_321 = vector.extract %slice3A_320[0] : i32 from vector<1xi32>
      %ge3A_322 = arith.constant 999936 : i32
      %ge3A_323 = arith.cmpi sge, %squeeze3A_321, %ge3A_322 : i32
      %jit3A_324 = arith.constant 128 : i32
      %div3A_325 = arith.divsi %squeeze3A_321, %jit3A_324 : i32
      %sign3A_326 = arith.constant 0 : i32
      %sign3A_327 = arith.cmpi sgt, %squeeze3A_321, %sign3A_326 : i32
      %sign3A_328 = arith.extui %sign3A_327 : i1 to i32
      %sign3A_329 = arith.constant 0 : i32
      %sign3A_330 = arith.cmpi slt, %squeeze3A_321, %sign3A_329 : i32
      %sign3A_331 = arith.extui %sign3A_330 : i1 to i32
      %sign3A_332 = arith.subi %sign3A_328, %sign3A_331 : i32
      %sign3A_333 = arith.constant 0 : i32
      %sign3A_334 = arith.cmpi sgt, %jit3A_324, %sign3A_333 : i32
      %sign3A_335 = arith.extui %sign3A_334 : i1 to i32
      %sign3A_336 = arith.constant 0 : i32
      %sign3A_337 = arith.cmpi slt, %jit3A_324, %sign3A_336 : i32
      %sign3A_338 = arith.extui %sign3A_337 : i1 to i32
      %sign3A_339 = arith.subi %sign3A_335, %sign3A_338 : i32
      %ne3A_340 = arith.cmpi ne, %sign3A_332, %sign3A_339 : i32
      %rem3A_341 = arith.remsi %squeeze3A_321, %jit3A_324 : i32
      %ne3A_342 = arith.constant 0 : i32
      %ne3A_343 = arith.cmpi ne, %rem3A_341, %ne3A_342 : i32
      %and3A_344 = arith.andi %ne3A_340, %ne3A_343 : i1
      %sub3A_345 = arith.constant 1 : i32
      %sub3A_346 = arith.subi %div3A_325, %sub3A_345 : i32
      %select_n3A_347 = arith.select %and3A_344, %sub3A_346, %div3A_325 : i32
      %mul3A_348 = arith.constant 128 : i32
      %mul3A_349 = arith.muli %select_n3A_347, %mul3A_348 : i32
      %jit3A_350 = arith.constant 0 : i32
      %select_n3A_351 = arith.select %ge3A_323, %jit3A_350, %mul3A_349 : i32
      %multiple_of3A_352 = tpu.assume_multiple %select_n3A_351, 128 : i32
      %dma_start3A_353 = arith.constant 7 : i32
      %dma_start3A_354 = arith.constant 0 : i32
      %dma_start3A_355 = arith.constant 0 : i32
      %dma_start3A_356 = tpu.memref_slice %arg6[%dma_start3A_353, %dma_start3A_354, %dma_start3A_355] : memref<16x32x128xf32, #tpu.memory_space<vmem>> -> memref<1x32x128xf32, #tpu.memory_space<vmem>>
      %dma_start3A_357 = tpu.memref_squeeze %dma_start3A_356 : memref<1x32x128xf32, #tpu.memory_space<vmem>> -> memref<32x128xf32, #tpu.memory_space<vmem>>
      %dma_start3A_358 = arith.constant 0 : i32
      %dma_start3A_359 = tpu.memref_slice %arg2[%dma_start3A_358, %multiple_of3A_352] : memref<32x1000000xf32, #tpu.memory_space<hbm>> -> memref<32x128xf32, #tpu.memory_space<hbm>>
      %dma_start3A_360 = arith.constant 0 : i32
      %dma_start3A_361 = arith.constant 0 : i32
      %dma_start3A_362 = tpu.memref_slice %arg6[%dma_start3A_353, %dma_start3A_360, %dma_start3A_361] : memref<16x32x128xf32, #tpu.memory_space<vmem>> -> memref<1x32x128xf32, #tpu.memory_space<vmem>>
      %dma_start3A_363 = tpu.memref_squeeze %dma_start3A_362 : memref<1x32x128xf32, #tpu.memory_space<vmem>> -> memref<32x128xf32, #tpu.memory_space<vmem>>
      %dma_start3A_364 = arith.constant 0 : i32
      %dma_start3A_365 = tpu.memref_slice %arg2[%dma_start3A_364, %multiple_of3A_352] : memref<32x1000000xf32, #tpu.memory_space<hbm>> -> memref<32x128xf32, #tpu.memory_space<hbm>>
      tpu.enqueue_dma source(%dma_start3A_365 : memref<32x128xf32, #tpu.memory_space<hbm>>) target(%dma_start3A_363 : memref<32x128xf32, #tpu.memory_space<vmem>>) target_semaphore(%arg7 : memref<!tpu.dma_semaphore, #tpu.memory_space<semaphore_mem>>)
      %slice3A_366 = vector.extract_strided_slice %get3A_10 {offsets = [8], sizes = [1], strides = [1]} : vector<16xi32> to vector<1xi32>
      %squeeze3A_367 = vector.extract %slice3A_366[0] : i32 from vector<1xi32>
      %ge3A_368 = arith.constant 999936 : i32
      %ge3A_369 = arith.cmpi sge, %squeeze3A_367, %ge3A_368 : i32
      %jit3A_370 = arith.constant 128 : i32
      %div3A_371 = arith.divsi %squeeze3A_367, %jit3A_370 : i32
      %sign3A_372 = arith.constant 0 : i32
      %sign3A_373 = arith.cmpi sgt, %squeeze3A_367, %sign3A_372 : i32
      %sign3A_374 = arith.extui %sign3A_373 : i1 to i32
      %sign3A_375 = arith.constant 0 : i32
      %sign3A_376 = arith.cmpi slt, %squeeze3A_367, %sign3A_375 : i32
      %sign3A_377 = arith.extui %sign3A_376 : i1 to i32
      %sign3A_378 = arith.subi %sign3A_374, %sign3A_377 : i32
      %sign3A_379 = arith.constant 0 : i32
      %sign3A_380 = arith.cmpi sgt, %jit3A_370, %sign3A_379 : i32
      %sign3A_381 = arith.extui %sign3A_380 : i1 to i32
      %sign3A_382 = arith.constant 0 : i32
      %sign3A_383 = arith.cmpi slt, %jit3A_370, %sign3A_382 : i32
      %sign3A_384 = arith.extui %sign3A_383 : i1 to i32
      %sign3A_385 = arith.subi %sign3A_381, %sign3A_384 : i32
      %ne3A_386 = arith.cmpi ne, %sign3A_378, %sign3A_385 : i32
      %rem3A_387 = arith.remsi %squeeze3A_367, %jit3A_370 : i32
      %ne3A_388 = arith.constant 0 : i32
      %ne3A_389 = arith.cmpi ne, %rem3A_387, %ne3A_388 : i32
      %and3A_390 = arith.andi %ne3A_386, %ne3A_389 : i1
      %sub3A_391 = arith.constant 1 : i32
      %sub3A_392 = arith.subi %div3A_371, %sub3A_391 : i32
      %select_n3A_393 = arith.select %and3A_390, %sub3A_392, %div3A_371 : i32
      %mul3A_394 = arith.constant 128 : i32
      %mul3A_395 = arith.muli %select_n3A_393, %mul3A_394 : i32
      %jit3A_396 = arith.constant 0 : i32
      %select_n3A_397 = arith.select %ge3A_369, %jit3A_396, %mul3A_395 : i32
      %multiple_of3A_398 = tpu.assume_multiple %select_n3A_397, 128 : i32
      %dma_start3A_399 = arith.constant 8 : i32
      %dma_start3A_400 = arith.constant 0 : i32
      %dma_start3A_401 = arith.constant 0 : i32
      %dma_start3A_402 = tpu.memref_slice %arg6[%dma_start3A_399, %dma_start3A_400, %dma_start3A_401] : memref<16x32x128xf32, #tpu.memory_space<vmem>> -> memref<1x32x128xf32, #tpu.memory_space<vmem>>
      %dma_start3A_403 = tpu.memref_squeeze %dma_start3A_402 : memref<1x32x128xf32, #tpu.memory_space<vmem>> -> memref<32x128xf32, #tpu.memory_space<vmem>>
      %dma_start3A_404 = arith.constant 0 : i32
      %dma_start3A_405 = tpu.memref_slice %arg2[%dma_start3A_404, %multiple_of3A_398] : memref<32x1000000xf32, #tpu.memory_space<hbm>> -> memref<32x128xf32, #tpu.memory_space<hbm>>
      %dma_start3A_406 = arith.constant 0 : i32
      %dma_start3A_407 = arith.constant 0 : i32
      %dma_start3A_408 = tpu.memref_slice %arg6[%dma_start3A_399, %dma_start3A_406, %dma_start3A_407] : memref<16x32x128xf32, #tpu.memory_space<vmem>> -> memref<1x32x128xf32, #tpu.memory_space<vmem>>
      %dma_start3A_409 = tpu.memref_squeeze %dma_start3A_408 : memref<1x32x128xf32, #tpu.memory_space<vmem>> -> memref<32x128xf32, #tpu.memory_space<vmem>>
      %dma_start3A_410 = arith.constant 0 : i32
      %dma_start3A_411 = tpu.memref_slice %arg2[%dma_start3A_410, %multiple_of3A_398] : memref<32x1000000xf32, #tpu.memory_space<hbm>> -> memref<32x128xf32, #tpu.memory_space<hbm>>
      tpu.enqueue_dma source(%dma_start3A_411 : memref<32x128xf32, #tpu.memory_space<hbm>>) target(%dma_start3A_409 : memref<32x128xf32, #tpu.memory_space<vmem>>) target_semaphore(%arg7 : memref<!tpu.dma_semaphore, #tpu.memory_space<semaphore_mem>>)
      %slice3A_412 = vector.extract_strided_slice %get3A_10 {offsets = [9], sizes = [1], strides = [1]} : vector<16xi32> to vector<1xi32>
      %squeeze3A_413 = vector.extract %slice3A_412[0] : i32 from vector<1xi32>
      %ge3A_414 = arith.constant 999936 : i32
      %ge3A_415 = arith.cmpi sge, %squeeze3A_413, %ge3A_414 : i32
      %jit3A_416 = arith.constant 128 : i32
      %div3A_417 = arith.divsi %squeeze3A_413, %jit3A_416 : i32
      %sign3A_418 = arith.constant 0 : i32
      %sign3A_419 = arith.cmpi sgt, %squeeze3A_413, %sign3A_418 : i32
      %sign3A_420 = arith.extui %sign3A_419 : i1 to i32
      %sign3A_421 = arith.constant 0 : i32
      %sign3A_422 = arith.cmpi slt, %squeeze3A_413, %sign3A_421 : i32
      %sign3A_423 = arith.extui %sign3A_422 : i1 to i32
      %sign3A_424 = arith.subi %sign3A_420, %sign3A_423 : i32
      %sign3A_425 = arith.constant 0 : i32
      %sign3A_426 = arith.cmpi sgt, %jit3A_416, %sign3A_425 : i32
      %sign3A_427 = arith.extui %sign3A_426 : i1 to i32
      %sign3A_428 = arith.constant 0 : i32
      %sign3A_429 = arith.cmpi slt, %jit3A_416, %sign3A_428 : i32
      %sign3A_430 = arith.extui %sign3A_429 : i1 to i32
      %sign3A_431 = arith.subi %sign3A_427, %sign3A_430 : i32
      %ne3A_432 = arith.cmpi ne, %sign3A_424, %sign3A_431 : i32
      %rem3A_433 = arith.remsi %squeeze3A_413, %jit3A_416 : i32
      %ne3A_434 = arith.constant 0 : i32
      %ne3A_435 = arith.cmpi ne, %rem3A_433, %ne3A_434 : i32
      %and3A_436 = arith.andi %ne3A_432, %ne3A_435 : i1
      %sub3A_437 = arith.constant 1 : i32
      %sub3A_438 = arith.subi %div3A_417, %sub3A_437 : i32
      %select_n3A_439 = arith.select %and3A_436, %sub3A_438, %div3A_417 : i32
      %mul3A_440 = arith.constant 128 : i32
      %mul3A_441 = arith.muli %select_n3A_439, %mul3A_440 : i32
      %jit3A_442 = arith.constant 0 : i32
      %select_n3A_443 = arith.select %ge3A_415, %jit3A_442, %mul3A_441 : i32
      %multiple_of3A_444 = tpu.assume_multiple %select_n3A_443, 128 : i32
      %dma_start3A_445 = arith.constant 9 : i32
      %dma_start3A_446 = arith.constant 0 : i32
      %dma_start3A_447 = arith.constant 0 : i32
      %dma_start3A_448 = tpu.memref_slice %arg6[%dma_start3A_445, %dma_start3A_446, %dma_start3A_447] : memref<16x32x128xf32, #tpu.memory_space<vmem>> -> memref<1x32x128xf32, #tpu.memory_space<vmem>>
      %dma_start3A_449 = tpu.memref_squeeze %dma_start3A_448 : memref<1x32x128xf32, #tpu.memory_space<vmem>> -> memref<32x128xf32, #tpu.memory_space<vmem>>
      %dma_start3A_450 = arith.constant 0 : i32
      %dma_start3A_451 = tpu.memref_slice %arg2[%dma_start3A_450, %multiple_of3A_444] : memref<32x1000000xf32, #tpu.memory_space<hbm>> -> memref<32x128xf32, #tpu.memory_space<hbm>>
      %dma_start3A_452 = arith.constant 0 : i32
      %dma_start3A_453 = arith.constant 0 : i32
      %dma_start3A_454 = tpu.memref_slice %arg6[%dma_start3A_445, %dma_start3A_452, %dma_start3A_453] : memref<16x32x128xf32, #tpu.memory_space<vmem>> -> memref<1x32x128xf32, #tpu.memory_space<vmem>>
      %dma_start3A_455 = tpu.memref_squeeze %dma_start3A_454 : memref<1x32x128xf32, #tpu.memory_space<vmem>> -> memref<32x128xf32, #tpu.memory_space<vmem>>
      %dma_start3A_456 = arith.constant 0 : i32
      %dma_start3A_457 = tpu.memref_slice %arg2[%dma_start3A_456, %multiple_of3A_444] : memref<32x1000000xf32, #tpu.memory_space<hbm>> -> memref<32x128xf32, #tpu.memory_space<hbm>>
      tpu.enqueue_dma source(%dma_start3A_457 : memref<32x128xf32, #tpu.memory_space<hbm>>) target(%dma_start3A_455 : memref<32x128xf32, #tpu.memory_space<vmem>>) target_semaphore(%arg7 : memref<!tpu.dma_semaphore, #tpu.memory_space<semaphore_mem>>)
      %slice3A_458 = vector.extract_strided_slice %get3A_10 {offsets = [10], sizes = [1], strides = [1]} : vector<16xi32> to vector<1xi32>
      %squeeze3A_459 = vector.extract %slice3A_458[0] : i32 from vector<1xi32>
      %ge3A_460 = arith.constant 999936 : i32
      %ge3A_461 = arith.cmpi sge, %squeeze3A_459, %ge3A_460 : i32
      %jit3A_462 = arith.constant 128 : i32
      %div3A_463 = arith.divsi %squeeze3A_459, %jit3A_462 : i32
      %sign3A_464 = arith.constant 0 : i32
      %sign3A_465 = arith.cmpi sgt, %squeeze3A_459, %sign3A_464 : i32
      %sign3A_466 = arith.extui %sign3A_465 : i1 to i32
      %sign3A_467 = arith.constant 0 : i32
      %sign3A_468 = arith.cmpi slt, %squeeze3A_459, %sign3A_467 : i32
      %sign3A_469 = arith.extui %sign3A_468 : i1 to i32
      %sign3A_470 = arith.subi %sign3A_466, %sign3A_469 : i32
      %sign3A_471 = arith.constant 0 : i32
      %sign3A_472 = arith.cmpi sgt, %jit3A_462, %sign3A_471 : i32
      %sign3A_473 = arith.extui %sign3A_472 : i1 to i32
      %sign3A_474 = arith.constant 0 : i32
      %sign3A_475 = arith.cmpi slt, %jit3A_462, %sign3A_474 : i32
      %sign3A_476 = arith.extui %sign3A_475 : i1 to i32
      %sign3A_477 = arith.subi %sign3A_473, %sign3A_476 : i32
      %ne3A_478 = arith.cmpi ne, %sign3A_470, %sign3A_477 : i32
      %rem3A_479 = arith.remsi %squeeze3A_459, %jit3A_462 : i32
      %ne3A_480 = arith.constant 0 : i32
      %ne3A_481 = arith.cmpi ne, %rem3A_479, %ne3A_480 : i32
      %and3A_482 = arith.andi %ne3A_478, %ne3A_481 : i1
      %sub3A_483 = arith.constant 1 : i32
      %sub3A_484 = arith.subi %div3A_463, %sub3A_483 : i32
      %select_n3A_485 = arith.select %and3A_482, %sub3A_484, %div3A_463 : i32
      %mul3A_486 = arith.constant 128 : i32
      %mul3A_487 = arith.muli %select_n3A_485, %mul3A_486 : i32
      %jit3A_488 = arith.constant 0 : i32
      %select_n3A_489 = arith.select %ge3A_461, %jit3A_488, %mul3A_487 : i32
      %multiple_of3A_490 = tpu.assume_multiple %select_n3A_489, 128 : i32
      %dma_start3A_491 = arith.constant 10 : i32
      %dma_start3A_492 = arith.constant 0 : i32
      %dma_start3A_493 = arith.constant 0 : i32
      %dma_start3A_494 = tpu.memref_slice %arg6[%dma_start3A_491, %dma_start3A_492, %dma_start3A_493] : memref<16x32x128xf32, #tpu.memory_space<vmem>> -> memref<1x32x128xf32, #tpu.memory_space<vmem>>
      %dma_start3A_495 = tpu.memref_squeeze %dma_start3A_494 : memref<1x32x128xf32, #tpu.memory_space<vmem>> -> memref<32x128xf32, #tpu.memory_space<vmem>>
      %dma_start3A_496 = arith.constant 0 : i32
      %dma_start3A_497 = tpu.memref_slice %arg2[%dma_start3A_496, %multiple_of3A_490] : memref<32x1000000xf32, #tpu.memory_space<hbm>> -> memref<32x128xf32, #tpu.memory_space<hbm>>
      %dma_start3A_498 = arith.constant 0 : i32
      %dma_start3A_499 = arith.constant 0 : i32
      %dma_start3A_500 = tpu.memref_slice %arg6[%dma_start3A_491, %dma_start3A_498, %dma_start3A_499] : memref<16x32x128xf32, #tpu.memory_space<vmem>> -> memref<1x32x128xf32, #tpu.memory_space<vmem>>
      %dma_start3A_501 = tpu.memref_squeeze %dma_start3A_500 : memref<1x32x128xf32, #tpu.memory_space<vmem>> -> memref<32x128xf32, #tpu.memory_space<vmem>>
      %dma_start3A_502 = arith.constant 0 : i32
      %dma_start3A_503 = tpu.memref_slice %arg2[%dma_start3A_502, %multiple_of3A_490] : memref<32x1000000xf32, #tpu.memory_space<hbm>> -> memref<32x128xf32, #tpu.memory_space<hbm>>
      tpu.enqueue_dma source(%dma_start3A_503 : memref<32x128xf32, #tpu.memory_space<hbm>>) target(%dma_start3A_501 : memref<32x128xf32, #tpu.memory_space<vmem>>) target_semaphore(%arg7 : memref<!tpu.dma_semaphore, #tpu.memory_space<semaphore_mem>>)
      %slice3A_504 = vector.extract_strided_slice %get3A_10 {offsets = [11], sizes = [1], strides = [1]} : vector<16xi32> to vector<1xi32>
      %squeeze3A_505 = vector.extract %slice3A_504[0] : i32 from vector<1xi32>
      %ge3A_506 = arith.constant 999936 : i32
      %ge3A_507 = arith.cmpi sge, %squeeze3A_505, %ge3A_506 : i32
      %jit3A_508 = arith.constant 128 : i32
      %div3A_509 = arith.divsi %squeeze3A_505, %jit3A_508 : i32
      %sign3A_510 = arith.constant 0 : i32
      %sign3A_511 = arith.cmpi sgt, %squeeze3A_505, %sign3A_510 : i32
      %sign3A_512 = arith.extui %sign3A_511 : i1 to i32
      %sign3A_513 = arith.constant 0 : i32
      %sign3A_514 = arith.cmpi slt, %squeeze3A_505, %sign3A_513 : i32
      %sign3A_515 = arith.extui %sign3A_514 : i1 to i32
      %sign3A_516 = arith.subi %sign3A_512, %sign3A_515 : i32
      %sign3A_517 = arith.constant 0 : i32
      %sign3A_518 = arith.cmpi sgt, %jit3A_508, %sign3A_517 : i32
      %sign3A_519 = arith.extui %sign3A_518 : i1 to i32
      %sign3A_520 = arith.constant 0 : i32
      %sign3A_521 = arith.cmpi slt, %jit3A_508, %sign3A_520 : i32
      %sign3A_522 = arith.extui %sign3A_521 : i1 to i32
      %sign3A_523 = arith.subi %sign3A_519, %sign3A_522 : i32
      %ne3A_524 = arith.cmpi ne, %sign3A_516, %sign3A_523 : i32
      %rem3A_525 = arith.remsi %squeeze3A_505, %jit3A_508 : i32
      %ne3A_526 = arith.constant 0 : i32
      %ne3A_527 = arith.cmpi ne, %rem3A_525, %ne3A_526 : i32
      %and3A_528 = arith.andi %ne3A_524, %ne3A_527 : i1
      %sub3A_529 = arith.constant 1 : i32
      %sub3A_530 = arith.subi %div3A_509, %sub3A_529 : i32
      %select_n3A_531 = arith.select %and3A_528, %sub3A_530, %div3A_509 : i32
      %mul3A_532 = arith.constant 128 : i32
      %mul3A_533 = arith.muli %select_n3A_531, %mul3A_532 : i32
      %jit3A_534 = arith.constant 0 : i32
      %select_n3A_535 = arith.select %ge3A_507, %jit3A_534, %mul3A_533 : i32
      %multiple_of3A_536 = tpu.assume_multiple %select_n3A_535, 128 : i32
      %dma_start3A_537 = arith.constant 11 : i32
      %dma_start3A_538 = arith.constant 0 : i32
      %dma_start3A_539 = arith.constant 0 : i32
      %dma_start3A_540 = tpu.memref_slice %arg6[%dma_start3A_537, %dma_start3A_538, %dma_start3A_539] : memref<16x32x128xf32, #tpu.memory_space<vmem>> -> memref<1x32x128xf32, #tpu.memory_space<vmem>>
      %dma_start3A_541 = tpu.memref_squeeze %dma_start3A_540 : memref<1x32x128xf32, #tpu.memory_space<vmem>> -> memref<32x128xf32, #tpu.memory_space<vmem>>
      %dma_start3A_542 = arith.constant 0 : i32
      %dma_start3A_543 = tpu.memref_slice %arg2[%dma_start3A_542, %multiple_of3A_536] : memref<32x1000000xf32, #tpu.memory_space<hbm>> -> memref<32x128xf32, #tpu.memory_space<hbm>>
      %dma_start3A_544 = arith.constant 0 : i32
      %dma_start3A_545 = arith.constant 0 : i32
      %dma_start3A_546 = tpu.memref_slice %arg6[%dma_start3A_537, %dma_start3A_544, %dma_start3A_545] : memref<16x32x128xf32, #tpu.memory_space<vmem>> -> memref<1x32x128xf32, #tpu.memory_space<vmem>>
      %dma_start3A_547 = tpu.memref_squeeze %dma_start3A_546 : memref<1x32x128xf32, #tpu.memory_space<vmem>> -> memref<32x128xf32, #tpu.memory_space<vmem>>
      %dma_start3A_548 = arith.constant 0 : i32
      %dma_start3A_549 = tpu.memref_slice %arg2[%dma_start3A_548, %multiple_of3A_536] : memref<32x1000000xf32, #tpu.memory_space<hbm>> -> memref<32x128xf32, #tpu.memory_space<hbm>>
      tpu.enqueue_dma source(%dma_start3A_549 : memref<32x128xf32, #tpu.memory_space<hbm>>) target(%dma_start3A_547 : memref<32x128xf32, #tpu.memory_space<vmem>>) target_semaphore(%arg7 : memref<!tpu.dma_semaphore, #tpu.memory_space<semaphore_mem>>)
      %slice3A_550 = vector.extract_strided_slice %get3A_10 {offsets = [12], sizes = [1], strides = [1]} : vector<16xi32> to vector<1xi32>
      %squeeze3A_551 = vector.extract %slice3A_550[0] : i32 from vector<1xi32>
      %ge3A_552 = arith.constant 999936 : i32
      %ge3A_553 = arith.cmpi sge, %squeeze3A_551, %ge3A_552 : i32
      %jit3A_554 = arith.constant 128 : i32
      %div3A_555 = arith.divsi %squeeze3A_551, %jit3A_554 : i32
      %sign3A_556 = arith.constant 0 : i32
      %sign3A_557 = arith.cmpi sgt, %squeeze3A_551, %sign3A_556 : i32
      %sign3A_558 = arith.extui %sign3A_557 : i1 to i32
      %sign3A_559 = arith.constant 0 : i32
      %sign3A_560 = arith.cmpi slt, %squeeze3A_551, %sign3A_559 : i32
      %sign3A_561 = arith.extui %sign3A_560 : i1 to i32
      %sign3A_562 = arith.subi %sign3A_558, %sign3A_561 : i32
      %sign3A_563 = arith.constant 0 : i32
      %sign3A_564 = arith.cmpi sgt, %jit3A_554, %sign3A_563 : i32
      %sign3A_565 = arith.extui %sign3A_564 : i1 to i32
      %sign3A_566 = arith.constant 0 : i32
      %sign3A_567 = arith.cmpi slt, %jit3A_554, %sign3A_566 : i32
      %sign3A_568 = arith.extui %sign3A_567 : i1 to i32
      %sign3A_569 = arith.subi %sign3A_565, %sign3A_568 : i32
      %ne3A_570 = arith.cmpi ne, %sign3A_562, %sign3A_569 : i32
      %rem3A_571 = arith.remsi %squeeze3A_551, %jit3A_554 : i32
      %ne3A_572 = arith.constant 0 : i32
      %ne3A_573 = arith.cmpi ne, %rem3A_571, %ne3A_572 : i32
      %and3A_574 = arith.andi %ne3A_570, %ne3A_573 : i1
      %sub3A_575 = arith.constant 1 : i32
      %sub3A_576 = arith.subi %div3A_555, %sub3A_575 : i32
      %select_n3A_577 = arith.select %and3A_574, %sub3A_576, %div3A_555 : i32
      %mul3A_578 = arith.constant 128 : i32
      %mul3A_579 = arith.muli %select_n3A_577, %mul3A_578 : i32
      %jit3A_580 = arith.constant 0 : i32
      %select_n3A_581 = arith.select %ge3A_553, %jit3A_580, %mul3A_579 : i32
      %multiple_of3A_582 = tpu.assume_multiple %select_n3A_581, 128 : i32
      %dma_start3A_583 = arith.constant 12 : i32
      %dma_start3A_584 = arith.constant 0 : i32
      %dma_start3A_585 = arith.constant 0 : i32
      %dma_start3A_586 = tpu.memref_slice %arg6[%dma_start3A_583, %dma_start3A_584, %dma_start3A_585] : memref<16x32x128xf32, #tpu.memory_space<vmem>> -> memref<1x32x128xf32, #tpu.memory_space<vmem>>
      %dma_start3A_587 = tpu.memref_squeeze %dma_start3A_586 : memref<1x32x128xf32, #tpu.memory_space<vmem>> -> memref<32x128xf32, #tpu.memory_space<vmem>>
      %dma_start3A_588 = arith.constant 0 : i32
      %dma_start3A_589 = tpu.memref_slice %arg2[%dma_start3A_588, %multiple_of3A_582] : memref<32x1000000xf32, #tpu.memory_space<hbm>> -> memref<32x128xf32, #tpu.memory_space<hbm>>
      %dma_start3A_590 = arith.constant 0 : i32
      %dma_start3A_591 = arith.constant 0 : i32
      %dma_start3A_592 = tpu.memref_slice %arg6[%dma_start3A_583, %dma_start3A_590, %dma_start3A_591] : memref<16x32x128xf32, #tpu.memory_space<vmem>> -> memref<1x32x128xf32, #tpu.memory_space<vmem>>
      %dma_start3A_593 = tpu.memref_squeeze %dma_start3A_592 : memref<1x32x128xf32, #tpu.memory_space<vmem>> -> memref<32x128xf32, #tpu.memory_space<vmem>>
      %dma_start3A_594 = arith.constant 0 : i32
      %dma_start3A_595 = tpu.memref_slice %arg2[%dma_start3A_594, %multiple_of3A_582] : memref<32x1000000xf32, #tpu.memory_space<hbm>> -> memref<32x128xf32, #tpu.memory_space<hbm>>
      tpu.enqueue_dma source(%dma_start3A_595 : memref<32x128xf32, #tpu.memory_space<hbm>>) target(%dma_start3A_593 : memref<32x128xf32, #tpu.memory_space<vmem>>) target_semaphore(%arg7 : memref<!tpu.dma_semaphore, #tpu.memory_space<semaphore_mem>>)
      %slice3A_596 = vector.extract_strided_slice %get3A_10 {offsets = [13], sizes = [1], strides = [1]} : vector<16xi32> to vector<1xi32>
      %squeeze3A_597 = vector.extract %slice3A_596[0] : i32 from vector<1xi32>
      %ge3A_598 = arith.constant 999936 : i32
      %ge3A_599 = arith.cmpi sge, %squeeze3A_597, %ge3A_598 : i32
      %jit3A_600 = arith.constant 128 : i32
      %div3A_601 = arith.divsi %squeeze3A_597, %jit3A_600 : i32
      %sign3A_602 = arith.constant 0 : i32
      %sign3A_603 = arith.cmpi sgt, %squeeze3A_597, %sign3A_602 : i32
      %sign3A_604 = arith.extui %sign3A_603 : i1 to i32
      %sign3A_605 = arith.constant 0 : i32
      %sign3A_606 = arith.cmpi slt, %squeeze3A_597, %sign3A_605 : i32
      %sign3A_607 = arith.extui %sign3A_606 : i1 to i32
      %sign3A_608 = arith.subi %sign3A_604, %sign3A_607 : i32
      %sign3A_609 = arith.constant 0 : i32
      %sign3A_610 = arith.cmpi sgt, %jit3A_600, %sign3A_609 : i32
      %sign3A_611 = arith.extui %sign3A_610 : i1 to i32
      %sign3A_612 = arith.constant 0 : i32
      %sign3A_613 = arith.cmpi slt, %jit3A_600, %sign3A_612 : i32
      %sign3A_614 = arith.extui %sign3A_613 : i1 to i32
      %sign3A_615 = arith.subi %sign3A_611, %sign3A_614 : i32
      %ne3A_616 = arith.cmpi ne, %sign3A_608, %sign3A_615 : i32
      %rem3A_617 = arith.remsi %squeeze3A_597, %jit3A_600 : i32
      %ne3A_618 = arith.constant 0 : i32
      %ne3A_619 = arith.cmpi ne, %rem3A_617, %ne3A_618 : i32
      %and3A_620 = arith.andi %ne3A_616, %ne3A_619 : i1
      %sub3A_621 = arith.constant 1 : i32
      %sub3A_622 = arith.subi %div3A_601, %sub3A_621 : i32
      %select_n3A_623 = arith.select %and3A_620, %sub3A_622, %div3A_601 : i32
      %mul3A_624 = arith.constant 128 : i32
      %mul3A_625 = arith.muli %select_n3A_623, %mul3A_624 : i32
      %jit3A_626 = arith.constant 0 : i32
      %select_n3A_627 = arith.select %ge3A_599, %jit3A_626, %mul3A_625 : i32
      %multiple_of3A_628 = tpu.assume_multiple %select_n3A_627, 128 : i32
      %dma_start3A_629 = arith.constant 13 : i32
      %dma_start3A_630 = arith.constant 0 : i32
      %dma_start3A_631 = arith.constant 0 : i32
      %dma_start3A_632 = tpu.memref_slice %arg6[%dma_start3A_629, %dma_start3A_630, %dma_start3A_631] : memref<16x32x128xf32, #tpu.memory_space<vmem>> -> memref<1x32x128xf32, #tpu.memory_space<vmem>>
      %dma_start3A_633 = tpu.memref_squeeze %dma_start3A_632 : memref<1x32x128xf32, #tpu.memory_space<vmem>> -> memref<32x128xf32, #tpu.memory_space<vmem>>
      %dma_start3A_634 = arith.constant 0 : i32
      %dma_start3A_635 = tpu.memref_slice %arg2[%dma_start3A_634, %multiple_of3A_628] : memref<32x1000000xf32, #tpu.memory_space<hbm>> -> memref<32x128xf32, #tpu.memory_space<hbm>>
      %dma_start3A_636 = arith.constant 0 : i32
      %dma_start3A_637 = arith.constant 0 : i32
      %dma_start3A_638 = tpu.memref_slice %arg6[%dma_start3A_629, %dma_start3A_636, %dma_start3A_637] : memref<16x32x128xf32, #tpu.memory_space<vmem>> -> memref<1x32x128xf32, #tpu.memory_space<vmem>>
      %dma_start3A_639 = tpu.memref_squeeze %dma_start3A_638 : memref<1x32x128xf32, #tpu.memory_space<vmem>> -> memref<32x128xf32, #tpu.memory_space<vmem>>
      %dma_start3A_640 = arith.constant 0 : i32
      %dma_start3A_641 = tpu.memref_slice %arg2[%dma_start3A_640, %multiple_of3A_628] : memref<32x1000000xf32, #tpu.memory_space<hbm>> -> memref<32x128xf32, #tpu.memory_space<hbm>>
      tpu.enqueue_dma source(%dma_start3A_641 : memref<32x128xf32, #tpu.memory_space<hbm>>) target(%dma_start3A_639 : memref<32x128xf32, #tpu.memory_space<vmem>>) target_semaphore(%arg7 : memref<!tpu.dma_semaphore, #tpu.memory_space<semaphore_mem>>)
      %slice3A_642 = vector.extract_strided_slice %get3A_10 {offsets = [14], sizes = [1], strides = [1]} : vector<16xi32> to vector<1xi32>
      %squeeze3A_643 = vector.extract %slice3A_642[0] : i32 from vector<1xi32>
      %ge3A_644 = arith.constant 999936 : i32
      %ge3A_645 = arith.cmpi sge, %squeeze3A_643, %ge3A_644 : i32
      %jit3A_646 = arith.constant 128 : i32
      %div3A_647 = arith.divsi %squeeze3A_643, %jit3A_646 : i32
      %sign3A_648 = arith.constant 0 : i32
      %sign3A_649 = arith.cmpi sgt, %squeeze3A_643, %sign3A_648 : i32
      %sign3A_650 = arith.extui %sign3A_649 : i1 to i32
      %sign3A_651 = arith.constant 0 : i32
      %sign3A_652 = arith.cmpi slt, %squeeze3A_643, %sign3A_651 : i32
      %sign3A_653 = arith.extui %sign3A_652 : i1 to i32
      %sign3A_654 = arith.subi %sign3A_650, %sign3A_653 : i32
      %sign3A_655 = arith.constant 0 : i32
      %sign3A_656 = arith.cmpi sgt, %jit3A_646, %sign3A_655 : i32
      %sign3A_657 = arith.extui %sign3A_656 : i1 to i32
      %sign3A_658 = arith.constant 0 : i32
      %sign3A_659 = arith.cmpi slt, %jit3A_646, %sign3A_658 : i32
      %sign3A_660 = arith.extui %sign3A_659 : i1 to i32
      %sign3A_661 = arith.subi %sign3A_657, %sign3A_660 : i32
      %ne3A_662 = arith.cmpi ne, %sign3A_654, %sign3A_661 : i32
      %rem3A_663 = arith.remsi %squeeze3A_643, %jit3A_646 : i32
      %ne3A_664 = arith.constant 0 : i32
      %ne3A_665 = arith.cmpi ne, %rem3A_663, %ne3A_664 : i32
      %and3A_666 = arith.andi %ne3A_662, %ne3A_665 : i1
      %sub3A_667 = arith.constant 1 : i32
      %sub3A_668 = arith.subi %div3A_647, %sub3A_667 : i32
      %select_n3A_669 = arith.select %and3A_666, %sub3A_668, %div3A_647 : i32
      %mul3A_670 = arith.constant 128 : i32
      %mul3A_671 = arith.muli %select_n3A_669, %mul3A_670 : i32
      %jit3A_672 = arith.constant 0 : i32
      %select_n3A_673 = arith.select %ge3A_645, %jit3A_672, %mul3A_671 : i32
      %multiple_of3A_674 = tpu.assume_multiple %select_n3A_673, 128 : i32
      %dma_start3A_675 = arith.constant 14 : i32
      %dma_start3A_676 = arith.constant 0 : i32
      %dma_start3A_677 = arith.constant 0 : i32
      %dma_start3A_678 = tpu.memref_slice %arg6[%dma_start3A_675, %dma_start3A_676, %dma_start3A_677] : memref<16x32x128xf32, #tpu.memory_space<vmem>> -> memref<1x32x128xf32, #tpu.memory_space<vmem>>
      %dma_start3A_679 = tpu.memref_squeeze %dma_start3A_678 : memref<1x32x128xf32, #tpu.memory_space<vmem>> -> memref<32x128xf32, #tpu.memory_space<vmem>>
      %dma_start3A_680 = arith.constant 0 : i32
      %dma_start3A_681 = tpu.memref_slice %arg2[%dma_start3A_680, %multiple_of3A_674] : memref<32x1000000xf32, #tpu.memory_space<hbm>> -> memref<32x128xf32, #tpu.memory_space<hbm>>
      %dma_start3A_682 = arith.constant 0 : i32
      %dma_start3A_683 = arith.constant 0 : i32
      %dma_start3A_684 = tpu.memref_slice %arg6[%dma_start3A_675, %dma_start3A_682, %dma_start3A_683] : memref<16x32x128xf32, #tpu.memory_space<vmem>> -> memref<1x32x128xf32, #tpu.memory_space<vmem>>
      %dma_start3A_685 = tpu.memref_squeeze %dma_start3A_684 : memref<1x32x128xf32, #tpu.memory_space<vmem>> -> memref<32x128xf32, #tpu.memory_space<vmem>>
      %dma_start3A_686 = arith.constant 0 : i32
      %dma_start3A_687 = tpu.memref_slice %arg2[%dma_start3A_686, %multiple_of3A_674] : memref<32x1000000xf32, #tpu.memory_space<hbm>> -> memref<32x128xf32, #tpu.memory_space<hbm>>
      tpu.enqueue_dma source(%dma_start3A_687 : memref<32x128xf32, #tpu.memory_space<hbm>>) target(%dma_start3A_685 : memref<32x128xf32, #tpu.memory_space<vmem>>) target_semaphore(%arg7 : memref<!tpu.dma_semaphore, #tpu.memory_space<semaphore_mem>>)
      %slice3A_688 = vector.extract_strided_slice %get3A_10 {offsets = [15], sizes = [1], strides = [1]} : vector<16xi32> to vector<1xi32>
      %squeeze3A_689 = vector.extract %slice3A_688[0] : i32 from vector<1xi32>
      %ge3A_690 = arith.constant 999936 : i32
      %ge3A_691 = arith.cmpi sge, %squeeze3A_689, %ge3A_690 : i32
      %jit3A_692 = arith.constant 128 : i32
      %div3A_693 = arith.divsi %squeeze3A_689, %jit3A_692 : i32
      %sign3A_694 = arith.constant 0 : i32
      %sign3A_695 = arith.cmpi sgt, %squeeze3A_689, %sign3A_694 : i32
      %sign3A_696 = arith.extui %sign3A_695 : i1 to i32
      %sign3A_697 = arith.constant 0 : i32
      %sign3A_698 = arith.cmpi slt, %squeeze3A_689, %sign3A_697 : i32
      %sign3A_699 = arith.extui %sign3A_698 : i1 to i32
      %sign3A_700 = arith.subi %sign3A_696, %sign3A_699 : i32
      %sign3A_701 = arith.constant 0 : i32
      %sign3A_702 = arith.cmpi sgt, %jit3A_692, %sign3A_701 : i32
      %sign3A_703 = arith.extui %sign3A_702 : i1 to i32
      %sign3A_704 = arith.constant 0 : i32
      %sign3A_705 = arith.cmpi slt, %jit3A_692, %sign3A_704 : i32
      %sign3A_706 = arith.extui %sign3A_705 : i1 to i32
      %sign3A_707 = arith.subi %sign3A_703, %sign3A_706 : i32
      %ne3A_708 = arith.cmpi ne, %sign3A_700, %sign3A_707 : i32
      %rem3A_709 = arith.remsi %squeeze3A_689, %jit3A_692 : i32
      %ne3A_710 = arith.constant 0 : i32
      %ne3A_711 = arith.cmpi ne, %rem3A_709, %ne3A_710 : i32
      %and3A_712 = arith.andi %ne3A_708, %ne3A_711 : i1
      %sub3A_713 = arith.constant 1 : i32
      %sub3A_714 = arith.subi %div3A_693, %sub3A_713 : i32
      %select_n3A_715 = arith.select %and3A_712, %sub3A_714, %div3A_693 : i32
      %mul3A_716 = arith.constant 128 : i32
      %mul3A_717 = arith.muli %select_n3A_715, %mul3A_716 : i32
      %jit3A_718 = arith.constant 0 : i32
      %select_n3A_719 = arith.select %ge3A_691, %jit3A_718, %mul3A_717 : i32
      %multiple_of3A_720 = tpu.assume_multiple %select_n3A_719, 128 : i32
      %dma_start3A_721 = arith.constant 15 : i32
      %dma_start3A_722 = arith.constant 0 : i32
      %dma_start3A_723 = arith.constant 0 : i32
      %dma_start3A_724 = tpu.memref_slice %arg6[%dma_start3A_721, %dma_start3A_722, %dma_start3A_723] : memref<16x32x128xf32, #tpu.memory_space<vmem>> -> memref<1x32x128xf32, #tpu.memory_space<vmem>>
      %dma_start3A_725 = tpu.memref_squeeze %dma_start3A_724 : memref<1x32x128xf32, #tpu.memory_space<vmem>> -> memref<32x128xf32, #tpu.memory_space<vmem>>
      %dma_start3A_726 = arith.constant 0 : i32
      %dma_start3A_727 = tpu.memref_slice %arg2[%dma_start3A_726, %multiple_of3A_720] : memref<32x1000000xf32, #tpu.memory_space<hbm>> -> memref<32x128xf32, #tpu.memory_space<hbm>>
      %dma_start3A_728 = arith.constant 0 : i32
      %dma_start3A_729 = arith.constant 0 : i32
      %dma_start3A_730 = tpu.memref_slice %arg6[%dma_start3A_721, %dma_start3A_728, %dma_start3A_729] : memref<16x32x128xf32, #tpu.memory_space<vmem>> -> memref<1x32x128xf32, #tpu.memory_space<vmem>>
      %dma_start3A_731 = tpu.memref_squeeze %dma_start3A_730 : memref<1x32x128xf32, #tpu.memory_space<vmem>> -> memref<32x128xf32, #tpu.memory_space<vmem>>
      %dma_start3A_732 = arith.constant 0 : i32
      %dma_start3A_733 = tpu.memref_slice %arg2[%dma_start3A_732, %multiple_of3A_720] : memref<32x1000000xf32, #tpu.memory_space<hbm>> -> memref<32x128xf32, #tpu.memory_space<hbm>>
      tpu.enqueue_dma source(%dma_start3A_733 : memref<32x128xf32, #tpu.memory_space<hbm>>) target(%dma_start3A_731 : memref<32x128xf32, #tpu.memory_space<vmem>>) target_semaphore(%arg7 : memref<!tpu.dma_semaphore, #tpu.memory_space<semaphore_mem>>)
      %dma_wait3A = arith.constant 0 : i32
      %dma_wait3A_734 = arith.constant 0 : i32
      %dma_wait3A_735 = arith.constant 0 : i32
      %dma_wait3A_736 = tpu.memref_slice %arg6[%dma_wait3A, %dma_wait3A_734, %dma_wait3A_735] : memref<16x32x128xf32, #tpu.memory_space<vmem>> -> memref<1x32x128xf32, #tpu.memory_space<vmem>>
      %dma_wait3A_737 = tpu.memref_squeeze %dma_wait3A_736 : memref<1x32x128xf32, #tpu.memory_space<vmem>> -> memref<32x128xf32, #tpu.memory_space<vmem>>
      %dma_wait3A_738 = arith.constant 0 : i32
      %dma_wait3A_739 = arith.constant 0 : i32
      %dma_wait3A_740 = tpu.memref_slice %arg2[%dma_wait3A_738, %dma_wait3A_739] : memref<32x1000000xf32, #tpu.memory_space<hbm>> -> memref<32x128xf32, #tpu.memory_space<hbm>>
      %dma_wait3A_741 = arith.constant 0 : i32
      %dma_wait3A_742 = arith.constant 0 : i32
      %dma_wait3A_743 = tpu.memref_slice %arg6[%dma_wait3A, %dma_wait3A_741, %dma_wait3A_742] : memref<16x32x128xf32, #tpu.memory_space<vmem>> -> memref<1x32x128xf32, #tpu.memory_space<vmem>>
      %dma_wait3A_744 = tpu.memref_squeeze %dma_wait3A_743 : memref<1x32x128xf32, #tpu.memory_space<vmem>> -> memref<32x128xf32, #tpu.memory_space<vmem>>
      %dma_wait3A_745 = arith.constant 0 : i32
      %dma_wait3A_746 = arith.constant 0 : i32
      %dma_wait3A_747 = tpu.memref_slice %arg2[%dma_wait3A_745, %dma_wait3A_746] : memref<32x1000000xf32, #tpu.memory_space<hbm>> -> memref<32x128xf32, #tpu.memory_space<hbm>>
      tpu.wait_dma2 semaphore(%arg7 : memref<!tpu.dma_semaphore, #tpu.memory_space<semaphore_mem>>) src(%dma_wait3A_747 : memref<32x128xf32, #tpu.memory_space<hbm>>) dst(%dma_wait3A_744 : memref<32x128xf32, #tpu.memory_space<vmem>>)
      %dma_wait3A_748 = arith.constant 1 : i32
      %dma_wait3A_749 = arith.constant 0 : i32
      %dma_wait3A_750 = arith.constant 0 : i32
      %dma_wait3A_751 = tpu.memref_slice %arg6[%dma_wait3A_748, %dma_wait3A_749, %dma_wait3A_750] : memref<16x32x128xf32, #tpu.memory_space<vmem>> -> memref<1x32x128xf32, #tpu.memory_space<vmem>>
      %dma_wait3A_752 = tpu.memref_squeeze %dma_wait3A_751 : memref<1x32x128xf32, #tpu.memory_space<vmem>> -> memref<32x128xf32, #tpu.memory_space<vmem>>
      %dma_wait3A_753 = arith.constant 0 : i32
      %dma_wait3A_754 = arith.constant 0 : i32
      %dma_wait3A_755 = tpu.memref_slice %arg2[%dma_wait3A_753, %dma_wait3A_754] : memref<32x1000000xf32, #tpu.memory_space<hbm>> -> memref<32x128xf32, #tpu.memory_space<hbm>>
      %dma_wait3A_756 = arith.constant 0 : i32
      %dma_wait3A_757 = arith.constant 0 : i32
      %dma_wait3A_758 = tpu.memref_slice %arg6[%dma_wait3A_748, %dma_wait3A_756, %dma_wait3A_757] : memref<16x32x128xf32, #tpu.memory_space<vmem>> -> memref<1x32x128xf32, #tpu.memory_space<vmem>>
      %dma_wait3A_759 = tpu.memref_squeeze %dma_wait3A_758 : memref<1x32x128xf32, #tpu.memory_space<vmem>> -> memref<32x128xf32, #tpu.memory_space<vmem>>
      %dma_wait3A_760 = arith.constant 0 : i32
      %dma_wait3A_761 = arith.constant 0 : i32
      %dma_wait3A_762 = tpu.memref_slice %arg2[%dma_wait3A_760, %dma_wait3A_761] : memref<32x1000000xf32, #tpu.memory_space<hbm>> -> memref<32x128xf32, #tpu.memory_space<hbm>>
      tpu.wait_dma2 semaphore(%arg7 : memref<!tpu.dma_semaphore, #tpu.memory_space<semaphore_mem>>) src(%dma_wait3A_762 : memref<32x128xf32, #tpu.memory_space<hbm>>) dst(%dma_wait3A_759 : memref<32x128xf32, #tpu.memory_space<vmem>>)
      %dma_wait3A_763 = arith.constant 2 : i32
      %dma_wait3A_764 = arith.constant 0 : i32
      %dma_wait3A_765 = arith.constant 0 : i32
      %dma_wait3A_766 = tpu.memref_slice %arg6[%dma_wait3A_763, %dma_wait3A_764, %dma_wait3A_765] : memref<16x32x128xf32, #tpu.memory_space<vmem>> -> memref<1x32x128xf32, #tpu.memory_space<vmem>>
      %dma_wait3A_767 = tpu.memref_squeeze %dma_wait3A_766 : memref<1x32x128xf32, #tpu.memory_space<vmem>> -> memref<32x128xf32, #tpu.memory_space<vmem>>
      %dma_wait3A_768 = arith.constant 0 : i32
      %dma_wait3A_769 = arith.constant 0 : i32
      %dma_wait3A_770 = tpu.memref_slice %arg2[%dma_wait3A_768, %dma_wait3A_769] : memref<32x1000000xf32, #tpu.memory_space<hbm>> -> memref<32x128xf32, #tpu.memory_space<hbm>>
      %dma_wait3A_771 = arith.constant 0 : i32
      %dma_wait3A_772 = arith.constant 0 : i32
      %dma_wait3A_773 = tpu.memref_slice %arg6[%dma_wait3A_763, %dma_wait3A_771, %dma_wait3A_772] : memref<16x32x128xf32, #tpu.memory_space<vmem>> -> memref<1x32x128xf32, #tpu.memory_space<vmem>>
      %dma_wait3A_774 = tpu.memref_squeeze %dma_wait3A_773 : memref<1x32x128xf32, #tpu.memory_space<vmem>> -> memref<32x128xf32, #tpu.memory_space<vmem>>
      %dma_wait3A_775 = arith.constant 0 : i32
      %dma_wait3A_776 = arith.constant 0 : i32
      %dma_wait3A_777 = tpu.memref_slice %arg2[%dma_wait3A_775, %dma_wait3A_776] : memref<32x1000000xf32, #tpu.memory_space<hbm>> -> memref<32x128xf32, #tpu.memory_space<hbm>>
      tpu.wait_dma2 semaphore(%arg7 : memref<!tpu.dma_semaphore, #tpu.memory_space<semaphore_mem>>) src(%dma_wait3A_777 : memref<32x128xf32, #tpu.memory_space<hbm>>) dst(%dma_wait3A_774 : memref<32x128xf32, #tpu.memory_space<vmem>>)
      %dma_wait3A_778 = arith.constant 3 : i32
      %dma_wait3A_779 = arith.constant 0 : i32
      %dma_wait3A_780 = arith.constant 0 : i32
      %dma_wait3A_781 = tpu.memref_slice %arg6[%dma_wait3A_778, %dma_wait3A_779, %dma_wait3A_780] : memref<16x32x128xf32, #tpu.memory_space<vmem>> -> memref<1x32x128xf32, #tpu.memory_space<vmem>>
      %dma_wait3A_782 = tpu.memref_squeeze %dma_wait3A_781 : memref<1x32x128xf32, #tpu.memory_space<vmem>> -> memref<32x128xf32, #tpu.memory_space<vmem>>
      %dma_wait3A_783 = arith.constant 0 : i32
      %dma_wait3A_784 = arith.constant 0 : i32
      %dma_wait3A_785 = tpu.memref_slice %arg2[%dma_wait3A_783, %dma_wait3A_784] : memref<32x1000000xf32, #tpu.memory_space<hbm>> -> memref<32x128xf32, #tpu.memory_space<hbm>>
      %dma_wait3A_786 = arith.constant 0 : i32
      %dma_wait3A_787 = arith.constant 0 : i32
      %dma_wait3A_788 = tpu.memref_slice %arg6[%dma_wait3A_778, %dma_wait3A_786, %dma_wait3A_787] : memref<16x32x128xf32, #tpu.memory_space<vmem>> -> memref<1x32x128xf32, #tpu.memory_space<vmem>>
      %dma_wait3A_789 = tpu.memref_squeeze %dma_wait3A_788 : memref<1x32x128xf32, #tpu.memory_space<vmem>> -> memref<32x128xf32, #tpu.memory_space<vmem>>
      %dma_wait3A_790 = arith.constant 0 : i32
      %dma_wait3A_791 = arith.constant 0 : i32
      %dma_wait3A_792 = tpu.memref_slice %arg2[%dma_wait3A_790, %dma_wait3A_791] : memref<32x1000000xf32, #tpu.memory_space<hbm>> -> memref<32x128xf32, #tpu.memory_space<hbm>>
      tpu.wait_dma2 semaphore(%arg7 : memref<!tpu.dma_semaphore, #tpu.memory_space<semaphore_mem>>) src(%dma_wait3A_792 : memref<32x128xf32, #tpu.memory_space<hbm>>) dst(%dma_wait3A_789 : memref<32x128xf32, #tpu.memory_space<vmem>>)
      %dma_wait3A_793 = arith.constant 4 : i32
      %dma_wait3A_794 = arith.constant 0 : i32
      %dma_wait3A_795 = arith.constant 0 : i32
      %dma_wait3A_796 = tpu.memref_slice %arg6[%dma_wait3A_793, %dma_wait3A_794, %dma_wait3A_795] : memref<16x32x128xf32, #tpu.memory_space<vmem>> -> memref<1x32x128xf32, #tpu.memory_space<vmem>>
      %dma_wait3A_797 = tpu.memref_squeeze %dma_wait3A_796 : memref<1x32x128xf32, #tpu.memory_space<vmem>> -> memref<32x128xf32, #tpu.memory_space<vmem>>
      %dma_wait3A_798 = arith.constant 0 : i32
      %dma_wait3A_799 = arith.constant 0 : i32
      %dma_wait3A_800 = tpu.memref_slice %arg2[%dma_wait3A_798, %dma_wait3A_799] : memref<32x1000000xf32, #tpu.memory_space<hbm>> -> memref<32x128xf32, #tpu.memory_space<hbm>>
      %dma_wait3A_801 = arith.constant 0 : i32
      %dma_wait3A_802 = arith.constant 0 : i32
      %dma_wait3A_803 = tpu.memref_slice %arg6[%dma_wait3A_793, %dma_wait3A_801, %dma_wait3A_802] : memref<16x32x128xf32, #tpu.memory_space<vmem>> -> memref<1x32x128xf32, #tpu.memory_space<vmem>>
      %dma_wait3A_804 = tpu.memref_squeeze %dma_wait3A_803 : memref<1x32x128xf32, #tpu.memory_space<vmem>> -> memref<32x128xf32, #tpu.memory_space<vmem>>
      %dma_wait3A_805 = arith.constant 0 : i32
      %dma_wait3A_806 = arith.constant 0 : i32
      %dma_wait3A_807 = tpu.memref_slice %arg2[%dma_wait3A_805, %dma_wait3A_806] : memref<32x1000000xf32, #tpu.memory_space<hbm>> -> memref<32x128xf32, #tpu.memory_space<hbm>>
      tpu.wait_dma2 semaphore(%arg7 : memref<!tpu.dma_semaphore, #tpu.memory_space<semaphore_mem>>) src(%dma_wait3A_807 : memref<32x128xf32, #tpu.memory_space<hbm>>) dst(%dma_wait3A_804 : memref<32x128xf32, #tpu.memory_space<vmem>>)
      %dma_wait3A_808 = arith.constant 5 : i32
      %dma_wait3A_809 = arith.constant 0 : i32
      %dma_wait3A_810 = arith.constant 0 : i32
      %dma_wait3A_811 = tpu.memref_slice %arg6[%dma_wait3A_808, %dma_wait3A_809, %dma_wait3A_810] : memref<16x32x128xf32, #tpu.memory_space<vmem>> -> memref<1x32x128xf32, #tpu.memory_space<vmem>>
      %dma_wait3A_812 = tpu.memref_squeeze %dma_wait3A_811 : memref<1x32x128xf32, #tpu.memory_space<vmem>> -> memref<32x128xf32, #tpu.memory_space<vmem>>
      %dma_wait3A_813 = arith.constant 0 : i32
      %dma_wait3A_814 = arith.constant 0 : i32
      %dma_wait3A_815 = tpu.memref_slice %arg2[%dma_wait3A_813, %dma_wait3A_814] : memref<32x1000000xf32, #tpu.memory_space<hbm>> -> memref<32x128xf32, #tpu.memory_space<hbm>>
      %dma_wait3A_816 = arith.constant 0 : i32
      %dma_wait3A_817 = arith.constant 0 : i32
      %dma_wait3A_818 = tpu.memref_slice %arg6[%dma_wait3A_808, %dma_wait3A_816, %dma_wait3A_817] : memref<16x32x128xf32, #tpu.memory_space<vmem>> -> memref<1x32x128xf32, #tpu.memory_space<vmem>>
      %dma_wait3A_819 = tpu.memref_squeeze %dma_wait3A_818 : memref<1x32x128xf32, #tpu.memory_space<vmem>> -> memref<32x128xf32, #tpu.memory_space<vmem>>
      %dma_wait3A_820 = arith.constant 0 : i32
      %dma_wait3A_821 = arith.constant 0 : i32
      %dma_wait3A_822 = tpu.memref_slice %arg2[%dma_wait3A_820, %dma_wait3A_821] : memref<32x1000000xf32, #tpu.memory_space<hbm>> -> memref<32x128xf32, #tpu.memory_space<hbm>>
      tpu.wait_dma2 semaphore(%arg7 : memref<!tpu.dma_semaphore, #tpu.memory_space<semaphore_mem>>) src(%dma_wait3A_822 : memref<32x128xf32, #tpu.memory_space<hbm>>) dst(%dma_wait3A_819 : memref<32x128xf32, #tpu.memory_space<vmem>>)
      %dma_wait3A_823 = arith.constant 6 : i32
      %dma_wait3A_824 = arith.constant 0 : i32
      %dma_wait3A_825 = arith.constant 0 : i32
      %dma_wait3A_826 = tpu.memref_slice %arg6[%dma_wait3A_823, %dma_wait3A_824, %dma_wait3A_825] : memref<16x32x128xf32, #tpu.memory_space<vmem>> -> memref<1x32x128xf32, #tpu.memory_space<vmem>>
      %dma_wait3A_827 = tpu.memref_squeeze %dma_wait3A_826 : memref<1x32x128xf32, #tpu.memory_space<vmem>> -> memref<32x128xf32, #tpu.memory_space<vmem>>
      %dma_wait3A_828 = arith.constant 0 : i32
      %dma_wait3A_829 = arith.constant 0 : i32
      %dma_wait3A_830 = tpu.memref_slice %arg2[%dma_wait3A_828, %dma_wait3A_829] : memref<32x1000000xf32, #tpu.memory_space<hbm>> -> memref<32x128xf32, #tpu.memory_space<hbm>>
      %dma_wait3A_831 = arith.constant 0 : i32
      %dma_wait3A_832 = arith.constant 0 : i32
      %dma_wait3A_833 = tpu.memref_slice %arg6[%dma_wait3A_823, %dma_wait3A_831, %dma_wait3A_832] : memref<16x32x128xf32, #tpu.memory_space<vmem>> -> memref<1x32x128xf32, #tpu.memory_space<vmem>>
      %dma_wait3A_834 = tpu.memref_squeeze %dma_wait3A_833 : memref<1x32x128xf32, #tpu.memory_space<vmem>> -> memref<32x128xf32, #tpu.memory_space<vmem>>
      %dma_wait3A_835 = arith.constant 0 : i32
      %dma_wait3A_836 = arith.constant 0 : i32
      %dma_wait3A_837 = tpu.memref_slice %arg2[%dma_wait3A_835, %dma_wait3A_836] : memref<32x1000000xf32, #tpu.memory_space<hbm>> -> memref<32x128xf32, #tpu.memory_space<hbm>>
      tpu.wait_dma2 semaphore(%arg7 : memref<!tpu.dma_semaphore, #tpu.memory_space<semaphore_mem>>) src(%dma_wait3A_837 : memref<32x128xf32, #tpu.memory_space<hbm>>) dst(%dma_wait3A_834 : memref<32x128xf32, #tpu.memory_space<vmem>>)
      %dma_wait3A_838 = arith.constant 7 : i32
      %dma_wait3A_839 = arith.constant 0 : i32
      %dma_wait3A_840 = arith.constant 0 : i32
      %dma_wait3A_841 = tpu.memref_slice %arg6[%dma_wait3A_838, %dma_wait3A_839, %dma_wait3A_840] : memref<16x32x128xf32, #tpu.memory_space<vmem>> -> memref<1x32x128xf32, #tpu.memory_space<vmem>>
      %dma_wait3A_842 = tpu.memref_squeeze %dma_wait3A_841 : memref<1x32x128xf32, #tpu.memory_space<vmem>> -> memref<32x128xf32, #tpu.memory_space<vmem>>
      %dma_wait3A_843 = arith.constant 0 : i32
      %dma_wait3A_844 = arith.constant 0 : i32
      %dma_wait3A_845 = tpu.memref_slice %arg2[%dma_wait3A_843, %dma_wait3A_844] : memref<32x1000000xf32, #tpu.memory_space<hbm>> -> memref<32x128xf32, #tpu.memory_space<hbm>>
      %dma_wait3A_846 = arith.constant 0 : i32
      %dma_wait3A_847 = arith.constant 0 : i32
      %dma_wait3A_848 = tpu.memref_slice %arg6[%dma_wait3A_838, %dma_wait3A_846, %dma_wait3A_847] : memref<16x32x128xf32, #tpu.memory_space<vmem>> -> memref<1x32x128xf32, #tpu.memory_space<vmem>>
      %dma_wait3A_849 = tpu.memref_squeeze %dma_wait3A_848 : memref<1x32x128xf32, #tpu.memory_space<vmem>> -> memref<32x128xf32, #tpu.memory_space<vmem>>
      %dma_wait3A_850 = arith.constant 0 : i32
      %dma_wait3A_851 = arith.constant 0 : i32
      %dma_wait3A_852 = tpu.memref_slice %arg2[%dma_wait3A_850, %dma_wait3A_851] : memref<32x1000000xf32, #tpu.memory_space<hbm>> -> memref<32x128xf32, #tpu.memory_space<hbm>>
      tpu.wait_dma2 semaphore(%arg7 : memref<!tpu.dma_semaphore, #tpu.memory_space<semaphore_mem>>) src(%dma_wait3A_852 : memref<32x128xf32, #tpu.memory_space<hbm>>) dst(%dma_wait3A_849 : memref<32x128xf32, #tpu.memory_space<vmem>>)
      %dma_wait3A_853 = arith.constant 8 : i32
      %dma_wait3A_854 = arith.constant 0 : i32
      %dma_wait3A_855 = arith.constant 0 : i32
      %dma_wait3A_856 = tpu.memref_slice %arg6[%dma_wait3A_853, %dma_wait3A_854, %dma_wait3A_855] : memref<16x32x128xf32, #tpu.memory_space<vmem>> -> memref<1x32x128xf32, #tpu.memory_space<vmem>>
      %dma_wait3A_857 = tpu.memref_squeeze %dma_wait3A_856 : memref<1x32x128xf32, #tpu.memory_space<vmem>> -> memref<32x128xf32, #tpu.memory_space<vmem>>
      %dma_wait3A_858 = arith.constant 0 : i32
      %dma_wait3A_859 = arith.constant 0 : i32
      %dma_wait3A_860 = tpu.memref_slice %arg2[%dma_wait3A_858, %dma_wait3A_859] : memref<32x1000000xf32, #tpu.memory_space<hbm>> -> memref<32x128xf32, #tpu.memory_space<hbm>>
      %dma_wait3A_861 = arith.constant 0 : i32
      %dma_wait3A_862 = arith.constant 0 : i32
      %dma_wait3A_863 = tpu.memref_slice %arg6[%dma_wait3A_853, %dma_wait3A_861, %dma_wait3A_862] : memref<16x32x128xf32, #tpu.memory_space<vmem>> -> memref<1x32x128xf32, #tpu.memory_space<vmem>>
      %dma_wait3A_864 = tpu.memref_squeeze %dma_wait3A_863 : memref<1x32x128xf32, #tpu.memory_space<vmem>> -> memref<32x128xf32, #tpu.memory_space<vmem>>
      %dma_wait3A_865 = arith.constant 0 : i32
      %dma_wait3A_866 = arith.constant 0 : i32
      %dma_wait3A_867 = tpu.memref_slice %arg2[%dma_wait3A_865, %dma_wait3A_866] : memref<32x1000000xf32, #tpu.memory_space<hbm>> -> memref<32x128xf32, #tpu.memory_space<hbm>>
      tpu.wait_dma2 semaphore(%arg7 : memref<!tpu.dma_semaphore, #tpu.memory_space<semaphore_mem>>) src(%dma_wait3A_867 : memref<32x128xf32, #tpu.memory_space<hbm>>) dst(%dma_wait3A_864 : memref<32x128xf32, #tpu.memory_space<vmem>>)
      %dma_wait3A_868 = arith.constant 9 : i32
      %dma_wait3A_869 = arith.constant 0 : i32
      %dma_wait3A_870 = arith.constant 0 : i32
      %dma_wait3A_871 = tpu.memref_slice %arg6[%dma_wait3A_868, %dma_wait3A_869, %dma_wait3A_870] : memref<16x32x128xf32, #tpu.memory_space<vmem>> -> memref<1x32x128xf32, #tpu.memory_space<vmem>>
      %dma_wait3A_872 = tpu.memref_squeeze %dma_wait3A_871 : memref<1x32x128xf32, #tpu.memory_space<vmem>> -> memref<32x128xf32, #tpu.memory_space<vmem>>
      %dma_wait3A_873 = arith.constant 0 : i32
      %dma_wait3A_874 = arith.constant 0 : i32
      %dma_wait3A_875 = tpu.memref_slice %arg2[%dma_wait3A_873, %dma_wait3A_874] : memref<32x1000000xf32, #tpu.memory_space<hbm>> -> memref<32x128xf32, #tpu.memory_space<hbm>>
      %dma_wait3A_876 = arith.constant 0 : i32
      %dma_wait3A_877 = arith.constant 0 : i32
      %dma_wait3A_878 = tpu.memref_slice %arg6[%dma_wait3A_868, %dma_wait3A_876, %dma_wait3A_877] : memref<16x32x128xf32, #tpu.memory_space<vmem>> -> memref<1x32x128xf32, #tpu.memory_space<vmem>>
      %dma_wait3A_879 = tpu.memref_squeeze %dma_wait3A_878 : memref<1x32x128xf32, #tpu.memory_space<vmem>> -> memref<32x128xf32, #tpu.memory_space<vmem>>
      %dma_wait3A_880 = arith.constant 0 : i32
      %dma_wait3A_881 = arith.constant 0 : i32
      %dma_wait3A_882 = tpu.memref_slice %arg2[%dma_wait3A_880, %dma_wait3A_881] : memref<32x1000000xf32, #tpu.memory_space<hbm>> -> memref<32x128xf32, #tpu.memory_space<hbm>>
      tpu.wait_dma2 semaphore(%arg7 : memref<!tpu.dma_semaphore, #tpu.memory_space<semaphore_mem>>) src(%dma_wait3A_882 : memref<32x128xf32, #tpu.memory_space<hbm>>) dst(%dma_wait3A_879 : memref<32x128xf32, #tpu.memory_space<vmem>>)
      %dma_wait3A_883 = arith.constant 10 : i32
      %dma_wait3A_884 = arith.constant 0 : i32
      %dma_wait3A_885 = arith.constant 0 : i32
      %dma_wait3A_886 = tpu.memref_slice %arg6[%dma_wait3A_883, %dma_wait3A_884, %dma_wait3A_885] : memref<16x32x128xf32, #tpu.memory_space<vmem>> -> memref<1x32x128xf32, #tpu.memory_space<vmem>>
      %dma_wait3A_887 = tpu.memref_squeeze %dma_wait3A_886 : memref<1x32x128xf32, #tpu.memory_space<vmem>> -> memref<32x128xf32, #tpu.memory_space<vmem>>
      %dma_wait3A_888 = arith.constant 0 : i32
      %dma_wait3A_889 = arith.constant 0 : i32
      %dma_wait3A_890 = tpu.memref_slice %arg2[%dma_wait3A_888, %dma_wait3A_889] : memref<32x1000000xf32, #tpu.memory_space<hbm>> -> memref<32x128xf32, #tpu.memory_space<hbm>>
      %dma_wait3A_891 = arith.constant 0 : i32
      %dma_wait3A_892 = arith.constant 0 : i32
      %dma_wait3A_893 = tpu.memref_slice %arg6[%dma_wait3A_883, %dma_wait3A_891, %dma_wait3A_892] : memref<16x32x128xf32, #tpu.memory_space<vmem>> -> memref<1x32x128xf32, #tpu.memory_space<vmem>>
      %dma_wait3A_894 = tpu.memref_squeeze %dma_wait3A_893 : memref<1x32x128xf32, #tpu.memory_space<vmem>> -> memref<32x128xf32, #tpu.memory_space<vmem>>
      %dma_wait3A_895 = arith.constant 0 : i32
      %dma_wait3A_896 = arith.constant 0 : i32
      %dma_wait3A_897 = tpu.memref_slice %arg2[%dma_wait3A_895, %dma_wait3A_896] : memref<32x1000000xf32, #tpu.memory_space<hbm>> -> memref<32x128xf32, #tpu.memory_space<hbm>>
      tpu.wait_dma2 semaphore(%arg7 : memref<!tpu.dma_semaphore, #tpu.memory_space<semaphore_mem>>) src(%dma_wait3A_897 : memref<32x128xf32, #tpu.memory_space<hbm>>) dst(%dma_wait3A_894 : memref<32x128xf32, #tpu.memory_space<vmem>>)
      %dma_wait3A_898 = arith.constant 11 : i32
      %dma_wait3A_899 = arith.constant 0 : i32
      %dma_wait3A_900 = arith.constant 0 : i32
      %dma_wait3A_901 = tpu.memref_slice %arg6[%dma_wait3A_898, %dma_wait3A_899, %dma_wait3A_900] : memref<16x32x128xf32, #tpu.memory_space<vmem>> -> memref<1x32x128xf32, #tpu.memory_space<vmem>>
      %dma_wait3A_902 = tpu.memref_squeeze %dma_wait3A_901 : memref<1x32x128xf32, #tpu.memory_space<vmem>> -> memref<32x128xf32, #tpu.memory_space<vmem>>
      %dma_wait3A_903 = arith.constant 0 : i32
      %dma_wait3A_904 = arith.constant 0 : i32
      %dma_wait3A_905 = tpu.memref_slice %arg2[%dma_wait3A_903, %dma_wait3A_904] : memref<32x1000000xf32, #tpu.memory_space<hbm>> -> memref<32x128xf32, #tpu.memory_space<hbm>>
      %dma_wait3A_906 = arith.constant 0 : i32
      %dma_wait3A_907 = arith.constant 0 : i32
      %dma_wait3A_908 = tpu.memref_slice %arg6[%dma_wait3A_898, %dma_wait3A_906, %dma_wait3A_907] : memref<16x32x128xf32, #tpu.memory_space<vmem>> -> memref<1x32x128xf32, #tpu.memory_space<vmem>>
      %dma_wait3A_909 = tpu.memref_squeeze %dma_wait3A_908 : memref<1x32x128xf32, #tpu.memory_space<vmem>> -> memref<32x128xf32, #tpu.memory_space<vmem>>
      %dma_wait3A_910 = arith.constant 0 : i32
      %dma_wait3A_911 = arith.constant 0 : i32
      %dma_wait3A_912 = tpu.memref_slice %arg2[%dma_wait3A_910, %dma_wait3A_911] : memref<32x1000000xf32, #tpu.memory_space<hbm>> -> memref<32x128xf32, #tpu.memory_space<hbm>>
      tpu.wait_dma2 semaphore(%arg7 : memref<!tpu.dma_semaphore, #tpu.memory_space<semaphore_mem>>) src(%dma_wait3A_912 : memref<32x128xf32, #tpu.memory_space<hbm>>) dst(%dma_wait3A_909 : memref<32x128xf32, #tpu.memory_space<vmem>>)
      %dma_wait3A_913 = arith.constant 12 : i32
      %dma_wait3A_914 = arith.constant 0 : i32
      %dma_wait3A_915 = arith.constant 0 : i32
      %dma_wait3A_916 = tpu.memref_slice %arg6[%dma_wait3A_913, %dma_wait3A_914, %dma_wait3A_915] : memref<16x32x128xf32, #tpu.memory_space<vmem>> -> memref<1x32x128xf32, #tpu.memory_space<vmem>>
      %dma_wait3A_917 = tpu.memref_squeeze %dma_wait3A_916 : memref<1x32x128xf32, #tpu.memory_space<vmem>> -> memref<32x128xf32, #tpu.memory_space<vmem>>
      %dma_wait3A_918 = arith.constant 0 : i32
      %dma_wait3A_919 = arith.constant 0 : i32
      %dma_wait3A_920 = tpu.memref_slice %arg2[%dma_wait3A_918, %dma_wait3A_919] : memref<32x1000000xf32, #tpu.memory_space<hbm>> -> memref<32x128xf32, #tpu.memory_space<hbm>>
      %dma_wait3A_921 = arith.constant 0 : i32
      %dma_wait3A_922 = arith.constant 0 : i32
      %dma_wait3A_923 = tpu.memref_slice %arg6[%dma_wait3A_913, %dma_wait3A_921, %dma_wait3A_922] : memref<16x32x128xf32, #tpu.memory_space<vmem>> -> memref<1x32x128xf32, #tpu.memory_space<vmem>>
      %dma_wait3A_924 = tpu.memref_squeeze %dma_wait3A_923 : memref<1x32x128xf32, #tpu.memory_space<vmem>> -> memref<32x128xf32, #tpu.memory_space<vmem>>
      %dma_wait3A_925 = arith.constant 0 : i32
      %dma_wait3A_926 = arith.constant 0 : i32
      %dma_wait3A_927 = tpu.memref_slice %arg2[%dma_wait3A_925, %dma_wait3A_926] : memref<32x1000000xf32, #tpu.memory_space<hbm>> -> memref<32x128xf32, #tpu.memory_space<hbm>>
      tpu.wait_dma2 semaphore(%arg7 : memref<!tpu.dma_semaphore, #tpu.memory_space<semaphore_mem>>) src(%dma_wait3A_927 : memref<32x128xf32, #tpu.memory_space<hbm>>) dst(%dma_wait3A_924 : memref<32x128xf32, #tpu.memory_space<vmem>>)
      %dma_wait3A_928 = arith.constant 13 : i32
      %dma_wait3A_929 = arith.constant 0 : i32
      %dma_wait3A_930 = arith.constant 0 : i32
      %dma_wait3A_931 = tpu.memref_slice %arg6[%dma_wait3A_928, %dma_wait3A_929, %dma_wait3A_930] : memref<16x32x128xf32, #tpu.memory_space<vmem>> -> memref<1x32x128xf32, #tpu.memory_space<vmem>>
      %dma_wait3A_932 = tpu.memref_squeeze %dma_wait3A_931 : memref<1x32x128xf32, #tpu.memory_space<vmem>> -> memref<32x128xf32, #tpu.memory_space<vmem>>
      %dma_wait3A_933 = arith.constant 0 : i32
      %dma_wait3A_934 = arith.constant 0 : i32
      %dma_wait3A_935 = tpu.memref_slice %arg2[%dma_wait3A_933, %dma_wait3A_934] : memref<32x1000000xf32, #tpu.memory_space<hbm>> -> memref<32x128xf32, #tpu.memory_space<hbm>>
      %dma_wait3A_936 = arith.constant 0 : i32
      %dma_wait3A_937 = arith.constant 0 : i32
      %dma_wait3A_938 = tpu.memref_slice %arg6[%dma_wait3A_928, %dma_wait3A_936, %dma_wait3A_937] : memref<16x32x128xf32, #tpu.memory_space<vmem>> -> memref<1x32x128xf32, #tpu.memory_space<vmem>>
      %dma_wait3A_939 = tpu.memref_squeeze %dma_wait3A_938 : memref<1x32x128xf32, #tpu.memory_space<vmem>> -> memref<32x128xf32, #tpu.memory_space<vmem>>
      %dma_wait3A_940 = arith.constant 0 : i32
      %dma_wait3A_941 = arith.constant 0 : i32
      %dma_wait3A_942 = tpu.memref_slice %arg2[%dma_wait3A_940, %dma_wait3A_941] : memref<32x1000000xf32, #tpu.memory_space<hbm>> -> memref<32x128xf32, #tpu.memory_space<hbm>>
      tpu.wait_dma2 semaphore(%arg7 : memref<!tpu.dma_semaphore, #tpu.memory_space<semaphore_mem>>) src(%dma_wait3A_942 : memref<32x128xf32, #tpu.memory_space<hbm>>) dst(%dma_wait3A_939 : memref<32x128xf32, #tpu.memory_space<vmem>>)
      %dma_wait3A_943 = arith.constant 14 : i32
      %dma_wait3A_944 = arith.constant 0 : i32
      %dma_wait3A_945 = arith.constant 0 : i32
      %dma_wait3A_946 = tpu.memref_slice %arg6[%dma_wait3A_943, %dma_wait3A_944, %dma_wait3A_945] : memref<16x32x128xf32, #tpu.memory_space<vmem>> -> memref<1x32x128xf32, #tpu.memory_space<vmem>>
      %dma_wait3A_947 = tpu.memref_squeeze %dma_wait3A_946 : memref<1x32x128xf32, #tpu.memory_space<vmem>> -> memref<32x128xf32, #tpu.memory_space<vmem>>
      %dma_wait3A_948 = arith.constant 0 : i32
      %dma_wait3A_949 = arith.constant 0 : i32
      %dma_wait3A_950 = tpu.memref_slice %arg2[%dma_wait3A_948, %dma_wait3A_949] : memref<32x1000000xf32, #tpu.memory_space<hbm>> -> memref<32x128xf32, #tpu.memory_space<hbm>>
      %dma_wait3A_951 = arith.constant 0 : i32
      %dma_wait3A_952 = arith.constant 0 : i32
      %dma_wait3A_953 = tpu.memref_slice %arg6[%dma_wait3A_943, %dma_wait3A_951, %dma_wait3A_952] : memref<16x32x128xf32, #tpu.memory_space<vmem>> -> memref<1x32x128xf32, #tpu.memory_space<vmem>>
      %dma_wait3A_954 = tpu.memref_squeeze %dma_wait3A_953 : memref<1x32x128xf32, #tpu.memory_space<vmem>> -> memref<32x128xf32, #tpu.memory_space<vmem>>
      %dma_wait3A_955 = arith.constant 0 : i32
      %dma_wait3A_956 = arith.constant 0 : i32
      %dma_wait3A_957 = tpu.memref_slice %arg2[%dma_wait3A_955, %dma_wait3A_956] : memref<32x1000000xf32, #tpu.memory_space<hbm>> -> memref<32x128xf32, #tpu.memory_space<hbm>>
      tpu.wait_dma2 semaphore(%arg7 : memref<!tpu.dma_semaphore, #tpu.memory_space<semaphore_mem>>) src(%dma_wait3A_957 : memref<32x128xf32, #tpu.memory_space<hbm>>) dst(%dma_wait3A_954 : memref<32x128xf32, #tpu.memory_space<vmem>>)
      %dma_wait3A_958 = arith.constant 15 : i32
      %dma_wait3A_959 = arith.constant 0 : i32
      %dma_wait3A_960 = arith.constant 0 : i32
      %dma_wait3A_961 = tpu.memref_slice %arg6[%dma_wait3A_958, %dma_wait3A_959, %dma_wait3A_960] : memref<16x32x128xf32, #tpu.memory_space<vmem>> -> memref<1x32x128xf32, #tpu.memory_space<vmem>>
      %dma_wait3A_962 = tpu.memref_squeeze %dma_wait3A_961 : memref<1x32x128xf32, #tpu.memory_space<vmem>> -> memref<32x128xf32, #tpu.memory_space<vmem>>
      %dma_wait3A_963 = arith.constant 0 : i32
      %dma_wait3A_964 = arith.constant 0 : i32
      %dma_wait3A_965 = tpu.memref_slice %arg2[%dma_wait3A_963, %dma_wait3A_964] : memref<32x1000000xf32, #tpu.memory_space<hbm>> -> memref<32x128xf32, #tpu.memory_space<hbm>>
      %dma_wait3A_966 = arith.constant 0 : i32
      %dma_wait3A_967 = arith.constant 0 : i32
      %dma_wait3A_968 = tpu.memref_slice %arg6[%dma_wait3A_958, %dma_wait3A_966, %dma_wait3A_967] : memref<16x32x128xf32, #tpu.memory_space<vmem>> -> memref<1x32x128xf32, #tpu.memory_space<vmem>>
      %dma_wait3A_969 = tpu.memref_squeeze %dma_wait3A_968 : memref<1x32x128xf32, #tpu.memory_space<vmem>> -> memref<32x128xf32, #tpu.memory_space<vmem>>
      %dma_wait3A_970 = arith.constant 0 : i32
      %dma_wait3A_971 = arith.constant 0 : i32
      %dma_wait3A_972 = tpu.memref_slice %arg2[%dma_wait3A_970, %dma_wait3A_971] : memref<32x1000000xf32, #tpu.memory_space<hbm>> -> memref<32x128xf32, #tpu.memory_space<hbm>>
      tpu.wait_dma2 semaphore(%arg7 : memref<!tpu.dma_semaphore, #tpu.memory_space<semaphore_mem>>) src(%dma_wait3A_972 : memref<32x128xf32, #tpu.memory_space<hbm>>) dst(%dma_wait3A_969 : memref<32x128xf32, #tpu.memory_space<vmem>>)
      %mul3A_973 = arith.constant 8 : i32
      %mul3A_974 = arith.muli %add3A, %mul3A_973 : i32
      %add3A_975 = arith.addi %mul3A_974, %scan3A_6 : i32
      %mul3A_976 = arith.constant 16 : i32
      %mul3A_977 = arith.muli %add3A_975, %mul3A_976 : i32
      "tpu.region"() ({
        %run_scoped3A = tpu.sem_alloc : memref<!tpu.dma_semaphore, #tpu.memory_space<semaphore_mem>>
        %dma_start3A_978 = arith.constant 0 : i32
        %dma_start3A_979 = arith.constant 0 : i32
        %dma_start3A_980 = tpu.memref_slice %arg4[%mul3A_977, %dma_start3A_978, %dma_start3A_979] : memref<4096x32x128xf32, #tpu.memory_space<hbm>> -> memref<16x32x128xf32, #tpu.memory_space<hbm>>
        %dma_start3A_981 = arith.constant 0 : i32
        %dma_start3A_982 = arith.constant 0 : i32
        %dma_start3A_983 = tpu.memref_slice %arg4[%mul3A_977, %dma_start3A_981, %dma_start3A_982] : memref<4096x32x128xf32, #tpu.memory_space<hbm>> -> memref<16x32x128xf32, #tpu.memory_space<hbm>>
        tpu.enqueue_dma source(%arg6 : memref<16x32x128xf32, #tpu.memory_space<vmem>>) target(%dma_start3A_983 : memref<16x32x128xf32, #tpu.memory_space<hbm>>) target_semaphore(%run_scoped3A : memref<!tpu.dma_semaphore, #tpu.memory_space<semaphore_mem>>)
        %dma_wait3A_984 = arith.constant 0 : i32
        %dma_wait3A_985 = arith.constant 0 : i32
        %dma_wait3A_986 = tpu.memref_slice %arg4[%mul3A_977, %dma_wait3A_984, %dma_wait3A_985] : memref<4096x32x128xf32, #tpu.memory_space<hbm>> -> memref<16x32x128xf32, #tpu.memory_space<hbm>>
        %dma_wait3A_987 = arith.constant 0 : i32
        %dma_wait3A_988 = arith.constant 0 : i32
        %dma_wait3A_989 = tpu.memref_slice %arg4[%mul3A_977, %dma_wait3A_987, %dma_wait3A_988] : memref<4096x32x128xf32, #tpu.memory_space<hbm>> -> memref<16x32x128xf32, #tpu.memory_space<hbm>>
        tpu.wait_dma2 semaphore(%run_scoped3A : memref<!tpu.dma_semaphore, #tpu.memory_space<semaphore_mem>>) src(%arg6 : memref<16x32x128xf32, #tpu.memory_space<vmem>>) dst(%dma_wait3A_989 : memref<16x32x128xf32, #tpu.memory_space<hbm>>)
        tpu.yield
      }) : () -> ()
    }
    %scan3A_5 = arith.constant 8 : i32
    return
  }
}

#map = affine_map<(d0, d1) -> (0, 0, 0)>
#map1 = affine_map<(d0, d1) -> (0, 0)>
module attributes {stable_mosaic.version = 14 : i64} {
  func.func @_sc_node_extract_body(%arg0: i32, %arg1: i32, %arg2: memref<4096x32x128xf32, #tpu.memory_space<hbm>>, %arg3: memref<32x128xi32, #tpu.memory_space<hbm>>, %arg4: memref<64x32xf32, #tpu.memory_space<hbm>>, %arg5: memref<1024x128xf32, #tpu.memory_space<hbm>>, %arg6: memref<128xi32, #tpu.memory_space<vmem>>, %arg7: memref<64x32xf32, #tpu.memory_space<vmem>>, %arg8: memref<16x32x128xf32, #tpu.memory_space<vmem>>, %arg9: memref<32x128xf32, #tpu.memory_space<vmem>>, %arg10: memref<!tpu.dma_semaphore, #tpu.memory_space<semaphore_mem>>) attributes {dimension_semantics = [#tpu.dimension_semantics<core_parallel>, #tpu.dimension_semantics<subcore_parallel>], iteration_bounds = array<i64: 2, 16>, scalar_prefetch = 0 : i64, scratch_operands = 5 : i64, tpu.core_type = #tpu.core_type<sc_vector_subcore>, window_params = [{transform_indices = #map}, {transform_indices = #map1}, {transform_indices = #map1}, {transform_indices = #map1}]} {
    %mul3A = arith.constant 2 : i32
    %mul3A_0 = arith.muli %arg1, %mul3A : i32
    %add3A = arith.addi %mul3A_0, %arg0 : i32
    "tpu.region"() ({
      %run_scoped3A = tpu.sem_alloc : memref<!tpu.dma_semaphore, #tpu.memory_space<semaphore_mem>>
      %dma_start3A = arith.constant 0 : i32
      %dma_start3A_8 = tpu.memref_slice %arg3[%add3A, %dma_start3A] : memref<32x128xi32, #tpu.memory_space<hbm>> -> memref<1x128xi32, #tpu.memory_space<hbm>>
      %dma_start3A_9 = tpu.memref_squeeze %dma_start3A_8 : memref<1x128xi32, #tpu.memory_space<hbm>> -> memref<128xi32, #tpu.memory_space<hbm>>
      %dma_start3A_10 = arith.constant 0 : i32
      %dma_start3A_11 = tpu.memref_slice %arg3[%add3A, %dma_start3A_10] : memref<32x128xi32, #tpu.memory_space<hbm>> -> memref<1x128xi32, #tpu.memory_space<hbm>>
      %dma_start3A_12 = tpu.memref_squeeze %dma_start3A_11 : memref<1x128xi32, #tpu.memory_space<hbm>> -> memref<128xi32, #tpu.memory_space<hbm>>
      tpu.enqueue_dma source(%dma_start3A_12 : memref<128xi32, #tpu.memory_space<hbm>>) target(%arg6 : memref<128xi32, #tpu.memory_space<vmem>>) target_semaphore(%run_scoped3A : memref<!tpu.dma_semaphore, #tpu.memory_space<semaphore_mem>>)
      %dma_wait3A = arith.constant 0 : i32
      %dma_wait3A_13 = tpu.memref_slice %arg3[%add3A, %dma_wait3A] : memref<32x128xi32, #tpu.memory_space<hbm>> -> memref<1x128xi32, #tpu.memory_space<hbm>>
      %dma_wait3A_14 = tpu.memref_squeeze %dma_wait3A_13 : memref<1x128xi32, #tpu.memory_space<hbm>> -> memref<128xi32, #tpu.memory_space<hbm>>
      %dma_wait3A_15 = arith.constant 0 : i32
      %dma_wait3A_16 = tpu.memref_slice %arg3[%add3A, %dma_wait3A_15] : memref<32x128xi32, #tpu.memory_space<hbm>> -> memref<1x128xi32, #tpu.memory_space<hbm>>
      %dma_wait3A_17 = tpu.memref_squeeze %dma_wait3A_16 : memref<1x128xi32, #tpu.memory_space<hbm>> -> memref<128xi32, #tpu.memory_space<hbm>>
      tpu.wait_dma2 semaphore(%run_scoped3A : memref<!tpu.dma_semaphore, #tpu.memory_space<semaphore_mem>>) src(%dma_wait3A_17 : memref<128xi32, #tpu.memory_space<hbm>>) dst(%arg6 : memref<128xi32, #tpu.memory_space<vmem>>)
      tpu.yield
    }) : () -> ()
    "tpu.region"() ({
      %run_scoped3A = tpu.sem_alloc : memref<!tpu.dma_semaphore, #tpu.memory_space<semaphore_mem>>
      tpu.enqueue_dma source(%arg4 : memref<64x32xf32, #tpu.memory_space<hbm>>) target(%arg7 : memref<64x32xf32, #tpu.memory_space<vmem>>) target_semaphore(%run_scoped3A : memref<!tpu.dma_semaphore, #tpu.memory_space<semaphore_mem>>)
      tpu.wait_dma2 semaphore(%run_scoped3A : memref<!tpu.dma_semaphore, #tpu.memory_space<semaphore_mem>>) src(%arg4 : memref<64x32xf32, #tpu.memory_space<hbm>>) dst(%arg7 : memref<64x32xf32, #tpu.memory_space<vmem>>)
      tpu.yield
    }) : () -> ()
    %iota3A = tpu.iota {dimensions = array<i32: 0>} : vector<16xi32>
    %scan3A = arith.constant 0 : i32
    %scan3A_1 = arith.constant 0 : i32
    %scan3A_2 = arith.constant 8 : i32
    %scan3A_3 = arith.addi %scan3A_1, %scan3A_2 : i32
    %scan3A_4 = arith.constant 1 : i32
    scf.for %scan3A_8 = %scan3A_1 to %scan3A_3 step %scan3A_4  : i32 {
      %mul3A_9 = arith.constant 16 : i32
      %mul3A_10 = arith.muli %scan3A_8, %mul3A_9 : i32
      %get3A = arith.index_cast %mul3A_10 : i32 to index
      %get3A_11 = tpu.vector_load %arg6[%get3A] {strides = array<i32>} : memref<128xi32, #tpu.memory_space<vmem>>, vector<16xi32>,
      %get3A_12 = vector.shape_cast %get3A_11 : vector<16xi32> to vector<16xi32>
      %mul3A_13 = arith.constant 8 : i32
      %mul3A_14 = arith.muli %add3A, %mul3A_13 : i32
      %add3A_15 = arith.addi %mul3A_14, %scan3A_8 : i32
      %mul3A_16 = arith.constant 16 : i32
      %mul3A_17 = arith.muli %add3A_15, %mul3A_16 : i32
      %dma_start3A = arith.constant 0 : i32
      %dma_start3A_18 = arith.constant 0 : i32
      %dma_start3A_19 = tpu.memref_slice %arg2[%mul3A_17, %dma_start3A, %dma_start3A_18] : memref<4096x32x128xf32, #tpu.memory_space<hbm>> -> memref<16x32x128xf32, #tpu.memory_space<hbm>>
      %dma_start3A_20 = arith.constant 0 : i32
      %dma_start3A_21 = arith.constant 0 : i32
      %dma_start3A_22 = tpu.memref_slice %arg2[%mul3A_17, %dma_start3A_20, %dma_start3A_21] : memref<4096x32x128xf32, #tpu.memory_space<hbm>> -> memref<16x32x128xf32, #tpu.memory_space<hbm>>
      tpu.enqueue_dma source(%dma_start3A_22 : memref<16x32x128xf32, #tpu.memory_space<hbm>>) target(%arg8 : memref<16x32x128xf32, #tpu.memory_space<vmem>>) target_semaphore(%arg10 : memref<!tpu.dma_semaphore, #tpu.memory_space<semaphore_mem>>)
      %dma_wait3A = arith.constant 0 : i32
      %dma_wait3A_23 = arith.constant 0 : i32
      %dma_wait3A_24 = tpu.memref_slice %arg2[%mul3A_17, %dma_wait3A, %dma_wait3A_23] : memref<4096x32x128xf32, #tpu.memory_space<hbm>> -> memref<16x32x128xf32, #tpu.memory_space<hbm>>
      %dma_wait3A_25 = arith.constant 0 : i32
      %dma_wait3A_26 = arith.constant 0 : i32
      %dma_wait3A_27 = tpu.memref_slice %arg2[%mul3A_17, %dma_wait3A_25, %dma_wait3A_26] : memref<4096x32x128xf32, #tpu.memory_space<hbm>> -> memref<16x32x128xf32, #tpu.memory_space<hbm>>
      tpu.wait_dma2 semaphore(%arg10 : memref<!tpu.dma_semaphore, #tpu.memory_space<semaphore_mem>>) src(%dma_wait3A_27 : memref<16x32x128xf32, #tpu.memory_space<hbm>>) dst(%arg8 : memref<16x32x128xf32, #tpu.memory_space<vmem>>)
      %slice3A = vector.extract_strided_slice %get3A_12 {offsets = [0], sizes = [1], strides = [1]} : vector<16xi32> to vector<1xi32>
      %squeeze3A = vector.extract %slice3A[0] : i32 from vector<1xi32>
      %ge3A = arith.constant 999936 : i32
      %ge3A_28 = arith.cmpi sge, %squeeze3A, %ge3A : i32
      %jit3A = arith.constant 128 : i32
      %eq3A = arith.constant 0 : i32
      %eq3A_29 = arith.cmpi eq, %jit3A, %eq3A : i32
      %jit3A_30 = arith.constant 1 : i32
      %select_n3A = arith.select %eq3A_29, %jit3A_30, %jit3A : i32
      %rem3A = arith.remsi %squeeze3A, %select_n3A : i32
      %ne3A = arith.constant 0 : i32
      %ne3A_31 = arith.cmpi ne, %rem3A, %ne3A : i32
      %lt3A = arith.constant 0 : i32
      %lt3A_32 = arith.cmpi slt, %rem3A, %lt3A : i32
      %lt3A_33 = arith.constant 0 : i32
      %lt3A_34 = arith.cmpi slt, %select_n3A, %lt3A_33 : i32
      %ne3A_35 = arith.xori %lt3A_32, %lt3A_34 : i1
      %and3A = arith.andi %ne3A_35, %ne3A_31 : i1
      %add3A_36 = arith.addi %rem3A, %select_n3A : i32
      %select_n3A_37 = arith.select %and3A, %add3A_36, %rem3A : i32
      %broadcast_in_dim3A = vector.broadcast %select_n3A_37 : i32 to vector<16xi32>
      %sub3A = arith.constant 999936 : i32
      %sub3A_38 = arith.subi %squeeze3A, %sub3A : i32
      %jit3A_39 = arith.constant 0 : i32
      %select_n3A_40 = arith.select %ge3A_28, %sub3A_38, %jit3A_39 : i32
      %broadcast_in_dim3A_41 = vector.broadcast %select_n3A_40 : i32 to vector<16xi32>
      %add3A_42 = arith.constant 0 : i32
      %add3A_43 = vector.broadcast %add3A_42 : i32 to vector<16xi32>
      %add3A_44 = arith.addi %iota3A, %add3A_43 : vector<16xi32>
      %gather3A = arith.constant 0 : i32
      %gather3A_45 = arith.constant 0 : i32
      %gather3A_46 = arith.constant 0 : i32
      %gather3A_47 = tpu.memref_slice %arg8[%gather3A, %gather3A_45, %gather3A_46] : memref<16x32x128xf32, #tpu.memory_space<vmem>> -> memref<1x32x128xf32, #tpu.memory_space<vmem>>
      %gather3A_48 = tpu.memref_squeeze %gather3A_47 : memref<1x32x128xf32, #tpu.memory_space<vmem>> -> memref<32x128xf32, #tpu.memory_space<vmem>>
      %gather3A_49 = tpu.vector_load_idx %gather3A_48[%add3A_44, %broadcast_in_dim3A] : memref<32x128xf32, #tpu.memory_space<vmem>>[vector<16xi32>, vector<16xi32>], vector<16xf32>,
      %add3A_50 = arith.constant 0 : i32
      %add3A_51 = vector.broadcast %add3A_50 : i32 to vector<16xi32>
      %add3A_52 = arith.addi %iota3A, %add3A_51 : vector<16xi32>
      %gather3A_53 = tpu.vector_load_idx %arg7[%broadcast_in_dim3A_41, %add3A_52] : memref<64x32xf32, #tpu.memory_space<vmem>>[vector<16xi32>, vector<16xi32>], vector<16xf32>,
      %select_n3A_54 = arith.select %ge3A_28, %gather3A_53, %gather3A_49 : vector<16xf32>
      %mul3A_55 = arith.constant 4 : i32
      %mul3A_56 = arith.muli %scan3A_8, %mul3A_55 : i32
      %add3A_57 = arith.constant 0 : i32
      %add3A_58 = arith.addi %mul3A_56, %add3A_57 : i32
      %swap3A = arith.index_cast %add3A_58 : i32 to index
      %swap3A_59 = arith.constant 0 : index
      %swap3A_60 = tpu.vector_load %arg9[%swap3A, %swap3A_59] {strides = array<i32>} : memref<32x128xf32, #tpu.memory_space<vmem>>, vector<16xf32>,
      tpu.vector_store %arg9[%swap3A, %swap3A_59], %select_n3A_54 {strides = array<i32>} : memref<32x128xf32, #tpu.memory_space<vmem>>, vector<16xf32>,
      %add3A_61 = arith.constant 16 : i32
      %add3A_62 = vector.broadcast %add3A_61 : i32 to vector<16xi32>
      %add3A_63 = arith.addi %iota3A, %add3A_62 : vector<16xi32>
      %gather3A_64 = arith.constant 0 : i32
      %gather3A_65 = arith.constant 0 : i32
      %gather3A_66 = arith.constant 0 : i32
      %gather3A_67 = tpu.memref_slice %arg8[%gather3A_64, %gather3A_65, %gather3A_66] : memref<16x32x128xf32, #tpu.memory_space<vmem>> -> memref<1x32x128xf32, #tpu.memory_space<vmem>>
      %gather3A_68 = tpu.memref_squeeze %gather3A_67 : memref<1x32x128xf32, #tpu.memory_space<vmem>> -> memref<32x128xf32, #tpu.memory_space<vmem>>
      %gather3A_69 = tpu.vector_load_idx %gather3A_68[%add3A_63, %broadcast_in_dim3A] : memref<32x128xf32, #tpu.memory_space<vmem>>[vector<16xi32>, vector<16xi32>], vector<16xf32>,
      %add3A_70 = arith.constant 16 : i32
      %add3A_71 = vector.broadcast %add3A_70 : i32 to vector<16xi32>
      %add3A_72 = arith.addi %iota3A, %add3A_71 : vector<16xi32>
      %gather3A_73 = tpu.vector_load_idx %arg7[%broadcast_in_dim3A_41, %add3A_72] : memref<64x32xf32, #tpu.memory_space<vmem>>[vector<16xi32>, vector<16xi32>], vector<16xf32>,
      %select_n3A_74 = arith.select %ge3A_28, %gather3A_73, %gather3A_69 : vector<16xf32>
      %mul3A_75 = arith.constant 4 : i32
      %mul3A_76 = arith.muli %scan3A_8, %mul3A_75 : i32
      %add3A_77 = arith.constant 0 : i32
      %add3A_78 = arith.addi %mul3A_76, %add3A_77 : i32
      %swap3A_79 = arith.index_cast %add3A_78 : i32 to index
      %swap3A_80 = arith.constant 16 : index
      %swap3A_81 = tpu.vector_load %arg9[%swap3A_79, %swap3A_80] {strides = array<i32>} : memref<32x128xf32, #tpu.memory_space<vmem>>, vector<16xf32>,
      tpu.vector_store %arg9[%swap3A_79, %swap3A_80], %select_n3A_74 {strides = array<i32>} : memref<32x128xf32, #tpu.memory_space<vmem>>, vector<16xf32>,
      %slice3A_82 = vector.extract_strided_slice %get3A_12 {offsets = [1], sizes = [1], strides = [1]} : vector<16xi32> to vector<1xi32>
      %squeeze3A_83 = vector.extract %slice3A_82[0] : i32 from vector<1xi32>
      %ge3A_84 = arith.constant 999936 : i32
      %ge3A_85 = arith.cmpi sge, %squeeze3A_83, %ge3A_84 : i32
      %jit3A_86 = arith.constant 128 : i32
      %eq3A_87 = arith.constant 0 : i32
      %eq3A_88 = arith.cmpi eq, %jit3A_86, %eq3A_87 : i32
      %jit3A_89 = arith.constant 1 : i32
      %select_n3A_90 = arith.select %eq3A_88, %jit3A_89, %jit3A_86 : i32
      %rem3A_91 = arith.remsi %squeeze3A_83, %select_n3A_90 : i32
      %ne3A_92 = arith.constant 0 : i32
      %ne3A_93 = arith.cmpi ne, %rem3A_91, %ne3A_92 : i32
      %lt3A_94 = arith.constant 0 : i32
      %lt3A_95 = arith.cmpi slt, %rem3A_91, %lt3A_94 : i32
      %lt3A_96 = arith.constant 0 : i32
      %lt3A_97 = arith.cmpi slt, %select_n3A_90, %lt3A_96 : i32
      %ne3A_98 = arith.xori %lt3A_95, %lt3A_97 : i1
      %and3A_99 = arith.andi %ne3A_98, %ne3A_93 : i1
      %add3A_100 = arith.addi %rem3A_91, %select_n3A_90 : i32
      %select_n3A_101 = arith.select %and3A_99, %add3A_100, %rem3A_91 : i32
      %broadcast_in_dim3A_102 = vector.broadcast %select_n3A_101 : i32 to vector<16xi32>
      %sub3A_103 = arith.constant 999936 : i32
      %sub3A_104 = arith.subi %squeeze3A_83, %sub3A_103 : i32
      %jit3A_105 = arith.constant 0 : i32
      %select_n3A_106 = arith.select %ge3A_85, %sub3A_104, %jit3A_105 : i32
      %broadcast_in_dim3A_107 = vector.broadcast %select_n3A_106 : i32 to vector<16xi32>
      %add3A_108 = arith.constant 0 : i32
      %add3A_109 = vector.broadcast %add3A_108 : i32 to vector<16xi32>
      %add3A_110 = arith.addi %iota3A, %add3A_109 : vector<16xi32>
      %gather3A_111 = arith.constant 1 : i32
      %gather3A_112 = arith.constant 0 : i32
      %gather3A_113 = arith.constant 0 : i32
      %gather3A_114 = tpu.memref_slice %arg8[%gather3A_111, %gather3A_112, %gather3A_113] : memref<16x32x128xf32, #tpu.memory_space<vmem>> -> memref<1x32x128xf32, #tpu.memory_space<vmem>>
      %gather3A_115 = tpu.memref_squeeze %gather3A_114 : memref<1x32x128xf32, #tpu.memory_space<vmem>> -> memref<32x128xf32, #tpu.memory_space<vmem>>
      %gather3A_116 = tpu.vector_load_idx %gather3A_115[%add3A_110, %broadcast_in_dim3A_102] : memref<32x128xf32, #tpu.memory_space<vmem>>[vector<16xi32>, vector<16xi32>], vector<16xf32>,
      %add3A_117 = arith.constant 0 : i32
      %add3A_118 = vector.broadcast %add3A_117 : i32 to vector<16xi32>
      %add3A_119 = arith.addi %iota3A, %add3A_118 : vector<16xi32>
      %gather3A_120 = tpu.vector_load_idx %arg7[%broadcast_in_dim3A_107, %add3A_119] : memref<64x32xf32, #tpu.memory_space<vmem>>[vector<16xi32>, vector<16xi32>], vector<16xf32>,
      %select_n3A_121 = arith.select %ge3A_85, %gather3A_120, %gather3A_116 : vector<16xf32>
      %mul3A_122 = arith.constant 4 : i32
      %mul3A_123 = arith.muli %scan3A_8, %mul3A_122 : i32
      %add3A_124 = arith.constant 0 : i32
      %add3A_125 = arith.addi %mul3A_123, %add3A_124 : i32
      %swap3A_126 = arith.index_cast %add3A_125 : i32 to index
      %swap3A_127 = arith.constant 32 : index
      %swap3A_128 = tpu.vector_load %arg9[%swap3A_126, %swap3A_127] {strides = array<i32>} : memref<32x128xf32, #tpu.memory_space<vmem>>, vector<16xf32>,
      tpu.vector_store %arg9[%swap3A_126, %swap3A_127], %select_n3A_121 {strides = array<i32>} : memref<32x128xf32, #tpu.memory_space<vmem>>, vector<16xf32>,
      %add3A_129 = arith.constant 16 : i32
      %add3A_130 = vector.broadcast %add3A_129 : i32 to vector<16xi32>
      %add3A_131 = arith.addi %iota3A, %add3A_130 : vector<16xi32>
      %gather3A_132 = arith.constant 1 : i32
      %gather3A_133 = arith.constant 0 : i32
      %gather3A_134 = arith.constant 0 : i32
      %gather3A_135 = tpu.memref_slice %arg8[%gather3A_132, %gather3A_133, %gather3A_134] : memref<16x32x128xf32, #tpu.memory_space<vmem>> -> memref<1x32x128xf32, #tpu.memory_space<vmem>>
      %gather3A_136 = tpu.memref_squeeze %gather3A_135 : memref<1x32x128xf32, #tpu.memory_space<vmem>> -> memref<32x128xf32, #tpu.memory_space<vmem>>
      %gather3A_137 = tpu.vector_load_idx %gather3A_136[%add3A_131, %broadcast_in_dim3A_102] : memref<32x128xf32, #tpu.memory_space<vmem>>[vector<16xi32>, vector<16xi32>], vector<16xf32>,
      %add3A_138 = arith.constant 16 : i32
      %add3A_139 = vector.broadcast %add3A_138 : i32 to vector<16xi32>
      %add3A_140 = arith.addi %iota3A, %add3A_139 : vector<16xi32>
      %gather3A_141 = tpu.vector_load_idx %arg7[%broadcast_in_dim3A_107, %add3A_140] : memref<64x32xf32, #tpu.memory_space<vmem>>[vector<16xi32>, vector<16xi32>], vector<16xf32>,
      %select_n3A_142 = arith.select %ge3A_85, %gather3A_141, %gather3A_137 : vector<16xf32>
      %mul3A_143 = arith.constant 4 : i32
      %mul3A_144 = arith.muli %scan3A_8, %mul3A_143 : i32
      %add3A_145 = arith.constant 0 : i32
      %add3A_146 = arith.addi %mul3A_144, %add3A_145 : i32
      %swap3A_147 = arith.index_cast %add3A_146 : i32 to index
      %swap3A_148 = arith.constant 48 : index
      %swap3A_149 = tpu.vector_load %arg9[%swap3A_147, %swap3A_148] {strides = array<i32>} : memref<32x128xf32, #tpu.memory_space<vmem>>, vector<16xf32>,
      tpu.vector_store %arg9[%swap3A_147, %swap3A_148], %select_n3A_142 {strides = array<i32>} : memref<32x128xf32, #tpu.memory_space<vmem>>, vector<16xf32>,
      %slice3A_150 = vector.extract_strided_slice %get3A_12 {offsets = [2], sizes = [1], strides = [1]} : vector<16xi32> to vector<1xi32>
      %squeeze3A_151 = vector.extract %slice3A_150[0] : i32 from vector<1xi32>
      %ge3A_152 = arith.constant 999936 : i32
      %ge3A_153 = arith.cmpi sge, %squeeze3A_151, %ge3A_152 : i32
      %jit3A_154 = arith.constant 128 : i32
      %eq3A_155 = arith.constant 0 : i32
      %eq3A_156 = arith.cmpi eq, %jit3A_154, %eq3A_155 : i32
      %jit3A_157 = arith.constant 1 : i32
      %select_n3A_158 = arith.select %eq3A_156, %jit3A_157, %jit3A_154 : i32
      %rem3A_159 = arith.remsi %squeeze3A_151, %select_n3A_158 : i32
      %ne3A_160 = arith.constant 0 : i32
      %ne3A_161 = arith.cmpi ne, %rem3A_159, %ne3A_160 : i32
      %lt3A_162 = arith.constant 0 : i32
      %lt3A_163 = arith.cmpi slt, %rem3A_159, %lt3A_162 : i32
      %lt3A_164 = arith.constant 0 : i32
      %lt3A_165 = arith.cmpi slt, %select_n3A_158, %lt3A_164 : i32
      %ne3A_166 = arith.xori %lt3A_163, %lt3A_165 : i1
      %and3A_167 = arith.andi %ne3A_166, %ne3A_161 : i1
      %add3A_168 = arith.addi %rem3A_159, %select_n3A_158 : i32
      %select_n3A_169 = arith.select %and3A_167, %add3A_168, %rem3A_159 : i32
      %broadcast_in_dim3A_170 = vector.broadcast %select_n3A_169 : i32 to vector<16xi32>
      %sub3A_171 = arith.constant 999936 : i32
      %sub3A_172 = arith.subi %squeeze3A_151, %sub3A_171 : i32
      %jit3A_173 = arith.constant 0 : i32
      %select_n3A_174 = arith.select %ge3A_153, %sub3A_172, %jit3A_173 : i32
      %broadcast_in_dim3A_175 = vector.broadcast %select_n3A_174 : i32 to vector<16xi32>
      %add3A_176 = arith.constant 0 : i32
      %add3A_177 = vector.broadcast %add3A_176 : i32 to vector<16xi32>
      %add3A_178 = arith.addi %iota3A, %add3A_177 : vector<16xi32>
      %gather3A_179 = arith.constant 2 : i32
      %gather3A_180 = arith.constant 0 : i32
      %gather3A_181 = arith.constant 0 : i32
      %gather3A_182 = tpu.memref_slice %arg8[%gather3A_179, %gather3A_180, %gather3A_181] : memref<16x32x128xf32, #tpu.memory_space<vmem>> -> memref<1x32x128xf32, #tpu.memory_space<vmem>>
      %gather3A_183 = tpu.memref_squeeze %gather3A_182 : memref<1x32x128xf32, #tpu.memory_space<vmem>> -> memref<32x128xf32, #tpu.memory_space<vmem>>
      %gather3A_184 = tpu.vector_load_idx %gather3A_183[%add3A_178, %broadcast_in_dim3A_170] : memref<32x128xf32, #tpu.memory_space<vmem>>[vector<16xi32>, vector<16xi32>], vector<16xf32>,
      %add3A_185 = arith.constant 0 : i32
      %add3A_186 = vector.broadcast %add3A_185 : i32 to vector<16xi32>
      %add3A_187 = arith.addi %iota3A, %add3A_186 : vector<16xi32>
      %gather3A_188 = tpu.vector_load_idx %arg7[%broadcast_in_dim3A_175, %add3A_187] : memref<64x32xf32, #tpu.memory_space<vmem>>[vector<16xi32>, vector<16xi32>], vector<16xf32>,
      %select_n3A_189 = arith.select %ge3A_153, %gather3A_188, %gather3A_184 : vector<16xf32>
      %mul3A_190 = arith.constant 4 : i32
      %mul3A_191 = arith.muli %scan3A_8, %mul3A_190 : i32
      %add3A_192 = arith.constant 0 : i32
      %add3A_193 = arith.addi %mul3A_191, %add3A_192 : i32
      %swap3A_194 = arith.index_cast %add3A_193 : i32 to index
      %swap3A_195 = arith.constant 64 : index
      %swap3A_196 = tpu.vector_load %arg9[%swap3A_194, %swap3A_195] {strides = array<i32>} : memref<32x128xf32, #tpu.memory_space<vmem>>, vector<16xf32>,
      tpu.vector_store %arg9[%swap3A_194, %swap3A_195], %select_n3A_189 {strides = array<i32>} : memref<32x128xf32, #tpu.memory_space<vmem>>, vector<16xf32>,
      %add3A_197 = arith.constant 16 : i32
      %add3A_198 = vector.broadcast %add3A_197 : i32 to vector<16xi32>
      %add3A_199 = arith.addi %iota3A, %add3A_198 : vector<16xi32>
      %gather3A_200 = arith.constant 2 : i32
      %gather3A_201 = arith.constant 0 : i32
      %gather3A_202 = arith.constant 0 : i32
      %gather3A_203 = tpu.memref_slice %arg8[%gather3A_200, %gather3A_201, %gather3A_202] : memref<16x32x128xf32, #tpu.memory_space<vmem>> -> memref<1x32x128xf32, #tpu.memory_space<vmem>>
      %gather3A_204 = tpu.memref_squeeze %gather3A_203 : memref<1x32x128xf32, #tpu.memory_space<vmem>> -> memref<32x128xf32, #tpu.memory_space<vmem>>
      %gather3A_205 = tpu.vector_load_idx %gather3A_204[%add3A_199, %broadcast_in_dim3A_170] : memref<32x128xf32, #tpu.memory_space<vmem>>[vector<16xi32>, vector<16xi32>], vector<16xf32>,
      %add3A_206 = arith.constant 16 : i32
      %add3A_207 = vector.broadcast %add3A_206 : i32 to vector<16xi32>
      %add3A_208 = arith.addi %iota3A, %add3A_207 : vector<16xi32>
      %gather3A_209 = tpu.vector_load_idx %arg7[%broadcast_in_dim3A_175, %add3A_208] : memref<64x32xf32, #tpu.memory_space<vmem>>[vector<16xi32>, vector<16xi32>], vector<16xf32>,
      %select_n3A_210 = arith.select %ge3A_153, %gather3A_209, %gather3A_205 : vector<16xf32>
      %mul3A_211 = arith.constant 4 : i32
      %mul3A_212 = arith.muli %scan3A_8, %mul3A_211 : i32
      %add3A_213 = arith.constant 0 : i32
      %add3A_214 = arith.addi %mul3A_212, %add3A_213 : i32
      %swap3A_215 = arith.index_cast %add3A_214 : i32 to index
      %swap3A_216 = arith.constant 80 : index
      %swap3A_217 = tpu.vector_load %arg9[%swap3A_215, %swap3A_216] {strides = array<i32>} : memref<32x128xf32, #tpu.memory_space<vmem>>, vector<16xf32>,
      tpu.vector_store %arg9[%swap3A_215, %swap3A_216], %select_n3A_210 {strides = array<i32>} : memref<32x128xf32, #tpu.memory_space<vmem>>, vector<16xf32>,
      %slice3A_218 = vector.extract_strided_slice %get3A_12 {offsets = [3], sizes = [1], strides = [1]} : vector<16xi32> to vector<1xi32>
      %squeeze3A_219 = vector.extract %slice3A_218[0] : i32 from vector<1xi32>
      %ge3A_220 = arith.constant 999936 : i32
      %ge3A_221 = arith.cmpi sge, %squeeze3A_219, %ge3A_220 : i32
      %jit3A_222 = arith.constant 128 : i32
      %eq3A_223 = arith.constant 0 : i32
      %eq3A_224 = arith.cmpi eq, %jit3A_222, %eq3A_223 : i32
      %jit3A_225 = arith.constant 1 : i32
      %select_n3A_226 = arith.select %eq3A_224, %jit3A_225, %jit3A_222 : i32
      %rem3A_227 = arith.remsi %squeeze3A_219, %select_n3A_226 : i32
      %ne3A_228 = arith.constant 0 : i32
      %ne3A_229 = arith.cmpi ne, %rem3A_227, %ne3A_228 : i32
      %lt3A_230 = arith.constant 0 : i32
      %lt3A_231 = arith.cmpi slt, %rem3A_227, %lt3A_230 : i32
      %lt3A_232 = arith.constant 0 : i32
      %lt3A_233 = arith.cmpi slt, %select_n3A_226, %lt3A_232 : i32
      %ne3A_234 = arith.xori %lt3A_231, %lt3A_233 : i1
      %and3A_235 = arith.andi %ne3A_234, %ne3A_229 : i1
      %add3A_236 = arith.addi %rem3A_227, %select_n3A_226 : i32
      %select_n3A_237 = arith.select %and3A_235, %add3A_236, %rem3A_227 : i32
      %broadcast_in_dim3A_238 = vector.broadcast %select_n3A_237 : i32 to vector<16xi32>
      %sub3A_239 = arith.constant 999936 : i32
      %sub3A_240 = arith.subi %squeeze3A_219, %sub3A_239 : i32
      %jit3A_241 = arith.constant 0 : i32
      %select_n3A_242 = arith.select %ge3A_221, %sub3A_240, %jit3A_241 : i32
      %broadcast_in_dim3A_243 = vector.broadcast %select_n3A_242 : i32 to vector<16xi32>
      %add3A_244 = arith.constant 0 : i32
      %add3A_245 = vector.broadcast %add3A_244 : i32 to vector<16xi32>
      %add3A_246 = arith.addi %iota3A, %add3A_245 : vector<16xi32>
      %gather3A_247 = arith.constant 3 : i32
      %gather3A_248 = arith.constant 0 : i32
      %gather3A_249 = arith.constant 0 : i32
      %gather3A_250 = tpu.memref_slice %arg8[%gather3A_247, %gather3A_248, %gather3A_249] : memref<16x32x128xf32, #tpu.memory_space<vmem>> -> memref<1x32x128xf32, #tpu.memory_space<vmem>>
      %gather3A_251 = tpu.memref_squeeze %gather3A_250 : memref<1x32x128xf32, #tpu.memory_space<vmem>> -> memref<32x128xf32, #tpu.memory_space<vmem>>
      %gather3A_252 = tpu.vector_load_idx %gather3A_251[%add3A_246, %broadcast_in_dim3A_238] : memref<32x128xf32, #tpu.memory_space<vmem>>[vector<16xi32>, vector<16xi32>], vector<16xf32>,
      %add3A_253 = arith.constant 0 : i32
      %add3A_254 = vector.broadcast %add3A_253 : i32 to vector<16xi32>
      %add3A_255 = arith.addi %iota3A, %add3A_254 : vector<16xi32>
      %gather3A_256 = tpu.vector_load_idx %arg7[%broadcast_in_dim3A_243, %add3A_255] : memref<64x32xf32, #tpu.memory_space<vmem>>[vector<16xi32>, vector<16xi32>], vector<16xf32>,
      %select_n3A_257 = arith.select %ge3A_221, %gather3A_256, %gather3A_252 : vector<16xf32>
      %mul3A_258 = arith.constant 4 : i32
      %mul3A_259 = arith.muli %scan3A_8, %mul3A_258 : i32
      %add3A_260 = arith.constant 0 : i32
      %add3A_261 = arith.addi %mul3A_259, %add3A_260 : i32
      %swap3A_262 = arith.index_cast %add3A_261 : i32 to index
      %swap3A_263 = arith.constant 96 : index
      %swap3A_264 = tpu.vector_load %arg9[%swap3A_262, %swap3A_263] {strides = array<i32>} : memref<32x128xf32, #tpu.memory_space<vmem>>, vector<16xf32>,
      tpu.vector_store %arg9[%swap3A_262, %swap3A_263], %select_n3A_257 {strides = array<i32>} : memref<32x128xf32, #tpu.memory_space<vmem>>, vector<16xf32>,
      %add3A_265 = arith.constant 16 : i32
      %add3A_266 = vector.broadcast %add3A_265 : i32 to vector<16xi32>
      %add3A_267 = arith.addi %iota3A, %add3A_266 : vector<16xi32>
      %gather3A_268 = arith.constant 3 : i32
      %gather3A_269 = arith.constant 0 : i32
      %gather3A_270 = arith.constant 0 : i32
      %gather3A_271 = tpu.memref_slice %arg8[%gather3A_268, %gather3A_269, %gather3A_270] : memref<16x32x128xf32, #tpu.memory_space<vmem>> -> memref<1x32x128xf32, #tpu.memory_space<vmem>>
      %gather3A_272 = tpu.memref_squeeze %gather3A_271 : memref<1x32x128xf32, #tpu.memory_space<vmem>> -> memref<32x128xf32, #tpu.memory_space<vmem>>
      %gather3A_273 = tpu.vector_load_idx %gather3A_272[%add3A_267, %broadcast_in_dim3A_238] : memref<32x128xf32, #tpu.memory_space<vmem>>[vector<16xi32>, vector<16xi32>], vector<16xf32>,
      %add3A_274 = arith.constant 16 : i32
      %add3A_275 = vector.broadcast %add3A_274 : i32 to vector<16xi32>
      %add3A_276 = arith.addi %iota3A, %add3A_275 : vector<16xi32>
      %gather3A_277 = tpu.vector_load_idx %arg7[%broadcast_in_dim3A_243, %add3A_276] : memref<64x32xf32, #tpu.memory_space<vmem>>[vector<16xi32>, vector<16xi32>], vector<16xf32>,
      %select_n3A_278 = arith.select %ge3A_221, %gather3A_277, %gather3A_273 : vector<16xf32>
      %mul3A_279 = arith.constant 4 : i32
      %mul3A_280 = arith.muli %scan3A_8, %mul3A_279 : i32
      %add3A_281 = arith.constant 0 : i32
      %add3A_282 = arith.addi %mul3A_280, %add3A_281 : i32
      %swap3A_283 = arith.index_cast %add3A_282 : i32 to index
      %swap3A_284 = arith.constant 112 : index
      %swap3A_285 = tpu.vector_load %arg9[%swap3A_283, %swap3A_284] {strides = array<i32>} : memref<32x128xf32, #tpu.memory_space<vmem>>, vector<16xf32>,
      tpu.vector_store %arg9[%swap3A_283, %swap3A_284], %select_n3A_278 {strides = array<i32>} : memref<32x128xf32, #tpu.memory_space<vmem>>, vector<16xf32>,
      %slice3A_286 = vector.extract_strided_slice %get3A_12 {offsets = [4], sizes = [1], strides = [1]} : vector<16xi32> to vector<1xi32>
      %squeeze3A_287 = vector.extract %slice3A_286[0] : i32 from vector<1xi32>
      %ge3A_288 = arith.constant 999936 : i32
      %ge3A_289 = arith.cmpi sge, %squeeze3A_287, %ge3A_288 : i32
      %jit3A_290 = arith.constant 128 : i32
      %eq3A_291 = arith.constant 0 : i32
      %eq3A_292 = arith.cmpi eq, %jit3A_290, %eq3A_291 : i32
      %jit3A_293 = arith.constant 1 : i32
      %select_n3A_294 = arith.select %eq3A_292, %jit3A_293, %jit3A_290 : i32
      %rem3A_295 = arith.remsi %squeeze3A_287, %select_n3A_294 : i32
      %ne3A_296 = arith.constant 0 : i32
      %ne3A_297 = arith.cmpi ne, %rem3A_295, %ne3A_296 : i32
      %lt3A_298 = arith.constant 0 : i32
      %lt3A_299 = arith.cmpi slt, %rem3A_295, %lt3A_298 : i32
      %lt3A_300 = arith.constant 0 : i32
      %lt3A_301 = arith.cmpi slt, %select_n3A_294, %lt3A_300 : i32
      %ne3A_302 = arith.xori %lt3A_299, %lt3A_301 : i1
      %and3A_303 = arith.andi %ne3A_302, %ne3A_297 : i1
      %add3A_304 = arith.addi %rem3A_295, %select_n3A_294 : i32
      %select_n3A_305 = arith.select %and3A_303, %add3A_304, %rem3A_295 : i32
      %broadcast_in_dim3A_306 = vector.broadcast %select_n3A_305 : i32 to vector<16xi32>
      %sub3A_307 = arith.constant 999936 : i32
      %sub3A_308 = arith.subi %squeeze3A_287, %sub3A_307 : i32
      %jit3A_309 = arith.constant 0 : i32
      %select_n3A_310 = arith.select %ge3A_289, %sub3A_308, %jit3A_309 : i32
      %broadcast_in_dim3A_311 = vector.broadcast %select_n3A_310 : i32 to vector<16xi32>
      %add3A_312 = arith.constant 0 : i32
      %add3A_313 = vector.broadcast %add3A_312 : i32 to vector<16xi32>
      %add3A_314 = arith.addi %iota3A, %add3A_313 : vector<16xi32>
      %gather3A_315 = arith.constant 4 : i32
      %gather3A_316 = arith.constant 0 : i32
      %gather3A_317 = arith.constant 0 : i32
      %gather3A_318 = tpu.memref_slice %arg8[%gather3A_315, %gather3A_316, %gather3A_317] : memref<16x32x128xf32, #tpu.memory_space<vmem>> -> memref<1x32x128xf32, #tpu.memory_space<vmem>>
      %gather3A_319 = tpu.memref_squeeze %gather3A_318 : memref<1x32x128xf32, #tpu.memory_space<vmem>> -> memref<32x128xf32, #tpu.memory_space<vmem>>
      %gather3A_320 = tpu.vector_load_idx %gather3A_319[%add3A_314, %broadcast_in_dim3A_306] : memref<32x128xf32, #tpu.memory_space<vmem>>[vector<16xi32>, vector<16xi32>], vector<16xf32>,
      %add3A_321 = arith.constant 0 : i32
      %add3A_322 = vector.broadcast %add3A_321 : i32 to vector<16xi32>
      %add3A_323 = arith.addi %iota3A, %add3A_322 : vector<16xi32>
      %gather3A_324 = tpu.vector_load_idx %arg7[%broadcast_in_dim3A_311, %add3A_323] : memref<64x32xf32, #tpu.memory_space<vmem>>[vector<16xi32>, vector<16xi32>], vector<16xf32>,
      %select_n3A_325 = arith.select %ge3A_289, %gather3A_324, %gather3A_320 : vector<16xf32>
      %mul3A_326 = arith.constant 4 : i32
      %mul3A_327 = arith.muli %scan3A_8, %mul3A_326 : i32
      %add3A_328 = arith.constant 1 : i32
      %add3A_329 = arith.addi %mul3A_327, %add3A_328 : i32
      %swap3A_330 = arith.index_cast %add3A_329 : i32 to index
      %swap3A_331 = arith.constant 0 : index
      %swap3A_332 = tpu.vector_load %arg9[%swap3A_330, %swap3A_331] {strides = array<i32>} : memref<32x128xf32, #tpu.memory_space<vmem>>, vector<16xf32>,
      tpu.vector_store %arg9[%swap3A_330, %swap3A_331], %select_n3A_325 {strides = array<i32>} : memref<32x128xf32, #tpu.memory_space<vmem>>, vector<16xf32>,
      %add3A_333 = arith.constant 16 : i32
      %add3A_334 = vector.broadcast %add3A_333 : i32 to vector<16xi32>
      %add3A_335 = arith.addi %iota3A, %add3A_334 : vector<16xi32>
      %gather3A_336 = arith.constant 4 : i32
      %gather3A_337 = arith.constant 0 : i32
      %gather3A_338 = arith.constant 0 : i32
      %gather3A_339 = tpu.memref_slice %arg8[%gather3A_336, %gather3A_337, %gather3A_338] : memref<16x32x128xf32, #tpu.memory_space<vmem>> -> memref<1x32x128xf32, #tpu.memory_space<vmem>>
      %gather3A_340 = tpu.memref_squeeze %gather3A_339 : memref<1x32x128xf32, #tpu.memory_space<vmem>> -> memref<32x128xf32, #tpu.memory_space<vmem>>
      %gather3A_341 = tpu.vector_load_idx %gather3A_340[%add3A_335, %broadcast_in_dim3A_306] : memref<32x128xf32, #tpu.memory_space<vmem>>[vector<16xi32>, vector<16xi32>], vector<16xf32>,
      %add3A_342 = arith.constant 16 : i32
      %add3A_343 = vector.broadcast %add3A_342 : i32 to vector<16xi32>
      %add3A_344 = arith.addi %iota3A, %add3A_343 : vector<16xi32>
      %gather3A_345 = tpu.vector_load_idx %arg7[%broadcast_in_dim3A_311, %add3A_344] : memref<64x32xf32, #tpu.memory_space<vmem>>[vector<16xi32>, vector<16xi32>], vector<16xf32>,
      %select_n3A_346 = arith.select %ge3A_289, %gather3A_345, %gather3A_341 : vector<16xf32>
      %mul3A_347 = arith.constant 4 : i32
      %mul3A_348 = arith.muli %scan3A_8, %mul3A_347 : i32
      %add3A_349 = arith.constant 1 : i32
      %add3A_350 = arith.addi %mul3A_348, %add3A_349 : i32
      %swap3A_351 = arith.index_cast %add3A_350 : i32 to index
      %swap3A_352 = arith.constant 16 : index
      %swap3A_353 = tpu.vector_load %arg9[%swap3A_351, %swap3A_352] {strides = array<i32>} : memref<32x128xf32, #tpu.memory_space<vmem>>, vector<16xf32>,
      tpu.vector_store %arg9[%swap3A_351, %swap3A_352], %select_n3A_346 {strides = array<i32>} : memref<32x128xf32, #tpu.memory_space<vmem>>, vector<16xf32>,
      %slice3A_354 = vector.extract_strided_slice %get3A_12 {offsets = [5], sizes = [1], strides = [1]} : vector<16xi32> to vector<1xi32>
      %squeeze3A_355 = vector.extract %slice3A_354[0] : i32 from vector<1xi32>
      %ge3A_356 = arith.constant 999936 : i32
      %ge3A_357 = arith.cmpi sge, %squeeze3A_355, %ge3A_356 : i32
      %jit3A_358 = arith.constant 128 : i32
      %eq3A_359 = arith.constant 0 : i32
      %eq3A_360 = arith.cmpi eq, %jit3A_358, %eq3A_359 : i32
      %jit3A_361 = arith.constant 1 : i32
      %select_n3A_362 = arith.select %eq3A_360, %jit3A_361, %jit3A_358 : i32
      %rem3A_363 = arith.remsi %squeeze3A_355, %select_n3A_362 : i32
      %ne3A_364 = arith.constant 0 : i32
      %ne3A_365 = arith.cmpi ne, %rem3A_363, %ne3A_364 : i32
      %lt3A_366 = arith.constant 0 : i32
      %lt3A_367 = arith.cmpi slt, %rem3A_363, %lt3A_366 : i32
      %lt3A_368 = arith.constant 0 : i32
      %lt3A_369 = arith.cmpi slt, %select_n3A_362, %lt3A_368 : i32
      %ne3A_370 = arith.xori %lt3A_367, %lt3A_369 : i1
      %and3A_371 = arith.andi %ne3A_370, %ne3A_365 : i1
      %add3A_372 = arith.addi %rem3A_363, %select_n3A_362 : i32
      %select_n3A_373 = arith.select %and3A_371, %add3A_372, %rem3A_363 : i32
      %broadcast_in_dim3A_374 = vector.broadcast %select_n3A_373 : i32 to vector<16xi32>
      %sub3A_375 = arith.constant 999936 : i32
      %sub3A_376 = arith.subi %squeeze3A_355, %sub3A_375 : i32
      %jit3A_377 = arith.constant 0 : i32
      %select_n3A_378 = arith.select %ge3A_357, %sub3A_376, %jit3A_377 : i32
      %broadcast_in_dim3A_379 = vector.broadcast %select_n3A_378 : i32 to vector<16xi32>
      %add3A_380 = arith.constant 0 : i32
      %add3A_381 = vector.broadcast %add3A_380 : i32 to vector<16xi32>
      %add3A_382 = arith.addi %iota3A, %add3A_381 : vector<16xi32>
      %gather3A_383 = arith.constant 5 : i32
      %gather3A_384 = arith.constant 0 : i32
      %gather3A_385 = arith.constant 0 : i32
      %gather3A_386 = tpu.memref_slice %arg8[%gather3A_383, %gather3A_384, %gather3A_385] : memref<16x32x128xf32, #tpu.memory_space<vmem>> -> memref<1x32x128xf32, #tpu.memory_space<vmem>>
      %gather3A_387 = tpu.memref_squeeze %gather3A_386 : memref<1x32x128xf32, #tpu.memory_space<vmem>> -> memref<32x128xf32, #tpu.memory_space<vmem>>
      %gather3A_388 = tpu.vector_load_idx %gather3A_387[%add3A_382, %broadcast_in_dim3A_374] : memref<32x128xf32, #tpu.memory_space<vmem>>[vector<16xi32>, vector<16xi32>], vector<16xf32>,
      %add3A_389 = arith.constant 0 : i32
      %add3A_390 = vector.broadcast %add3A_389 : i32 to vector<16xi32>
      %add3A_391 = arith.addi %iota3A, %add3A_390 : vector<16xi32>
      %gather3A_392 = tpu.vector_load_idx %arg7[%broadcast_in_dim3A_379, %add3A_391] : memref<64x32xf32, #tpu.memory_space<vmem>>[vector<16xi32>, vector<16xi32>], vector<16xf32>,
      %select_n3A_393 = arith.select %ge3A_357, %gather3A_392, %gather3A_388 : vector<16xf32>
      %mul3A_394 = arith.constant 4 : i32
      %mul3A_395 = arith.muli %scan3A_8, %mul3A_394 : i32
      %add3A_396 = arith.constant 1 : i32
      %add3A_397 = arith.addi %mul3A_395, %add3A_396 : i32
      %swap3A_398 = arith.index_cast %add3A_397 : i32 to index
      %swap3A_399 = arith.constant 32 : index
      %swap3A_400 = tpu.vector_load %arg9[%swap3A_398, %swap3A_399] {strides = array<i32>} : memref<32x128xf32, #tpu.memory_space<vmem>>, vector<16xf32>,
      tpu.vector_store %arg9[%swap3A_398, %swap3A_399], %select_n3A_393 {strides = array<i32>} : memref<32x128xf32, #tpu.memory_space<vmem>>, vector<16xf32>,
      %add3A_401 = arith.constant 16 : i32
      %add3A_402 = vector.broadcast %add3A_401 : i32 to vector<16xi32>
      %add3A_403 = arith.addi %iota3A, %add3A_402 : vector<16xi32>
      %gather3A_404 = arith.constant 5 : i32
      %gather3A_405 = arith.constant 0 : i32
      %gather3A_406 = arith.constant 0 : i32
      %gather3A_407 = tpu.memref_slice %arg8[%gather3A_404, %gather3A_405, %gather3A_406] : memref<16x32x128xf32, #tpu.memory_space<vmem>> -> memref<1x32x128xf32, #tpu.memory_space<vmem>>
      %gather3A_408 = tpu.memref_squeeze %gather3A_407 : memref<1x32x128xf32, #tpu.memory_space<vmem>> -> memref<32x128xf32, #tpu.memory_space<vmem>>
      %gather3A_409 = tpu.vector_load_idx %gather3A_408[%add3A_403, %broadcast_in_dim3A_374] : memref<32x128xf32, #tpu.memory_space<vmem>>[vector<16xi32>, vector<16xi32>], vector<16xf32>,
      %add3A_410 = arith.constant 16 : i32
      %add3A_411 = vector.broadcast %add3A_410 : i32 to vector<16xi32>
      %add3A_412 = arith.addi %iota3A, %add3A_411 : vector<16xi32>
      %gather3A_413 = tpu.vector_load_idx %arg7[%broadcast_in_dim3A_379, %add3A_412] : memref<64x32xf32, #tpu.memory_space<vmem>>[vector<16xi32>, vector<16xi32>], vector<16xf32>,
      %select_n3A_414 = arith.select %ge3A_357, %gather3A_413, %gather3A_409 : vector<16xf32>
      %mul3A_415 = arith.constant 4 : i32
      %mul3A_416 = arith.muli %scan3A_8, %mul3A_415 : i32
      %add3A_417 = arith.constant 1 : i32
      %add3A_418 = arith.addi %mul3A_416, %add3A_417 : i32
      %swap3A_419 = arith.index_cast %add3A_418 : i32 to index
      %swap3A_420 = arith.constant 48 : index
      %swap3A_421 = tpu.vector_load %arg9[%swap3A_419, %swap3A_420] {strides = array<i32>} : memref<32x128xf32, #tpu.memory_space<vmem>>, vector<16xf32>,
      tpu.vector_store %arg9[%swap3A_419, %swap3A_420], %select_n3A_414 {strides = array<i32>} : memref<32x128xf32, #tpu.memory_space<vmem>>, vector<16xf32>,
      %slice3A_422 = vector.extract_strided_slice %get3A_12 {offsets = [6], sizes = [1], strides = [1]} : vector<16xi32> to vector<1xi32>
      %squeeze3A_423 = vector.extract %slice3A_422[0] : i32 from vector<1xi32>
      %ge3A_424 = arith.constant 999936 : i32
      %ge3A_425 = arith.cmpi sge, %squeeze3A_423, %ge3A_424 : i32
      %jit3A_426 = arith.constant 128 : i32
      %eq3A_427 = arith.constant 0 : i32
      %eq3A_428 = arith.cmpi eq, %jit3A_426, %eq3A_427 : i32
      %jit3A_429 = arith.constant 1 : i32
      %select_n3A_430 = arith.select %eq3A_428, %jit3A_429, %jit3A_426 : i32
      %rem3A_431 = arith.remsi %squeeze3A_423, %select_n3A_430 : i32
      %ne3A_432 = arith.constant 0 : i32
      %ne3A_433 = arith.cmpi ne, %rem3A_431, %ne3A_432 : i32
      %lt3A_434 = arith.constant 0 : i32
      %lt3A_435 = arith.cmpi slt, %rem3A_431, %lt3A_434 : i32
      %lt3A_436 = arith.constant 0 : i32
      %lt3A_437 = arith.cmpi slt, %select_n3A_430, %lt3A_436 : i32
      %ne3A_438 = arith.xori %lt3A_435, %lt3A_437 : i1
      %and3A_439 = arith.andi %ne3A_438, %ne3A_433 : i1
      %add3A_440 = arith.addi %rem3A_431, %select_n3A_430 : i32
      %select_n3A_441 = arith.select %and3A_439, %add3A_440, %rem3A_431 : i32
      %broadcast_in_dim3A_442 = vector.broadcast %select_n3A_441 : i32 to vector<16xi32>
      %sub3A_443 = arith.constant 999936 : i32
      %sub3A_444 = arith.subi %squeeze3A_423, %sub3A_443 : i32
      %jit3A_445 = arith.constant 0 : i32
      %select_n3A_446 = arith.select %ge3A_425, %sub3A_444, %jit3A_445 : i32
      %broadcast_in_dim3A_447 = vector.broadcast %select_n3A_446 : i32 to vector<16xi32>
      %add3A_448 = arith.constant 0 : i32
      %add3A_449 = vector.broadcast %add3A_448 : i32 to vector<16xi32>
      %add3A_450 = arith.addi %iota3A, %add3A_449 : vector<16xi32>
      %gather3A_451 = arith.constant 6 : i32
      %gather3A_452 = arith.constant 0 : i32
      %gather3A_453 = arith.constant 0 : i32
      %gather3A_454 = tpu.memref_slice %arg8[%gather3A_451, %gather3A_452, %gather3A_453] : memref<16x32x128xf32, #tpu.memory_space<vmem>> -> memref<1x32x128xf32, #tpu.memory_space<vmem>>
      %gather3A_455 = tpu.memref_squeeze %gather3A_454 : memref<1x32x128xf32, #tpu.memory_space<vmem>> -> memref<32x128xf32, #tpu.memory_space<vmem>>
      %gather3A_456 = tpu.vector_load_idx %gather3A_455[%add3A_450, %broadcast_in_dim3A_442] : memref<32x128xf32, #tpu.memory_space<vmem>>[vector<16xi32>, vector<16xi32>], vector<16xf32>,
      %add3A_457 = arith.constant 0 : i32
      %add3A_458 = vector.broadcast %add3A_457 : i32 to vector<16xi32>
      %add3A_459 = arith.addi %iota3A, %add3A_458 : vector<16xi32>
      %gather3A_460 = tpu.vector_load_idx %arg7[%broadcast_in_dim3A_447, %add3A_459] : memref<64x32xf32, #tpu.memory_space<vmem>>[vector<16xi32>, vector<16xi32>], vector<16xf32>,
      %select_n3A_461 = arith.select %ge3A_425, %gather3A_460, %gather3A_456 : vector<16xf32>
      %mul3A_462 = arith.constant 4 : i32
      %mul3A_463 = arith.muli %scan3A_8, %mul3A_462 : i32
      %add3A_464 = arith.constant 1 : i32
      %add3A_465 = arith.addi %mul3A_463, %add3A_464 : i32
      %swap3A_466 = arith.index_cast %add3A_465 : i32 to index
      %swap3A_467 = arith.constant 64 : index
      %swap3A_468 = tpu.vector_load %arg9[%swap3A_466, %swap3A_467] {strides = array<i32>} : memref<32x128xf32, #tpu.memory_space<vmem>>, vector<16xf32>,
      tpu.vector_store %arg9[%swap3A_466, %swap3A_467], %select_n3A_461 {strides = array<i32>} : memref<32x128xf32, #tpu.memory_space<vmem>>, vector<16xf32>,
      %add3A_469 = arith.constant 16 : i32
      %add3A_470 = vector.broadcast %add3A_469 : i32 to vector<16xi32>
      %add3A_471 = arith.addi %iota3A, %add3A_470 : vector<16xi32>
      %gather3A_472 = arith.constant 6 : i32
      %gather3A_473 = arith.constant 0 : i32
      %gather3A_474 = arith.constant 0 : i32
      %gather3A_475 = tpu.memref_slice %arg8[%gather3A_472, %gather3A_473, %gather3A_474] : memref<16x32x128xf32, #tpu.memory_space<vmem>> -> memref<1x32x128xf32, #tpu.memory_space<vmem>>
      %gather3A_476 = tpu.memref_squeeze %gather3A_475 : memref<1x32x128xf32, #tpu.memory_space<vmem>> -> memref<32x128xf32, #tpu.memory_space<vmem>>
      %gather3A_477 = tpu.vector_load_idx %gather3A_476[%add3A_471, %broadcast_in_dim3A_442] : memref<32x128xf32, #tpu.memory_space<vmem>>[vector<16xi32>, vector<16xi32>], vector<16xf32>,
      %add3A_478 = arith.constant 16 : i32
      %add3A_479 = vector.broadcast %add3A_478 : i32 to vector<16xi32>
      %add3A_480 = arith.addi %iota3A, %add3A_479 : vector<16xi32>
      %gather3A_481 = tpu.vector_load_idx %arg7[%broadcast_in_dim3A_447, %add3A_480] : memref<64x32xf32, #tpu.memory_space<vmem>>[vector<16xi32>, vector<16xi32>], vector<16xf32>,
      %select_n3A_482 = arith.select %ge3A_425, %gather3A_481, %gather3A_477 : vector<16xf32>
      %mul3A_483 = arith.constant 4 : i32
      %mul3A_484 = arith.muli %scan3A_8, %mul3A_483 : i32
      %add3A_485 = arith.constant 1 : i32
      %add3A_486 = arith.addi %mul3A_484, %add3A_485 : i32
      %swap3A_487 = arith.index_cast %add3A_486 : i32 to index
      %swap3A_488 = arith.constant 80 : index
      %swap3A_489 = tpu.vector_load %arg9[%swap3A_487, %swap3A_488] {strides = array<i32>} : memref<32x128xf32, #tpu.memory_space<vmem>>, vector<16xf32>,
      tpu.vector_store %arg9[%swap3A_487, %swap3A_488], %select_n3A_482 {strides = array<i32>} : memref<32x128xf32, #tpu.memory_space<vmem>>, vector<16xf32>,
      %slice3A_490 = vector.extract_strided_slice %get3A_12 {offsets = [7], sizes = [1], strides = [1]} : vector<16xi32> to vector<1xi32>
      %squeeze3A_491 = vector.extract %slice3A_490[0] : i32 from vector<1xi32>
      %ge3A_492 = arith.constant 999936 : i32
      %ge3A_493 = arith.cmpi sge, %squeeze3A_491, %ge3A_492 : i32
      %jit3A_494 = arith.constant 128 : i32
      %eq3A_495 = arith.constant 0 : i32
      %eq3A_496 = arith.cmpi eq, %jit3A_494, %eq3A_495 : i32
      %jit3A_497 = arith.constant 1 : i32
      %select_n3A_498 = arith.select %eq3A_496, %jit3A_497, %jit3A_494 : i32
      %rem3A_499 = arith.remsi %squeeze3A_491, %select_n3A_498 : i32
      %ne3A_500 = arith.constant 0 : i32
      %ne3A_501 = arith.cmpi ne, %rem3A_499, %ne3A_500 : i32
      %lt3A_502 = arith.constant 0 : i32
      %lt3A_503 = arith.cmpi slt, %rem3A_499, %lt3A_502 : i32
      %lt3A_504 = arith.constant 0 : i32
      %lt3A_505 = arith.cmpi slt, %select_n3A_498, %lt3A_504 : i32
      %ne3A_506 = arith.xori %lt3A_503, %lt3A_505 : i1
      %and3A_507 = arith.andi %ne3A_506, %ne3A_501 : i1
      %add3A_508 = arith.addi %rem3A_499, %select_n3A_498 : i32
      %select_n3A_509 = arith.select %and3A_507, %add3A_508, %rem3A_499 : i32
      %broadcast_in_dim3A_510 = vector.broadcast %select_n3A_509 : i32 to vector<16xi32>
      %sub3A_511 = arith.constant 999936 : i32
      %sub3A_512 = arith.subi %squeeze3A_491, %sub3A_511 : i32
      %jit3A_513 = arith.constant 0 : i32
      %select_n3A_514 = arith.select %ge3A_493, %sub3A_512, %jit3A_513 : i32
      %broadcast_in_dim3A_515 = vector.broadcast %select_n3A_514 : i32 to vector<16xi32>
      %add3A_516 = arith.constant 0 : i32
      %add3A_517 = vector.broadcast %add3A_516 : i32 to vector<16xi32>
      %add3A_518 = arith.addi %iota3A, %add3A_517 : vector<16xi32>
      %gather3A_519 = arith.constant 7 : i32
      %gather3A_520 = arith.constant 0 : i32
      %gather3A_521 = arith.constant 0 : i32
      %gather3A_522 = tpu.memref_slice %arg8[%gather3A_519, %gather3A_520, %gather3A_521] : memref<16x32x128xf32, #tpu.memory_space<vmem>> -> memref<1x32x128xf32, #tpu.memory_space<vmem>>
      %gather3A_523 = tpu.memref_squeeze %gather3A_522 : memref<1x32x128xf32, #tpu.memory_space<vmem>> -> memref<32x128xf32, #tpu.memory_space<vmem>>
      %gather3A_524 = tpu.vector_load_idx %gather3A_523[%add3A_518, %broadcast_in_dim3A_510] : memref<32x128xf32, #tpu.memory_space<vmem>>[vector<16xi32>, vector<16xi32>], vector<16xf32>,
      %add3A_525 = arith.constant 0 : i32
      %add3A_526 = vector.broadcast %add3A_525 : i32 to vector<16xi32>
      %add3A_527 = arith.addi %iota3A, %add3A_526 : vector<16xi32>
      %gather3A_528 = tpu.vector_load_idx %arg7[%broadcast_in_dim3A_515, %add3A_527] : memref<64x32xf32, #tpu.memory_space<vmem>>[vector<16xi32>, vector<16xi32>], vector<16xf32>,
      %select_n3A_529 = arith.select %ge3A_493, %gather3A_528, %gather3A_524 : vector<16xf32>
      %mul3A_530 = arith.constant 4 : i32
      %mul3A_531 = arith.muli %scan3A_8, %mul3A_530 : i32
      %add3A_532 = arith.constant 1 : i32
      %add3A_533 = arith.addi %mul3A_531, %add3A_532 : i32
      %swap3A_534 = arith.index_cast %add3A_533 : i32 to index
      %swap3A_535 = arith.constant 96 : index
      %swap3A_536 = tpu.vector_load %arg9[%swap3A_534, %swap3A_535] {strides = array<i32>} : memref<32x128xf32, #tpu.memory_space<vmem>>, vector<16xf32>,
      tpu.vector_store %arg9[%swap3A_534, %swap3A_535], %select_n3A_529 {strides = array<i32>} : memref<32x128xf32, #tpu.memory_space<vmem>>, vector<16xf32>,
      %add3A_537 = arith.constant 16 : i32
      %add3A_538 = vector.broadcast %add3A_537 : i32 to vector<16xi32>
      %add3A_539 = arith.addi %iota3A, %add3A_538 : vector<16xi32>
      %gather3A_540 = arith.constant 7 : i32
      %gather3A_541 = arith.constant 0 : i32
      %gather3A_542 = arith.constant 0 : i32
      %gather3A_543 = tpu.memref_slice %arg8[%gather3A_540, %gather3A_541, %gather3A_542] : memref<16x32x128xf32, #tpu.memory_space<vmem>> -> memref<1x32x128xf32, #tpu.memory_space<vmem>>
      %gather3A_544 = tpu.memref_squeeze %gather3A_543 : memref<1x32x128xf32, #tpu.memory_space<vmem>> -> memref<32x128xf32, #tpu.memory_space<vmem>>
      %gather3A_545 = tpu.vector_load_idx %gather3A_544[%add3A_539, %broadcast_in_dim3A_510] : memref<32x128xf32, #tpu.memory_space<vmem>>[vector<16xi32>, vector<16xi32>], vector<16xf32>,
      %add3A_546 = arith.constant 16 : i32
      %add3A_547 = vector.broadcast %add3A_546 : i32 to vector<16xi32>
      %add3A_548 = arith.addi %iota3A, %add3A_547 : vector<16xi32>
      %gather3A_549 = tpu.vector_load_idx %arg7[%broadcast_in_dim3A_515, %add3A_548] : memref<64x32xf32, #tpu.memory_space<vmem>>[vector<16xi32>, vector<16xi32>], vector<16xf32>,
      %select_n3A_550 = arith.select %ge3A_493, %gather3A_549, %gather3A_545 : vector<16xf32>
      %mul3A_551 = arith.constant 4 : i32
      %mul3A_552 = arith.muli %scan3A_8, %mul3A_551 : i32
      %add3A_553 = arith.constant 1 : i32
      %add3A_554 = arith.addi %mul3A_552, %add3A_553 : i32
      %swap3A_555 = arith.index_cast %add3A_554 : i32 to index
      %swap3A_556 = arith.constant 112 : index
      %swap3A_557 = tpu.vector_load %arg9[%swap3A_555, %swap3A_556] {strides = array<i32>} : memref<32x128xf32, #tpu.memory_space<vmem>>, vector<16xf32>,
      tpu.vector_store %arg9[%swap3A_555, %swap3A_556], %select_n3A_550 {strides = array<i32>} : memref<32x128xf32, #tpu.memory_space<vmem>>, vector<16xf32>,
      %slice3A_558 = vector.extract_strided_slice %get3A_12 {offsets = [8], sizes = [1], strides = [1]} : vector<16xi32> to vector<1xi32>
      %squeeze3A_559 = vector.extract %slice3A_558[0] : i32 from vector<1xi32>
      %ge3A_560 = arith.constant 999936 : i32
      %ge3A_561 = arith.cmpi sge, %squeeze3A_559, %ge3A_560 : i32
      %jit3A_562 = arith.constant 128 : i32
      %eq3A_563 = arith.constant 0 : i32
      %eq3A_564 = arith.cmpi eq, %jit3A_562, %eq3A_563 : i32
      %jit3A_565 = arith.constant 1 : i32
      %select_n3A_566 = arith.select %eq3A_564, %jit3A_565, %jit3A_562 : i32
      %rem3A_567 = arith.remsi %squeeze3A_559, %select_n3A_566 : i32
      %ne3A_568 = arith.constant 0 : i32
      %ne3A_569 = arith.cmpi ne, %rem3A_567, %ne3A_568 : i32
      %lt3A_570 = arith.constant 0 : i32
      %lt3A_571 = arith.cmpi slt, %rem3A_567, %lt3A_570 : i32
      %lt3A_572 = arith.constant 0 : i32
      %lt3A_573 = arith.cmpi slt, %select_n3A_566, %lt3A_572 : i32
      %ne3A_574 = arith.xori %lt3A_571, %lt3A_573 : i1
      %and3A_575 = arith.andi %ne3A_574, %ne3A_569 : i1
      %add3A_576 = arith.addi %rem3A_567, %select_n3A_566 : i32
      %select_n3A_577 = arith.select %and3A_575, %add3A_576, %rem3A_567 : i32
      %broadcast_in_dim3A_578 = vector.broadcast %select_n3A_577 : i32 to vector<16xi32>
      %sub3A_579 = arith.constant 999936 : i32
      %sub3A_580 = arith.subi %squeeze3A_559, %sub3A_579 : i32
      %jit3A_581 = arith.constant 0 : i32
      %select_n3A_582 = arith.select %ge3A_561, %sub3A_580, %jit3A_581 : i32
      %broadcast_in_dim3A_583 = vector.broadcast %select_n3A_582 : i32 to vector<16xi32>
      %add3A_584 = arith.constant 0 : i32
      %add3A_585 = vector.broadcast %add3A_584 : i32 to vector<16xi32>
      %add3A_586 = arith.addi %iota3A, %add3A_585 : vector<16xi32>
      %gather3A_587 = arith.constant 8 : i32
      %gather3A_588 = arith.constant 0 : i32
      %gather3A_589 = arith.constant 0 : i32
      %gather3A_590 = tpu.memref_slice %arg8[%gather3A_587, %gather3A_588, %gather3A_589] : memref<16x32x128xf32, #tpu.memory_space<vmem>> -> memref<1x32x128xf32, #tpu.memory_space<vmem>>
      %gather3A_591 = tpu.memref_squeeze %gather3A_590 : memref<1x32x128xf32, #tpu.memory_space<vmem>> -> memref<32x128xf32, #tpu.memory_space<vmem>>
      %gather3A_592 = tpu.vector_load_idx %gather3A_591[%add3A_586, %broadcast_in_dim3A_578] : memref<32x128xf32, #tpu.memory_space<vmem>>[vector<16xi32>, vector<16xi32>], vector<16xf32>,
      %add3A_593 = arith.constant 0 : i32
      %add3A_594 = vector.broadcast %add3A_593 : i32 to vector<16xi32>
      %add3A_595 = arith.addi %iota3A, %add3A_594 : vector<16xi32>
      %gather3A_596 = tpu.vector_load_idx %arg7[%broadcast_in_dim3A_583, %add3A_595] : memref<64x32xf32, #tpu.memory_space<vmem>>[vector<16xi32>, vector<16xi32>], vector<16xf32>,
      %select_n3A_597 = arith.select %ge3A_561, %gather3A_596, %gather3A_592 : vector<16xf32>
      %mul3A_598 = arith.constant 4 : i32
      %mul3A_599 = arith.muli %scan3A_8, %mul3A_598 : i32
      %add3A_600 = arith.constant 2 : i32
      %add3A_601 = arith.addi %mul3A_599, %add3A_600 : i32
      %swap3A_602 = arith.index_cast %add3A_601 : i32 to index
      %swap3A_603 = arith.constant 0 : index
      %swap3A_604 = tpu.vector_load %arg9[%swap3A_602, %swap3A_603] {strides = array<i32>} : memref<32x128xf32, #tpu.memory_space<vmem>>, vector<16xf32>,
      tpu.vector_store %arg9[%swap3A_602, %swap3A_603], %select_n3A_597 {strides = array<i32>} : memref<32x128xf32, #tpu.memory_space<vmem>>, vector<16xf32>,
      %add3A_605 = arith.constant 16 : i32
      %add3A_606 = vector.broadcast %add3A_605 : i32 to vector<16xi32>
      %add3A_607 = arith.addi %iota3A, %add3A_606 : vector<16xi32>
      %gather3A_608 = arith.constant 8 : i32
      %gather3A_609 = arith.constant 0 : i32
      %gather3A_610 = arith.constant 0 : i32
      %gather3A_611 = tpu.memref_slice %arg8[%gather3A_608, %gather3A_609, %gather3A_610] : memref<16x32x128xf32, #tpu.memory_space<vmem>> -> memref<1x32x128xf32, #tpu.memory_space<vmem>>
      %gather3A_612 = tpu.memref_squeeze %gather3A_611 : memref<1x32x128xf32, #tpu.memory_space<vmem>> -> memref<32x128xf32, #tpu.memory_space<vmem>>
      %gather3A_613 = tpu.vector_load_idx %gather3A_612[%add3A_607, %broadcast_in_dim3A_578] : memref<32x128xf32, #tpu.memory_space<vmem>>[vector<16xi32>, vector<16xi32>], vector<16xf32>,
      %add3A_614 = arith.constant 16 : i32
      %add3A_615 = vector.broadcast %add3A_614 : i32 to vector<16xi32>
      %add3A_616 = arith.addi %iota3A, %add3A_615 : vector<16xi32>
      %gather3A_617 = tpu.vector_load_idx %arg7[%broadcast_in_dim3A_583, %add3A_616] : memref<64x32xf32, #tpu.memory_space<vmem>>[vector<16xi32>, vector<16xi32>], vector<16xf32>,
      %select_n3A_618 = arith.select %ge3A_561, %gather3A_617, %gather3A_613 : vector<16xf32>
      %mul3A_619 = arith.constant 4 : i32
      %mul3A_620 = arith.muli %scan3A_8, %mul3A_619 : i32
      %add3A_621 = arith.constant 2 : i32
      %add3A_622 = arith.addi %mul3A_620, %add3A_621 : i32
      %swap3A_623 = arith.index_cast %add3A_622 : i32 to index
      %swap3A_624 = arith.constant 16 : index
      %swap3A_625 = tpu.vector_load %arg9[%swap3A_623, %swap3A_624] {strides = array<i32>} : memref<32x128xf32, #tpu.memory_space<vmem>>, vector<16xf32>,
      tpu.vector_store %arg9[%swap3A_623, %swap3A_624], %select_n3A_618 {strides = array<i32>} : memref<32x128xf32, #tpu.memory_space<vmem>>, vector<16xf32>,
      %slice3A_626 = vector.extract_strided_slice %get3A_12 {offsets = [9], sizes = [1], strides = [1]} : vector<16xi32> to vector<1xi32>
      %squeeze3A_627 = vector.extract %slice3A_626[0] : i32 from vector<1xi32>
      %ge3A_628 = arith.constant 999936 : i32
      %ge3A_629 = arith.cmpi sge, %squeeze3A_627, %ge3A_628 : i32
      %jit3A_630 = arith.constant 128 : i32
      %eq3A_631 = arith.constant 0 : i32
      %eq3A_632 = arith.cmpi eq, %jit3A_630, %eq3A_631 : i32
      %jit3A_633 = arith.constant 1 : i32
      %select_n3A_634 = arith.select %eq3A_632, %jit3A_633, %jit3A_630 : i32
      %rem3A_635 = arith.remsi %squeeze3A_627, %select_n3A_634 : i32
      %ne3A_636 = arith.constant 0 : i32
      %ne3A_637 = arith.cmpi ne, %rem3A_635, %ne3A_636 : i32
      %lt3A_638 = arith.constant 0 : i32
      %lt3A_639 = arith.cmpi slt, %rem3A_635, %lt3A_638 : i32
      %lt3A_640 = arith.constant 0 : i32
      %lt3A_641 = arith.cmpi slt, %select_n3A_634, %lt3A_640 : i32
      %ne3A_642 = arith.xori %lt3A_639, %lt3A_641 : i1
      %and3A_643 = arith.andi %ne3A_642, %ne3A_637 : i1
      %add3A_644 = arith.addi %rem3A_635, %select_n3A_634 : i32
      %select_n3A_645 = arith.select %and3A_643, %add3A_644, %rem3A_635 : i32
      %broadcast_in_dim3A_646 = vector.broadcast %select_n3A_645 : i32 to vector<16xi32>
      %sub3A_647 = arith.constant 999936 : i32
      %sub3A_648 = arith.subi %squeeze3A_627, %sub3A_647 : i32
      %jit3A_649 = arith.constant 0 : i32
      %select_n3A_650 = arith.select %ge3A_629, %sub3A_648, %jit3A_649 : i32
      %broadcast_in_dim3A_651 = vector.broadcast %select_n3A_650 : i32 to vector<16xi32>
      %add3A_652 = arith.constant 0 : i32
      %add3A_653 = vector.broadcast %add3A_652 : i32 to vector<16xi32>
      %add3A_654 = arith.addi %iota3A, %add3A_653 : vector<16xi32>
      %gather3A_655 = arith.constant 9 : i32
      %gather3A_656 = arith.constant 0 : i32
      %gather3A_657 = arith.constant 0 : i32
      %gather3A_658 = tpu.memref_slice %arg8[%gather3A_655, %gather3A_656, %gather3A_657] : memref<16x32x128xf32, #tpu.memory_space<vmem>> -> memref<1x32x128xf32, #tpu.memory_space<vmem>>
      %gather3A_659 = tpu.memref_squeeze %gather3A_658 : memref<1x32x128xf32, #tpu.memory_space<vmem>> -> memref<32x128xf32, #tpu.memory_space<vmem>>
      %gather3A_660 = tpu.vector_load_idx %gather3A_659[%add3A_654, %broadcast_in_dim3A_646] : memref<32x128xf32, #tpu.memory_space<vmem>>[vector<16xi32>, vector<16xi32>], vector<16xf32>,
      %add3A_661 = arith.constant 0 : i32
      %add3A_662 = vector.broadcast %add3A_661 : i32 to vector<16xi32>
      %add3A_663 = arith.addi %iota3A, %add3A_662 : vector<16xi32>
      %gather3A_664 = tpu.vector_load_idx %arg7[%broadcast_in_dim3A_651, %add3A_663] : memref<64x32xf32, #tpu.memory_space<vmem>>[vector<16xi32>, vector<16xi32>], vector<16xf32>,
      %select_n3A_665 = arith.select %ge3A_629, %gather3A_664, %gather3A_660 : vector<16xf32>
      %mul3A_666 = arith.constant 4 : i32
      %mul3A_667 = arith.muli %scan3A_8, %mul3A_666 : i32
      %add3A_668 = arith.constant 2 : i32
      %add3A_669 = arith.addi %mul3A_667, %add3A_668 : i32
      %swap3A_670 = arith.index_cast %add3A_669 : i32 to index
      %swap3A_671 = arith.constant 32 : index
      %swap3A_672 = tpu.vector_load %arg9[%swap3A_670, %swap3A_671] {strides = array<i32>} : memref<32x128xf32, #tpu.memory_space<vmem>>, vector<16xf32>,
      tpu.vector_store %arg9[%swap3A_670, %swap3A_671], %select_n3A_665 {strides = array<i32>} : memref<32x128xf32, #tpu.memory_space<vmem>>, vector<16xf32>,
      %add3A_673 = arith.constant 16 : i32
      %add3A_674 = vector.broadcast %add3A_673 : i32 to vector<16xi32>
      %add3A_675 = arith.addi %iota3A, %add3A_674 : vector<16xi32>
      %gather3A_676 = arith.constant 9 : i32
      %gather3A_677 = arith.constant 0 : i32
      %gather3A_678 = arith.constant 0 : i32
      %gather3A_679 = tpu.memref_slice %arg8[%gather3A_676, %gather3A_677, %gather3A_678] : memref<16x32x128xf32, #tpu.memory_space<vmem>> -> memref<1x32x128xf32, #tpu.memory_space<vmem>>
      %gather3A_680 = tpu.memref_squeeze %gather3A_679 : memref<1x32x128xf32, #tpu.memory_space<vmem>> -> memref<32x128xf32, #tpu.memory_space<vmem>>
      %gather3A_681 = tpu.vector_load_idx %gather3A_680[%add3A_675, %broadcast_in_dim3A_646] : memref<32x128xf32, #tpu.memory_space<vmem>>[vector<16xi32>, vector<16xi32>], vector<16xf32>,
      %add3A_682 = arith.constant 16 : i32
      %add3A_683 = vector.broadcast %add3A_682 : i32 to vector<16xi32>
      %add3A_684 = arith.addi %iota3A, %add3A_683 : vector<16xi32>
      %gather3A_685 = tpu.vector_load_idx %arg7[%broadcast_in_dim3A_651, %add3A_684] : memref<64x32xf32, #tpu.memory_space<vmem>>[vector<16xi32>, vector<16xi32>], vector<16xf32>,
      %select_n3A_686 = arith.select %ge3A_629, %gather3A_685, %gather3A_681 : vector<16xf32>
      %mul3A_687 = arith.constant 4 : i32
      %mul3A_688 = arith.muli %scan3A_8, %mul3A_687 : i32
      %add3A_689 = arith.constant 2 : i32
      %add3A_690 = arith.addi %mul3A_688, %add3A_689 : i32
      %swap3A_691 = arith.index_cast %add3A_690 : i32 to index
      %swap3A_692 = arith.constant 48 : index
      %swap3A_693 = tpu.vector_load %arg9[%swap3A_691, %swap3A_692] {strides = array<i32>} : memref<32x128xf32, #tpu.memory_space<vmem>>, vector<16xf32>,
      tpu.vector_store %arg9[%swap3A_691, %swap3A_692], %select_n3A_686 {strides = array<i32>} : memref<32x128xf32, #tpu.memory_space<vmem>>, vector<16xf32>,
      %slice3A_694 = vector.extract_strided_slice %get3A_12 {offsets = [10], sizes = [1], strides = [1]} : vector<16xi32> to vector<1xi32>
      %squeeze3A_695 = vector.extract %slice3A_694[0] : i32 from vector<1xi32>
      %ge3A_696 = arith.constant 999936 : i32
      %ge3A_697 = arith.cmpi sge, %squeeze3A_695, %ge3A_696 : i32
      %jit3A_698 = arith.constant 128 : i32
      %eq3A_699 = arith.constant 0 : i32
      %eq3A_700 = arith.cmpi eq, %jit3A_698, %eq3A_699 : i32
      %jit3A_701 = arith.constant 1 : i32
      %select_n3A_702 = arith.select %eq3A_700, %jit3A_701, %jit3A_698 : i32
      %rem3A_703 = arith.remsi %squeeze3A_695, %select_n3A_702 : i32
      %ne3A_704 = arith.constant 0 : i32
      %ne3A_705 = arith.cmpi ne, %rem3A_703, %ne3A_704 : i32
      %lt3A_706 = arith.constant 0 : i32
      %lt3A_707 = arith.cmpi slt, %rem3A_703, %lt3A_706 : i32
      %lt3A_708 = arith.constant 0 : i32
      %lt3A_709 = arith.cmpi slt, %select_n3A_702, %lt3A_708 : i32
      %ne3A_710 = arith.xori %lt3A_707, %lt3A_709 : i1
      %and3A_711 = arith.andi %ne3A_710, %ne3A_705 : i1
      %add3A_712 = arith.addi %rem3A_703, %select_n3A_702 : i32
      %select_n3A_713 = arith.select %and3A_711, %add3A_712, %rem3A_703 : i32
      %broadcast_in_dim3A_714 = vector.broadcast %select_n3A_713 : i32 to vector<16xi32>
      %sub3A_715 = arith.constant 999936 : i32
      %sub3A_716 = arith.subi %squeeze3A_695, %sub3A_715 : i32
      %jit3A_717 = arith.constant 0 : i32
      %select_n3A_718 = arith.select %ge3A_697, %sub3A_716, %jit3A_717 : i32
      %broadcast_in_dim3A_719 = vector.broadcast %select_n3A_718 : i32 to vector<16xi32>
      %add3A_720 = arith.constant 0 : i32
      %add3A_721 = vector.broadcast %add3A_720 : i32 to vector<16xi32>
      %add3A_722 = arith.addi %iota3A, %add3A_721 : vector<16xi32>
      %gather3A_723 = arith.constant 10 : i32
      %gather3A_724 = arith.constant 0 : i32
      %gather3A_725 = arith.constant 0 : i32
      %gather3A_726 = tpu.memref_slice %arg8[%gather3A_723, %gather3A_724, %gather3A_725] : memref<16x32x128xf32, #tpu.memory_space<vmem>> -> memref<1x32x128xf32, #tpu.memory_space<vmem>>
      %gather3A_727 = tpu.memref_squeeze %gather3A_726 : memref<1x32x128xf32, #tpu.memory_space<vmem>> -> memref<32x128xf32, #tpu.memory_space<vmem>>
      %gather3A_728 = tpu.vector_load_idx %gather3A_727[%add3A_722, %broadcast_in_dim3A_714] : memref<32x128xf32, #tpu.memory_space<vmem>>[vector<16xi32>, vector<16xi32>], vector<16xf32>,
      %add3A_729 = arith.constant 0 : i32
      %add3A_730 = vector.broadcast %add3A_729 : i32 to vector<16xi32>
      %add3A_731 = arith.addi %iota3A, %add3A_730 : vector<16xi32>
      %gather3A_732 = tpu.vector_load_idx %arg7[%broadcast_in_dim3A_719, %add3A_731] : memref<64x32xf32, #tpu.memory_space<vmem>>[vector<16xi32>, vector<16xi32>], vector<16xf32>,
      %select_n3A_733 = arith.select %ge3A_697, %gather3A_732, %gather3A_728 : vector<16xf32>
      %mul3A_734 = arith.constant 4 : i32
      %mul3A_735 = arith.muli %scan3A_8, %mul3A_734 : i32
      %add3A_736 = arith.constant 2 : i32
      %add3A_737 = arith.addi %mul3A_735, %add3A_736 : i32
      %swap3A_738 = arith.index_cast %add3A_737 : i32 to index
      %swap3A_739 = arith.constant 64 : index
      %swap3A_740 = tpu.vector_load %arg9[%swap3A_738, %swap3A_739] {strides = array<i32>} : memref<32x128xf32, #tpu.memory_space<vmem>>, vector<16xf32>,
      tpu.vector_store %arg9[%swap3A_738, %swap3A_739], %select_n3A_733 {strides = array<i32>} : memref<32x128xf32, #tpu.memory_space<vmem>>, vector<16xf32>,
      %add3A_741 = arith.constant 16 : i32
      %add3A_742 = vector.broadcast %add3A_741 : i32 to vector<16xi32>
      %add3A_743 = arith.addi %iota3A, %add3A_742 : vector<16xi32>
      %gather3A_744 = arith.constant 10 : i32
      %gather3A_745 = arith.constant 0 : i32
      %gather3A_746 = arith.constant 0 : i32
      %gather3A_747 = tpu.memref_slice %arg8[%gather3A_744, %gather3A_745, %gather3A_746] : memref<16x32x128xf32, #tpu.memory_space<vmem>> -> memref<1x32x128xf32, #tpu.memory_space<vmem>>
      %gather3A_748 = tpu.memref_squeeze %gather3A_747 : memref<1x32x128xf32, #tpu.memory_space<vmem>> -> memref<32x128xf32, #tpu.memory_space<vmem>>
      %gather3A_749 = tpu.vector_load_idx %gather3A_748[%add3A_743, %broadcast_in_dim3A_714] : memref<32x128xf32, #tpu.memory_space<vmem>>[vector<16xi32>, vector<16xi32>], vector<16xf32>,
      %add3A_750 = arith.constant 16 : i32
      %add3A_751 = vector.broadcast %add3A_750 : i32 to vector<16xi32>
      %add3A_752 = arith.addi %iota3A, %add3A_751 : vector<16xi32>
      %gather3A_753 = tpu.vector_load_idx %arg7[%broadcast_in_dim3A_719, %add3A_752] : memref<64x32xf32, #tpu.memory_space<vmem>>[vector<16xi32>, vector<16xi32>], vector<16xf32>,
      %select_n3A_754 = arith.select %ge3A_697, %gather3A_753, %gather3A_749 : vector<16xf32>
      %mul3A_755 = arith.constant 4 : i32
      %mul3A_756 = arith.muli %scan3A_8, %mul3A_755 : i32
      %add3A_757 = arith.constant 2 : i32
      %add3A_758 = arith.addi %mul3A_756, %add3A_757 : i32
      %swap3A_759 = arith.index_cast %add3A_758 : i32 to index
      %swap3A_760 = arith.constant 80 : index
      %swap3A_761 = tpu.vector_load %arg9[%swap3A_759, %swap3A_760] {strides = array<i32>} : memref<32x128xf32, #tpu.memory_space<vmem>>, vector<16xf32>,
      tpu.vector_store %arg9[%swap3A_759, %swap3A_760], %select_n3A_754 {strides = array<i32>} : memref<32x128xf32, #tpu.memory_space<vmem>>, vector<16xf32>,
      %slice3A_762 = vector.extract_strided_slice %get3A_12 {offsets = [11], sizes = [1], strides = [1]} : vector<16xi32> to vector<1xi32>
      %squeeze3A_763 = vector.extract %slice3A_762[0] : i32 from vector<1xi32>
      %ge3A_764 = arith.constant 999936 : i32
      %ge3A_765 = arith.cmpi sge, %squeeze3A_763, %ge3A_764 : i32
      %jit3A_766 = arith.constant 128 : i32
      %eq3A_767 = arith.constant 0 : i32
      %eq3A_768 = arith.cmpi eq, %jit3A_766, %eq3A_767 : i32
      %jit3A_769 = arith.constant 1 : i32
      %select_n3A_770 = arith.select %eq3A_768, %jit3A_769, %jit3A_766 : i32
      %rem3A_771 = arith.remsi %squeeze3A_763, %select_n3A_770 : i32
      %ne3A_772 = arith.constant 0 : i32
      %ne3A_773 = arith.cmpi ne, %rem3A_771, %ne3A_772 : i32
      %lt3A_774 = arith.constant 0 : i32
      %lt3A_775 = arith.cmpi slt, %rem3A_771, %lt3A_774 : i32
      %lt3A_776 = arith.constant 0 : i32
      %lt3A_777 = arith.cmpi slt, %select_n3A_770, %lt3A_776 : i32
      %ne3A_778 = arith.xori %lt3A_775, %lt3A_777 : i1
      %and3A_779 = arith.andi %ne3A_778, %ne3A_773 : i1
      %add3A_780 = arith.addi %rem3A_771, %select_n3A_770 : i32
      %select_n3A_781 = arith.select %and3A_779, %add3A_780, %rem3A_771 : i32
      %broadcast_in_dim3A_782 = vector.broadcast %select_n3A_781 : i32 to vector<16xi32>
      %sub3A_783 = arith.constant 999936 : i32
      %sub3A_784 = arith.subi %squeeze3A_763, %sub3A_783 : i32
      %jit3A_785 = arith.constant 0 : i32
      %select_n3A_786 = arith.select %ge3A_765, %sub3A_784, %jit3A_785 : i32
      %broadcast_in_dim3A_787 = vector.broadcast %select_n3A_786 : i32 to vector<16xi32>
      %add3A_788 = arith.constant 0 : i32
      %add3A_789 = vector.broadcast %add3A_788 : i32 to vector<16xi32>
      %add3A_790 = arith.addi %iota3A, %add3A_789 : vector<16xi32>
      %gather3A_791 = arith.constant 11 : i32
      %gather3A_792 = arith.constant 0 : i32
      %gather3A_793 = arith.constant 0 : i32
      %gather3A_794 = tpu.memref_slice %arg8[%gather3A_791, %gather3A_792, %gather3A_793] : memref<16x32x128xf32, #tpu.memory_space<vmem>> -> memref<1x32x128xf32, #tpu.memory_space<vmem>>
      %gather3A_795 = tpu.memref_squeeze %gather3A_794 : memref<1x32x128xf32, #tpu.memory_space<vmem>> -> memref<32x128xf32, #tpu.memory_space<vmem>>
      %gather3A_796 = tpu.vector_load_idx %gather3A_795[%add3A_790, %broadcast_in_dim3A_782] : memref<32x128xf32, #tpu.memory_space<vmem>>[vector<16xi32>, vector<16xi32>], vector<16xf32>,
      %add3A_797 = arith.constant 0 : i32
      %add3A_798 = vector.broadcast %add3A_797 : i32 to vector<16xi32>
      %add3A_799 = arith.addi %iota3A, %add3A_798 : vector<16xi32>
      %gather3A_800 = tpu.vector_load_idx %arg7[%broadcast_in_dim3A_787, %add3A_799] : memref<64x32xf32, #tpu.memory_space<vmem>>[vector<16xi32>, vector<16xi32>], vector<16xf32>,
      %select_n3A_801 = arith.select %ge3A_765, %gather3A_800, %gather3A_796 : vector<16xf32>
      %mul3A_802 = arith.constant 4 : i32
      %mul3A_803 = arith.muli %scan3A_8, %mul3A_802 : i32
      %add3A_804 = arith.constant 2 : i32
      %add3A_805 = arith.addi %mul3A_803, %add3A_804 : i32
      %swap3A_806 = arith.index_cast %add3A_805 : i32 to index
      %swap3A_807 = arith.constant 96 : index
      %swap3A_808 = tpu.vector_load %arg9[%swap3A_806, %swap3A_807] {strides = array<i32>} : memref<32x128xf32, #tpu.memory_space<vmem>>, vector<16xf32>,
      tpu.vector_store %arg9[%swap3A_806, %swap3A_807], %select_n3A_801 {strides = array<i32>} : memref<32x128xf32, #tpu.memory_space<vmem>>, vector<16xf32>,
      %add3A_809 = arith.constant 16 : i32
      %add3A_810 = vector.broadcast %add3A_809 : i32 to vector<16xi32>
      %add3A_811 = arith.addi %iota3A, %add3A_810 : vector<16xi32>
      %gather3A_812 = arith.constant 11 : i32
      %gather3A_813 = arith.constant 0 : i32
      %gather3A_814 = arith.constant 0 : i32
      %gather3A_815 = tpu.memref_slice %arg8[%gather3A_812, %gather3A_813, %gather3A_814] : memref<16x32x128xf32, #tpu.memory_space<vmem>> -> memref<1x32x128xf32, #tpu.memory_space<vmem>>
      %gather3A_816 = tpu.memref_squeeze %gather3A_815 : memref<1x32x128xf32, #tpu.memory_space<vmem>> -> memref<32x128xf32, #tpu.memory_space<vmem>>
      %gather3A_817 = tpu.vector_load_idx %gather3A_816[%add3A_811, %broadcast_in_dim3A_782] : memref<32x128xf32, #tpu.memory_space<vmem>>[vector<16xi32>, vector<16xi32>], vector<16xf32>,
      %add3A_818 = arith.constant 16 : i32
      %add3A_819 = vector.broadcast %add3A_818 : i32 to vector<16xi32>
      %add3A_820 = arith.addi %iota3A, %add3A_819 : vector<16xi32>
      %gather3A_821 = tpu.vector_load_idx %arg7[%broadcast_in_dim3A_787, %add3A_820] : memref<64x32xf32, #tpu.memory_space<vmem>>[vector<16xi32>, vector<16xi32>], vector<16xf32>,
      %select_n3A_822 = arith.select %ge3A_765, %gather3A_821, %gather3A_817 : vector<16xf32>
      %mul3A_823 = arith.constant 4 : i32
      %mul3A_824 = arith.muli %scan3A_8, %mul3A_823 : i32
      %add3A_825 = arith.constant 2 : i32
      %add3A_826 = arith.addi %mul3A_824, %add3A_825 : i32
      %swap3A_827 = arith.index_cast %add3A_826 : i32 to index
      %swap3A_828 = arith.constant 112 : index
      %swap3A_829 = tpu.vector_load %arg9[%swap3A_827, %swap3A_828] {strides = array<i32>} : memref<32x128xf32, #tpu.memory_space<vmem>>, vector<16xf32>,
      tpu.vector_store %arg9[%swap3A_827, %swap3A_828], %select_n3A_822 {strides = array<i32>} : memref<32x128xf32, #tpu.memory_space<vmem>>, vector<16xf32>,
      %slice3A_830 = vector.extract_strided_slice %get3A_12 {offsets = [12], sizes = [1], strides = [1]} : vector<16xi32> to vector<1xi32>
      %squeeze3A_831 = vector.extract %slice3A_830[0] : i32 from vector<1xi32>
      %ge3A_832 = arith.constant 999936 : i32
      %ge3A_833 = arith.cmpi sge, %squeeze3A_831, %ge3A_832 : i32
      %jit3A_834 = arith.constant 128 : i32
      %eq3A_835 = arith.constant 0 : i32
      %eq3A_836 = arith.cmpi eq, %jit3A_834, %eq3A_835 : i32
      %jit3A_837 = arith.constant 1 : i32
      %select_n3A_838 = arith.select %eq3A_836, %jit3A_837, %jit3A_834 : i32
      %rem3A_839 = arith.remsi %squeeze3A_831, %select_n3A_838 : i32
      %ne3A_840 = arith.constant 0 : i32
      %ne3A_841 = arith.cmpi ne, %rem3A_839, %ne3A_840 : i32
      %lt3A_842 = arith.constant 0 : i32
      %lt3A_843 = arith.cmpi slt, %rem3A_839, %lt3A_842 : i32
      %lt3A_844 = arith.constant 0 : i32
      %lt3A_845 = arith.cmpi slt, %select_n3A_838, %lt3A_844 : i32
      %ne3A_846 = arith.xori %lt3A_843, %lt3A_845 : i1
      %and3A_847 = arith.andi %ne3A_846, %ne3A_841 : i1
      %add3A_848 = arith.addi %rem3A_839, %select_n3A_838 : i32
      %select_n3A_849 = arith.select %and3A_847, %add3A_848, %rem3A_839 : i32
      %broadcast_in_dim3A_850 = vector.broadcast %select_n3A_849 : i32 to vector<16xi32>
      %sub3A_851 = arith.constant 999936 : i32
      %sub3A_852 = arith.subi %squeeze3A_831, %sub3A_851 : i32
      %jit3A_853 = arith.constant 0 : i32
      %select_n3A_854 = arith.select %ge3A_833, %sub3A_852, %jit3A_853 : i32
      %broadcast_in_dim3A_855 = vector.broadcast %select_n3A_854 : i32 to vector<16xi32>
      %add3A_856 = arith.constant 0 : i32
      %add3A_857 = vector.broadcast %add3A_856 : i32 to vector<16xi32>
      %add3A_858 = arith.addi %iota3A, %add3A_857 : vector<16xi32>
      %gather3A_859 = arith.constant 12 : i32
      %gather3A_860 = arith.constant 0 : i32
      %gather3A_861 = arith.constant 0 : i32
      %gather3A_862 = tpu.memref_slice %arg8[%gather3A_859, %gather3A_860, %gather3A_861] : memref<16x32x128xf32, #tpu.memory_space<vmem>> -> memref<1x32x128xf32, #tpu.memory_space<vmem>>
      %gather3A_863 = tpu.memref_squeeze %gather3A_862 : memref<1x32x128xf32, #tpu.memory_space<vmem>> -> memref<32x128xf32, #tpu.memory_space<vmem>>
      %gather3A_864 = tpu.vector_load_idx %gather3A_863[%add3A_858, %broadcast_in_dim3A_850] : memref<32x128xf32, #tpu.memory_space<vmem>>[vector<16xi32>, vector<16xi32>], vector<16xf32>,
      %add3A_865 = arith.constant 0 : i32
      %add3A_866 = vector.broadcast %add3A_865 : i32 to vector<16xi32>
      %add3A_867 = arith.addi %iota3A, %add3A_866 : vector<16xi32>
      %gather3A_868 = tpu.vector_load_idx %arg7[%broadcast_in_dim3A_855, %add3A_867] : memref<64x32xf32, #tpu.memory_space<vmem>>[vector<16xi32>, vector<16xi32>], vector<16xf32>,
      %select_n3A_869 = arith.select %ge3A_833, %gather3A_868, %gather3A_864 : vector<16xf32>
      %mul3A_870 = arith.constant 4 : i32
      %mul3A_871 = arith.muli %scan3A_8, %mul3A_870 : i32
      %add3A_872 = arith.constant 3 : i32
      %add3A_873 = arith.addi %mul3A_871, %add3A_872 : i32
      %swap3A_874 = arith.index_cast %add3A_873 : i32 to index
      %swap3A_875 = arith.constant 0 : index
      %swap3A_876 = tpu.vector_load %arg9[%swap3A_874, %swap3A_875] {strides = array<i32>} : memref<32x128xf32, #tpu.memory_space<vmem>>, vector<16xf32>,
      tpu.vector_store %arg9[%swap3A_874, %swap3A_875], %select_n3A_869 {strides = array<i32>} : memref<32x128xf32, #tpu.memory_space<vmem>>, vector<16xf32>,
      %add3A_877 = arith.constant 16 : i32
      %add3A_878 = vector.broadcast %add3A_877 : i32 to vector<16xi32>
      %add3A_879 = arith.addi %iota3A, %add3A_878 : vector<16xi32>
      %gather3A_880 = arith.constant 12 : i32
      %gather3A_881 = arith.constant 0 : i32
      %gather3A_882 = arith.constant 0 : i32
      %gather3A_883 = tpu.memref_slice %arg8[%gather3A_880, %gather3A_881, %gather3A_882] : memref<16x32x128xf32, #tpu.memory_space<vmem>> -> memref<1x32x128xf32, #tpu.memory_space<vmem>>
      %gather3A_884 = tpu.memref_squeeze %gather3A_883 : memref<1x32x128xf32, #tpu.memory_space<vmem>> -> memref<32x128xf32, #tpu.memory_space<vmem>>
      %gather3A_885 = tpu.vector_load_idx %gather3A_884[%add3A_879, %broadcast_in_dim3A_850] : memref<32x128xf32, #tpu.memory_space<vmem>>[vector<16xi32>, vector<16xi32>], vector<16xf32>,
      %add3A_886 = arith.constant 16 : i32
      %add3A_887 = vector.broadcast %add3A_886 : i32 to vector<16xi32>
      %add3A_888 = arith.addi %iota3A, %add3A_887 : vector<16xi32>
      %gather3A_889 = tpu.vector_load_idx %arg7[%broadcast_in_dim3A_855, %add3A_888] : memref<64x32xf32, #tpu.memory_space<vmem>>[vector<16xi32>, vector<16xi32>], vector<16xf32>,
      %select_n3A_890 = arith.select %ge3A_833, %gather3A_889, %gather3A_885 : vector<16xf32>
      %mul3A_891 = arith.constant 4 : i32
      %mul3A_892 = arith.muli %scan3A_8, %mul3A_891 : i32
      %add3A_893 = arith.constant 3 : i32
      %add3A_894 = arith.addi %mul3A_892, %add3A_893 : i32
      %swap3A_895 = arith.index_cast %add3A_894 : i32 to index
      %swap3A_896 = arith.constant 16 : index
      %swap3A_897 = tpu.vector_load %arg9[%swap3A_895, %swap3A_896] {strides = array<i32>} : memref<32x128xf32, #tpu.memory_space<vmem>>, vector<16xf32>,
      tpu.vector_store %arg9[%swap3A_895, %swap3A_896], %select_n3A_890 {strides = array<i32>} : memref<32x128xf32, #tpu.memory_space<vmem>>, vector<16xf32>,
      %slice3A_898 = vector.extract_strided_slice %get3A_12 {offsets = [13], sizes = [1], strides = [1]} : vector<16xi32> to vector<1xi32>
      %squeeze3A_899 = vector.extract %slice3A_898[0] : i32 from vector<1xi32>
      %ge3A_900 = arith.constant 999936 : i32
      %ge3A_901 = arith.cmpi sge, %squeeze3A_899, %ge3A_900 : i32
      %jit3A_902 = arith.constant 128 : i32
      %eq3A_903 = arith.constant 0 : i32
      %eq3A_904 = arith.cmpi eq, %jit3A_902, %eq3A_903 : i32
      %jit3A_905 = arith.constant 1 : i32
      %select_n3A_906 = arith.select %eq3A_904, %jit3A_905, %jit3A_902 : i32
      %rem3A_907 = arith.remsi %squeeze3A_899, %select_n3A_906 : i32
      %ne3A_908 = arith.constant 0 : i32
      %ne3A_909 = arith.cmpi ne, %rem3A_907, %ne3A_908 : i32
      %lt3A_910 = arith.constant 0 : i32
      %lt3A_911 = arith.cmpi slt, %rem3A_907, %lt3A_910 : i32
      %lt3A_912 = arith.constant 0 : i32
      %lt3A_913 = arith.cmpi slt, %select_n3A_906, %lt3A_912 : i32
      %ne3A_914 = arith.xori %lt3A_911, %lt3A_913 : i1
      %and3A_915 = arith.andi %ne3A_914, %ne3A_909 : i1
      %add3A_916 = arith.addi %rem3A_907, %select_n3A_906 : i32
      %select_n3A_917 = arith.select %and3A_915, %add3A_916, %rem3A_907 : i32
      %broadcast_in_dim3A_918 = vector.broadcast %select_n3A_917 : i32 to vector<16xi32>
      %sub3A_919 = arith.constant 999936 : i32
      %sub3A_920 = arith.subi %squeeze3A_899, %sub3A_919 : i32
      %jit3A_921 = arith.constant 0 : i32
      %select_n3A_922 = arith.select %ge3A_901, %sub3A_920, %jit3A_921 : i32
      %broadcast_in_dim3A_923 = vector.broadcast %select_n3A_922 : i32 to vector<16xi32>
      %add3A_924 = arith.constant 0 : i32
      %add3A_925 = vector.broadcast %add3A_924 : i32 to vector<16xi32>
      %add3A_926 = arith.addi %iota3A, %add3A_925 : vector<16xi32>
      %gather3A_927 = arith.constant 13 : i32
      %gather3A_928 = arith.constant 0 : i32
      %gather3A_929 = arith.constant 0 : i32
      %gather3A_930 = tpu.memref_slice %arg8[%gather3A_927, %gather3A_928, %gather3A_929] : memref<16x32x128xf32, #tpu.memory_space<vmem>> -> memref<1x32x128xf32, #tpu.memory_space<vmem>>
      %gather3A_931 = tpu.memref_squeeze %gather3A_930 : memref<1x32x128xf32, #tpu.memory_space<vmem>> -> memref<32x128xf32, #tpu.memory_space<vmem>>
      %gather3A_932 = tpu.vector_load_idx %gather3A_931[%add3A_926, %broadcast_in_dim3A_918] : memref<32x128xf32, #tpu.memory_space<vmem>>[vector<16xi32>, vector<16xi32>], vector<16xf32>,
      %add3A_933 = arith.constant 0 : i32
      %add3A_934 = vector.broadcast %add3A_933 : i32 to vector<16xi32>
      %add3A_935 = arith.addi %iota3A, %add3A_934 : vector<16xi32>
      %gather3A_936 = tpu.vector_load_idx %arg7[%broadcast_in_dim3A_923, %add3A_935] : memref<64x32xf32, #tpu.memory_space<vmem>>[vector<16xi32>, vector<16xi32>], vector<16xf32>,
      %select_n3A_937 = arith.select %ge3A_901, %gather3A_936, %gather3A_932 : vector<16xf32>
      %mul3A_938 = arith.constant 4 : i32
      %mul3A_939 = arith.muli %scan3A_8, %mul3A_938 : i32
      %add3A_940 = arith.constant 3 : i32
      %add3A_941 = arith.addi %mul3A_939, %add3A_940 : i32
      %swap3A_942 = arith.index_cast %add3A_941 : i32 to index
      %swap3A_943 = arith.constant 32 : index
      %swap3A_944 = tpu.vector_load %arg9[%swap3A_942, %swap3A_943] {strides = array<i32>} : memref<32x128xf32, #tpu.memory_space<vmem>>, vector<16xf32>,
      tpu.vector_store %arg9[%swap3A_942, %swap3A_943], %select_n3A_937 {strides = array<i32>} : memref<32x128xf32, #tpu.memory_space<vmem>>, vector<16xf32>,
      %add3A_945 = arith.constant 16 : i32
      %add3A_946 = vector.broadcast %add3A_945 : i32 to vector<16xi32>
      %add3A_947 = arith.addi %iota3A, %add3A_946 : vector<16xi32>
      %gather3A_948 = arith.constant 13 : i32
      %gather3A_949 = arith.constant 0 : i32
      %gather3A_950 = arith.constant 0 : i32
      %gather3A_951 = tpu.memref_slice %arg8[%gather3A_948, %gather3A_949, %gather3A_950] : memref<16x32x128xf32, #tpu.memory_space<vmem>> -> memref<1x32x128xf32, #tpu.memory_space<vmem>>
      %gather3A_952 = tpu.memref_squeeze %gather3A_951 : memref<1x32x128xf32, #tpu.memory_space<vmem>> -> memref<32x128xf32, #tpu.memory_space<vmem>>
      %gather3A_953 = tpu.vector_load_idx %gather3A_952[%add3A_947, %broadcast_in_dim3A_918] : memref<32x128xf32, #tpu.memory_space<vmem>>[vector<16xi32>, vector<16xi32>], vector<16xf32>,
      %add3A_954 = arith.constant 16 : i32
      %add3A_955 = vector.broadcast %add3A_954 : i32 to vector<16xi32>
      %add3A_956 = arith.addi %iota3A, %add3A_955 : vector<16xi32>
      %gather3A_957 = tpu.vector_load_idx %arg7[%broadcast_in_dim3A_923, %add3A_956] : memref<64x32xf32, #tpu.memory_space<vmem>>[vector<16xi32>, vector<16xi32>], vector<16xf32>,
      %select_n3A_958 = arith.select %ge3A_901, %gather3A_957, %gather3A_953 : vector<16xf32>
      %mul3A_959 = arith.constant 4 : i32
      %mul3A_960 = arith.muli %scan3A_8, %mul3A_959 : i32
      %add3A_961 = arith.constant 3 : i32
      %add3A_962 = arith.addi %mul3A_960, %add3A_961 : i32
      %swap3A_963 = arith.index_cast %add3A_962 : i32 to index
      %swap3A_964 = arith.constant 48 : index
      %swap3A_965 = tpu.vector_load %arg9[%swap3A_963, %swap3A_964] {strides = array<i32>} : memref<32x128xf32, #tpu.memory_space<vmem>>, vector<16xf32>,
      tpu.vector_store %arg9[%swap3A_963, %swap3A_964], %select_n3A_958 {strides = array<i32>} : memref<32x128xf32, #tpu.memory_space<vmem>>, vector<16xf32>,
      %slice3A_966 = vector.extract_strided_slice %get3A_12 {offsets = [14], sizes = [1], strides = [1]} : vector<16xi32> to vector<1xi32>
      %squeeze3A_967 = vector.extract %slice3A_966[0] : i32 from vector<1xi32>
      %ge3A_968 = arith.constant 999936 : i32
      %ge3A_969 = arith.cmpi sge, %squeeze3A_967, %ge3A_968 : i32
      %jit3A_970 = arith.constant 128 : i32
      %eq3A_971 = arith.constant 0 : i32
      %eq3A_972 = arith.cmpi eq, %jit3A_970, %eq3A_971 : i32
      %jit3A_973 = arith.constant 1 : i32
      %select_n3A_974 = arith.select %eq3A_972, %jit3A_973, %jit3A_970 : i32
      %rem3A_975 = arith.remsi %squeeze3A_967, %select_n3A_974 : i32
      %ne3A_976 = arith.constant 0 : i32
      %ne3A_977 = arith.cmpi ne, %rem3A_975, %ne3A_976 : i32
      %lt3A_978 = arith.constant 0 : i32
      %lt3A_979 = arith.cmpi slt, %rem3A_975, %lt3A_978 : i32
      %lt3A_980 = arith.constant 0 : i32
      %lt3A_981 = arith.cmpi slt, %select_n3A_974, %lt3A_980 : i32
      %ne3A_982 = arith.xori %lt3A_979, %lt3A_981 : i1
      %and3A_983 = arith.andi %ne3A_982, %ne3A_977 : i1
      %add3A_984 = arith.addi %rem3A_975, %select_n3A_974 : i32
      %select_n3A_985 = arith.select %and3A_983, %add3A_984, %rem3A_975 : i32
      %broadcast_in_dim3A_986 = vector.broadcast %select_n3A_985 : i32 to vector<16xi32>
      %sub3A_987 = arith.constant 999936 : i32
      %sub3A_988 = arith.subi %squeeze3A_967, %sub3A_987 : i32
      %jit3A_989 = arith.constant 0 : i32
      %select_n3A_990 = arith.select %ge3A_969, %sub3A_988, %jit3A_989 : i32
      %broadcast_in_dim3A_991 = vector.broadcast %select_n3A_990 : i32 to vector<16xi32>
      %add3A_992 = arith.constant 0 : i32
      %add3A_993 = vector.broadcast %add3A_992 : i32 to vector<16xi32>
      %add3A_994 = arith.addi %iota3A, %add3A_993 : vector<16xi32>
      %gather3A_995 = arith.constant 14 : i32
      %gather3A_996 = arith.constant 0 : i32
      %gather3A_997 = arith.constant 0 : i32
      %gather3A_998 = tpu.memref_slice %arg8[%gather3A_995, %gather3A_996, %gather3A_997] : memref<16x32x128xf32, #tpu.memory_space<vmem>> -> memref<1x32x128xf32, #tpu.memory_space<vmem>>
      %gather3A_999 = tpu.memref_squeeze %gather3A_998 : memref<1x32x128xf32, #tpu.memory_space<vmem>> -> memref<32x128xf32, #tpu.memory_space<vmem>>
      %gather3A_1000 = tpu.vector_load_idx %gather3A_999[%add3A_994, %broadcast_in_dim3A_986] : memref<32x128xf32, #tpu.memory_space<vmem>>[vector<16xi32>, vector<16xi32>], vector<16xf32>,
      %add3A_1001 = arith.constant 0 : i32
      %add3A_1002 = vector.broadcast %add3A_1001 : i32 to vector<16xi32>
      %add3A_1003 = arith.addi %iota3A, %add3A_1002 : vector<16xi32>
      %gather3A_1004 = tpu.vector_load_idx %arg7[%broadcast_in_dim3A_991, %add3A_1003] : memref<64x32xf32, #tpu.memory_space<vmem>>[vector<16xi32>, vector<16xi32>], vector<16xf32>,
      %select_n3A_1005 = arith.select %ge3A_969, %gather3A_1004, %gather3A_1000 : vector<16xf32>
      %mul3A_1006 = arith.constant 4 : i32
      %mul3A_1007 = arith.muli %scan3A_8, %mul3A_1006 : i32
      %add3A_1008 = arith.constant 3 : i32
      %add3A_1009 = arith.addi %mul3A_1007, %add3A_1008 : i32
      %swap3A_1010 = arith.index_cast %add3A_1009 : i32 to index
      %swap3A_1011 = arith.constant 64 : index
      %swap3A_1012 = tpu.vector_load %arg9[%swap3A_1010, %swap3A_1011] {strides = array<i32>} : memref<32x128xf32, #tpu.memory_space<vmem>>, vector<16xf32>,
      tpu.vector_store %arg9[%swap3A_1010, %swap3A_1011], %select_n3A_1005 {strides = array<i32>} : memref<32x128xf32, #tpu.memory_space<vmem>>, vector<16xf32>,
      %add3A_1013 = arith.constant 16 : i32
      %add3A_1014 = vector.broadcast %add3A_1013 : i32 to vector<16xi32>
      %add3A_1015 = arith.addi %iota3A, %add3A_1014 : vector<16xi32>
      %gather3A_1016 = arith.constant 14 : i32
      %gather3A_1017 = arith.constant 0 : i32
      %gather3A_1018 = arith.constant 0 : i32
      %gather3A_1019 = tpu.memref_slice %arg8[%gather3A_1016, %gather3A_1017, %gather3A_1018] : memref<16x32x128xf32, #tpu.memory_space<vmem>> -> memref<1x32x128xf32, #tpu.memory_space<vmem>>
      %gather3A_1020 = tpu.memref_squeeze %gather3A_1019 : memref<1x32x128xf32, #tpu.memory_space<vmem>> -> memref<32x128xf32, #tpu.memory_space<vmem>>
      %gather3A_1021 = tpu.vector_load_idx %gather3A_1020[%add3A_1015, %broadcast_in_dim3A_986] : memref<32x128xf32, #tpu.memory_space<vmem>>[vector<16xi32>, vector<16xi32>], vector<16xf32>,
      %add3A_1022 = arith.constant 16 : i32
      %add3A_1023 = vector.broadcast %add3A_1022 : i32 to vector<16xi32>
      %add3A_1024 = arith.addi %iota3A, %add3A_1023 : vector<16xi32>
      %gather3A_1025 = tpu.vector_load_idx %arg7[%broadcast_in_dim3A_991, %add3A_1024] : memref<64x32xf32, #tpu.memory_space<vmem>>[vector<16xi32>, vector<16xi32>], vector<16xf32>,
      %select_n3A_1026 = arith.select %ge3A_969, %gather3A_1025, %gather3A_1021 : vector<16xf32>
      %mul3A_1027 = arith.constant 4 : i32
      %mul3A_1028 = arith.muli %scan3A_8, %mul3A_1027 : i32
      %add3A_1029 = arith.constant 3 : i32
      %add3A_1030 = arith.addi %mul3A_1028, %add3A_1029 : i32
      %swap3A_1031 = arith.index_cast %add3A_1030 : i32 to index
      %swap3A_1032 = arith.constant 80 : index
      %swap3A_1033 = tpu.vector_load %arg9[%swap3A_1031, %swap3A_1032] {strides = array<i32>} : memref<32x128xf32, #tpu.memory_space<vmem>>, vector<16xf32>,
      tpu.vector_store %arg9[%swap3A_1031, %swap3A_1032], %select_n3A_1026 {strides = array<i32>} : memref<32x128xf32, #tpu.memory_space<vmem>>, vector<16xf32>,
      %slice3A_1034 = vector.extract_strided_slice %get3A_12 {offsets = [15], sizes = [1], strides = [1]} : vector<16xi32> to vector<1xi32>
      %squeeze3A_1035 = vector.extract %slice3A_1034[0] : i32 from vector<1xi32>
      %ge3A_1036 = arith.constant 999936 : i32
      %ge3A_1037 = arith.cmpi sge, %squeeze3A_1035, %ge3A_1036 : i32
      %jit3A_1038 = arith.constant 128 : i32
      %eq3A_1039 = arith.constant 0 : i32
      %eq3A_1040 = arith.cmpi eq, %jit3A_1038, %eq3A_1039 : i32
      %jit3A_1041 = arith.constant 1 : i32
      %select_n3A_1042 = arith.select %eq3A_1040, %jit3A_1041, %jit3A_1038 : i32
      %rem3A_1043 = arith.remsi %squeeze3A_1035, %select_n3A_1042 : i32
      %ne3A_1044 = arith.constant 0 : i32
      %ne3A_1045 = arith.cmpi ne, %rem3A_1043, %ne3A_1044 : i32
      %lt3A_1046 = arith.constant 0 : i32
      %lt3A_1047 = arith.cmpi slt, %rem3A_1043, %lt3A_1046 : i32
      %lt3A_1048 = arith.constant 0 : i32
      %lt3A_1049 = arith.cmpi slt, %select_n3A_1042, %lt3A_1048 : i32
      %ne3A_1050 = arith.xori %lt3A_1047, %lt3A_1049 : i1
      %and3A_1051 = arith.andi %ne3A_1050, %ne3A_1045 : i1
      %add3A_1052 = arith.addi %rem3A_1043, %select_n3A_1042 : i32
      %select_n3A_1053 = arith.select %and3A_1051, %add3A_1052, %rem3A_1043 : i32
      %broadcast_in_dim3A_1054 = vector.broadcast %select_n3A_1053 : i32 to vector<16xi32>
      %sub3A_1055 = arith.constant 999936 : i32
      %sub3A_1056 = arith.subi %squeeze3A_1035, %sub3A_1055 : i32
      %jit3A_1057 = arith.constant 0 : i32
      %select_n3A_1058 = arith.select %ge3A_1037, %sub3A_1056, %jit3A_1057 : i32
      %broadcast_in_dim3A_1059 = vector.broadcast %select_n3A_1058 : i32 to vector<16xi32>
      %add3A_1060 = arith.constant 0 : i32
      %add3A_1061 = vector.broadcast %add3A_1060 : i32 to vector<16xi32>
      %add3A_1062 = arith.addi %iota3A, %add3A_1061 : vector<16xi32>
      %gather3A_1063 = arith.constant 15 : i32
      %gather3A_1064 = arith.constant 0 : i32
      %gather3A_1065 = arith.constant 0 : i32
      %gather3A_1066 = tpu.memref_slice %arg8[%gather3A_1063, %gather3A_1064, %gather3A_1065] : memref<16x32x128xf32, #tpu.memory_space<vmem>> -> memref<1x32x128xf32, #tpu.memory_space<vmem>>
      %gather3A_1067 = tpu.memref_squeeze %gather3A_1066 : memref<1x32x128xf32, #tpu.memory_space<vmem>> -> memref<32x128xf32, #tpu.memory_space<vmem>>
      %gather3A_1068 = tpu.vector_load_idx %gather3A_1067[%add3A_1062, %broadcast_in_dim3A_1054] : memref<32x128xf32, #tpu.memory_space<vmem>>[vector<16xi32>, vector<16xi32>], vector<16xf32>,
      %add3A_1069 = arith.constant 0 : i32
      %add3A_1070 = vector.broadcast %add3A_1069 : i32 to vector<16xi32>
      %add3A_1071 = arith.addi %iota3A, %add3A_1070 : vector<16xi32>
      %gather3A_1072 = tpu.vector_load_idx %arg7[%broadcast_in_dim3A_1059, %add3A_1071] : memref<64x32xf32, #tpu.memory_space<vmem>>[vector<16xi32>, vector<16xi32>], vector<16xf32>,
      %select_n3A_1073 = arith.select %ge3A_1037, %gather3A_1072, %gather3A_1068 : vector<16xf32>
      %mul3A_1074 = arith.constant 4 : i32
      %mul3A_1075 = arith.muli %scan3A_8, %mul3A_1074 : i32
      %add3A_1076 = arith.constant 3 : i32
      %add3A_1077 = arith.addi %mul3A_1075, %add3A_1076 : i32
      %swap3A_1078 = arith.index_cast %add3A_1077 : i32 to index
      %swap3A_1079 = arith.constant 96 : index
      %swap3A_1080 = tpu.vector_load %arg9[%swap3A_1078, %swap3A_1079] {strides = array<i32>} : memref<32x128xf32, #tpu.memory_space<vmem>>, vector<16xf32>,
      tpu.vector_store %arg9[%swap3A_1078, %swap3A_1079], %select_n3A_1073 {strides = array<i32>} : memref<32x128xf32, #tpu.memory_space<vmem>>, vector<16xf32>,
      %add3A_1081 = arith.constant 16 : i32
      %add3A_1082 = vector.broadcast %add3A_1081 : i32 to vector<16xi32>
      %add3A_1083 = arith.addi %iota3A, %add3A_1082 : vector<16xi32>
      %gather3A_1084 = arith.constant 15 : i32
      %gather3A_1085 = arith.constant 0 : i32
      %gather3A_1086 = arith.constant 0 : i32
      %gather3A_1087 = tpu.memref_slice %arg8[%gather3A_1084, %gather3A_1085, %gather3A_1086] : memref<16x32x128xf32, #tpu.memory_space<vmem>> -> memref<1x32x128xf32, #tpu.memory_space<vmem>>
      %gather3A_1088 = tpu.memref_squeeze %gather3A_1087 : memref<1x32x128xf32, #tpu.memory_space<vmem>> -> memref<32x128xf32, #tpu.memory_space<vmem>>
      %gather3A_1089 = tpu.vector_load_idx %gather3A_1088[%add3A_1083, %broadcast_in_dim3A_1054] : memref<32x128xf32, #tpu.memory_space<vmem>>[vector<16xi32>, vector<16xi32>], vector<16xf32>,
      %add3A_1090 = arith.constant 16 : i32
      %add3A_1091 = vector.broadcast %add3A_1090 : i32 to vector<16xi32>
      %add3A_1092 = arith.addi %iota3A, %add3A_1091 : vector<16xi32>
      %gather3A_1093 = tpu.vector_load_idx %arg7[%broadcast_in_dim3A_1059, %add3A_1092] : memref<64x32xf32, #tpu.memory_space<vmem>>[vector<16xi32>, vector<16xi32>], vector<16xf32>,
      %select_n3A_1094 = arith.select %ge3A_1037, %gather3A_1093, %gather3A_1089 : vector<16xf32>
      %mul3A_1095 = arith.constant 4 : i32
      %mul3A_1096 = arith.muli %scan3A_8, %mul3A_1095 : i32
      %add3A_1097 = arith.constant 3 : i32
      %add3A_1098 = arith.addi %mul3A_1096, %add3A_1097 : i32
      %swap3A_1099 = arith.index_cast %add3A_1098 : i32 to index
      %swap3A_1100 = arith.constant 112 : index
      %swap3A_1101 = tpu.vector_load %arg9[%swap3A_1099, %swap3A_1100] {strides = array<i32>} : memref<32x128xf32, #tpu.memory_space<vmem>>, vector<16xf32>,
      tpu.vector_store %arg9[%swap3A_1099, %swap3A_1100], %select_n3A_1094 {strides = array<i32>} : memref<32x128xf32, #tpu.memory_space<vmem>>, vector<16xf32>,
    }
    %scan3A_5 = arith.constant 8 : i32
    %mul3A_6 = arith.constant 32 : i32
    %mul3A_7 = arith.muli %add3A, %mul3A_6 : i32
    "tpu.region"() ({
      %run_scoped3A = tpu.sem_alloc : memref<!tpu.dma_semaphore, #tpu.memory_space<semaphore_mem>>
      %dma_start3A = arith.constant 0 : i32
      %dma_start3A_8 = tpu.memref_slice %arg5[%mul3A_7, %dma_start3A] : memref<1024x128xf32, #tpu.memory_space<hbm>> -> memref<32x128xf32, #tpu.memory_space<hbm>>
      %dma_start3A_9 = arith.constant 0 : i32
      %dma_start3A_10 = tpu.memref_slice %arg5[%mul3A_7, %dma_start3A_9] : memref<1024x128xf32, #tpu.memory_space<hbm>> -> memref<32x128xf32, #tpu.memory_space<hbm>>
      tpu.enqueue_dma source(%arg9 : memref<32x128xf32, #tpu.memory_space<vmem>>) target(%dma_start3A_10 : memref<32x128xf32, #tpu.memory_space<hbm>>) target_semaphore(%run_scoped3A : memref<!tpu.dma_semaphore, #tpu.memory_space<semaphore_mem>>)
      %dma_wait3A = arith.constant 0 : i32
      %dma_wait3A_11 = tpu.memref_slice %arg5[%mul3A_7, %dma_wait3A] : memref<1024x128xf32, #tpu.memory_space<hbm>> -> memref<32x128xf32, #tpu.memory_space<hbm>>
      %dma_wait3A_12 = arith.constant 0 : i32
      %dma_wait3A_13 = tpu.memref_slice %arg5[%mul3A_7, %dma_wait3A_12] : memref<1024x128xf32, #tpu.memory_space<hbm>> -> memref<32x128xf32, #tpu.memory_space<hbm>>
      tpu.wait_dma2 semaphore(%run_scoped3A : memref<!tpu.dma_semaphore, #tpu.memory_space<semaphore_mem>>) src(%arg9 : memref<32x128xf32, #tpu.memory_space<vmem>>) dst(%dma_wait3A_13 : memref<32x128xf32, #tpu.memory_space<hbm>>)
      tpu.yield
    }) : () -> ()
    return
  }
}

#map = affine_map<(d0, d1) -> (0, 0)>
#map1 = affine_map<(d0, d1) -> (0, 0, 0)>
module attributes {stable_mosaic.version = 14 : i64} {
  func.func @_sc_hist_body(%arg0: i32, %arg1: i32, %arg2: memref<1000000x32xf32, #tpu.memory_space<hbm>>, %arg3: memref<32x50x128xi32, #tpu.memory_space<hbm>>, %arg4: memref<204800x32xf32, #tpu.memory_space<hbm>>, %arg5: memref<50x128xi32, #tpu.memory_space<vmem>>, %arg6: memref<1280x32xf32, #tpu.memory_space<vmem>>, %arg7: memref<!tpu.dma_semaphore, #tpu.memory_space<semaphore_mem>>) attributes {dimension_semantics = [#tpu.dimension_semantics<core_parallel>, #tpu.dimension_semantics<subcore_parallel>], iteration_bounds = array<i64: 2, 16>, scalar_prefetch = 0 : i64, scratch_operands = 3 : i64, tpu.core_type = #tpu.core_type<sc_vector_subcore>, window_params = [{transform_indices = #map}, {transform_indices = #map1}, {transform_indices = #map}]} {
    %mul3A = arith.constant 2 : i32
    %mul3A_0 = arith.muli %arg1, %mul3A : i32
    %add3A = arith.addi %mul3A_0, %arg0 : i32
    "tpu.region"() ({
      %run_scoped3A = tpu.sem_alloc : memref<!tpu.dma_semaphore, #tpu.memory_space<semaphore_mem>>
      %dma_start3A = arith.constant 0 : i32
      %dma_start3A_8 = arith.constant 0 : i32
      %dma_start3A_9 = tpu.memref_slice %arg3[%add3A, %dma_start3A, %dma_start3A_8] : memref<32x50x128xi32, #tpu.memory_space<hbm>> -> memref<1x50x128xi32, #tpu.memory_space<hbm>>
      %dma_start3A_10 = tpu.memref_squeeze %dma_start3A_9 : memref<1x50x128xi32, #tpu.memory_space<hbm>> -> memref<50x128xi32, #tpu.memory_space<hbm>>
      %dma_start3A_11 = arith.constant 0 : i32
      %dma_start3A_12 = arith.constant 0 : i32
      %dma_start3A_13 = tpu.memref_slice %arg3[%add3A, %dma_start3A_11, %dma_start3A_12] : memref<32x50x128xi32, #tpu.memory_space<hbm>> -> memref<1x50x128xi32, #tpu.memory_space<hbm>>
      %dma_start3A_14 = tpu.memref_squeeze %dma_start3A_13 : memref<1x50x128xi32, #tpu.memory_space<hbm>> -> memref<50x128xi32, #tpu.memory_space<hbm>>
      tpu.enqueue_dma source(%dma_start3A_14 : memref<50x128xi32, #tpu.memory_space<hbm>>) target(%arg5 : memref<50x128xi32, #tpu.memory_space<vmem>>) target_semaphore(%run_scoped3A : memref<!tpu.dma_semaphore, #tpu.memory_space<semaphore_mem>>)
      %dma_wait3A = arith.constant 0 : i32
      %dma_wait3A_15 = arith.constant 0 : i32
      %dma_wait3A_16 = tpu.memref_slice %arg3[%add3A, %dma_wait3A, %dma_wait3A_15] : memref<32x50x128xi32, #tpu.memory_space<hbm>> -> memref<1x50x128xi32, #tpu.memory_space<hbm>>
      %dma_wait3A_17 = tpu.memref_squeeze %dma_wait3A_16 : memref<1x50x128xi32, #tpu.memory_space<hbm>> -> memref<50x128xi32, #tpu.memory_space<hbm>>
      %dma_wait3A_18 = arith.constant 0 : i32
      %dma_wait3A_19 = arith.constant 0 : i32
      %dma_wait3A_20 = tpu.memref_slice %arg3[%add3A, %dma_wait3A_18, %dma_wait3A_19] : memref<32x50x128xi32, #tpu.memory_space<hbm>> -> memref<1x50x128xi32, #tpu.memory_space<hbm>>
      %dma_wait3A_21 = tpu.memref_squeeze %dma_wait3A_20 : memref<1x50x128xi32, #tpu.memory_space<hbm>> -> memref<50x128xi32, #tpu.memory_space<hbm>>
      tpu.wait_dma2 semaphore(%run_scoped3A : memref<!tpu.dma_semaphore, #tpu.memory_space<semaphore_mem>>) src(%dma_wait3A_21 : memref<50x128xi32, #tpu.memory_space<hbm>>) dst(%arg5 : memref<50x128xi32, #tpu.memory_space<vmem>>)
      tpu.yield
    }) : () -> ()
    %mul3A_1 = arith.constant 6400 : i32
    %mul3A_2 = arith.muli %add3A, %mul3A_1 : i32
    %scan3A = arith.constant 0 : i32
    %scan3A_3 = arith.constant 0 : i32
    %scan3A_4 = arith.constant 5 : i32
    %scan3A_5 = arith.addi %scan3A_3, %scan3A_4 : i32
    %scan3A_6 = arith.constant 1 : i32
    scf.for %scan3A_8 = %scan3A_3 to %scan3A_5 step %scan3A_6  : i32 {
      %mul3A_9 = arith.constant 10 : i32
      %mul3A_10 = arith.muli %scan3A_8, %mul3A_9 : i32
      %add3A_11 = arith.constant 0 : i32
      %add3A_12 = arith.addi %mul3A_10, %add3A_11 : i32
      %dma_start3A = arith.constant 0 : i32
      %dma_start3A_13 = arith.constant 0 : i32
      %dma_start3A_14 = tpu.memref_slice %arg6[%dma_start3A, %dma_start3A_13] : memref<1280x32xf32, #tpu.memory_space<vmem>> -> memref<128x32xf32, #tpu.memory_space<vmem>>
      %dma_start3A_15 = arith.constant 0 : i32
      %dma_start3A_16 = tpu.memref_slice %arg5[%add3A_12, %dma_start3A_15] : memref<50x128xi32, #tpu.memory_space<vmem>> -> memref<1x128xi32, #tpu.memory_space<vmem>>
      %dma_start3A_17 = tpu.memref_squeeze %dma_start3A_16 : memref<1x128xi32, #tpu.memory_space<vmem>> -> memref<128xi32, #tpu.memory_space<vmem>>
      %dma_start3A_18 = arith.constant 0 : i32
      %dma_start3A_19 = arith.constant 0 : i32
      %dma_start3A_20 = tpu.memref_slice %arg2[%dma_start3A_18, %dma_start3A_19] : memref<1000000x32xf32, #tpu.memory_space<hbm>> -> memref<1000000x32xf32, #tpu.memory_space<hbm>>
      tpu.enqueue_indirect_dma source(%dma_start3A_20 : memref<1000000x32xf32, #tpu.memory_space<hbm>>) target(%dma_start3A_14 : memref<128x32xf32, #tpu.memory_space<vmem>>) offsets(%dma_start3A_17 : memref<128xi32, #tpu.memory_space<vmem>>) semaphore(%arg7 : memref<!tpu.dma_semaphore, #tpu.memory_space<semaphore_mem>>)
      %mul3A_21 = arith.constant 10 : i32
      %mul3A_22 = arith.muli %scan3A_8, %mul3A_21 : i32
      %add3A_23 = arith.constant 1 : i32
      %add3A_24 = arith.addi %mul3A_22, %add3A_23 : i32
      %dma_start3A_25 = arith.constant 128 : i32
      %dma_start3A_26 = arith.constant 0 : i32
      %dma_start3A_27 = tpu.memref_slice %arg6[%dma_start3A_25, %dma_start3A_26] : memref<1280x32xf32, #tpu.memory_space<vmem>> -> memref<128x32xf32, #tpu.memory_space<vmem>>
      %dma_start3A_28 = arith.constant 0 : i32
      %dma_start3A_29 = tpu.memref_slice %arg5[%add3A_24, %dma_start3A_28] : memref<50x128xi32, #tpu.memory_space<vmem>> -> memref<1x128xi32, #tpu.memory_space<vmem>>
      %dma_start3A_30 = tpu.memref_squeeze %dma_start3A_29 : memref<1x128xi32, #tpu.memory_space<vmem>> -> memref<128xi32, #tpu.memory_space<vmem>>
      %dma_start3A_31 = arith.constant 0 : i32
      %dma_start3A_32 = arith.constant 0 : i32
      %dma_start3A_33 = tpu.memref_slice %arg2[%dma_start3A_31, %dma_start3A_32] : memref<1000000x32xf32, #tpu.memory_space<hbm>> -> memref<1000000x32xf32, #tpu.memory_space<hbm>>
      tpu.enqueue_indirect_dma source(%dma_start3A_33 : memref<1000000x32xf32, #tpu.memory_space<hbm>>) target(%dma_start3A_27 : memref<128x32xf32, #tpu.memory_space<vmem>>) offsets(%dma_start3A_30 : memref<128xi32, #tpu.memory_space<vmem>>) semaphore(%arg7 : memref<!tpu.dma_semaphore, #tpu.memory_space<semaphore_mem>>)
      %mul3A_34 = arith.constant 10 : i32
      %mul3A_35 = arith.muli %scan3A_8, %mul3A_34 : i32
      %add3A_36 = arith.constant 2 : i32
      %add3A_37 = arith.addi %mul3A_35, %add3A_36 : i32
      %dma_start3A_38 = arith.constant 256 : i32
      %dma_start3A_39 = arith.constant 0 : i32
      %dma_start3A_40 = tpu.memref_slice %arg6[%dma_start3A_38, %dma_start3A_39] : memref<1280x32xf32, #tpu.memory_space<vmem>> -> memref<128x32xf32, #tpu.memory_space<vmem>>
      %dma_start3A_41 = arith.constant 0 : i32
      %dma_start3A_42 = tpu.memref_slice %arg5[%add3A_37, %dma_start3A_41] : memref<50x128xi32, #tpu.memory_space<vmem>> -> memref<1x128xi32, #tpu.memory_space<vmem>>
      %dma_start3A_43 = tpu.memref_squeeze %dma_start3A_42 : memref<1x128xi32, #tpu.memory_space<vmem>> -> memref<128xi32, #tpu.memory_space<vmem>>
      %dma_start3A_44 = arith.constant 0 : i32
      %dma_start3A_45 = arith.constant 0 : i32
      %dma_start3A_46 = tpu.memref_slice %arg2[%dma_start3A_44, %dma_start3A_45] : memref<1000000x32xf32, #tpu.memory_space<hbm>> -> memref<1000000x32xf32, #tpu.memory_space<hbm>>
      tpu.enqueue_indirect_dma source(%dma_start3A_46 : memref<1000000x32xf32, #tpu.memory_space<hbm>>) target(%dma_start3A_40 : memref<128x32xf32, #tpu.memory_space<vmem>>) offsets(%dma_start3A_43 : memref<128xi32, #tpu.memory_space<vmem>>) semaphore(%arg7 : memref<!tpu.dma_semaphore, #tpu.memory_space<semaphore_mem>>)
      %mul3A_47 = arith.constant 10 : i32
      %mul3A_48 = arith.muli %scan3A_8, %mul3A_47 : i32
      %add3A_49 = arith.constant 3 : i32
      %add3A_50 = arith.addi %mul3A_48, %add3A_49 : i32
      %dma_start3A_51 = arith.constant 384 : i32
      %dma_start3A_52 = arith.constant 0 : i32
      %dma_start3A_53 = tpu.memref_slice %arg6[%dma_start3A_51, %dma_start3A_52] : memref<1280x32xf32, #tpu.memory_space<vmem>> -> memref<128x32xf32, #tpu.memory_space<vmem>>
      %dma_start3A_54 = arith.constant 0 : i32
      %dma_start3A_55 = tpu.memref_slice %arg5[%add3A_50, %dma_start3A_54] : memref<50x128xi32, #tpu.memory_space<vmem>> -> memref<1x128xi32, #tpu.memory_space<vmem>>
      %dma_start3A_56 = tpu.memref_squeeze %dma_start3A_55 : memref<1x128xi32, #tpu.memory_space<vmem>> -> memref<128xi32, #tpu.memory_space<vmem>>
      %dma_start3A_57 = arith.constant 0 : i32
      %dma_start3A_58 = arith.constant 0 : i32
      %dma_start3A_59 = tpu.memref_slice %arg2[%dma_start3A_57, %dma_start3A_58] : memref<1000000x32xf32, #tpu.memory_space<hbm>> -> memref<1000000x32xf32, #tpu.memory_space<hbm>>
      tpu.enqueue_indirect_dma source(%dma_start3A_59 : memref<1000000x32xf32, #tpu.memory_space<hbm>>) target(%dma_start3A_53 : memref<128x32xf32, #tpu.memory_space<vmem>>) offsets(%dma_start3A_56 : memref<128xi32, #tpu.memory_space<vmem>>) semaphore(%arg7 : memref<!tpu.dma_semaphore, #tpu.memory_space<semaphore_mem>>)
      %mul3A_60 = arith.constant 10 : i32
      %mul3A_61 = arith.muli %scan3A_8, %mul3A_60 : i32
      %add3A_62 = arith.constant 4 : i32
      %add3A_63 = arith.addi %mul3A_61, %add3A_62 : i32
      %dma_start3A_64 = arith.constant 512 : i32
      %dma_start3A_65 = arith.constant 0 : i32
      %dma_start3A_66 = tpu.memref_slice %arg6[%dma_start3A_64, %dma_start3A_65] : memref<1280x32xf32, #tpu.memory_space<vmem>> -> memref<128x32xf32, #tpu.memory_space<vmem>>
      %dma_start3A_67 = arith.constant 0 : i32
      %dma_start3A_68 = tpu.memref_slice %arg5[%add3A_63, %dma_start3A_67] : memref<50x128xi32, #tpu.memory_space<vmem>> -> memref<1x128xi32, #tpu.memory_space<vmem>>
      %dma_start3A_69 = tpu.memref_squeeze %dma_start3A_68 : memref<1x128xi32, #tpu.memory_space<vmem>> -> memref<128xi32, #tpu.memory_space<vmem>>
      %dma_start3A_70 = arith.constant 0 : i32
      %dma_start3A_71 = arith.constant 0 : i32
      %dma_start3A_72 = tpu.memref_slice %arg2[%dma_start3A_70, %dma_start3A_71] : memref<1000000x32xf32, #tpu.memory_space<hbm>> -> memref<1000000x32xf32, #tpu.memory_space<hbm>>
      tpu.enqueue_indirect_dma source(%dma_start3A_72 : memref<1000000x32xf32, #tpu.memory_space<hbm>>) target(%dma_start3A_66 : memref<128x32xf32, #tpu.memory_space<vmem>>) offsets(%dma_start3A_69 : memref<128xi32, #tpu.memory_space<vmem>>) semaphore(%arg7 : memref<!tpu.dma_semaphore, #tpu.memory_space<semaphore_mem>>)
      %mul3A_73 = arith.constant 10 : i32
      %mul3A_74 = arith.muli %scan3A_8, %mul3A_73 : i32
      %add3A_75 = arith.constant 5 : i32
      %add3A_76 = arith.addi %mul3A_74, %add3A_75 : i32
      %dma_start3A_77 = arith.constant 640 : i32
      %dma_start3A_78 = arith.constant 0 : i32
      %dma_start3A_79 = tpu.memref_slice %arg6[%dma_start3A_77, %dma_start3A_78] : memref<1280x32xf32, #tpu.memory_space<vmem>> -> memref<128x32xf32, #tpu.memory_space<vmem>>
      %dma_start3A_80 = arith.constant 0 : i32
      %dma_start3A_81 = tpu.memref_slice %arg5[%add3A_76, %dma_start3A_80] : memref<50x128xi32, #tpu.memory_space<vmem>> -> memref<1x128xi32, #tpu.memory_space<vmem>>
      %dma_start3A_82 = tpu.memref_squeeze %dma_start3A_81 : memref<1x128xi32, #tpu.memory_space<vmem>> -> memref<128xi32, #tpu.memory_space<vmem>>
      %dma_start3A_83 = arith.constant 0 : i32
      %dma_start3A_84 = arith.constant 0 : i32
      %dma_start3A_85 = tpu.memref_slice %arg2[%dma_start3A_83, %dma_start3A_84] : memref<1000000x32xf32, #tpu.memory_space<hbm>> -> memref<1000000x32xf32, #tpu.memory_space<hbm>>
      tpu.enqueue_indirect_dma source(%dma_start3A_85 : memref<1000000x32xf32, #tpu.memory_space<hbm>>) target(%dma_start3A_79 : memref<128x32xf32, #tpu.memory_space<vmem>>) offsets(%dma_start3A_82 : memref<128xi32, #tpu.memory_space<vmem>>) semaphore(%arg7 : memref<!tpu.dma_semaphore, #tpu.memory_space<semaphore_mem>>)
      %mul3A_86 = arith.constant 10 : i32
      %mul3A_87 = arith.muli %scan3A_8, %mul3A_86 : i32
      %add3A_88 = arith.constant 6 : i32
      %add3A_89 = arith.addi %mul3A_87, %add3A_88 : i32
      %dma_start3A_90 = arith.constant 768 : i32
      %dma_start3A_91 = arith.constant 0 : i32
      %dma_start3A_92 = tpu.memref_slice %arg6[%dma_start3A_90, %dma_start3A_91] : memref<1280x32xf32, #tpu.memory_space<vmem>> -> memref<128x32xf32, #tpu.memory_space<vmem>>
      %dma_start3A_93 = arith.constant 0 : i32
      %dma_start3A_94 = tpu.memref_slice %arg5[%add3A_89, %dma_start3A_93] : memref<50x128xi32, #tpu.memory_space<vmem>> -> memref<1x128xi32, #tpu.memory_space<vmem>>
      %dma_start3A_95 = tpu.memref_squeeze %dma_start3A_94 : memref<1x128xi32, #tpu.memory_space<vmem>> -> memref<128xi32, #tpu.memory_space<vmem>>
      %dma_start3A_96 = arith.constant 0 : i32
      %dma_start3A_97 = arith.constant 0 : i32
      %dma_start3A_98 = tpu.memref_slice %arg2[%dma_start3A_96, %dma_start3A_97] : memref<1000000x32xf32, #tpu.memory_space<hbm>> -> memref<1000000x32xf32, #tpu.memory_space<hbm>>
      tpu.enqueue_indirect_dma source(%dma_start3A_98 : memref<1000000x32xf32, #tpu.memory_space<hbm>>) target(%dma_start3A_92 : memref<128x32xf32, #tpu.memory_space<vmem>>) offsets(%dma_start3A_95 : memref<128xi32, #tpu.memory_space<vmem>>) semaphore(%arg7 : memref<!tpu.dma_semaphore, #tpu.memory_space<semaphore_mem>>)
      %mul3A_99 = arith.constant 10 : i32
      %mul3A_100 = arith.muli %scan3A_8, %mul3A_99 : i32
      %add3A_101 = arith.constant 7 : i32
      %add3A_102 = arith.addi %mul3A_100, %add3A_101 : i32
      %dma_start3A_103 = arith.constant 896 : i32
      %dma_start3A_104 = arith.constant 0 : i32
      %dma_start3A_105 = tpu.memref_slice %arg6[%dma_start3A_103, %dma_start3A_104] : memref<1280x32xf32, #tpu.memory_space<vmem>> -> memref<128x32xf32, #tpu.memory_space<vmem>>
      %dma_start3A_106 = arith.constant 0 : i32
      %dma_start3A_107 = tpu.memref_slice %arg5[%add3A_102, %dma_start3A_106] : memref<50x128xi32, #tpu.memory_space<vmem>> -> memref<1x128xi32, #tpu.memory_space<vmem>>
      %dma_start3A_108 = tpu.memref_squeeze %dma_start3A_107 : memref<1x128xi32, #tpu.memory_space<vmem>> -> memref<128xi32, #tpu.memory_space<vmem>>
      %dma_start3A_109 = arith.constant 0 : i32
      %dma_start3A_110 = arith.constant 0 : i32
      %dma_start3A_111 = tpu.memref_slice %arg2[%dma_start3A_109, %dma_start3A_110] : memref<1000000x32xf32, #tpu.memory_space<hbm>> -> memref<1000000x32xf32, #tpu.memory_space<hbm>>
      tpu.enqueue_indirect_dma source(%dma_start3A_111 : memref<1000000x32xf32, #tpu.memory_space<hbm>>) target(%dma_start3A_105 : memref<128x32xf32, #tpu.memory_space<vmem>>) offsets(%dma_start3A_108 : memref<128xi32, #tpu.memory_space<vmem>>) semaphore(%arg7 : memref<!tpu.dma_semaphore, #tpu.memory_space<semaphore_mem>>)
      %mul3A_112 = arith.constant 10 : i32
      %mul3A_113 = arith.muli %scan3A_8, %mul3A_112 : i32
      %add3A_114 = arith.constant 8 : i32
      %add3A_115 = arith.addi %mul3A_113, %add3A_114 : i32
      %dma_start3A_116 = arith.constant 1024 : i32
      %dma_start3A_117 = arith.constant 0 : i32
      %dma_start3A_118 = tpu.memref_slice %arg6[%dma_start3A_116, %dma_start3A_117] : memref<1280x32xf32, #tpu.memory_space<vmem>> -> memref<128x32xf32, #tpu.memory_space<vmem>>
      %dma_start3A_119 = arith.constant 0 : i32
      %dma_start3A_120 = tpu.memref_slice %arg5[%add3A_115, %dma_start3A_119] : memref<50x128xi32, #tpu.memory_space<vmem>> -> memref<1x128xi32, #tpu.memory_space<vmem>>
      %dma_start3A_121 = tpu.memref_squeeze %dma_start3A_120 : memref<1x128xi32, #tpu.memory_space<vmem>> -> memref<128xi32, #tpu.memory_space<vmem>>
      %dma_start3A_122 = arith.constant 0 : i32
      %dma_start3A_123 = arith.constant 0 : i32
      %dma_start3A_124 = tpu.memref_slice %arg2[%dma_start3A_122, %dma_start3A_123] : memref<1000000x32xf32, #tpu.memory_space<hbm>> -> memref<1000000x32xf32, #tpu.memory_space<hbm>>
      tpu.enqueue_indirect_dma source(%dma_start3A_124 : memref<1000000x32xf32, #tpu.memory_space<hbm>>) target(%dma_start3A_118 : memref<128x32xf32, #tpu.memory_space<vmem>>) offsets(%dma_start3A_121 : memref<128xi32, #tpu.memory_space<vmem>>) semaphore(%arg7 : memref<!tpu.dma_semaphore, #tpu.memory_space<semaphore_mem>>)
      %mul3A_125 = arith.constant 10 : i32
      %mul3A_126 = arith.muli %scan3A_8, %mul3A_125 : i32
      %add3A_127 = arith.constant 9 : i32
      %add3A_128 = arith.addi %mul3A_126, %add3A_127 : i32
      %dma_start3A_129 = arith.constant 1152 : i32
      %dma_start3A_130 = arith.constant 0 : i32
      %dma_start3A_131 = tpu.memref_slice %arg6[%dma_start3A_129, %dma_start3A_130] : memref<1280x32xf32, #tpu.memory_space<vmem>> -> memref<128x32xf32, #tpu.memory_space<vmem>>
      %dma_start3A_132 = arith.constant 0 : i32
      %dma_start3A_133 = tpu.memref_slice %arg5[%add3A_128, %dma_start3A_132] : memref<50x128xi32, #tpu.memory_space<vmem>> -> memref<1x128xi32, #tpu.memory_space<vmem>>
      %dma_start3A_134 = tpu.memref_squeeze %dma_start3A_133 : memref<1x128xi32, #tpu.memory_space<vmem>> -> memref<128xi32, #tpu.memory_space<vmem>>
      %dma_start3A_135 = arith.constant 0 : i32
      %dma_start3A_136 = arith.constant 0 : i32
      %dma_start3A_137 = tpu.memref_slice %arg2[%dma_start3A_135, %dma_start3A_136] : memref<1000000x32xf32, #tpu.memory_space<hbm>> -> memref<1000000x32xf32, #tpu.memory_space<hbm>>
      tpu.enqueue_indirect_dma source(%dma_start3A_137 : memref<1000000x32xf32, #tpu.memory_space<hbm>>) target(%dma_start3A_131 : memref<128x32xf32, #tpu.memory_space<vmem>>) offsets(%dma_start3A_134 : memref<128xi32, #tpu.memory_space<vmem>>) semaphore(%arg7 : memref<!tpu.dma_semaphore, #tpu.memory_space<semaphore_mem>>)
      %dma_wait3A = arith.constant 0 : i32
      %dma_wait3A_138 = arith.constant 0 : i32
      %dma_wait3A_139 = tpu.memref_slice %arg6[%dma_wait3A, %dma_wait3A_138] : memref<1280x32xf32, #tpu.memory_space<vmem>> -> memref<128x32xf32, #tpu.memory_space<vmem>>
      %dma_wait3A_140 = arith.constant 0 : i32
      %dma_wait3A_141 = tpu.memref_slice %arg5[%add3A_12, %dma_wait3A_140] : memref<50x128xi32, #tpu.memory_space<vmem>> -> memref<1x128xi32, #tpu.memory_space<vmem>>
      %dma_wait3A_142 = tpu.memref_squeeze %dma_wait3A_141 : memref<1x128xi32, #tpu.memory_space<vmem>> -> memref<128xi32, #tpu.memory_space<vmem>>
      %dma_wait3A_143 = arith.constant 0 : i32
      %dma_wait3A_144 = arith.constant 0 : i32
      %dma_wait3A_145 = tpu.memref_slice %arg2[%dma_wait3A_143, %dma_wait3A_144] : memref<1000000x32xf32, #tpu.memory_space<hbm>> -> memref<1000000x32xf32, #tpu.memory_space<hbm>>
      tpu.wait_indirect_dma semaphore(%arg7 : memref<!tpu.dma_semaphore, #tpu.memory_space<semaphore_mem>>) src(%dma_wait3A_145 : memref<1000000x32xf32, #tpu.memory_space<hbm>>) dst(%dma_wait3A_139 : memref<128x32xf32, #tpu.memory_space<vmem>>)
      %dma_wait3A_146 = arith.constant 128 : i32
      %dma_wait3A_147 = arith.constant 0 : i32
      %dma_wait3A_148 = tpu.memref_slice %arg6[%dma_wait3A_146, %dma_wait3A_147] : memref<1280x32xf32, #tpu.memory_space<vmem>> -> memref<128x32xf32, #tpu.memory_space<vmem>>
      %dma_wait3A_149 = arith.constant 0 : i32
      %dma_wait3A_150 = tpu.memref_slice %arg5[%add3A_24, %dma_wait3A_149] : memref<50x128xi32, #tpu.memory_space<vmem>> -> memref<1x128xi32, #tpu.memory_space<vmem>>
      %dma_wait3A_151 = tpu.memref_squeeze %dma_wait3A_150 : memref<1x128xi32, #tpu.memory_space<vmem>> -> memref<128xi32, #tpu.memory_space<vmem>>
      %dma_wait3A_152 = arith.constant 0 : i32
      %dma_wait3A_153 = arith.constant 0 : i32
      %dma_wait3A_154 = tpu.memref_slice %arg2[%dma_wait3A_152, %dma_wait3A_153] : memref<1000000x32xf32, #tpu.memory_space<hbm>> -> memref<1000000x32xf32, #tpu.memory_space<hbm>>
      tpu.wait_indirect_dma semaphore(%arg7 : memref<!tpu.dma_semaphore, #tpu.memory_space<semaphore_mem>>) src(%dma_wait3A_154 : memref<1000000x32xf32, #tpu.memory_space<hbm>>) dst(%dma_wait3A_148 : memref<128x32xf32, #tpu.memory_space<vmem>>)
      %dma_wait3A_155 = arith.constant 256 : i32
      %dma_wait3A_156 = arith.constant 0 : i32
      %dma_wait3A_157 = tpu.memref_slice %arg6[%dma_wait3A_155, %dma_wait3A_156] : memref<1280x32xf32, #tpu.memory_space<vmem>> -> memref<128x32xf32, #tpu.memory_space<vmem>>
      %dma_wait3A_158 = arith.constant 0 : i32
      %dma_wait3A_159 = tpu.memref_slice %arg5[%add3A_37, %dma_wait3A_158] : memref<50x128xi32, #tpu.memory_space<vmem>> -> memref<1x128xi32, #tpu.memory_space<vmem>>
      %dma_wait3A_160 = tpu.memref_squeeze %dma_wait3A_159 : memref<1x128xi32, #tpu.memory_space<vmem>> -> memref<128xi32, #tpu.memory_space<vmem>>
      %dma_wait3A_161 = arith.constant 0 : i32
      %dma_wait3A_162 = arith.constant 0 : i32
      %dma_wait3A_163 = tpu.memref_slice %arg2[%dma_wait3A_161, %dma_wait3A_162] : memref<1000000x32xf32, #tpu.memory_space<hbm>> -> memref<1000000x32xf32, #tpu.memory_space<hbm>>
      tpu.wait_indirect_dma semaphore(%arg7 : memref<!tpu.dma_semaphore, #tpu.memory_space<semaphore_mem>>) src(%dma_wait3A_163 : memref<1000000x32xf32, #tpu.memory_space<hbm>>) dst(%dma_wait3A_157 : memref<128x32xf32, #tpu.memory_space<vmem>>)
      %dma_wait3A_164 = arith.constant 384 : i32
      %dma_wait3A_165 = arith.constant 0 : i32
      %dma_wait3A_166 = tpu.memref_slice %arg6[%dma_wait3A_164, %dma_wait3A_165] : memref<1280x32xf32, #tpu.memory_space<vmem>> -> memref<128x32xf32, #tpu.memory_space<vmem>>
      %dma_wait3A_167 = arith.constant 0 : i32
      %dma_wait3A_168 = tpu.memref_slice %arg5[%add3A_50, %dma_wait3A_167] : memref<50x128xi32, #tpu.memory_space<vmem>> -> memref<1x128xi32, #tpu.memory_space<vmem>>
      %dma_wait3A_169 = tpu.memref_squeeze %dma_wait3A_168 : memref<1x128xi32, #tpu.memory_space<vmem>> -> memref<128xi32, #tpu.memory_space<vmem>>
      %dma_wait3A_170 = arith.constant 0 : i32
      %dma_wait3A_171 = arith.constant 0 : i32
      %dma_wait3A_172 = tpu.memref_slice %arg2[%dma_wait3A_170, %dma_wait3A_171] : memref<1000000x32xf32, #tpu.memory_space<hbm>> -> memref<1000000x32xf32, #tpu.memory_space<hbm>>
      tpu.wait_indirect_dma semaphore(%arg7 : memref<!tpu.dma_semaphore, #tpu.memory_space<semaphore_mem>>) src(%dma_wait3A_172 : memref<1000000x32xf32, #tpu.memory_space<hbm>>) dst(%dma_wait3A_166 : memref<128x32xf32, #tpu.memory_space<vmem>>)
      %dma_wait3A_173 = arith.constant 512 : i32
      %dma_wait3A_174 = arith.constant 0 : i32
      %dma_wait3A_175 = tpu.memref_slice %arg6[%dma_wait3A_173, %dma_wait3A_174] : memref<1280x32xf32, #tpu.memory_space<vmem>> -> memref<128x32xf32, #tpu.memory_space<vmem>>
      %dma_wait3A_176 = arith.constant 0 : i32
      %dma_wait3A_177 = tpu.memref_slice %arg5[%add3A_63, %dma_wait3A_176] : memref<50x128xi32, #tpu.memory_space<vmem>> -> memref<1x128xi32, #tpu.memory_space<vmem>>
      %dma_wait3A_178 = tpu.memref_squeeze %dma_wait3A_177 : memref<1x128xi32, #tpu.memory_space<vmem>> -> memref<128xi32, #tpu.memory_space<vmem>>
      %dma_wait3A_179 = arith.constant 0 : i32
      %dma_wait3A_180 = arith.constant 0 : i32
      %dma_wait3A_181 = tpu.memref_slice %arg2[%dma_wait3A_179, %dma_wait3A_180] : memref<1000000x32xf32, #tpu.memory_space<hbm>> -> memref<1000000x32xf32, #tpu.memory_space<hbm>>
      tpu.wait_indirect_dma semaphore(%arg7 : memref<!tpu.dma_semaphore, #tpu.memory_space<semaphore_mem>>) src(%dma_wait3A_181 : memref<1000000x32xf32, #tpu.memory_space<hbm>>) dst(%dma_wait3A_175 : memref<128x32xf32, #tpu.memory_space<vmem>>)
      %dma_wait3A_182 = arith.constant 640 : i32
      %dma_wait3A_183 = arith.constant 0 : i32
      %dma_wait3A_184 = tpu.memref_slice %arg6[%dma_wait3A_182, %dma_wait3A_183] : memref<1280x32xf32, #tpu.memory_space<vmem>> -> memref<128x32xf32, #tpu.memory_space<vmem>>
      %dma_wait3A_185 = arith.constant 0 : i32
      %dma_wait3A_186 = tpu.memref_slice %arg5[%add3A_76, %dma_wait3A_185] : memref<50x128xi32, #tpu.memory_space<vmem>> -> memref<1x128xi32, #tpu.memory_space<vmem>>
      %dma_wait3A_187 = tpu.memref_squeeze %dma_wait3A_186 : memref<1x128xi32, #tpu.memory_space<vmem>> -> memref<128xi32, #tpu.memory_space<vmem>>
      %dma_wait3A_188 = arith.constant 0 : i32
      %dma_wait3A_189 = arith.constant 0 : i32
      %dma_wait3A_190 = tpu.memref_slice %arg2[%dma_wait3A_188, %dma_wait3A_189] : memref<1000000x32xf32, #tpu.memory_space<hbm>> -> memref<1000000x32xf32, #tpu.memory_space<hbm>>
      tpu.wait_indirect_dma semaphore(%arg7 : memref<!tpu.dma_semaphore, #tpu.memory_space<semaphore_mem>>) src(%dma_wait3A_190 : memref<1000000x32xf32, #tpu.memory_space<hbm>>) dst(%dma_wait3A_184 : memref<128x32xf32, #tpu.memory_space<vmem>>)
      %dma_wait3A_191 = arith.constant 768 : i32
      %dma_wait3A_192 = arith.constant 0 : i32
      %dma_wait3A_193 = tpu.memref_slice %arg6[%dma_wait3A_191, %dma_wait3A_192] : memref<1280x32xf32, #tpu.memory_space<vmem>> -> memref<128x32xf32, #tpu.memory_space<vmem>>
      %dma_wait3A_194 = arith.constant 0 : i32
      %dma_wait3A_195 = tpu.memref_slice %arg5[%add3A_89, %dma_wait3A_194] : memref<50x128xi32, #tpu.memory_space<vmem>> -> memref<1x128xi32, #tpu.memory_space<vmem>>
      %dma_wait3A_196 = tpu.memref_squeeze %dma_wait3A_195 : memref<1x128xi32, #tpu.memory_space<vmem>> -> memref<128xi32, #tpu.memory_space<vmem>>
      %dma_wait3A_197 = arith.constant 0 : i32
      %dma_wait3A_198 = arith.constant 0 : i32
      %dma_wait3A_199 = tpu.memref_slice %arg2[%dma_wait3A_197, %dma_wait3A_198] : memref<1000000x32xf32, #tpu.memory_space<hbm>> -> memref<1000000x32xf32, #tpu.memory_space<hbm>>
      tpu.wait_indirect_dma semaphore(%arg7 : memref<!tpu.dma_semaphore, #tpu.memory_space<semaphore_mem>>) src(%dma_wait3A_199 : memref<1000000x32xf32, #tpu.memory_space<hbm>>) dst(%dma_wait3A_193 : memref<128x32xf32, #tpu.memory_space<vmem>>)
      %dma_wait3A_200 = arith.constant 896 : i32
      %dma_wait3A_201 = arith.constant 0 : i32
      %dma_wait3A_202 = tpu.memref_slice %arg6[%dma_wait3A_200, %dma_wait3A_201] : memref<1280x32xf32, #tpu.memory_space<vmem>> -> memref<128x32xf32, #tpu.memory_space<vmem>>
      %dma_wait3A_203 = arith.constant 0 : i32
      %dma_wait3A_204 = tpu.memref_slice %arg5[%add3A_102, %dma_wait3A_203] : memref<50x128xi32, #tpu.memory_space<vmem>> -> memref<1x128xi32, #tpu.memory_space<vmem>>
      %dma_wait3A_205 = tpu.memref_squeeze %dma_wait3A_204 : memref<1x128xi32, #tpu.memory_space<vmem>> -> memref<128xi32, #tpu.memory_space<vmem>>
      %dma_wait3A_206 = arith.constant 0 : i32
      %dma_wait3A_207 = arith.constant 0 : i32
      %dma_wait3A_208 = tpu.memref_slice %arg2[%dma_wait3A_206, %dma_wait3A_207] : memref<1000000x32xf32, #tpu.memory_space<hbm>> -> memref<1000000x32xf32, #tpu.memory_space<hbm>>
      tpu.wait_indirect_dma semaphore(%arg7 : memref<!tpu.dma_semaphore, #tpu.memory_space<semaphore_mem>>) src(%dma_wait3A_208 : memref<1000000x32xf32, #tpu.memory_space<hbm>>) dst(%dma_wait3A_202 : memref<128x32xf32, #tpu.memory_space<vmem>>)
      %dma_wait3A_209 = arith.constant 1024 : i32
      %dma_wait3A_210 = arith.constant 0 : i32
      %dma_wait3A_211 = tpu.memref_slice %arg6[%dma_wait3A_209, %dma_wait3A_210] : memref<1280x32xf32, #tpu.memory_space<vmem>> -> memref<128x32xf32, #tpu.memory_space<vmem>>
      %dma_wait3A_212 = arith.constant 0 : i32
      %dma_wait3A_213 = tpu.memref_slice %arg5[%add3A_115, %dma_wait3A_212] : memref<50x128xi32, #tpu.memory_space<vmem>> -> memref<1x128xi32, #tpu.memory_space<vmem>>
      %dma_wait3A_214 = tpu.memref_squeeze %dma_wait3A_213 : memref<1x128xi32, #tpu.memory_space<vmem>> -> memref<128xi32, #tpu.memory_space<vmem>>
      %dma_wait3A_215 = arith.constant 0 : i32
      %dma_wait3A_216 = arith.constant 0 : i32
      %dma_wait3A_217 = tpu.memref_slice %arg2[%dma_wait3A_215, %dma_wait3A_216] : memref<1000000x32xf32, #tpu.memory_space<hbm>> -> memref<1000000x32xf32, #tpu.memory_space<hbm>>
      tpu.wait_indirect_dma semaphore(%arg7 : memref<!tpu.dma_semaphore, #tpu.memory_space<semaphore_mem>>) src(%dma_wait3A_217 : memref<1000000x32xf32, #tpu.memory_space<hbm>>) dst(%dma_wait3A_211 : memref<128x32xf32, #tpu.memory_space<vmem>>)
      %dma_wait3A_218 = arith.constant 1152 : i32
      %dma_wait3A_219 = arith.constant 0 : i32
      %dma_wait3A_220 = tpu.memref_slice %arg6[%dma_wait3A_218, %dma_wait3A_219] : memref<1280x32xf32, #tpu.memory_space<vmem>> -> memref<128x32xf32, #tpu.memory_space<vmem>>
      %dma_wait3A_221 = arith.constant 0 : i32
      %dma_wait3A_222 = tpu.memref_slice %arg5[%add3A_128, %dma_wait3A_221] : memref<50x128xi32, #tpu.memory_space<vmem>> -> memref<1x128xi32, #tpu.memory_space<vmem>>
      %dma_wait3A_223 = tpu.memref_squeeze %dma_wait3A_222 : memref<1x128xi32, #tpu.memory_space<vmem>> -> memref<128xi32, #tpu.memory_space<vmem>>
      %dma_wait3A_224 = arith.constant 0 : i32
      %dma_wait3A_225 = arith.constant 0 : i32
      %dma_wait3A_226 = tpu.memref_slice %arg2[%dma_wait3A_224, %dma_wait3A_225] : memref<1000000x32xf32, #tpu.memory_space<hbm>> -> memref<1000000x32xf32, #tpu.memory_space<hbm>>
      tpu.wait_indirect_dma semaphore(%arg7 : memref<!tpu.dma_semaphore, #tpu.memory_space<semaphore_mem>>) src(%dma_wait3A_226 : memref<1000000x32xf32, #tpu.memory_space<hbm>>) dst(%dma_wait3A_220 : memref<128x32xf32, #tpu.memory_space<vmem>>)
      %mul3A_227 = arith.constant 1280 : i32
      %mul3A_228 = arith.muli %scan3A_8, %mul3A_227 : i32
      %add3A_229 = arith.addi %mul3A_2, %mul3A_228 : i32
      "tpu.region"() ({
        %run_scoped3A = tpu.sem_alloc : memref<!tpu.dma_semaphore, #tpu.memory_space<semaphore_mem>>
        %dma_start3A_230 = arith.constant 0 : i32
        %dma_start3A_231 = tpu.memref_slice %arg4[%add3A_229, %dma_start3A_230] : memref<204800x32xf32, #tpu.memory_space<hbm>> -> memref<1280x32xf32, #tpu.memory_space<hbm>>
        %dma_start3A_232 = arith.constant 0 : i32
        %dma_start3A_233 = tpu.memref_slice %arg4[%add3A_229, %dma_start3A_232] : memref<204800x32xf32, #tpu.memory_space<hbm>> -> memref<1280x32xf32, #tpu.memory_space<hbm>>
        tpu.enqueue_dma source(%arg6 : memref<1280x32xf32, #tpu.memory_space<vmem>>) target(%dma_start3A_233 : memref<1280x32xf32, #tpu.memory_space<hbm>>) target_semaphore(%run_scoped3A : memref<!tpu.dma_semaphore, #tpu.memory_space<semaphore_mem>>)
        %dma_wait3A_234 = arith.constant 0 : i32
        %dma_wait3A_235 = tpu.memref_slice %arg4[%add3A_229, %dma_wait3A_234] : memref<204800x32xf32, #tpu.memory_space<hbm>> -> memref<1280x32xf32, #tpu.memory_space<hbm>>
        %dma_wait3A_236 = arith.constant 0 : i32
        %dma_wait3A_237 = tpu.memref_slice %arg4[%add3A_229, %dma_wait3A_236] : memref<204800x32xf32, #tpu.memory_space<hbm>> -> memref<1280x32xf32, #tpu.memory_space<hbm>>
        tpu.wait_dma2 semaphore(%run_scoped3A : memref<!tpu.dma_semaphore, #tpu.memory_space<semaphore_mem>>) src(%arg6 : memref<1280x32xf32, #tpu.memory_space<vmem>>) dst(%dma_wait3A_237 : memref<1280x32xf32, #tpu.memory_space<hbm>>)
        tpu.yield
      }) : () -> ()
    }
    %scan3A_7 = arith.constant 5 : i32
    return
  }
}

module attributes {stable_mosaic.version = 14 : i64} {
  func.func @_tc_body(%arg0: i32, %arg1: memref<1600x128xf32, #tpu.memory_space<vmem>>, %arg2: memref<1600x128xf32, #tpu.memory_space<vmem>>, %arg3: memref<128x32xf32, #tpu.memory_space<vmem>>, %arg4: memref<128x128xf32, #tpu.memory_space<vmem>>, %arg5: memref<128x128xf32, #tpu.memory_space<vmem>>, %arg6: memref<128x128xf32, #tpu.memory_space<vmem>>, %arg7: memref<1x128xf32, #tpu.memory_space<vmem>>, %arg8: memref<128x128xf32, #tpu.memory_space<vmem>>, %arg9: memref<32x32xf32, #tpu.memory_space<vmem>>, %arg10: memref<1x32xf32, #tpu.memory_space<vmem>>, %arg11: memref<128x128xf32, #tpu.memory_space<vmem>>, %arg12: memref<1x128xf32, #tpu.memory_space<vmem>>, %arg13: memref<128x128xf32, #tpu.memory_space<vmem>>, %arg14: memref<1600x512xf32, #tpu.memory_space<vmem>>, %arg15: memref<512x1600xf32, #tpu.memory_space<vmem>>, %arg16: memref<512x128xf32, #tpu.memory_space<vmem>>, %arg17: memref<128x32xf32, #tpu.memory_space<vmem>>) attributes {dimension_semantics = [#tpu.dimension_semantics<arbitrary>], iteration_bounds = array<i64: 32>, scalar_prefetch = 0 : i64, scratch_operands = 0 : i64, tpu.core_type = #tpu.core_type<tc>, window_params = [{transform_indices = @transform_0, window_bounds = array<i64: 1600, 128>}, {transform_indices = @transform_1, window_bounds = array<i64: 1600, 128>}, {transform_indices = @transform_2, window_bounds = array<i64: 128, 32>}, {pipeline_mode = #tpu.pipeline_mode<synchronous>, transform_indices = @transform_3, window_bounds = array<i64: 128, 128>}, {pipeline_mode = #tpu.pipeline_mode<synchronous>, transform_indices = @transform_4, window_bounds = array<i64: 128, 128>}, {pipeline_mode = #tpu.pipeline_mode<synchronous>, transform_indices = @transform_5, window_bounds = array<i64: 128, 128>}, {pipeline_mode = #tpu.pipeline_mode<synchronous>, transform_indices = @transform_6, window_bounds = array<i64: 1, 128>}, {pipeline_mode = #tpu.pipeline_mode<synchronous>, transform_indices = @transform_7, window_bounds = array<i64: 128, 128>}, {pipeline_mode = #tpu.pipeline_mode<synchronous>, transform_indices = @transform_8, window_bounds = array<i64: 32, 32>}, {pipeline_mode = #tpu.pipeline_mode<synchronous>, transform_indices = @transform_9, window_bounds = array<i64: 1, 32>}, {pipeline_mode = #tpu.pipeline_mode<synchronous>, transform_indices = @transform_10, window_bounds = array<i64: 128, 128>}, {pipeline_mode = #tpu.pipeline_mode<synchronous>, transform_indices = @transform_11, window_bounds = array<i64: 1, 128>}, {pipeline_mode = #tpu.pipeline_mode<synchronous>, transform_indices = @transform_12, window_bounds = array<i64: 128, 128>}, {pipeline_mode = #tpu.pipeline_mode<synchronous>, transform_indices = @transform_13, window_bounds = array<i64: 1600, 512>}, {pipeline_mode = #tpu.pipeline_mode<synchronous>, transform_indices = @transform_14, window_bounds = array<i64: 512, 1600>}, {pipeline_mode = #tpu.pipeline_mode<synchronous>, transform_indices = @transform_15, window_bounds = array<i64: 512, 128>}, {transform_indices = @transform_16, window_bounds = array<i64: 128, 32>}]} {
    %get3A = arith.constant 0 : index
    %get3A_0 = arith.constant 0 : index
    %get3A_1 = vector.load %arg1[%get3A, %get3A_0] : memref<1600x128xf32, #tpu.memory_space<vmem>>, vector<1600x128xf32>
    %get3A_2 = arith.constant 0 : index
    %get3A_3 = arith.constant 0 : index
    %get3A_4 = vector.load %arg4[%get3A_2, %get3A_3] : memref<128x128xf32, #tpu.memory_space<vmem>>, vector<128x128xf32>
    %dot_general3A = arith.constant dense<0.000000e+00> : vector<1600x128xf32>
    %dot_general3A_5 = tpu.matmul %get3A_1, %get3A_4, %dot_general3A {dimension_numbers = #tpu.dot_dimension_numbers<[1], [0], [0], [1], [0, 0, 1, 1], [], []>, transpose_lhs_hint = false} : vector<1600x128xf32>, vector<128x128xf32>, vector<1600x128xf32> -> vector<1600x128xf32>
    %get3A_6 = arith.constant 0 : index
    %get3A_7 = arith.constant 0 : index
    %get3A_8 = vector.load %arg2[%get3A_6, %get3A_7] : memref<1600x128xf32, #tpu.memory_space<vmem>>, vector<1600x128xf32>
    %get3A_9 = arith.constant 0 : index
    %get3A_10 = arith.constant 0 : index
    %get3A_11 = vector.load %arg5[%get3A_9, %get3A_10] : memref<128x128xf32, #tpu.memory_space<vmem>>, vector<128x128xf32>
    %dot_general3A_12 = arith.constant dense<0.000000e+00> : vector<1600x128xf32>
    %dot_general3A_13 = tpu.matmul %get3A_8, %get3A_11, %dot_general3A_12 {dimension_numbers = #tpu.dot_dimension_numbers<[1], [0], [0], [1], [0, 0, 1, 1], [], []>, transpose_lhs_hint = false} : vector<1600x128xf32>, vector<128x128xf32>, vector<1600x128xf32> -> vector<1600x128xf32>
    %add3A = arith.addf %dot_general3A_5, %dot_general3A_13 : vector<1600x128xf32>
    %max3A = arith.constant 0.000000e+00 : f32
    %max3A_14 = vector.broadcast %max3A : f32 to vector<1600x128xf32>
    %max3A_15 = arith.maximumf %add3A, %max3A_14 : vector<1600x128xf32>
    %get3A_16 = arith.constant 0 : index
    %get3A_17 = arith.constant 0 : index
    %get3A_18 = vector.load %arg6[%get3A_16, %get3A_17] : memref<128x128xf32, #tpu.memory_space<vmem>>, vector<128x128xf32>
    %dot_general3A_19 = arith.constant dense<0.000000e+00> : vector<1600x128xf32>
    %dot_general3A_20 = tpu.matmul %max3A_15, %get3A_18, %dot_general3A_19 {dimension_numbers = #tpu.dot_dimension_numbers<[1], [0], [0], [1], [0, 0, 1, 1], [], []>, transpose_lhs_hint = false} : vector<1600x128xf32>, vector<128x128xf32>, vector<1600x128xf32> -> vector<1600x128xf32>
    %get3A_21 = arith.constant 0 : index
    %get3A_22 = arith.constant 0 : index
    %get3A_23 = vector.load %arg7[%get3A_21, %get3A_22] : memref<1x128xf32, #tpu.memory_space<vmem>>, vector<1x128xf32>
    %add3A_24 = vector.broadcast %get3A_23 : vector<1x128xf32> to vector<1600x128xf32>
    %add3A_25 = arith.addf %dot_general3A_20, %add3A_24 : vector<1600x128xf32>
    %max3A_26 = arith.constant 0.000000e+00 : f32
    %max3A_27 = vector.broadcast %max3A_26 : f32 to vector<1600x128xf32>
    %max3A_28 = arith.maximumf %add3A_25, %max3A_27 : vector<1600x128xf32>
    %get3A_29 = arith.constant 0 : index
    %get3A_30 = arith.constant 0 : index
    %get3A_31 = vector.load %arg3[%get3A_29, %get3A_30] : memref<128x32xf32, #tpu.memory_space<vmem>>, vector<128x32xf32>
    %get3A_32 = arith.constant 0 : index
    %get3A_33 = arith.constant 0 : index
    %get3A_34 = vector.load %arg9[%get3A_32, %get3A_33] : memref<32x32xf32, #tpu.memory_space<vmem>>, vector<32x32xf32>
    %dot_general3A_35 = arith.constant dense<0.000000e+00> : vector<128x32xf32>
    %dot_general3A_36 = tpu.matmul %get3A_31, %get3A_34, %dot_general3A_35 {dimension_numbers = #tpu.dot_dimension_numbers<[1], [0], [0], [1], [0, 0, 1, 1], [], []>, transpose_lhs_hint = false} : vector<128x32xf32>, vector<32x32xf32>, vector<128x32xf32> -> vector<128x32xf32>
    %get3A_37 = arith.constant 0 : index
    %get3A_38 = arith.constant 0 : index
    %get3A_39 = vector.load %arg10[%get3A_37, %get3A_38] : memref<1x32xf32, #tpu.memory_space<vmem>>, vector<1x32xf32>
    %add3A_40 = vector.broadcast %get3A_39 : vector<1x32xf32> to vector<128x32xf32>
    %add3A_41 = arith.addf %dot_general3A_36, %add3A_40 : vector<128x32xf32>
    %concatenate3A = tpu.concatenate %add3A_41, %add3A_41, %add3A_41, %add3A_41 in 0 : vector<128x32xf32>, vector<128x32xf32>, vector<128x32xf32>, vector<128x32xf32> -> vector<512x32xf32>
    %concatenate3A_42 = tpu.concatenate %concatenate3A, %concatenate3A, %concatenate3A, %concatenate3A in 1 : vector<512x32xf32>, vector<512x32xf32>, vector<512x32xf32>, vector<512x32xf32> -> vector<512x128xf32>
    %get3A_43 = arith.constant 0 : index
    %get3A_44 = arith.constant 0 : index
    %get3A_45 = vector.load %arg16[%get3A_43, %get3A_44] : memref<512x128xf32, #tpu.memory_space<vmem>>, vector<512x128xf32>
    %mul3A = arith.mulf %concatenate3A_42, %get3A_45 : vector<512x128xf32>
    %get3A_46 = arith.constant 0 : index
    %get3A_47 = arith.constant 0 : index
    %get3A_48 = vector.load %arg14[%get3A_46, %get3A_47] : memref<1600x512xf32, #tpu.memory_space<vmem>>, vector<1600x512xf32>
    %dot_general3A_49 = arith.constant dense<0.000000e+00> : vector<1600x128xf32>
    %dot_general3A_50 = tpu.matmul %get3A_48, %mul3A, %dot_general3A_49 {dimension_numbers = #tpu.dot_dimension_numbers<[1], [0], [0], [1], [0, 0, 1, 1], [], []>, transpose_lhs_hint = false} : vector<1600x512xf32>, vector<512x128xf32>, vector<1600x128xf32> -> vector<1600x128xf32>
    %get3A_51 = arith.constant 0 : index
    %get3A_52 = arith.constant 0 : index
    %get3A_53 = vector.load %arg8[%get3A_51, %get3A_52] : memref<128x128xf32, #tpu.memory_space<vmem>>, vector<128x128xf32>
    %dot_general3A_54 = arith.constant dense<0.000000e+00> : vector<1600x128xf32>
    %dot_general3A_55 = tpu.matmul %max3A_28, %get3A_53, %dot_general3A_54 {dimension_numbers = #tpu.dot_dimension_numbers<[1], [0], [0], [1], [0, 0, 1, 1], [], []>, transpose_lhs_hint = false} : vector<1600x128xf32>, vector<128x128xf32>, vector<1600x128xf32> -> vector<1600x128xf32>
    %add3A_56 = arith.addf %dot_general3A_55, %dot_general3A_50 : vector<1600x128xf32>
    %max3A_57 = arith.constant 0.000000e+00 : f32
    %max3A_58 = vector.broadcast %max3A_57 : f32 to vector<1600x128xf32>
    %max3A_59 = arith.maximumf %add3A_56, %max3A_58 : vector<1600x128xf32>
    %get3A_60 = arith.constant 0 : index
    %get3A_61 = arith.constant 0 : index
    %get3A_62 = vector.load %arg11[%get3A_60, %get3A_61] : memref<128x128xf32, #tpu.memory_space<vmem>>, vector<128x128xf32>
    %dot_general3A_63 = arith.constant dense<0.000000e+00> : vector<1600x128xf32>
    %dot_general3A_64 = tpu.matmul %max3A_59, %get3A_62, %dot_general3A_63 {dimension_numbers = #tpu.dot_dimension_numbers<[1], [0], [0], [1], [0, 0, 1, 1], [], []>, transpose_lhs_hint = false} : vector<1600x128xf32>, vector<128x128xf32>, vector<1600x128xf32> -> vector<1600x128xf32>
    %get3A_65 = arith.constant 0 : index
    %get3A_66 = arith.constant 0 : index
    %get3A_67 = vector.load %arg12[%get3A_65, %get3A_66] : memref<1x128xf32, #tpu.memory_space<vmem>>, vector<1x128xf32>
    %add3A_68 = vector.broadcast %get3A_67 : vector<1x128xf32> to vector<1600x128xf32>
    %add3A_69 = arith.addf %dot_general3A_64, %add3A_68 : vector<1600x128xf32>
    %max3A_70 = arith.constant 0.000000e+00 : f32
    %max3A_71 = vector.broadcast %max3A_70 : f32 to vector<1600x128xf32>
    %max3A_72 = arith.maximumf %add3A_69, %max3A_71 : vector<1600x128xf32>
    %get3A_73 = arith.constant 0 : index
    %get3A_74 = arith.constant 0 : index
    %get3A_75 = vector.load %arg13[%get3A_73, %get3A_74] : memref<128x128xf32, #tpu.memory_space<vmem>>, vector<128x128xf32>
    %dot_general3A_76 = arith.constant dense<0.000000e+00> : vector<1600x128xf32>
    %dot_general3A_77 = tpu.matmul %max3A_72, %get3A_75, %dot_general3A_76 {dimension_numbers = #tpu.dot_dimension_numbers<[1], [0], [0], [1], [0, 0, 1, 1], [], []>, transpose_lhs_hint = false} : vector<1600x128xf32>, vector<128x128xf32>, vector<1600x128xf32> -> vector<1600x128xf32>
    %exp3A = math.exp %dot_general3A_77 : vector<1600x128xf32>
    %mul3A_78 = arith.mulf %max3A_28, %exp3A : vector<1600x128xf32>
    %get3A_79 = arith.constant 0 : index
    %get3A_80 = arith.constant 0 : index
    %get3A_81 = vector.load %arg15[%get3A_79, %get3A_80] : memref<512x1600xf32, #tpu.memory_space<vmem>>, vector<512x1600xf32>
    %broadcast_in_dim3A = arith.constant 0.000000e+00 : f32
    %broadcast_in_dim3A_82 = vector.broadcast %broadcast_in_dim3A : f32 to vector<128x32xf32>
    %broadcast_in_dim3A_83 = arith.constant 0.000000e+00 : f32
    %broadcast_in_dim3A_84 = vector.broadcast %broadcast_in_dim3A_83 : f32 to vector<128x32xf32>
    %slice3A = vector.extract_strided_slice %get3A_81 {offsets = [0, 0], sizes = [128, 1600], strides = [1, 1]} : vector<512x1600xf32> to vector<128x1600xf32>
    %slice3A_85 = vector.extract_strided_slice %mul3A_78 {offsets = [0, 0], sizes = [1600, 32], strides = [1, 1]} : vector<1600x128xf32> to vector<1600x32xf32>
    %dot_general3A_86 = arith.constant dense<0.000000e+00> : vector<128x32xf32>
    %dot_general3A_87 = tpu.matmul %slice3A, %slice3A_85, %dot_general3A_86 {dimension_numbers = #tpu.dot_dimension_numbers<[1], [0], [0], [1], [0, 0, 1, 1], [], []>, transpose_lhs_hint = false} : vector<128x1600xf32>, vector<1600x32xf32>, vector<128x32xf32> -> vector<128x32xf32>
    %add3A_88 = arith.addf %broadcast_in_dim3A_82, %dot_general3A_87 : vector<128x32xf32>
    %slice3A_89 = vector.extract_strided_slice %exp3A {offsets = [0, 0], sizes = [1600, 32], strides = [1, 1]} : vector<1600x128xf32> to vector<1600x32xf32>
    %dot_general3A_90 = arith.constant dense<0.000000e+00> : vector<128x32xf32>
    %dot_general3A_91 = tpu.matmul %slice3A, %slice3A_89, %dot_general3A_90 {dimension_numbers = #tpu.dot_dimension_numbers<[1], [0], [0], [1], [0, 0, 1, 1], [], []>, transpose_lhs_hint = false} : vector<128x1600xf32>, vector<1600x32xf32>, vector<128x32xf32> -> vector<128x32xf32>
    %add3A_92 = arith.addf %broadcast_in_dim3A_84, %dot_general3A_91 : vector<128x32xf32>
    %slice3A_93 = vector.extract_strided_slice %get3A_81 {offsets = [128, 0], sizes = [128, 1600], strides = [1, 1]} : vector<512x1600xf32> to vector<128x1600xf32>
    %slice3A_94 = vector.extract_strided_slice %mul3A_78 {offsets = [0, 32], sizes = [1600, 32], strides = [1, 1]} : vector<1600x128xf32> to vector<1600x32xf32>
    %dot_general3A_95 = arith.constant dense<0.000000e+00> : vector<128x32xf32>
    %dot_general3A_96 = tpu.matmul %slice3A_93, %slice3A_94, %dot_general3A_95 {dimension_numbers = #tpu.dot_dimension_numbers<[1], [0], [0], [1], [0, 0, 1, 1], [], []>, transpose_lhs_hint = false} : vector<128x1600xf32>, vector<1600x32xf32>, vector<128x32xf32> -> vector<128x32xf32>
    %add3A_97 = arith.addf %add3A_88, %dot_general3A_96 : vector<128x32xf32>
    %slice3A_98 = vector.extract_strided_slice %exp3A {offsets = [0, 32], sizes = [1600, 32], strides = [1, 1]} : vector<1600x128xf32> to vector<1600x32xf32>
    %dot_general3A_99 = arith.constant dense<0.000000e+00> : vector<128x32xf32>
    %dot_general3A_100 = tpu.matmul %slice3A_93, %slice3A_98, %dot_general3A_99 {dimension_numbers = #tpu.dot_dimension_numbers<[1], [0], [0], [1], [0, 0, 1, 1], [], []>, transpose_lhs_hint = false} : vector<128x1600xf32>, vector<1600x32xf32>, vector<128x32xf32> -> vector<128x32xf32>
    %add3A_101 = arith.addf %add3A_92, %dot_general3A_100 : vector<128x32xf32>
    %slice3A_102 = vector.extract_strided_slice %get3A_81 {offsets = [256, 0], sizes = [128, 1600], strides = [1, 1]} : vector<512x1600xf32> to vector<128x1600xf32>
    %slice3A_103 = vector.extract_strided_slice %mul3A_78 {offsets = [0, 64], sizes = [1600, 32], strides = [1, 1]} : vector<1600x128xf32> to vector<1600x32xf32>
    %dot_general3A_104 = arith.constant dense<0.000000e+00> : vector<128x32xf32>
    %dot_general3A_105 = tpu.matmul %slice3A_102, %slice3A_103, %dot_general3A_104 {dimension_numbers = #tpu.dot_dimension_numbers<[1], [0], [0], [1], [0, 0, 1, 1], [], []>, transpose_lhs_hint = false} : vector<128x1600xf32>, vector<1600x32xf32>, vector<128x32xf32> -> vector<128x32xf32>
    %add3A_106 = arith.addf %add3A_97, %dot_general3A_105 : vector<128x32xf32>
    %slice3A_107 = vector.extract_strided_slice %exp3A {offsets = [0, 64], sizes = [1600, 32], strides = [1, 1]} : vector<1600x128xf32> to vector<1600x32xf32>
    %dot_general3A_108 = arith.constant dense<0.000000e+00> : vector<128x32xf32>
    %dot_general3A_109 = tpu.matmul %slice3A_102, %slice3A_107, %dot_general3A_108 {dimension_numbers = #tpu.dot_dimension_numbers<[1], [0], [0], [1], [0, 0, 1, 1], [], []>, transpose_lhs_hint = false} : vector<128x1600xf32>, vector<1600x32xf32>, vector<128x32xf32> -> vector<128x32xf32>
    %add3A_110 = arith.addf %add3A_101, %dot_general3A_109 : vector<128x32xf32>
    %slice3A_111 = vector.extract_strided_slice %get3A_81 {offsets = [384, 0], sizes = [128, 1600], strides = [1, 1]} : vector<512x1600xf32> to vector<128x1600xf32>
    %slice3A_112 = vector.extract_strided_slice %mul3A_78 {offsets = [0, 96], sizes = [1600, 32], strides = [1, 1]} : vector<1600x128xf32> to vector<1600x32xf32>
    %dot_general3A_113 = arith.constant dense<0.000000e+00> : vector<128x32xf32>
    %dot_general3A_114 = tpu.matmul %slice3A_111, %slice3A_112, %dot_general3A_113 {dimension_numbers = #tpu.dot_dimension_numbers<[1], [0], [0], [1], [0, 0, 1, 1], [], []>, transpose_lhs_hint = false} : vector<128x1600xf32>, vector<1600x32xf32>, vector<128x32xf32> -> vector<128x32xf32>
    %add3A_115 = arith.addf %add3A_106, %dot_general3A_114 : vector<128x32xf32>
    %slice3A_116 = vector.extract_strided_slice %exp3A {offsets = [0, 96], sizes = [1600, 32], strides = [1, 1]} : vector<1600x128xf32> to vector<1600x32xf32>
    %dot_general3A_117 = arith.constant dense<0.000000e+00> : vector<128x32xf32>
    %dot_general3A_118 = tpu.matmul %slice3A_111, %slice3A_116, %dot_general3A_117 {dimension_numbers = #tpu.dot_dimension_numbers<[1], [0], [0], [1], [0, 0, 1, 1], [], []>, transpose_lhs_hint = false} : vector<128x1600xf32>, vector<1600x32xf32>, vector<128x32xf32> -> vector<128x32xf32>
    %add3A_119 = arith.addf %add3A_110, %dot_general3A_118 : vector<128x32xf32>
    %div3A = arith.divf %add3A_115, %add3A_119 : vector<128x32xf32>
    %swap3A = arith.constant 0 : index
    %swap3A_120 = arith.constant 0 : index
    %swap3A_121 = vector.load %arg17[%swap3A, %swap3A_120] : memref<128x32xf32, #tpu.memory_space<vmem>>, vector<128x32xf32>
    tpu.vector_store %arg17[%swap3A, %swap3A_120], %div3A {strides = array<i32>} : memref<128x32xf32, #tpu.memory_space<vmem>>, vector<128x32xf32>,
    return
  }
  func.func @transform_0(%arg0: i32) -> (i32, i32) {
    %c0_i32 = arith.constant 0 : i32
    %c0_i32_0 = arith.constant 0 : i32
    return %arg0, %c0_i32 : i32, i32
  }
  func.func @transform_1(%arg0: i32) -> (i32, i32) {
    %c0_i32 = arith.constant 0 : i32
    %c0_i32_0 = arith.constant 0 : i32
    return %arg0, %c0_i32 : i32, i32
  }
  func.func @transform_2(%arg0: i32) -> (i32, i32) {
    %c0_i32 = arith.constant 0 : i32
    %c0_i32_0 = arith.constant 0 : i32
    return %arg0, %c0_i32 : i32, i32
  }
  func.func @transform_3(%arg0: i32) -> (i32, i32) {
    %c0_i32 = arith.constant 0 : i32
    %c0_i32_0 = arith.constant 0 : i32
    %c0_i32_1 = arith.constant 0 : i32
    return %c0_i32, %c0_i32_0 : i32, i32
  }
  func.func @transform_4(%arg0: i32) -> (i32, i32) {
    %c0_i32 = arith.constant 0 : i32
    %c0_i32_0 = arith.constant 0 : i32
    %c0_i32_1 = arith.constant 0 : i32
    return %c0_i32, %c0_i32_0 : i32, i32
  }
  func.func @transform_5(%arg0: i32) -> (i32, i32) {
    %c0_i32 = arith.constant 0 : i32
    %c0_i32_0 = arith.constant 0 : i32
    %c0_i32_1 = arith.constant 0 : i32
    return %c0_i32, %c0_i32_0 : i32, i32
  }
  func.func @transform_6(%arg0: i32) -> (i32, i32) {
    %c0_i32 = arith.constant 0 : i32
    %c0_i32_0 = arith.constant 0 : i32
    %c0_i32_1 = arith.constant 0 : i32
    return %c0_i32, %c0_i32_0 : i32, i32
  }
  func.func @transform_7(%arg0: i32) -> (i32, i32) {
    %c0_i32 = arith.constant 0 : i32
    %c0_i32_0 = arith.constant 0 : i32
    %c0_i32_1 = arith.constant 0 : i32
    return %c0_i32, %c0_i32_0 : i32, i32
  }
  func.func @transform_8(%arg0: i32) -> (i32, i32) {
    %c0_i32 = arith.constant 0 : i32
    %c0_i32_0 = arith.constant 0 : i32
    %c0_i32_1 = arith.constant 0 : i32
    return %c0_i32, %c0_i32_0 : i32, i32
  }
  func.func @transform_9(%arg0: i32) -> (i32, i32) {
    %c0_i32 = arith.constant 0 : i32
    %c0_i32_0 = arith.constant 0 : i32
    %c0_i32_1 = arith.constant 0 : i32
    return %c0_i32, %c0_i32_0 : i32, i32
  }
  func.func @transform_10(%arg0: i32) -> (i32, i32) {
    %c0_i32 = arith.constant 0 : i32
    %c0_i32_0 = arith.constant 0 : i32
    %c0_i32_1 = arith.constant 0 : i32
    return %c0_i32, %c0_i32_0 : i32, i32
  }
  func.func @transform_11(%arg0: i32) -> (i32, i32) {
    %c0_i32 = arith.constant 0 : i32
    %c0_i32_0 = arith.constant 0 : i32
    %c0_i32_1 = arith.constant 0 : i32
    return %c0_i32, %c0_i32_0 : i32, i32
  }
  func.func @transform_12(%arg0: i32) -> (i32, i32) {
    %c0_i32 = arith.constant 0 : i32
    %c0_i32_0 = arith.constant 0 : i32
    %c0_i32_1 = arith.constant 0 : i32
    return %c0_i32, %c0_i32_0 : i32, i32
  }
  func.func @transform_13(%arg0: i32) -> (i32, i32) {
    %c0_i32 = arith.constant 0 : i32
    %c0_i32_0 = arith.constant 0 : i32
    %c0_i32_1 = arith.constant 0 : i32
    return %c0_i32, %c0_i32_0 : i32, i32
  }
  func.func @transform_14(%arg0: i32) -> (i32, i32) {
    %c0_i32 = arith.constant 0 : i32
    %c0_i32_0 = arith.constant 0 : i32
    %c0_i32_1 = arith.constant 0 : i32
    return %c0_i32, %c0_i32_0 : i32, i32
  }
  func.func @transform_15(%arg0: i32) -> (i32, i32) {
    %c0_i32 = arith.constant 0 : i32
    %c0_i32_0 = arith.constant 0 : i32
    %c0_i32_1 = arith.constant 0 : i32
    return %c0_i32, %c0_i32_0 : i32, i32
  }
  func.func @transform_16(%arg0: i32) -> (i32, i32) {
    %c0_i32 = arith.constant 0 : i32
    %c0_i32_0 = arith.constant 0 : i32
    return %arg0, %c0_i32 : i32, i32
  }
}

</mosaic_0001>

<sc_bundles>
// kernel: kernel.12.cloned.1.call-start
scs
__scs_entry_jumppad:
0x0: {  	(pc) =	sbr.rel $0x88, $3  }
0x1: {  	(tag) =	ssettag $0x0;
	lr =	simm.s32 $0x1  }
0x2: {  	[smem:$0x3F92] =	sst lr;
	_ =	strace $0xD0000000  }
0x3: {  	_ = 	snop  }
0x4: {  	_ = 	snop  }
0x5: {  	_ = 	snop  }
0x6: {  	_ = 	snop  }
0x7: {  	_ = 	snop  }
__scs_overlays_trampoline_lowered:
0x8: {  	[smem:$0x3FA1] =	sst s0  }
0x9: {  	[smem:$0x3FA2] =	sst s1  }
0xa: {  	[smem:$0x3FA3] =	sst s2  }
0xb: {  	[smem:$0x3FA4] =	sst s3  }
0xc: {  	[smem:$0x3FA5] =	sst s4  }
0xd: {  	[smem:$0x3FA6] =	sst s5  }
0xe: {  	[smem:$0x3FA7] =	sst s6  }
0xf: {  	[smem:$0x3FA8] =	sst s7  }
0x10: {  	[smem:$0x3FA9] =	sst s8  }
0x11: {  	[smem:$0x3FAA] =	sst s9;
	s0 =	simm.s32 @!p0 $0x0  }
0x12: {  	s1 =	sld [smem:$0x3F90];
	s0 =	simm.s32 @p0 $0x1  }
0x13: {  	[smem:$0x3FAB] =	sst s0;
	s0 =	simm.s32 @!p1 $0x0  }
0x14: {  	s2 =	sld [smem:$0x3F8F];
	s0 =	simm.s32 @p1 $0x1  }
0x15: {  	[smem:$0x3FAC] =	sst s0;
	s0 =	simm.s32 @!p2 $0x0  }
0x16: {  	s3 =	sld [smem:$0x3FDB];
	s0 =	simm.s32 @p2 $0x1  }
0x17: {  	s4 =	simm.s32 $0x1BF5;
	[smem:$0x3FAE] =	sst s0  }
0x18: {  	s0 =	sld [smem:$0x3F91];
	_ =	swait.ge [sflag:s4], $0x0  }
0x19: {  	s7 =	sld [smem:$0x3F92]  }
0x1a: {  	s8 =	sadd.s32 $0xFFFFE003, lr  }
0x1b: {  	s9 =	sadd.s32 $0xFFFFFEF7, lr;
	s5 =	simm.s32 $0xFFFFFFFF;
	p2 =	slt.u32 s8, $0xFFFFF086  }
0x1c: {  	p1 =	slt.u32 s9, $0xF7A;
	s5 =	simm.s32 @!p2 $0x0  }
0x1d: {  	s5 =	simm.s32 @p1 $0x1;
	p0 =	seq.s32 s7, s2  }
0x1e: {  	s7 =	smul.u32 @!p0 $0xF7A, s2;
	p2 =	seq.s32 @!p0 s5, $0x0  }
0x1f: {  	s9 =	smul.u32 $0xF7A, s1;
	s8 =	simm.s32 @!p0 $0x1BF5;
	p2 =	por !p2, p0  }
0x20: {  	[sflag:s8] =	ssyncset.s32 @!p0 $0xFFFFF086;
	s6 =	sadd.s32 @!p0 s3, s7;
	s7 =	simm.s32 @!p0 $0x108  }
0x21: {  	s3 =	sadd.s32 s3, s9;
	s6 =	sadd.s32 @!p0 $0x88, s6;
	s7 =	simm.s32 @p2 $0x1082  }
0x22: {  	[simem:s7], [sflag:s8] =	dma.local @!p0 [hbm:s6], $0xF7A  }
0x23: {  	s9 =	sor.u32 $0xD0000000, s2;
	s6 =	simm.s32 $0x108;
	_ =	swait.ge @!p0 [sflag:s8], $0x0  }
0x24: {  	s3 =	sadd.s32 $0x88, s3;
	s6 =	simm.s32 @!p1 $0x1082;
	[sflag:s4] =	ssyncset.s32 $0xFFFFF086  }
0x25: {  	[simem:s6], [sflag:s4] =	dma.local [hbm:s3], $0xF7A  }
0x26: {  	[smem:$0x3F92] =	sst s1;
	(tag) =	ssettag s2;
	_ =	strace s9  }
0x27: {  	s1 =	sld [smem:$0x3FA2]  }
0x28: {  	s2 =	sld [smem:$0x3FA3]  }
0x29: {  	s4 =	sld [smem:$0x3FA5]  }
0x2a: {  	p0 =	seq.s32 s5, $0x0;
	s5 =	sld [smem:$0x3FA6]  }
0x2b: {  	s6 =	sld [smem:$0x3FA7]  }
0x2c: {  	s7 =	sld [smem:$0x3FA8]  }
0x2d: {  	s3 =	simm.s32 $0x108;
	s8 =	sld [smem:$0x3FA9]  }
0x2e: {  	s3 =	simm.s32 @!p0 $0x1082;
	s9 =	sld [smem:$0x3FAA]  }
0x2f: {  	lr =	sadd.s32 s0, s3;
	s0 =	sld [smem:$0x3FA1]  }
0x30: {  	s3 =	sld [smem:$0x3FA4]  }
0x31: {  	[smem:$0x3FAD] =	sst s10  }
0x32: {  	s10 =	sld [smem:$0x3FAB];
	_ =	sdelay $0x3  }
0x33: {  	p0 =	seq.s32 s10, $0x1;
	s10 =	sld [smem:$0x3FAD];
	_ =	sdelay $0x3  }
0x34: {  	[smem:$0x3FAD] =	sst s10  }
0x35: {  	s10 =	sld [smem:$0x3FAC];
	_ =	sdelay $0x3  }
0x36: {  	p1 =	seq.s32 s10, $0x1;
	s10 =	sld [smem:$0x3FAD];
	_ =	sdelay $0x3  }
0x37: {  	[smem:$0x3FAD] =	sst s10  }
0x38: {  	s10 =	sld [smem:$0x3FAE]  }
0x39: {  	_ = 	snop;
	(pc) =	sbr.ind lr, $3  }
0x3a: {  	_ = 	snop  }
0x3b: {  	_ = 	snop  }
0x3c: {  	p2 =	seq.s32 s10, $0x1;
	s10 =	sld [smem:$0x3FAD]  }
0x3d: {  	_ =	shalt  }
0x3e: {  	_ =	shalt  }
0x3f: {  	_ =	shalt  }
0x40: {  	_ =	shalt  }
0x41: {  	_ =	shalt  }
0x42: {  	_ =	shalt  }
0x43: {  	_ =	shalt  }
0x44: {  	_ =	shalt  }
0x45: {  	_ =	shalt  }
0x46: {  	_ =	shalt  }
0x47: {  	_ =	shalt  }
0x48: {  	_ =	shalt  }
0x49: {  	_ =	shalt  }
0x4a: {  	_ =	shalt  }
0x4b: {  	_ =	shalt  }
0x4c: {  	_ =	shalt  }
0x4d: {  	_ =	shalt  }
0x4e: {  	_ =	shalt  }
0x4f: {  	_ =	shalt  }
0x50: {  	_ =	shalt  }
0x51: {  	_ =	shalt  }
0x52: {  	_ =	shalt  }
0x53: {  	_ =	shalt  }
0x54: {  	_ =	shalt  }
0x55: {  	_ =	shalt  }
0x56: {  	_ =	shalt  }
0x57: {  	_ =	shalt  }
0x58: {  	_ =	shalt  }
0x59: {  	_ =	shalt  }
0x5a: {  	_ =	shalt  }
0x5b: {  	_ =	shalt  }
0x5c: {  	_ =	shalt  }
0x5d: {  	_ =	shalt  }
0x5e: {  	_ =	shalt  }
0x5f: {  	_ =	shalt  }
0x60: {  	_ =	shalt  }
0x61: {  	_ =	shalt  }
0x62: {  	_ =	shalt  }
0x63: {  	_ =	shalt  }
0x64: {  	_ =	shalt  }
0x65: {  	_ =	shalt  }
0x66: {  	_ =	shalt  }
0x67: {  	_ =	shalt  }
0x68: {  	_ =	shalt  }
0x69: {  	_ =	shalt  }
0x6a: {  	_ =	shalt  }
0x6b: {  	_ =	shalt  }
0x6c: {  	_ =	shalt  }
0x6d: {  	_ =	shalt  }
0x6e: {  	_ =	shalt  }
0x6f: {  	_ =	shalt  }
0x70: {  	_ =	shalt  }
0x71: {  	_ =	shalt  }
0x72: {  	_ =	shalt  }
0x73: {  	_ =	shalt  }
0x74: {  	_ =	shalt  }
0x75: {  	_ =	shalt  }
0x76: {  	_ =	shalt  }
0x77: {  	_ =	shalt  }
0x78: {  	_ =	shalt  }
0x79: {  	_ =	shalt  }
0x7a: {  	_ =	shalt  }
0x7b: {  	_ =	shalt  }
0x7c: {  	_ =	shalt  }
0x7d: {  	_ =	shalt  }
0x7e: {  	_ =	shalt  }
0x7f: {  	_ =	shalt  }
0x80: {  	_ =	shalt  }
0x81: {  	_ =	shalt  }
0x82: {  	_ =	shalt  }
0x83: {  	_ =	shalt  }
0x84: {  	_ =	shalt  }
0x85: {  	_ =	shalt  }
0x86: {  	_ =	shalt  }
0x87: {  	_ =	shalt  }
.Lfunc_end0:
.L_simem_size_0:
called_computation.2_lowered:
.L_overlay_start_0:
0x88: {  	s2 =	sld [smem:$0x3FD9]  }
0x89: {  	s3 =	sld [smem:$0x3FFE];
	_ =	sdelay $0x1  }
0x8a: {  	s1 =	srdreg.scid  }
0x8b: {  	s0 =	sand.u32 $0x1, s1  }
0x8c: {  	s17 =	sshll.u32 s0, $0xA;
	s2 =	sadd.s32 s3, s2  }
0x8d: {  	s2 =	sadd.s32 s2, s17  }
0x8e: {  	[smem:$0x3FB9] =	sst s2  }
0x8f: {  	_ = 	snop  }
0x90: {  	s2 =	sld [smem:$0x3FC9]  }
0x91: {  	s18 =	sld [smem:$0x3FD0];
	(tm) =	ssettm $0x1  }
0x92: {  	s4 =	sld [smem:$0x3FFB];
	_ =	sdelay $0x3  }
0x93: {  	_ =	strace s4  }
0x94: {  	s4 =	sld [smem:$0x3FFC];
	_ =	sdelay $0x3  }
0x95: {  	_ =	strace s4  }
0x96: {  	s4 =	sld [smem:$0x3FFD];
	_ =	sdelay $0x3  }
0x97: {  	_ =	strace s4  }
0x98: {  	_ =	strace $0x8FFFFFFF  }
0x99: {  	s19 =	sld [smem:$0x3FDB];
	_ =	sdelay $0x1  }
0x9a: {  	s5 =	simm.s32 $_scs_section_size  }
0x9b: {  	s6 =	simm.s32 $_size__tile_overlayer_lowered;
	s7 =	simm.s32 $_tile_overlayer_lowered  }
0x9c: {  	s22 =	simm.s32 $0x1BFF;
	s21 =	sshll.u32 s7, $0x1;
	s4 =	sadd.s32 s5, s19  }
0x9d: {  	s8 =	simm.s32 $0x0;
	s20 =	sshll.u32 s6, $0x1;
	s6 =	sadd.s32 s21, s4  }
0x9e: {  	[timem:s8], [sflag:s22] =	dma.local [hbm:s6], s20  }
0x9f: {  	_ =	swait.ge [sflag:s22], s20  }
0xa0: {  	s5 =	ssub.s32 $0x0, s20;
	[sflag:s22] =	ssyncset.done $0x0  }
0xa1: {  	[sflag:s22] =	ssyncadd.s32 s5;
	_ =	sdelay $0x1  }
0xa2: {  	s23 =	simm.s32 $0x1B8B  }
0xa3: {  	_ =	swait.ge [sflag:s23], $0x1  }
0xa4: {  	[sflag:s23] =	ssyncset.done $0x0  }
0xa5: {  	s25 =	simm.s32 $0x1B8E;
	s24 =	sld [smem:$0x3FFE];
	[sflag:s23] =	ssyncadd.s32 $0xFFFFFFFF  }
0xa6: {  	s26 =	simm.s32 $execute0_lowered;
	[smem:$0x3FD2] =	sst s25  }
0xa7: {  	s6 =	sshll.u32 s26, $0x1;
	_ =	strace $0x80000049;
	[dreg:$0x1] =	wrdreg $0xFFFFFFFF  }
0xa8: {  	s28 =	simm.s32 $_size_execute0_lowered;
	s4 =	sadd.s32 s4, s6;
	[dreg:$0x0] =	wrdreg $0x0  }
0xa9: {  	s6 =	sshll.u32 s28, $0x1;
	[dreg:$0x2] =	wrdreg s4  }
0xaa: {  	[dreg:$0x3] =	wrdreg s6  }
0xab: {  	[dreg:$0x4] =	wrdreg $0xC0  }
0xac: {  	_ =	task [dreg:s8], $0x5FFFF  }
0xad: {  	[dreg:$0x1] =	wrdreg $0xFFFFFFFF  }
0xae: {  	[dreg:$0x0] =	wrdreg $0x60  }
0xaf: {  	[dreg:$0x2] =	wrdreg s24  }
0xb0: {  	[dreg:$0x3] =	wrdreg s2  }
0xb1: {  	[dreg:$0x4] =	wrdreg s18  }
0xb2: {  	[dreg:$0x5] =	wrdreg $0xA  }
0xb3: {  	_ =	task.clear_ibuf [dreg:s8], $0x6FFFF;
	_ =	strace $0x90000049  }
0xb4: {  	s29 =	simm.s32 $0xA;
	_ =	strace $0x8000004B  }
0xb5: {  	_ =	swait.ge [sflag:s29], $0x1  }
0xb6: {  	[sflag:s29] =	ssyncadd.s32 $0xFFFFFFFF  }
0xb7: {  	_ =	strace $0x9000004B  }
0xb8: {  	_ =	sfence  }
0xb9: {  	s30 =	sld [smem:$0x0];
	_ =	sdelay $0x2  }
0xba: {  	s31 =	sshll.u32 s1, $0xD;
	s1 =	sshrl.u32 s1, $0x2  }
0xbb: {  	s3 =	sand.u32 $0x4000, s31;
	s1 =	sadd.s32 s1, s30  }
0xbc: {  	s0 =	sor.u32 s3, s0;
	s1 =	sshll.u32 s1, $0x11  }
0xbd: {  	s0 =	sor.u32 s1, s0  }
0xbe: {  	s0 =	sadd.s32 $0x8F2B, s0  }
0xbf: {  	[sflag:s0] =	ssyncadd.remote.s32 $0x1  }
0xc0: {  	_ =	sfence.sel $0xFFFF  }
0xc1: {  	[dreg:$0x0] =	wrdreg $0xFFFFFFFF;
	(pc) =	sbr.abs _section_cstart, $3  }
0xc2: {  	[dreg:$0x1] =	wrdreg $0xFFFFFFFF  }
0xc3: {  	_ =	task.clear_ibuf [dreg:s8], $0x2FFFF;
	_ =	strace $0x9FFFFFFF  }
0xc4: {  	(tm) =	ssettm $0x7FFFFFFF  }
0xc5: {  	_ =	shalt  }
tec
execute0_lowered:
.L_overlay_start_1:
0x0: {  	(tag) =	ssettag $0x1  }
0x1: {  	s0 =	rddreg [dreg:$0x0]  }
0x2: {  	s1 =	rddreg [dreg:$0x1]  }
0x3: {  	s2 =	rddreg [dreg:$0x2]  }
0x4: {  	s3 =	simm.s32 $0x0;
	s6 =	stileid.u32;
	s26 =	srdreg.scid  }
0x5: {  	s9 =	simm.s32 $0x80;
	s10 =	simm.s32 $0x880;
	s11 =	simm.s32 $0x1  }
0x6: {  	s21 =	simm.s32 $0x2880;
	s18 =	simm.s32 $0x3880;
	s13 =	simm.s32 $0x4880  }
0x7: {  	s12 =	simm.s32 $0x5880;
	s8 =	simm.s32 $0x6880;
	s14 =	simm.s32 $0x7880  }
0x8: {  	s15 =	simm.s32 $0x8880;
	s16 =	simm.s32 $0x9880;
	s17 =	simm.s32 $0xA880  }
0x9: {  	s19 =	simm.s32 $0xB880;
	s20 =	simm.s32 $0xC880;
	s22 =	simm.s32 $0xD880  }
0xa: {  	s25 =	simm.s32 $0xE880;
	s24 =	simm.s32 $0x1880;
	[smem:$0x7FF] =	sst s3  }
0xb: {  	s4 =	sshll.u32 s6, $0x11;
	s3 =	sand.u32 $0x1, s26;
	s6 =	sshll.u32 s6, $0x1  }
0xc: {  	s26 =	simm.s32 $0xF880;
	_ =	strace $0x8000004A;
	s4 =	sadd.s32 s4, s0  }
0xd: {  	s5 =	ssub.s32 $0x2, s3;
	s0 =	sadd.s32 $0x202A00, s0;
	s6 =	sor.u32 s3, s6  }
0xe: {  	s3 =	sshll.u32 s3, $0x10;
	[dreg:$0x4] =	wrdreg s0;
	s29 =	sshll.u32 s6, $0x4  }
0xf: {  	s28 =	sshrl.u32 s5, $0x1;
	s3 =	sadd.s32 s3, s4;
	s1 =	sadd.s32 s1, s29  }
0x10: {  	v0 =	vlaneseq.u32;
	s30 =	sshll.u32 s6, $0x9;
	s31 =	sadd.s32 $0x2A00, s3;
	[dreg:$0x5] =	wrdreg s1  }
0x11: {  	v1 =	vmul.u32 $0x80, v0;
	s0 =	ssub.s32 s5, s28;
	s1 =	sadd.s32 s2, s30;
	[dreg:$0x8] =	wrdreg s31  }
0x12: {  	s6 =	simm.s32 $0x1880;
	s0 =	smax.u32 s0, $0x1;
	[dreg:$0x6] =	wrdreg s1  }
0x13: {  	v3 =	vor.u32 $0x10, v0;
	v2 =	vor.u32 $0x800, v1;
	s2 =	simm.s32 $0x2;
	[dreg:$0x7] =	wrdreg s0;
	s1 =	simm.s32 $0x0  }
.LBB2_1:
0x14: {  	[dreg:$0x9] =	wrdreg s1  }
0x15: {  	s4 =	simm.s32 $0x0;
	s0 =	rddreg [dreg:$0x5]  }
0x16: {  	[tilespmem:s4], [sflag:$0x2] =	stream.linear.gather [hbm4b:s0+s4], $0x80, $0x38;
	[tilespmem:$0x11880] =	vst v63  }
0x17: {  	_ =	swait.ge [sflag:s2], $0x80  }
0x18: {  	[sflag:s2] =	ssyncset.done $0x0  }
0x19: {  	s5 =	rddreg [dreg:$0x4];
	[sflag:s2] =	ssyncadd.s32 $0xFFFFFF80  }
0x1a: {  	[tilespmem:s9], [sflag:$0x2] =	stream.linear.gather [hbm4b:s5+s4], $0x800, $0x38;
	[tilespmem:$0x11880] =	vst v63  }
0x1b: {  	_ =	swait.ge [sflag:s2], $0x800  }
0x1c: {  	[sflag:s2] =	ssyncset.done $0x0  }
0x1d: {  	s7 =	simm.s32 $0x0;
	[sflag:s2] =	ssyncadd.s32 $0xFFFFF800  }
0x1e: {  	v4 =	vld [tilespmem:s7+$0x0];
	_ =	sdelay $0x4  }
0x1f: {  	(v2sf) =	vpush v4, $0x0;
	_ =	sdelay $0x2  }
0x20: {  	(v2sf) =	vpush v4, $0x1  }
0x21: {  	(v2sf) =	vpush v4, $0x2  }
0x22: {  	(v2sf) =	vpush v4, $0x3;
	_ =	sdelay $0x7  }
0x23: {  	s7 =	rddreg [dreg:$0x8]  }
0x24: {  	[tilespmem:s10], [sflag:$0x1] =	stream.linear.gather [hbm4b:s7+s4], $0x10000, $0x38;
	[tilespmem:$0x11880] =	vst v63  }
0x25: {  	s23 =	spop (v2sf)  }
0x26: {  	p0 =	sgt.s32 s23, $0xF4200;
	s0 =	smov.u32 s23  }
0x27: {  	(v2sf) =	vpush v4, $0x4;
	s0 =	simm.s32 @!p0 $0xF4200  }
0x28: {  	(v2sf) =	vpush v4, $0x5;
	s28 =	sand.u32 $0x7F, s23;
	s3 =	spop (v2sf);
	s0 =	sshll.u32 s0, $0x5  }
0x29: {  	(v2sf) =	vpush v4, $0x6;
	v5 =	vor.u32 s28, v1;
	s4 =	spop (v2sf);
	s5 =	sadd.s32 $0xFE17C000, s0  }
0x2a: {  	(v2sf) =	vpush v4, $0x7;
	s29 =	spop (v2sf);
	v6 =	vor.u32 s5, v0  }
0x2b: {  	_ =	swait.ge [sflag:s11], $0x10000  }
0x2c: {  	[sflag:s11] =	ssyncset.done $0x0  }
0x2d: {  	[sflag:s11] =	ssyncadd.s32 $0xFFFF0000  }
0x2e: {  	v5 =	vld.idx.msk [tilespmem:v5+s10+$0x0], $0xffff  }
0x2f: {  	v6 =	vld.idx.msk [tilespmem:v6+s9+$0x0], $0xffff;
	_ =	sdelay $0x1  }
0x30: {  	v7 =	vor.u32 s28, v2  }
0x31: {  	v8 =	vor.u32 s5, v3  }
0x32: {  	p2 =	sgt.s32 s23, $0xF41FF  }
0x33: {  	s30 =	simm.s32 $0x10980;
	v5 =	vpsel p2, v6, v5  }
0x34: {  	[tilespmem:s30+$0xFFFFFF00] =	vst v5  }
0x35: {  	p1 =	sgt.s32 s3, $0xF4200;
	s1 =	smov.u32 s3;
	v5 =	vld.idx.msk [tilespmem:v7+s10+$0x0], $0xffff  }
0x36: {  	s1 =	simm.s32 @!p1 $0xF4200;
	v6 =	vld.idx.msk [tilespmem:v8+s9+$0x0], $0xffff  }
0x37: {  	s1 =	sshll.u32 s1, $0x5;
	s5 =	sand.u32 $0x7F, s3  }
0x38: {  	s1 =	sadd.s32 $0xFE17C000, s1;
	v7 =	vor.u32 s5, v1  }
0x39: {  	v8 =	vor.u32 s1, v0;
	_ =	sdelay $0x1  }
0x3a: {  	v5 =	vpsel p2, v6, v5  }
0x3b: {  	[tilespmem:s30+$0xFFFFFF10] =	vst v5  }
0x3c: {  	v5 =	vld.idx.msk [tilespmem:v7+s6+$0x0], $0xffff  }
0x3d: {  	v6 =	vld.idx.msk [tilespmem:v8+s9+$0x0], $0xffff;
	_ =	sdelay $0x1  }
0x3e: {  	v7 =	vor.u32 s5, v2  }
0x3f: {  	v8 =	vor.u32 s1, v3  }
0x40: {  	p3 =	sgt.s32 s3, $0xF41FF  }
0x41: {  	v5 =	vpsel p3, v6, v5  }
0x42: {  	[tilespmem:s30+$0xFFFFFF20] =	vst v5  }
0x43: {  	p1 =	sgt.s32 s4, $0xF4200;
	s1 =	smov.u32 s4;
	v5 =	vld.idx.msk [tilespmem:v7+s6+$0x0], $0xffff  }
0x44: {  	s1 =	simm.s32 @!p1 $0xF4200;
	v6 =	vld.idx.msk [tilespmem:v8+s9+$0x0], $0xffff  }
0x45: {  	s1 =	sshll.u32 s1, $0x5;
	s6 =	sand.u32 $0x7F, s4  }
0x46: {  	s1 =	sadd.s32 $0xFE17C000, s1;
	v7 =	vor.u32 s6, v1  }
0x47: {  	v8 =	vor.u32 s1, v0;
	_ =	sdelay $0x1  }
0x48: {  	v5 =	vpsel p3, v6, v5  }
0x49: {  	[tilespmem:s30+$0xFFFFFF30] =	vst v5  }
0x4a: {  	v5 =	vld.idx.msk [tilespmem:v7+s21+$0x0], $0xffff  }
0x4b: {  	v6 =	vld.idx.msk [tilespmem:v8+s9+$0x0], $0xffff;
	_ =	sdelay $0x1  }
0x4c: {  	v7 =	vor.u32 s6, v2  }
0x4d: {  	v8 =	vor.u32 s1, v3  }
0x4e: {  	p4 =	sgt.s32 s4, $0xF41FF  }
0x4f: {  	v5 =	vpsel p4, v6, v5  }
0x50: {  	[tilespmem:s30+$0xFFFFFF40] =	vst v5  }
0x51: {  	p1 =	sgt.s32 s29, $0xF4200;
	s1 =	smov.u32 s29;
	v5 =	vld.idx.msk [tilespmem:v7+s21+$0x0], $0xffff  }
0x52: {  	s1 =	simm.s32 @!p1 $0xF4200;
	v6 =	vld.idx.msk [tilespmem:v8+s9+$0x0], $0xffff  }
0x53: {  	s1 =	sshll.u32 s1, $0x5;
	s21 =	sand.u32 $0x7F, s29  }
0x54: {  	s1 =	sadd.s32 $0xFE17C000, s1;
	v7 =	vor.u32 s21, v1  }
0x55: {  	v8 =	vor.u32 s1, v0;
	_ =	sdelay $0x1  }
0x56: {  	v5 =	vpsel p4, v6, v5  }
0x57: {  	[tilespmem:s30+$0xFFFFFF50] =	vst v5  }
0x58: {  	v5 =	vld.idx.msk [tilespmem:v7+s18+$0x0], $0xffff  }
0x59: {  	v6 =	vld.idx.msk [tilespmem:v8+s9+$0x0], $0xffff;
	_ =	sdelay $0x1  }
0x5a: {  	v7 =	vor.u32 s21, v2  }
0x5b: {  	v8 =	vor.u32 s1, v3  }
0x5c: {  	p5 =	sgt.s32 s29, $0xF41FF  }
0x5d: {  	v5 =	vpsel p5, v6, v5  }
0x5e: {  	s23 =	spop (v2sf);
	[tilespmem:s30+$0xFFFFFF60] =	vst v5  }
0x5f: {  	p1 =	sgt.s32 s23, $0xF4200;
	s1 =	smov.u32 s23;
	v5 =	vld.idx.msk [tilespmem:v7+s18+$0x0], $0xffff  }
0x60: {  	s1 =	simm.s32 @!p1 $0xF4200;
	v6 =	vld.idx.msk [tilespmem:v8+s9+$0x0], $0xffff  }
0x61: {  	s28 =	sand.u32 $0x7F, s23;
	s1 =	sshll.u32 s1, $0x5  }
0x62: {  	s1 =	sadd.s32 $0xFE17C000, s1;
	v7 =	vor.u32 s28, v1  }
0x63: {  	v8 =	vor.u32 s1, v0;
	_ =	sdelay $0x1  }
0x64: {  	v5 =	vpsel p5, v6, v5  }
0x65: {  	[tilespmem:s30+$0xFFFFFF70] =	vst v5  }
0x66: {  	v5 =	vld.idx.msk [tilespmem:v7+s13+$0x0], $0xffff  }
0x67: {  	v6 =	vld.idx.msk [tilespmem:v8+s9+$0x0], $0xffff;
	_ =	sdelay $0x1  }
0x68: {  	v7 =	vor.u32 s28, v2  }
0x69: {  	v8 =	vor.u32 s1, v3  }
0x6a: {  	p6 =	sgt.s32 s23, $0xF41FF  }
0x6b: {  	v5 =	vpsel p6, v6, v5  }
0x6c: {  	s29 =	spop (v2sf);
	[tilespmem:s30+$0xFFFFFF80] =	vst v5  }
0x6d: {  	p1 =	sgt.s32 s29, $0xF4200;
	s1 =	smov.u32 s29;
	v5 =	vld.idx.msk [tilespmem:v7+s13+$0x0], $0xffff  }
0x6e: {  	s1 =	simm.s32 @!p1 $0xF4200;
	v6 =	vld.idx.msk [tilespmem:v8+s9+$0x0], $0xffff  }
0x6f: {  	s3 =	sand.u32 $0x7F, s29;
	s1 =	sshll.u32 s1, $0x5  }
0x70: {  	s1 =	sadd.s32 $0xFE17C000, s1;
	v7 =	vor.u32 s3, v1  }
0x71: {  	v8 =	vor.u32 s1, v0;
	_ =	sdelay $0x1  }
0x72: {  	v5 =	vpsel p6, v6, v5  }
0x73: {  	[tilespmem:s30+$0xFFFFFF90] =	vst v5  }
0x74: {  	v5 =	vld.idx.msk [tilespmem:v7+s12+$0x0], $0xffff  }
0x75: {  	v6 =	vld.idx.msk [tilespmem:v8+s9+$0x0], $0xffff;
	_ =	sdelay $0x1  }
0x76: {  	v7 =	vor.u32 s3, v2  }
0x77: {  	v8 =	vor.u32 s1, v3  }
0x78: {  	p2 =	sgt.s32 s29, $0xF41FF  }
0x79: {  	v5 =	vpsel p2, v6, v5  }
0x7a: {  	s4 =	spop (v2sf);
	[tilespmem:s30+$0xFFFFFFA0] =	vst v5  }
0x7b: {  	p1 =	sgt.s32 s4, $0xF4200;
	s1 =	smov.u32 s4;
	v5 =	vld.idx.msk [tilespmem:v7+s12+$0x0], $0xffff  }
0x7c: {  	s1 =	simm.s32 @!p1 $0xF4200;
	v6 =	vld.idx.msk [tilespmem:v8+s9+$0x0], $0xffff  }
0x7d: {  	s5 =	sand.u32 $0x7F, s4;
	s1 =	sshll.u32 s1, $0x5  }
0x7e: {  	s1 =	sadd.s32 $0xFE17C000, s1;
	v7 =	vor.u32 s5, v1  }
0x7f: {  	v8 =	vor.u32 s1, v0;
	_ =	sdelay $0x1  }
0x80: {  	v5 =	vpsel p2, v6, v5  }
0x81: {  	[tilespmem:s30+$0xFFFFFFB0] =	vst v5  }
0x82: {  	v5 =	vld.idx.msk [tilespmem:v7+s8+$0x0], $0xffff  }
0x83: {  	v6 =	vld.idx.msk [tilespmem:v8+s9+$0x0], $0xffff;
	_ =	sdelay $0x1  }
0x84: {  	v7 =	vor.u32 s5, v2  }
0x85: {  	v8 =	vor.u32 s1, v3  }
0x86: {  	p3 =	sgt.s32 s4, $0xF41FF  }
0x87: {  	v5 =	vpsel p3, v6, v5  }
0x88: {  	s6 =	spop (v2sf);
	[tilespmem:s30+$0xFFFFFFC0] =	vst v5  }
0x89: {  	(v2sf) =	vpush v4, $0x8;
	p1 =	sgt.s32 s6, $0xF4200;
	s1 =	smov.u32 s6;
	v5 =	vld.idx.msk [tilespmem:v7+s8+$0x0], $0xffff  }
0x8a: {  	s1 =	simm.s32 @!p1 $0xF4200;
	v6 =	vld.idx.msk [tilespmem:v8+s9+$0x0], $0xffff  }
0x8b: {  	s12 =	sand.u32 $0x7F, s6;
	s1 =	sshll.u32 s1, $0x5  }
0x8c: {  	s1 =	sadd.s32 $0xFE17C000, s1;
	v7 =	vor.u32 s12, v1  }
0x8d: {  	v8 =	vor.u32 s1, v0;
	_ =	sdelay $0x1  }
0x8e: {  	v5 =	vpsel p3, v6, v5  }
0x8f: {  	[tilespmem:s30+$0xFFFFFFD0] =	vst v5  }
0x90: {  	v5 =	vld.idx.msk [tilespmem:v7+s14+$0x0], $0xffff  }
0x91: {  	v6 =	vld.idx.msk [tilespmem:v8+s9+$0x0], $0xffff;
	_ =	sdelay $0x1  }
0x92: {  	v7 =	vor.u32 s12, v2  }
0x93: {  	v8 =	vor.u32 s1, v3  }
0x94: {  	p4 =	sgt.s32 s6, $0xF41FF  }
0x95: {  	v5 =	vpsel p4, v6, v5  }
0x96: {  	s0 =	spop (v2sf);
	[tilespmem:s30+$0xFFFFFFE0] =	vst v5  }
0x97: {  	(v2sf) =	vpush v4, $0x9;
	p2 =	sgt.s32 s0, $0xF4200;
	v5 =	vld.idx.msk [tilespmem:v7+s14+$0x0], $0xffff  }
0x98: {  	p5 =	sgt.s32 s0, $0xF41FF;
	s13 =	sand.u32 $0x7F, s0;
	s0 =	simm.s32 @!p2 $0xF4200;
	v6 =	vld.idx.msk [tilespmem:v8+s9+$0x0], $0xffff  }
0x99: {  	s0 =	sshll.u32 s0, $0x5  }
0x9a: {  	s0 =	sadd.s32 $0xFE17C000, s0;
	v7 =	vor.u32 s13, v1  }
0x9b: {  	v8 =	vor.u32 s0, v0;
	_ =	sdelay $0x1  }
0x9c: {  	v5 =	vpsel p4, v6, v5  }
0x9d: {  	[tilespmem:s30+$0xFFFFFFF0] =	vst v5  }
0x9e: {  	v5 =	vld.idx.msk [tilespmem:v7+s15+$0x0], $0xffff  }
0x9f: {  	v6 =	vld.idx.msk [tilespmem:v8+s9+$0x0], $0xffff;
	_ =	sdelay $0x1  }
0xa0: {  	v7 =	vor.u32 s13, v2  }
0xa1: {  	v8 =	vor.u32 s0, v3;
	_ =	sdelay $0x1  }
0xa2: {  	v5 =	vpsel p5, v6, v5  }
0xa3: {  	s0 =	spop (v2sf);
	[tilespmem:s30+$0x0] =	vst v5  }
0xa4: {  	(v2sf) =	vpush v4, $0xA;
	p2 =	sgt.s32 s0, $0xF4200;
	v5 =	vld.idx.msk [tilespmem:v7+s15+$0x0], $0xffff  }
0xa5: {  	p6 =	sgt.s32 s0, $0xF41FF;
	s14 =	sand.u32 $0x7F, s0;
	s0 =	simm.s32 @!p2 $0xF4200;
	v6 =	vld.idx.msk [tilespmem:v8+s9+$0x0], $0xffff  }
0xa6: {  	s0 =	sshll.u32 s0, $0x5  }
0xa7: {  	s0 =	sadd.s32 $0xFE17C000, s0;
	v7 =	vor.u32 s14, v1  }
0xa8: {  	v8 =	vor.u32 s0, v0;
	_ =	sdelay $0x1  }
0xa9: {  	v5 =	vpsel p5, v6, v5  }
0xaa: {  	[tilespmem:s30+$0x10] =	vst v5  }
0xab: {  	v5 =	vld.idx.msk [tilespmem:v7+s16+$0x0], $0xffff  }
0xac: {  	v6 =	vld.idx.msk [tilespmem:v8+s9+$0x0], $0xffff;
	_ =	sdelay $0x1  }
0xad: {  	v7 =	vor.u32 s14, v2  }
0xae: {  	v8 =	vor.u32 s0, v3;
	_ =	sdelay $0x1  }
0xaf: {  	v5 =	vpsel p6, v6, v5  }
0xb0: {  	s0 =	spop (v2sf);
	[tilespmem:s30+$0x20] =	vst v5  }
0xb1: {  	(v2sf) =	vpush v4, $0xB;
	p2 =	sgt.s32 s0, $0xF4200;
	v5 =	vld.idx.msk [tilespmem:v7+s16+$0x0], $0xffff  }
0xb2: {  	p3 =	sgt.s32 s0, $0xF41FF;
	s15 =	sand.u32 $0x7F, s0;
	s0 =	simm.s32 @!p2 $0xF4200;
	v6 =	vld.idx.msk [tilespmem:v8+s9+$0x0], $0xffff  }
0xb3: {  	s0 =	sshll.u32 s0, $0x5  }
0xb4: {  	s0 =	sadd.s32 $0xFE17C000, s0;
	v7 =	vor.u32 s15, v1  }
0xb5: {  	v8 =	vor.u32 s0, v0;
	_ =	sdelay $0x1  }
0xb6: {  	v5 =	vpsel p6, v6, v5  }
0xb7: {  	[tilespmem:s30+$0x30] =	vst v5  }
0xb8: {  	v5 =	vld.idx.msk [tilespmem:v7+s17+$0x0], $0xffff  }
0xb9: {  	v6 =	vld.idx.msk [tilespmem:v8+s9+$0x0], $0xffff;
	_ =	sdelay $0x1  }
0xba: {  	v7 =	vor.u32 s15, v2  }
0xbb: {  	v8 =	vor.u32 s0, v3;
	_ =	sdelay $0x1  }
0xbc: {  	v5 =	vpsel p3, v6, v5  }
0xbd: {  	s0 =	spop (v2sf);
	[tilespmem:s30+$0x40] =	vst v5  }
0xbe: {  	(v2sf) =	vpush v4, $0xC;
	p2 =	sgt.s32 s0, $0xF4200;
	v5 =	vld.idx.msk [tilespmem:v7+s17+$0x0], $0xffff  }
0xbf: {  	p4 =	sgt.s32 s0, $0xF41FF;
	s18 =	sand.u32 $0x7F, s0;
	s0 =	simm.s32 @!p2 $0xF4200;
	v6 =	vld.idx.msk [tilespmem:v8+s9+$0x0], $0xffff  }
0xc0: {  	s0 =	sshll.u32 s0, $0x5  }
0xc1: {  	s0 =	sadd.s32 $0xFE17C000, s0;
	v7 =	vor.u32 s18, v1  }
0xc2: {  	v8 =	vor.u32 s0, v0;
	_ =	sdelay $0x1  }
0xc3: {  	v5 =	vpsel p3, v6, v5  }
0xc4: {  	[tilespmem:s30+$0x50] =	vst v5  }
0xc5: {  	v5 =	vld.idx.msk [tilespmem:v7+s19+$0x0], $0xffff  }
0xc6: {  	v6 =	vld.idx.msk [tilespmem:v8+s9+$0x0], $0xffff;
	_ =	sdelay $0x1  }
0xc7: {  	v7 =	vor.u32 s18, v2  }
0xc8: {  	v8 =	vor.u32 s0, v3;
	_ =	sdelay $0x1  }
0xc9: {  	v5 =	vpsel p4, v6, v5  }
0xca: {  	s0 =	spop (v2sf);
	[tilespmem:s30+$0x60] =	vst v5  }
0xcb: {  	(v2sf) =	vpush v4, $0xD;
	p0 =	sgt.s32 s0, $0xF4200;
	v5 =	vld.idx.msk [tilespmem:v7+s19+$0x0], $0xffff  }
0xcc: {  	p5 =	sgt.s32 s0, $0xF41FF;
	s21 =	sand.u32 $0x7F, s0;
	s0 =	simm.s32 @!p0 $0xF4200;
	v6 =	vld.idx.msk [tilespmem:v8+s9+$0x0], $0xffff  }
0xcd: {  	s0 =	sshll.u32 s0, $0x5  }
0xce: {  	s0 =	sadd.s32 $0xFE17C000, s0;
	v7 =	vor.u32 s21, v1  }
0xcf: {  	v8 =	vor.u32 s0, v0;
	_ =	sdelay $0x1  }
0xd0: {  	v5 =	vpsel p4, v6, v5  }
0xd1: {  	[tilespmem:s30+$0x70] =	vst v5  }
0xd2: {  	v5 =	vld.idx.msk [tilespmem:v7+s20+$0x0], $0xffff  }
0xd3: {  	v6 =	vld.idx.msk [tilespmem:v8+s9+$0x0], $0xffff;
	_ =	sdelay $0x1  }
0xd4: {  	v7 =	vor.u32 s21, v2  }
0xd5: {  	v8 =	vor.u32 s0, v3;
	_ =	sdelay $0x1  }
0xd6: {  	v5 =	vpsel p5, v6, v5  }
0xd7: {  	s0 =	spop (v2sf);
	[tilespmem:s30+$0x80] =	vst v5  }
0xd8: {  	(v2sf) =	vpush v4, $0xE;
	p1 =	sgt.s32 s0, $0xF4200;
	v5 =	vld.idx.msk [tilespmem:v7+s20+$0x0], $0xffff  }
0xd9: {  	p6 =	sgt.s32 s0, $0xF41FF;
	s23 =	sand.u32 $0x7F, s0;
	s0 =	simm.s32 @!p1 $0xF4200;
	v6 =	vld.idx.msk [tilespmem:v8+s9+$0x0], $0xffff  }
0xda: {  	s0 =	sshll.u32 s0, $0x5  }
0xdb: {  	v7 =	vor.u32 s23, v1;
	s0 =	sadd.s32 $0xFE17C000, s0  }
0xdc: {  	v8 =	vor.u32 s0, v0;
	_ =	sdelay $0x1  }
0xdd: {  	v5 =	vpsel p5, v6, v5  }
0xde: {  	(v2sf) =	vpush v4, $0xF;
	[tilespmem:s30+$0x90] =	vst v5  }
0xdf: {  	v4 =	vld.idx.msk [tilespmem:v7+s22+$0x0], $0xffff  }
0xe0: {  	v5 =	vld.idx.msk [tilespmem:v8+s9+$0x0], $0xffff;
	_ =	sdelay $0x1  }
0xe1: {  	v6 =	vor.u32 s23, v2  }
0xe2: {  	v7 =	vor.u32 s0, v3;
	_ =	sdelay $0x1  }
0xe3: {  	v4 =	vpsel p6, v5, v4  }
0xe4: {  	s0 =	spop (v2sf);
	[tilespmem:s30+$0xA0] =	vst v4  }
0xe5: {  	p2 =	sgt.s32 s0, $0xF4200;
	v4 =	vld.idx.msk [tilespmem:v6+s22+$0x0], $0xffff  }
0xe6: {  	p1 =	sgt.s32 s0, $0xF41FF;
	s28 =	sand.u32 $0x7F, s0;
	s0 =	simm.s32 @!p2 $0xF4200;
	v5 =	vld.idx.msk [tilespmem:v7+s9+$0x0], $0xffff  }
0xe7: {  	s0 =	sshll.u32 s0, $0x5  }
0xe8: {  	s29 =	sadd.s32 $0xFE17C000, s0;
	v6 =	vor.u32 s28, v1  }
0xe9: {  	v7 =	vor.u32 s29, v0;
	_ =	sdelay $0x1  }
0xea: {  	s4 =	spop (v2sf);
	v4 =	vpsel p6, v5, v4  }
0xeb: {  	p0 =	sgt.s32 s4, $0xF4200;
	[tilespmem:s30+$0xB0] =	vst v4  }
0xec: {  	p2 =	sgt.s32 s4, $0xF41FF;
	s1 =	sand.u32 $0x7F, s4;
	s4 =	simm.s32 @!p0 $0xF4200;
	v6 =	vld.idx.msk [tilespmem:v6+s25+$0x0], $0xffff  }
0xed: {  	s31 =	simm.s32 $0x10980;
	s0 =	simm.s32 $0x40;
	s2 =	sshll.u32 s4, $0x5;
	v5 =	vor.u32 s29, v3;
	v4 =	vor.u32 s28, v2;
	v7 =	vld.idx.msk [tilespmem:v7+s9+$0x0], $0xffff  }
.LBB2_2:
0xee: {  	_ = 	snop  }
0xef: {  	p0 =	sne.s32 s0, $0x1C0;
	s7 =	sadd.s32 $0x2000, s7;
	s30 =	sadd.s32 $0x200, s30  }
0xf0: {  	s3 =	smov.u32 s0;
	s0 =	sadd.s32 $0x40, s0;
	_ =	sdelay $0x1  }
0xf1: {  	v6 =	vpsel p1, v7, v6  }
0xf2: {  	[tilespmem:s31+$0xC0] =	vst v6  }
0xf3: {  	v4 =	vld.idx.msk [tilespmem:v4+s25+$0x0], $0xffff  }
0xf4: {  	v5 =	vld.idx.msk [tilespmem:v5+s9+$0x0], $0xffff;
	_ =	sdelay $0x1  }
0xf5: {  	s2 =	sadd.s32 $0xFE17C000, s2  }
0xf6: {  	v7 =	vor.u32 s2, v0;
	v6 =	vor.u32 s1, v1;
	_ =	sdelay $0x2  }
0xf7: {  	v4 =	vpsel p1, v5, v4  }
0xf8: {  	[tilespmem:s31+$0xD0] =	vst v4  }
0xf9: {  	v4 =	vld.idx.msk [tilespmem:v6+s26+$0x0], $0xffff  }
0xfa: {  	v5 =	vld.idx.msk [tilespmem:v7+s9+$0x0], $0xffff;
	_ =	sdelay $0x2  }
0xfb: {  	v6 =	vor.u32 s1, v2;
	v7 =	vor.u32 s2, v3;
	_ =	sdelay $0x2  }
0xfc: {  	v4 =	vpsel p2, v5, v4  }
0xfd: {  	[tilespmem:s31+$0xE0] =	vst v4  }
0xfe: {  	v4 =	vld.idx.msk [tilespmem:v6+s26+$0x0], $0xffff  }
0xff: {  	v5 =	vld.idx.msk [tilespmem:v7+s9+$0x0], $0xffff;
	_ =	sdelay $0x5  }
0x100: {  	v4 =	vpsel p2, v5, v4  }
0x101: {  	s1 =	sshra.s32 s3, $0x2;
	[tilespmem:s31+$0xF0] =	vst v4;
	s31 =	smov.u32 s30  }
0x102: {  	v4 =	vld [tilespmem:s1+$0x0];
	s1 =	simm.s32 $0x0  }
0x103: {  	[tilespmem:s10], [sflag:$0x1] =	stream.linear.gather [hbm4b:s7+s1], $0x10000, $0x38;
	[tilespmem:$0x11880] =	vst v63  }
0x104: {  	_ =	sdelay $0x2  }
0x105: {  	(v2sf) =	vpush v4, $0x0  }
0x106: {  	(v2sf) =	vpush v4, $0x1;
	_ =	sdelay $0x1  }
0x107: {  	(v2sf) =	vpush v4, $0x2;
	_ =	sdelay $0x1  }
0x108: {  	(v2sf) =	vpush v4, $0x3;
	_ =	sdelay $0x2  }
0x109: {  	(v2sf) =	vpush v4, $0x4  }
0x10a: {  	(v2sf) =	vpush v4, $0x5;
	_ =	sdelay $0x1  }
0x10b: {  	(v2sf) =	vpush v4, $0x6;
	_ =	sdelay $0x1  }
0x10c: {  	(v2sf) =	vpush v4, $0x7;
	_ =	sdelay $0x1  }
0x10d: {  	s5 =	spop (v2sf)  }
0x10e: {  	p1 =	sgt.s32 s5, $0xF4200;
	s20 =	spop (v2sf);
	s1 =	smov.u32 s5  }
0x10f: {  	s3 =	sand.u32 $0x7F, s5;
	s1 =	simm.s32 @!p1 $0xF4200;
	s21 =	sand.u32 $0x7F, s20  }
0x110: {  	v5 =	vor.u32 s3, v1;
	p1 =	sgt.s32 s20, $0xF4200;
	s2 =	smov.u32 s20;
	s1 =	sshll.u32 s1, $0x5  }
0x111: {  	s2 =	simm.s32 @!p1 $0xF4200;
	s17 =	spop (v2sf);
	s8 =	sadd.s32 $0xFE17C000, s1  }
0x112: {  	s23 =	sshll.u32 s2, $0x5;
	p1 =	sgt.s32 s17, $0xF4200;
	s1 =	smov.u32 s17  }
0x113: {  	s18 =	sand.u32 $0x7F, s17;
	v6 =	vor.u32 s8, v0;
	s1 =	simm.s32 @!p1 $0xF4200;
	s14 =	spop (v2sf)  }
0x114: {  	_ =	swait.ge [sflag:s11], $0x10000  }
0x115: {  	s22 =	sshll.u32 s1, $0x5;
	p1 =	sgt.s32 s14, $0xF4200;
	s1 =	smov.u32 s14  }
0x116: {  	s15 =	sand.u32 $0x7F, s14;
	[sflag:s11] =	ssyncset.done $0x0;
	s1 =	simm.s32 @!p1 $0xF4200  }
0x117: {  	s13 =	spop (v2sf)  }
0x118: {  	[sflag:s11] =	ssyncadd.s32 $0xFFFF0000;
	s19 =	sshll.u32 s1, $0x5;
	s2 =	sand.u32 $0x7F, s13  }
0x119: {  	v5 =	vld.idx.msk [tilespmem:v5+s10+$0x0], $0xffff;
	p1 =	sgt.s32 s13, $0xF4200;
	s29 =	spop (v2sf);
	s4 =	smov.u32 s13  }
0x11a: {  	v6 =	vld.idx.msk [tilespmem:v6+s9+$0x0], $0xffff;
	s4 =	simm.s32 @!p1 $0xF4200;
	s1 =	sand.u32 $0x7F, s29;
	p1 =	sgt.s32 s29, $0xF4200  }
0x11b: {  	s16 =	sshll.u32 s4, $0x5;
	s4 =	smov.u32 s29;
	s6 =	spop (v2sf)  }
0x11c: {  	v8 =	vor.u32 s8, v3;
	s4 =	simm.s32 @!p1 $0xF4200;
	p1 =	sgt.s32 s6, $0xF4200;
	s8 =	smov.u32 s6  }
0x11d: {  	s12 =	sshll.u32 s4, $0x5;
	s4 =	sand.u32 $0x7F, s6;
	s8 =	simm.s32 @!p1 $0xF4200  }
0x11e: {  	v7 =	vor.u32 s3, v2;
	p1 =	sgt.s32 s5, $0xF41FF;
	s3 =	spop (v2sf);
	s8 =	sshll.u32 s8, $0x5  }
0x11f: {  	s28 =	sand.u32 $0x7F, s3;
	p2 =	sgt.s32 s3, $0xF4200;
	s5 =	smov.u32 s3  }
0x120: {  	s5 =	simm.s32 @!p2 $0xF4200  }
0x121: {  	v5 =	vpsel p1, v6, v5;
	s5 =	sshll.u32 s5, $0x5  }
0x122: {  	[tilespmem:s30+$0xFFFFFF00] =	vst v5  }
0x123: {  	v5 =	vld.idx.msk [tilespmem:v7+s10+$0x0], $0xffff  }
0x124: {  	v6 =	vld.idx.msk [tilespmem:v8+s9+$0x0], $0xffff;
	_ =	sdelay $0x1  }
0x125: {  	s23 =	sadd.s32 $0xFE17C000, s23  }
0x126: {  	v7 =	vor.u32 s21, v1;
	v8 =	vor.u32 s23, v0;
	_ =	sdelay $0x2  }
0x127: {  	v5 =	vpsel p1, v6, v5  }
0x128: {  	[tilespmem:s30+$0xFFFFFF10] =	vst v5  }
0x129: {  	v5 =	vld.idx.msk [tilespmem:v7+s24+$0x0], $0xffff  }
0x12a: {  	v6 =	vld.idx.msk [tilespmem:v8+s9+$0x0], $0xffff;
	_ =	sdelay $0x2  }
0x12b: {  	p1 =	sgt.s32 s20, $0xF41FF;
	v7 =	vor.u32 s21, v2;
	s21 =	simm.s32 $0x2880;
	v8 =	vor.u32 s23, v3;
	_ =	sdelay $0x2  }
0x12c: {  	v5 =	vpsel p1, v6, v5  }
0x12d: {  	[tilespmem:s30+$0xFFFFFF20] =	vst v5  }
0x12e: {  	v5 =	vld.idx.msk [tilespmem:v7+s24+$0x0], $0xffff  }
0x12f: {  	v6 =	vld.idx.msk [tilespmem:v8+s9+$0x0], $0xffff;
	_ =	sdelay $0x1  }
0x130: {  	s20 =	sadd.s32 $0xFE17C000, s22;
	s22 =	simm.s32 $0xD880  }
0x131: {  	v7 =	vor.u32 s18, v1;
	v8 =	vor.u32 s20, v0;
	_ =	sdelay $0x2  }
0x132: {  	v5 =	vpsel p1, v6, v5  }
0x133: {  	[tilespmem:s30+$0xFFFFFF30] =	vst v5  }
0x134: {  	v5 =	vld.idx.msk [tilespmem:v7+s21+$0x0], $0xffff  }
0x135: {  	v6 =	vld.idx.msk [tilespmem:v8+s9+$0x0], $0xffff  }
0x136: {  	p1 =	sgt.s32 s17, $0xF41FF;
	_ =	sdelay $0x1  }
0x137: {  	v7 =	vor.u32 s18, v2;
	s18 =	simm.s32 $0x3880;
	v8 =	vor.u32 s20, v3;
	s20 =	simm.s32 $0xC880;
	_ =	sdelay $0x2  }
0x138: {  	v5 =	vpsel p1, v6, v5  }
0x139: {  	[tilespmem:s30+$0xFFFFFF40] =	vst v5  }
0x13a: {  	v5 =	vld.idx.msk [tilespmem:v7+s21+$0x0], $0xffff  }
0x13b: {  	v6 =	vld.idx.msk [tilespmem:v8+s9+$0x0], $0xffff;
	_ =	sdelay $0x1  }
0x13c: {  	s17 =	sadd.s32 $0xFE17C000, s19;
	s19 =	simm.s32 $0xB880  }
0x13d: {  	v7 =	vor.u32 s15, v1;
	v8 =	vor.u32 s17, v0;
	_ =	sdelay $0x2  }
0x13e: {  	v5 =	vpsel p1, v6, v5  }
0x13f: {  	[tilespmem:s30+$0xFFFFFF50] =	vst v5  }
0x140: {  	p1 =	sgt.s32 s14, $0xF41FF;
	v5 =	vld.idx.msk [tilespmem:v7+s18+$0x0], $0xffff  }
0x141: {  	v6 =	vld.idx.msk [tilespmem:v8+s9+$0x0], $0xffff;
	_ =	sdelay $0x2  }
0x142: {  	v7 =	vor.u32 s15, v2;
	s15 =	simm.s32 $0x8880;
	v8 =	vor.u32 s17, v3;
	s17 =	simm.s32 $0xA880;
	_ =	sdelay $0x2  }
0x143: {  	v5 =	vpsel p1, v6, v5  }
0x144: {  	[tilespmem:s30+$0xFFFFFF60] =	vst v5  }
0x145: {  	v5 =	vld.idx.msk [tilespmem:v7+s18+$0x0], $0xffff  }
0x146: {  	v6 =	vld.idx.msk [tilespmem:v8+s9+$0x0], $0xffff;
	_ =	sdelay $0x1  }
0x147: {  	s14 =	sadd.s32 $0xFE17C000, s16;
	s16 =	simm.s32 $0x9880  }
0x148: {  	v7 =	vor.u32 s2, v1;
	v8 =	vor.u32 s14, v0;
	_ =	sdelay $0x2  }
0x149: {  	p2 =	sgt.s32 s13, $0xF41FF;
	s13 =	simm.s32 $0x4880;
	v5 =	vpsel p1, v6, v5  }
0x14a: {  	[tilespmem:s30+$0xFFFFFF70] =	vst v5  }
0x14b: {  	v5 =	vld.idx.msk [tilespmem:v7+s13+$0x0], $0xffff  }
0x14c: {  	v6 =	vld.idx.msk [tilespmem:v8+s9+$0x0], $0xffff;
	_ =	sdelay $0x2  }
0x14d: {  	v7 =	vor.u32 s2, v2;
	v8 =	vor.u32 s14, v3;
	s14 =	simm.s32 $0x7880;
	_ =	sdelay $0x2  }
0x14e: {  	v5 =	vpsel p2, v6, v5  }
0x14f: {  	[tilespmem:s30+$0xFFFFFF80] =	vst v5  }
0x150: {  	v5 =	vld.idx.msk [tilespmem:v7+s13+$0x0], $0xffff  }
0x151: {  	v6 =	vld.idx.msk [tilespmem:v8+s9+$0x0], $0xffff;
	_ =	sdelay $0x1  }
0x152: {  	s2 =	sadd.s32 $0xFE17C000, s12;
	s12 =	simm.s32 $0x5880  }
0x153: {  	v7 =	vor.u32 s1, v1;
	v8 =	vor.u32 s2, v0  }
0x154: {  	p1 =	sgt.s32 s29, $0xF41FF;
	_ =	sdelay $0x1  }
0x155: {  	v5 =	vpsel p2, v6, v5  }
0x156: {  	[tilespmem:s30+$0xFFFFFF90] =	vst v5  }
0x157: {  	v5 =	vld.idx.msk [tilespmem:v7+s12+$0x0], $0xffff  }
0x158: {  	v6 =	vld.idx.msk [tilespmem:v8+s9+$0x0], $0xffff;
	_ =	sdelay $0x2  }
0x159: {  	v7 =	vor.u32 s1, v2;
	v8 =	vor.u32 s2, v3;
	_ =	sdelay $0x2  }
0x15a: {  	v5 =	vpsel p1, v6, v5  }
0x15b: {  	[tilespmem:s30+$0xFFFFFFA0] =	vst v5  }
0x15c: {  	v5 =	vld.idx.msk [tilespmem:v7+s12+$0x0], $0xffff  }
0x15d: {  	v6 =	vld.idx.msk [tilespmem:v8+s9+$0x0], $0xffff;
	_ =	sdelay $0x1  }
0x15e: {  	p2 =	sgt.s32 s6, $0xF41FF;
	s1 =	sadd.s32 $0xFE17C000, s8;
	s8 =	simm.s32 $0x6880  }
0x15f: {  	v7 =	vor.u32 s4, v1;
	v8 =	vor.u32 s1, v0;
	_ =	sdelay $0x2  }
0x160: {  	v5 =	vpsel p1, v6, v5  }
0x161: {  	[tilespmem:s30+$0xFFFFFFB0] =	vst v5  }
0x162: {  	v5 =	vld.idx.msk [tilespmem:v7+s8+$0x0], $0xffff  }
0x163: {  	v6 =	vld.idx.msk [tilespmem:v8+s9+$0x0], $0xffff;
	_ =	sdelay $0x2  }
0x164: {  	v7 =	vor.u32 s4, v2;
	v8 =	vor.u32 s1, v3;
	_ =	sdelay $0x2  }
0x165: {  	v5 =	vpsel p2, v6, v5  }
0x166: {  	[tilespmem:s30+$0xFFFFFFC0] =	vst v5  }
0x167: {  	v5 =	vld.idx.msk [tilespmem:v7+s8+$0x0], $0xffff  }
0x168: {  	p1 =	sgt.s32 s3, $0xF41FF;
	v6 =	vld.idx.msk [tilespmem:v8+s9+$0x0], $0xffff;
	(v2sf) =	vpush v4, $0x8;
	_ =	sdelay $0x1  }
0x169: {  	s1 =	sadd.s32 $0xFE17C000, s5  }
0x16a: {  	v7 =	vor.u32 s28, v1;
	v8 =	vor.u32 s1, v0;
	_ =	sdelay $0x2  }
0x16b: {  	v5 =	vpsel p2, v6, v5  }
0x16c: {  	[tilespmem:s30+$0xFFFFFFD0] =	vst v5  }
0x16d: {  	v5 =	vld.idx.msk [tilespmem:v7+s14+$0x0], $0xffff  }
0x16e: {  	v6 =	vld.idx.msk [tilespmem:v8+s9+$0x0], $0xffff;
	_ =	sdelay $0x2  }
0x16f: {  	v7 =	vor.u32 s28, v2;
	v8 =	vor.u32 s1, v3;
	_ =	sdelay $0x2  }
0x170: {  	v5 =	vpsel p1, v6, v5;
	s1 =	spop (v2sf)  }
0x171: {  	[tilespmem:s30+$0xFFFFFFE0] =	vst v5;
	p2 =	sgt.s32 s1, $0xF41FF;
	s2 =	sand.u32 $0x7F, s1;
	p3 =	sgt.s32 s1, $0xF4200;
	(v2sf) =	vpush v4, $0x9  }
0x172: {  	v5 =	vld.idx.msk [tilespmem:v7+s14+$0x0], $0xffff;
	s1 =	simm.s32 @!p3 $0xF4200  }
0x173: {  	v6 =	vld.idx.msk [tilespmem:v8+s9+$0x0], $0xffff;
	s1 =	sshll.u32 s1, $0x5;
	_ =	sdelay $0x1  }
0x174: {  	s1 =	sadd.s32 $0xFE17C000, s1  }
0x175: {  	v7 =	vor.u32 s2, v1;
	v8 =	vor.u32 s1, v0;
	_ =	sdelay $0x2  }
0x176: {  	v5 =	vpsel p1, v6, v5  }
0x177: {  	[tilespmem:s30+$0xFFFFFFF0] =	vst v5  }
0x178: {  	v5 =	vld.idx.msk [tilespmem:v7+s15+$0x0], $0xffff  }
0x179: {  	v6 =	vld.idx.msk [tilespmem:v8+s9+$0x0], $0xffff;
	_ =	sdelay $0x2  }
0x17a: {  	v7 =	vor.u32 s2, v2;
	v8 =	vor.u32 s1, v3  }
0x17b: {  	s1 =	spop (v2sf)  }
0x17c: {  	p1 =	sgt.s32 s1, $0xF41FF;
	s2 =	sand.u32 $0x7F, s1;
	p3 =	sgt.s32 s1, $0xF4200;
	(v2sf) =	vpush v4, $0xA  }
0x17d: {  	v5 =	vpsel p2, v6, v5;
	s1 =	simm.s32 @!p3 $0xF4200  }
0x17e: {  	[tilespmem:s30+$0x0] =	vst v5;
	s1 =	sshll.u32 s1, $0x5  }
0x17f: {  	v5 =	vld.idx.msk [tilespmem:v7+s15+$0x0], $0xffff  }
0x180: {  	v6 =	vld.idx.msk [tilespmem:v8+s9+$0x0], $0xffff;
	_ =	sdelay $0x1  }
0x181: {  	s1 =	sadd.s32 $0xFE17C000, s1  }
0x182: {  	v7 =	vor.u32 s2, v1;
	v8 =	vor.u32 s1, v0;
	_ =	sdelay $0x2  }
0x183: {  	v5 =	vpsel p2, v6, v5  }
0x184: {  	[tilespmem:s30+$0x10] =	vst v5  }
0x185: {  	v5 =	vld.idx.msk [tilespmem:v7+s16+$0x0], $0xffff  }
0x186: {  	v6 =	vld.idx.msk [tilespmem:v8+s9+$0x0], $0xffff;
	_ =	sdelay $0x1  }
0x187: {  	s3 =	spop (v2sf)  }
0x188: {  	v7 =	vor.u32 s2, v2;
	v8 =	vor.u32 s1, v3;
	p2 =	sgt.s32 s3, $0xF41FF;
	s1 =	sand.u32 $0x7F, s3;
	p3 =	sgt.s32 s3, $0xF4200;
	(v2sf) =	vpush v4, $0xB  }
0x189: {  	s3 =	simm.s32 @!p3 $0xF4200  }
0x18a: {  	s2 =	sshll.u32 s3, $0x5  }
0x18b: {  	v5 =	vpsel p1, v6, v5  }
0x18c: {  	[tilespmem:s30+$0x20] =	vst v5  }
0x18d: {  	v5 =	vld.idx.msk [tilespmem:v7+s16+$0x0], $0xffff  }
0x18e: {  	v6 =	vld.idx.msk [tilespmem:v8+s9+$0x0], $0xffff;
	_ =	sdelay $0x1  }
0x18f: {  	s2 =	sadd.s32 $0xFE17C000, s2  }
0x190: {  	v7 =	vor.u32 s1, v1;
	v8 =	vor.u32 s2, v0;
	_ =	sdelay $0x2  }
0x191: {  	v5 =	vpsel p1, v6, v5  }
0x192: {  	[tilespmem:s30+$0x30] =	vst v5  }
0x193: {  	v5 =	vld.idx.msk [tilespmem:v7+s17+$0x0], $0xffff  }
0x194: {  	v6 =	vld.idx.msk [tilespmem:v8+s9+$0x0], $0xffff;
	s3 =	spop (v2sf)  }
0x195: {  	p1 =	sgt.s32 s3, $0xF41FF;
	s4 =	sand.u32 $0x7F, s3;
	p3 =	sgt.s32 s3, $0xF4200;
	(v2sf) =	vpush v4, $0xC  }
0x196: {  	s3 =	simm.s32 @!p3 $0xF4200  }
0x197: {  	v7 =	vor.u32 s1, v2;
	v8 =	vor.u32 s2, v3;
	s1 =	sshll.u32 s3, $0x5;
	_ =	sdelay $0x2  }
0x198: {  	v5 =	vpsel p2, v6, v5  }
0x199: {  	[tilespmem:s30+$0x40] =	vst v5  }
0x19a: {  	v5 =	vld.idx.msk [tilespmem:v7+s17+$0x0], $0xffff  }
0x19b: {  	v6 =	vld.idx.msk [tilespmem:v8+s9+$0x0], $0xffff;
	_ =	sdelay $0x1  }
0x19c: {  	s1 =	sadd.s32 $0xFE17C000, s1  }
0x19d: {  	v7 =	vor.u32 s4, v1;
	v8 =	vor.u32 s1, v0;
	_ =	sdelay $0x2  }
0x19e: {  	v5 =	vpsel p2, v6, v5  }
0x19f: {  	[tilespmem:s30+$0x50] =	vst v5;
	s2 =	spop (v2sf)  }
0x1a0: {  	v5 =	vld.idx.msk [tilespmem:v7+s19+$0x0], $0xffff;
	p2 =	sgt.s32 s2, $0xF41FF;
	s3 =	sand.u32 $0x7F, s2;
	p3 =	sgt.s32 s2, $0xF4200;
	(v2sf) =	vpush v4, $0xD  }
0x1a1: {  	v6 =	vld.idx.msk [tilespmem:v8+s9+$0x0], $0xffff;
	s2 =	simm.s32 @!p3 $0xF4200  }
0x1a2: {  	s2 =	sshll.u32 s2, $0x5;
	_ =	sdelay $0x1  }
0x1a3: {  	v7 =	vor.u32 s4, v2;
	v8 =	vor.u32 s1, v3;
	_ =	sdelay $0x2  }
0x1a4: {  	v5 =	vpsel p1, v6, v5  }
0x1a5: {  	[tilespmem:s30+$0x60] =	vst v5  }
0x1a6: {  	v5 =	vld.idx.msk [tilespmem:v7+s19+$0x0], $0xffff  }
0x1a7: {  	v6 =	vld.idx.msk [tilespmem:v8+s9+$0x0], $0xffff;
	_ =	sdelay $0x1  }
0x1a8: {  	s1 =	sadd.s32 $0xFE17C000, s2  }
0x1a9: {  	v7 =	vor.u32 s3, v1;
	v8 =	vor.u32 s1, v0;
	_ =	sdelay $0x1  }
0x1aa: {  	s2 =	spop (v2sf)  }
0x1ab: {  	v5 =	vpsel p1, v6, v5;
	p3 =	sgt.s32 s2, $0xF41FF;
	s4 =	sand.u32 $0x7F, s2;
	p1 =	sgt.s32 s2, $0xF4200;
	(v2sf) =	vpush v4, $0xE  }
0x1ac: {  	[tilespmem:s30+$0x70] =	vst v5;
	s2 =	simm.s32 @!p1 $0xF4200  }
0x1ad: {  	v5 =	vld.idx.msk [tilespmem:v7+s20+$0x0], $0xffff;
	s2 =	sshll.u32 s2, $0x5  }
0x1ae: {  	v6 =	vld.idx.msk [tilespmem:v8+s9+$0x0], $0xffff;
	_ =	sdelay $0x2  }
0x1af: {  	v7 =	vor.u32 s3, v2;
	v8 =	vor.u32 s1, v3;
	_ =	sdelay $0x2  }
0x1b0: {  	v5 =	vpsel p2, v6, v5  }
0x1b1: {  	[tilespmem:s30+$0x80] =	vst v5  }
0x1b2: {  	v5 =	vld.idx.msk [tilespmem:v7+s20+$0x0], $0xffff  }
0x1b3: {  	v6 =	vld.idx.msk [tilespmem:v8+s9+$0x0], $0xffff;
	_ =	sdelay $0x1  }
0x1b4: {  	s1 =	sadd.s32 $0xFE17C000, s2  }
0x1b5: {  	v7 =	vor.u32 s4, v1;
	v8 =	vor.u32 s1, v0;
	s2 =	spop (v2sf)  }
0x1b6: {  	p1 =	sgt.s32 s2, $0xF41FF;
	s3 =	sand.u32 $0x7F, s2;
	p4 =	sgt.s32 s2, $0xF4200;
	(v2sf) =	vpush v4, $0xF  }
0x1b7: {  	s2 =	simm.s32 @!p4 $0xF4200;
	v4 =	vor.u32 s3, v2  }
0x1b8: {  	v5 =	vpsel p2, v6, v5;
	s2 =	sshll.u32 s2, $0x5  }
0x1b9: {  	[tilespmem:s30+$0x90] =	vst v5  }
0x1ba: {  	v5 =	vld.idx.msk [tilespmem:v7+s22+$0x0], $0xffff  }
0x1bb: {  	v6 =	vld.idx.msk [tilespmem:v8+s9+$0x0], $0xffff;
	_ =	sdelay $0x2  }
0x1bc: {  	v7 =	vor.u32 s4, v2;
	v8 =	vor.u32 s1, v3;
	_ =	sdelay $0x2  }
0x1bd: {  	v5 =	vpsel p3, v6, v5  }
0x1be: {  	[tilespmem:s30+$0xA0] =	vst v5  }
0x1bf: {  	v6 =	vld.idx.msk [tilespmem:v7+s22+$0x0], $0xffff  }
0x1c0: {  	v7 =	vld.idx.msk [tilespmem:v8+s9+$0x0], $0xffff  }
0x1c1: {  	s4 =	spop (v2sf)  }
0x1c2: {  	s1 =	sadd.s32 $0xFE17C000, s2;
	p2 =	sgt.s32 s4, $0xF41FF;
	p4 =	sgt.s32 s4, $0xF4200  }
0x1c3: {  	v9 =	vor.u32 s1, v0;
	v5 =	vor.u32 s1, v3;
	v8 =	vor.u32 s3, v1;
	s1 =	sand.u32 $0x7F, s4;
	s4 =	simm.s32 @!p4 $0xF4200  }
0x1c4: {  	s2 =	sshll.u32 s4, $0x5  }
.Ltmp0:
0x1c5: {  	(pc) =	sbr.rel @p0 .LBB2_2-.Ltmp0, $4  }
0x1c6: {  	v6 =	vpsel p3, v7, v6  }
0x1c7: {  	[tilespmem:s30+$0xB0] =	vst v6  }
0x1c8: {  	v6 =	vld.idx.msk [tilespmem:v8+s25+$0x0], $0xffff  }
0x1c9: {  	v7 =	vld.idx.msk [tilespmem:v9+s9+$0x0], $0xffff  }
0x1ca: {  	_ =	sdelay $0x3  }
0x1cb: {  	v6 =	vpsel p1, v7, v6  }
0x1cc: {  	[tilespmem:s31+$0xC0] =	vst v6  }
0x1cd: {  	v4 =	vld.idx.msk [tilespmem:v4+s25+$0x0], $0xffff  }
0x1ce: {  	v5 =	vld.idx.msk [tilespmem:v5+s9+$0x0], $0xffff;
	_ =	sdelay $0x1  }
0x1cf: {  	s0 =	sadd.s32 $0xFE17C000, s2;
	v60 =	vor.u32 s1, v1  }
0x1d0: {  	v61 =	vor.u32 s0, v0;
	_ =	sdelay $0x1  }
0x1d1: {  	v4 =	vpsel p1, v5, v4  }
0x1d2: {  	[tilespmem:s31+$0xD0] =	vst v4  }
0x1d3: {  	v4 =	vld.idx.msk [tilespmem:v60+s26+$0x0], $0xffff  }
0x1d4: {  	v5 =	vld.idx.msk [tilespmem:v61+s9+$0x0], $0xffff;
	_ =	sdelay $0x1  }
0x1d5: {  	v62 =	vor.u32 s1, v2  }
0x1d6: {  	v63 =	vor.u32 s0, v3;
	_ =	sdelay $0x1  }
0x1d7: {  	v4 =	vpsel p2, v5, v4  }
0x1d8: {  	[tilespmem:s31+$0xE0] =	vst v4  }
0x1d9: {  	v4 =	vld.idx.msk [tilespmem:v62+s26+$0x0], $0xffff  }
0x1da: {  	v5 =	vld.idx.msk [tilespmem:v63+s9+$0x0], $0xffff;
	_ =	sdelay $0x4  }
0x1db: {  	s23 =	simm.s32 $0x0;
	v4 =	vpsel p2, v5, v4  }
0x1dc: {  	s28 =	rddreg [dreg:$0x6];
	s29 =	simm.s32 $0x10880;
	s2 =	simm.s32 $0x2;
	[tilespmem:s31+$0xF0] =	vst v4  }
0x1dd: {  	[hbm4b:s28+s23] =	stream.linear.scatter [tilespmem:s29], [sflag:$0x2], $0x1000, $0x38;
	[tilespmem:$0x11880] =	vst v63  }
0x1de: {  	_ =	swait.ge [sflag:s2], $0x1000  }
0x1df: {  	s30 =	rddreg [dreg:$0x9]  }
0x1e0: {  	s31 =	rddreg [dreg:$0x7];
	s1 =	sadd.s32 $0x1, s30  }
0x1e1: {  	p0 =	sne.s32 s1, s31  }
.Ltmp1:
0x1e2: {  	_ = 	snop;
	(pc) =	sbr.rel @p0 .LBB2_1-.Ltmp1, $3  }
0x1e3: {  	_ =	sdelay $0x1  }
0x1e4: {  	[sflag:s2] =	ssyncset.done $0x0  }
0x1e5: {  	s6 =	simm.s32 $0x1880;
	[sflag:s2] =	ssyncadd.s32 $0xFFFFF000  }
0x1e6: {  	_ =	sfence.sel $0x180000  }
0x1e7: {  	[bflag:$0x0] =	sbarrier.arrive $0xFFFF  }
0x1e8: {  	_ =	strace $0x9000004A  }
0x1e9: {  	s0 =	stileid.u32;
	[bflag:$0x2] =	sbarrier.arrive $0xFFFF  }
0x1ea: {  	p0 =	sne.s32 s0, $0x0;
	s0 =	rddreg [dreg:$0x3]  }
0x1eb: {  	s0 =	sadd.s32 @!p0 $0x100000, s0  }
0x1ec: {  	[sflag:s0] =	ssyncadd.tile.s32 @!p0 $0x1;
	_ =	shalt  }
.Lfunc_end2:
_tile_overlayer_lowered:
.L_overlay_start_2:
0x1ed: {  	(tag) =	ssettag $0x2  }
0x1ee: {  	s0 =	rddreg [dreg:$0x0];
	s2 =	stileid.u32  }
0x1ef: {  	s1 =	rddreg [dreg:$0x1];
	p0 =	sne.s32 s2, $0x0  }
0x1f0: {  	s3 =	rddreg [dreg:$0x2];
	[bflag:$0x3] =	sbarrier.arrive $0xFFFF;
	s2 =	simm.s32 @!p0 $0x1C02  }
0x1f1: {  	[timem:s3], [sflag:s2] =	dma.local @!p0 [hbm:s0], s1  }
0x1f2: {  	s0 =	simm.s32 @!p0 $0x2  }
0x1f3: {  	_ =	swait.ge @!p0 [sflag:s0], s1  }
0x1f4: {  	s1 =	ssub.s32 @!p0 $0x0, s1;
	[sflag:s0] =	ssyncset.done @!p0 $0x0  }
0x1f5: {  	[sflag:s0] =	ssyncadd.s32 @!p0 s1  }
0x1f6: {  	[bflag:$0x3] =	sbarrier.arrive $0xFFFF  }
0x1f7: {  	_ =	shalt  }

// kernel: kernel.6.cloned.1.call-start
scs
__scs_entry_jumppad:
0x0: {  	(pc) =	sbr.rel $0x88, $3  }
0x1: {  	(tag) =	ssettag $0x0;
	lr =	simm.s32 $0x1  }
0x2: {  	[smem:$0x3F92] =	sst lr;
	_ =	strace $0xD0000000  }
0x3: {  	_ = 	snop  }
0x4: {  	_ = 	snop  }
0x5: {  	_ = 	snop  }
0x6: {  	_ = 	snop  }
0x7: {  	_ = 	snop  }
__scs_overlays_trampoline_lowered:
0x8: {  	[smem:$0x3FA1] =	sst s0  }
0x9: {  	[smem:$0x3FA2] =	sst s1  }
0xa: {  	[smem:$0x3FA3] =	sst s2  }
0xb: {  	[smem:$0x3FA4] =	sst s3  }
0xc: {  	[smem:$0x3FA5] =	sst s4  }
0xd: {  	[smem:$0x3FA6] =	sst s5  }
0xe: {  	[smem:$0x3FA7] =	sst s6  }
0xf: {  	[smem:$0x3FA8] =	sst s7  }
0x10: {  	[smem:$0x3FA9] =	sst s8  }
0x11: {  	[smem:$0x3FAA] =	sst s9;
	s0 =	simm.s32 @!p0 $0x0  }
0x12: {  	s1 =	sld [smem:$0x3F90];
	s0 =	simm.s32 @p0 $0x1  }
0x13: {  	[smem:$0x3FAB] =	sst s0;
	s0 =	simm.s32 @!p1 $0x0  }
0x14: {  	s2 =	sld [smem:$0x3F8F];
	s0 =	simm.s32 @p1 $0x1  }
0x15: {  	[smem:$0x3FAC] =	sst s0;
	s0 =	simm.s32 @!p2 $0x0  }
0x16: {  	s3 =	sld [smem:$0x3FDB];
	s0 =	simm.s32 @p2 $0x1  }
0x17: {  	s4 =	simm.s32 $0x1BF5;
	[smem:$0x3FAE] =	sst s0  }
0x18: {  	s0 =	sld [smem:$0x3F91];
	_ =	swait.ge [sflag:s4], $0x0  }
0x19: {  	s7 =	sld [smem:$0x3F92]  }
0x1a: {  	s8 =	sadd.s32 $0xFFFFE003, lr  }
0x1b: {  	s9 =	sadd.s32 $0xFFFFFEF7, lr;
	s5 =	simm.s32 $0xFFFFFFFF;
	p2 =	slt.u32 s8, $0xFFFFF086  }
0x1c: {  	p1 =	slt.u32 s9, $0xF7A;
	s5 =	simm.s32 @!p2 $0x0  }
0x1d: {  	s5 =	simm.s32 @p1 $0x1;
	p0 =	seq.s32 s7, s2  }
0x1e: {  	s7 =	smul.u32 @!p0 $0xF7A, s2;
	p2 =	seq.s32 @!p0 s5, $0x0  }
0x1f: {  	s9 =	smul.u32 $0xF7A, s1;
	s8 =	simm.s32 @!p0 $0x1BF5;
	p2 =	por !p2, p0  }
0x20: {  	[sflag:s8] =	ssyncset.s32 @!p0 $0xFFFFF086;
	s6 =	sadd.s32 @!p0 s3, s7;
	s7 =	simm.s32 @!p0 $0x108  }
0x21: {  	s3 =	sadd.s32 s3, s9;
	s6 =	sadd.s32 @!p0 $0x88, s6;
	s7 =	simm.s32 @p2 $0x1082  }
0x22: {  	[simem:s7], [sflag:s8] =	dma.local @!p0 [hbm:s6], $0xF7A  }
0x23: {  	s9 =	sor.u32 $0xD0000000, s2;
	s6 =	simm.s32 $0x108;
	_ =	swait.ge @!p0 [sflag:s8], $0x0  }
0x24: {  	s3 =	sadd.s32 $0x88, s3;
	s6 =	simm.s32 @!p1 $0x1082;
	[sflag:s4] =	ssyncset.s32 $0xFFFFF086  }
0x25: {  	[simem:s6], [sflag:s4] =	dma.local [hbm:s3], $0xF7A  }
0x26: {  	[smem:$0x3F92] =	sst s1;
	(tag) =	ssettag s2;
	_ =	strace s9  }
0x27: {  	s1 =	sld [smem:$0x3FA2]  }
0x28: {  	s2 =	sld [smem:$0x3FA3]  }
0x29: {  	s4 =	sld [smem:$0x3FA5]  }
0x2a: {  	p0 =	seq.s32 s5, $0x0;
	s5 =	sld [smem:$0x3FA6]  }
0x2b: {  	s6 =	sld [smem:$0x3FA7]  }
0x2c: {  	s7 =	sld [smem:$0x3FA8]  }
0x2d: {  	s3 =	simm.s32 $0x108;
	s8 =	sld [smem:$0x3FA9]  }
0x2e: {  	s3 =	simm.s32 @!p0 $0x1082;
	s9 =	sld [smem:$0x3FAA]  }
0x2f: {  	lr =	sadd.s32 s0, s3;
	s0 =	sld [smem:$0x3FA1]  }
0x30: {  	s3 =	sld [smem:$0x3FA4]  }
0x31: {  	[smem:$0x3FAD] =	sst s10  }
0x32: {  	s10 =	sld [smem:$0x3FAB];
	_ =	sdelay $0x3  }
0x33: {  	p0 =	seq.s32 s10, $0x1;
	s10 =	sld [smem:$0x3FAD];
	_ =	sdelay $0x3  }
0x34: {  	[smem:$0x3FAD] =	sst s10  }
0x35: {  	s10 =	sld [smem:$0x3FAC];
	_ =	sdelay $0x3  }
0x36: {  	p1 =	seq.s32 s10, $0x1;
	s10 =	sld [smem:$0x3FAD];
	_ =	sdelay $0x3  }
0x37: {  	[smem:$0x3FAD] =	sst s10  }
0x38: {  	s10 =	sld [smem:$0x3FAE]  }
0x39: {  	_ = 	snop;
	(pc) =	sbr.ind lr, $3  }
0x3a: {  	_ = 	snop  }
0x3b: {  	_ = 	snop  }
0x3c: {  	p2 =	seq.s32 s10, $0x1;
	s10 =	sld [smem:$0x3FAD]  }
0x3d: {  	_ =	shalt  }
0x3e: {  	_ =	shalt  }
0x3f: {  	_ =	shalt  }
0x40: {  	_ =	shalt  }
0x41: {  	_ =	shalt  }
0x42: {  	_ =	shalt  }
0x43: {  	_ =	shalt  }
0x44: {  	_ =	shalt  }
0x45: {  	_ =	shalt  }
0x46: {  	_ =	shalt  }
0x47: {  	_ =	shalt  }
0x48: {  	_ =	shalt  }
0x49: {  	_ =	shalt  }
0x4a: {  	_ =	shalt  }
0x4b: {  	_ =	shalt  }
0x4c: {  	_ =	shalt  }
0x4d: {  	_ =	shalt  }
0x4e: {  	_ =	shalt  }
0x4f: {  	_ =	shalt  }
0x50: {  	_ =	shalt  }
0x51: {  	_ =	shalt  }
0x52: {  	_ =	shalt  }
0x53: {  	_ =	shalt  }
0x54: {  	_ =	shalt  }
0x55: {  	_ =	shalt  }
0x56: {  	_ =	shalt  }
0x57: {  	_ =	shalt  }
0x58: {  	_ =	shalt  }
0x59: {  	_ =	shalt  }
0x5a: {  	_ =	shalt  }
0x5b: {  	_ =	shalt  }
0x5c: {  	_ =	shalt  }
0x5d: {  	_ =	shalt  }
0x5e: {  	_ =	shalt  }
0x5f: {  	_ =	shalt  }
0x60: {  	_ =	shalt  }
0x61: {  	_ =	shalt  }
0x62: {  	_ =	shalt  }
0x63: {  	_ =	shalt  }
0x64: {  	_ =	shalt  }
0x65: {  	_ =	shalt  }
0x66: {  	_ =	shalt  }
0x67: {  	_ =	shalt  }
0x68: {  	_ =	shalt  }
0x69: {  	_ =	shalt  }
0x6a: {  	_ =	shalt  }
0x6b: {  	_ =	shalt  }
0x6c: {  	_ =	shalt  }
0x6d: {  	_ =	shalt  }
0x6e: {  	_ =	shalt  }
0x6f: {  	_ =	shalt  }
0x70: {  	_ =	shalt  }
0x71: {  	_ =	shalt  }
0x72: {  	_ =	shalt  }
0x73: {  	_ =	shalt  }
0x74: {  	_ =	shalt  }
0x75: {  	_ =	shalt  }
0x76: {  	_ =	shalt  }
0x77: {  	_ =	shalt  }
0x78: {  	_ =	shalt  }
0x79: {  	_ =	shalt  }
0x7a: {  	_ =	shalt  }
0x7b: {  	_ =	shalt  }
0x7c: {  	_ =	shalt  }
0x7d: {  	_ =	shalt  }
0x7e: {  	_ =	shalt  }
0x7f: {  	_ =	shalt  }
0x80: {  	_ =	shalt  }
0x81: {  	_ =	shalt  }
0x82: {  	_ =	shalt  }
0x83: {  	_ =	shalt  }
0x84: {  	_ =	shalt  }
0x85: {  	_ =	shalt  }
0x86: {  	_ =	shalt  }
0x87: {  	_ =	shalt  }
.Lfunc_end0:
.L_simem_size_0:
called_computation_lowered:
.L_overlay_start_0:
0x88: {  	s2 =	sld [smem:$0x3FD9]  }
0x89: {  	s3 =	sld [smem:$0x3FFE];
	_ =	sdelay $0x1  }
0x8a: {  	s1 =	srdreg.scid  }
0x8b: {  	s0 =	sand.u32 $0x1, s1  }
0x8c: {  	s17 =	sshll.u32 s0, $0xA;
	s2 =	sadd.s32 s3, s2  }
0x8d: {  	s2 =	sadd.s32 s2, s17  }
0x8e: {  	[smem:$0x3FB9] =	sst s2  }
0x8f: {  	_ = 	snop  }
0x90: {  	(tm) =	ssettm $0x1  }
0x91: {  	s18 =	sld [smem:$0x3FFB];
	_ =	sdelay $0x3  }
0x92: {  	_ =	strace s18  }
0x93: {  	s2 =	sld [smem:$0x3FFC];
	_ =	sdelay $0x3  }
0x94: {  	_ =	strace s2  }
0x95: {  	s2 =	sld [smem:$0x3FFD];
	_ =	sdelay $0x3  }
0x96: {  	_ =	strace s2  }
0x97: {  	_ =	strace $0x8FFFFFFF  }
0x98: {  	s19 =	sld [smem:$0x3FDB];
	_ =	sdelay $0x1  }
0x99: {  	s20 =	simm.s32 $_scs_section_size  }
0x9a: {  	s4 =	simm.s32 $_size__tile_overlayer_lowered;
	s5 =	simm.s32 $_tile_overlayer_lowered  }
0x9b: {  	s6 =	simm.s32 $0x1BFF;
	s21 =	sshll.u32 s5, $0x1;
	s3 =	sadd.s32 s20, s19  }
0x9c: {  	s22 =	simm.s32 $0x0;
	s4 =	sshll.u32 s4, $0x1;
	s5 =	sadd.s32 s21, s3  }
0x9d: {  	[timem:s22], [sflag:s6] =	dma.local [hbm:s5], s4  }
0x9e: {  	_ =	swait.ge [sflag:s6], s4  }
0x9f: {  	s4 =	ssub.s32 $0x0, s4;
	[sflag:s6] =	ssyncset.done $0x0  }
0xa0: {  	[sflag:s6] =	ssyncadd.s32 s4;
	_ =	sdelay $0x1  }
0xa1: {  	s23 =	simm.s32 $0x1B8B  }
0xa2: {  	_ =	swait.ge [sflag:s23], $0x1  }
0xa3: {  	[sflag:s23] =	ssyncset.done $0x0  }
0xa4: {  	[sflag:s23] =	ssyncadd.s32 $0xFFFFFFFF  }
0xa5: {  	s4 =	sld [smem:$0x0]  }
0xa6: {  	s5 =	sand.u32 $0xFFFFFFFE, s1  }
0xa7: {  	p0 =	sne.s32 s1, s5  }
0xa8: {  	s5 =	sshll.u32 @p0 s5, $0xE  }
0xa9: {  	s5 =	sadd.s32 @p0 $0x11B8D, s5;
	s6 =	sshll.u32 @p0 s4, $0x11  }
0xaa: {  	s5 =	sor.u32 @p0 s6, s5  }
0xab: {  	[sflag:s5] =	ssyncadd.remote.s32 @p0 $0x1;
	_ =	sdelay $0x1  }
0xac: {  	s5 =	simm.s32 @p0 $0x1B8D  }
0xad: {  	_ =	swait.eq @p0 [sflag:s5], $0x1  }
0xae: {  	[sflag:s5] =	ssyncadd.s32 @p0 $0xFFFFFFFF  }
0xaf: {  	s6 =	sshll.u32 @!p0 s1, $0xE  }
0xb0: {  	s6 =	sor.u32 @!p0 $0x4000, s6;
	s5 =	simm.s32 @!p0 $0x1B8D  }
0xb1: {  	s4 =	sshll.u32 @!p0 s4, $0x11;
	s6 =	sadd.s32 @!p0 $0x11B8D, s6;
	_ =	swait.eq @!p0 [sflag:s5], $0x1  }
0xb2: {  	s4 =	sor.u32 @!p0 s4, s6;
	[sflag:s5] =	ssyncadd.s32 @!p0 $0xFFFFFFFF  }
0xb3: {  	s25 =	simm.s32 $0x1B8E;
	s24 =	sld [smem:$0x3FFE];
	[sflag:s4] =	ssyncadd.remote.s32 @!p0 $0x1  }
0xb4: {  	s26 =	simm.s32 $execute0_lowered;
	[smem:$0x3FD2] =	sst s25  }
0xb5: {  	s5 =	sshll.u32 s26, $0x1;
	_ =	strace $0x8000004C;
	[dreg:$0x1] =	wrdreg $0xFFFFFFFF  }
0xb6: {  	s28 =	simm.s32 $_size_execute0_lowered;
	s3 =	sadd.s32 s3, s5;
	[dreg:$0x0] =	wrdreg $0x0  }
0xb7: {  	s5 =	sshll.u32 s28, $0x1;
	[dreg:$0x2] =	wrdreg s3  }
0xb8: {  	[dreg:$0x3] =	wrdreg s5  }
0xb9: {  	[dreg:$0x4] =	wrdreg $0xC0  }
0xba: {  	_ =	task [dreg:s22], $0x5FFFF  }
0xbb: {  	[dreg:$0x1] =	wrdreg $0xFFFFFFFF  }
0xbc: {  	[dreg:$0x0] =	wrdreg $0x60  }
0xbd: {  	[dreg:$0x2] =	wrdreg s24  }
0xbe: {  	[dreg:$0x3] =	wrdreg $0x9  }
0xbf: {  	_ =	task.clear_ibuf [dreg:s22], $0x4FFFF;
	_ =	strace $0x9000004C  }
0xc0: {  	s29 =	simm.s32 $0x9;
	_ =	strace $0x8000004E  }
0xc1: {  	_ =	swait.ge [sflag:s29], $0x1  }
0xc2: {  	[sflag:s29] =	ssyncadd.s32 $0xFFFFFFFF  }
0xc3: {  	_ =	strace $0x9000004E  }
0xc4: {  	_ =	sfence  }
0xc5: {  	s30 =	sld [smem:$0x0];
	_ =	sdelay $0x2  }
0xc6: {  	s31 =	sshll.u32 s1, $0xD;
	s1 =	sshrl.u32 s1, $0x2  }
0xc7: {  	s4 =	sand.u32 $0x4000, s31;
	s1 =	sadd.s32 s1, s30  }
0xc8: {  	s0 =	sor.u32 s4, s0;
	s1 =	sshll.u32 s1, $0x11  }
0xc9: {  	s0 =	sor.u32 s1, s0  }
0xca: {  	s0 =	sadd.s32 $0x8F2B, s0  }
0xcb: {  	[sflag:s0] =	ssyncadd.remote.s32 $0x1  }
0xcc: {  	_ =	sfence.sel $0xFFFF  }
0xcd: {  	[dreg:$0x0] =	wrdreg $0xFFFFFFFF;
	(pc) =	sbr.abs _section_cstart, $3  }
0xce: {  	[dreg:$0x1] =	wrdreg $0xFFFFFFFF  }
0xcf: {  	_ =	task.clear_ibuf [dreg:s22], $0x2FFFF;
	_ =	strace $0x9FFFFFFF  }
0xd0: {  	(tm) =	ssettm $0x7FFFFFFF  }
0xd1: {  	_ =	shalt  }
tec
execute0_lowered:
.L_overlay_start_1:
0x0: {  	(tag) =	ssettag $0x1  }
0x1: {  	s4 =	rddreg [dreg:$0x0]  }
0x2: {  	s0 =	rddreg [dreg:$0x1]  }
0x3: {  	s3 =	srdreg.scid;
	s1 =	stileid.u32;
	s2 =	simm.s32 $0x0  }
0x4: {  	s11 =	simm.s32 $0x3900;
	s12 =	simm.s32 $0x4900;
	s13 =	simm.s32 $0x5900  }
0x5: {  	s14 =	simm.s32 $0x6900;
	s15 =	simm.s32 $0x7900;
	s16 =	simm.s32 $0x8900  }
0x6: {  	s17 =	simm.s32 $0x9900;
	s18 =	simm.s32 $0xA900;
	s19 =	simm.s32 $0x1  }
0x7: {  	s20 =	simm.s32 $0x0;
	s5 =	sand.u32 $0x1, s3;
	s28 =	sshll.u32 s1, $0x1  }
0x8: {  	[smem:$0x7FF] =	sst s2;
	s7 =	smul.u32 $0xC800, s1;
	s3 =	sor.u32 s5, s28  }
0x9: {  	_ =	strace $0x8000004D;
	s8 =	ssub.s32 $0x2, s5;
	s10 =	smul.u32 $0x6400, s5  }
0xa: {  	s6 =	smul.u32 $0x1900, s3;
	s3 =	sadd.s32 $0x1145000, s4;
	s9 =	sshrl.u32 s8, $0x1  }
0xb: {  	s30 =	sadd.s32 s7, s4;
	s7 =	simm.s32 $0x2;
	s31 =	ssub.s32 s8, s9  }
0xc: {  	s8 =	simm.s32 $0x80;
	s9 =	simm.s32 $0x1900;
	s6 =	sshrl.u32 s6, $0x3  }
0xd: {  	s5 =	smax.u32 s31, $0x1;
	s29 =	sadd.s32 s6, s4;
	s6 =	sadd.s32 s10, s30  }
0xe: {  	s10 =	simm.s32 $0x2900;
	s4 =	sadd.s32 $0x202C00, s29;
	s6 =	sadd.s32 $0x209000, s6  }
.LBB2_1:
0xf: {  	[tilespmem:s2], [sflag:$0x2] =	stream.linear.gather [hbm4b:s4+s2], $0x1900, $0x38;
	[tilespmem:$0xB900] =	vst v63  }
0x10: {  	_ =	swait.ge [sflag:s7], $0x1900  }
0x11: {  	[sflag:s7] =	ssyncset.done $0x0  }
0x12: {  	s21 =	simm.s32 $0x0;
	[sflag:s7] =	ssyncadd.s32 $0xFFFFE700  }
0x13: {  	[tilespmem:s9], [sflag:$0x1] =	stream.indirect.gather [hbm4b:s3+s8], $0x20, s21, s8, $0xb8;
	[tilespmem:$0xB900] =	vst v63  }
0x14: {  	s31 =	simm.s32 $0x80  }
0x15: {  	[tilespmem:s10], [sflag:$0x1] =	stream.indirect.gather [hbm4b:s3+s8], $0x20, s31, s8, $0xb8;
	[tilespmem:$0xB900] =	vst v63  }
0x16: {  	s22 =	simm.s32 $0x100  }
0x17: {  	[tilespmem:s11], [sflag:$0x1] =	stream.indirect.gather [hbm4b:s3+s8], $0x20, s22, s8, $0xb8;
	[tilespmem:$0xB900] =	vst v63  }
0x18: {  	s23 =	simm.s32 $0x180  }
0x19: {  	[tilespmem:s12], [sflag:$0x1] =	stream.indirect.gather [hbm4b:s3+s8], $0x20, s23, s8, $0xb8;
	[tilespmem:$0xB900] =	vst v63  }
0x1a: {  	s24 =	simm.s32 $0x200  }
0x1b: {  	[tilespmem:s13], [sflag:$0x1] =	stream.indirect.gather [hbm4b:s3+s8], $0x20, s24, s8, $0xb8;
	[tilespmem:$0xB900] =	vst v63  }
0x1c: {  	s25 =	simm.s32 $0x280  }
0x1d: {  	[tilespmem:s14], [sflag:$0x1] =	stream.indirect.gather [hbm4b:s3+s8], $0x20, s25, s8, $0xb8;
	[tilespmem:$0xB900] =	vst v63  }
0x1e: {  	s26 =	simm.s32 $0x300  }
0x1f: {  	[tilespmem:s15], [sflag:$0x1] =	stream.indirect.gather [hbm4b:s3+s8], $0x20, s26, s8, $0xb8;
	[tilespmem:$0xB900] =	vst v63  }
0x20: {  	s28 =	simm.s32 $0x380  }
0x21: {  	[tilespmem:s16], [sflag:$0x1] =	stream.indirect.gather [hbm4b:s3+s8], $0x20, s28, s8, $0xb8;
	[tilespmem:$0xB900] =	vst v63  }
0x22: {  	s29 =	simm.s32 $0x400  }
0x23: {  	[tilespmem:s17], [sflag:$0x1] =	stream.indirect.gather [hbm4b:s3+s8], $0x20, s29, s8, $0xb8;
	[tilespmem:$0xB900] =	vst v63  }
0x24: {  	s30 =	simm.s32 $0x480  }
0x25: {  	[tilespmem:s18], [sflag:$0x1] =	stream.indirect.gather [hbm4b:s3+s8], $0x20, s30, s8, $0xb8;
	[tilespmem:$0xB900] =	vst v63  }
0x26: {  	_ =	swait.ge [sflag:s19], $0x1000  }
0x27: {  	[sflag:s19] =	ssyncset.done $0x0  }
0x28: {  	[sflag:s19] =	ssyncadd.s32 $0xFFFFF000  }
0x29: {  	_ =	swait.ge [sflag:s19], $0x1000  }
0x2a: {  	[sflag:s19] =	ssyncset.done $0x0  }
0x2b: {  	[sflag:s19] =	ssyncadd.s32 $0xFFFFF000  }
0x2c: {  	_ =	swait.ge [sflag:s19], $0x1000  }
0x2d: {  	[sflag:s19] =	ssyncset.done $0x0  }
0x2e: {  	[sflag:s19] =	ssyncadd.s32 $0xFFFFF000  }
0x2f: {  	_ =	swait.ge [sflag:s19], $0x1000  }
0x30: {  	[sflag:s19] =	ssyncset.done $0x0  }
0x31: {  	[sflag:s19] =	ssyncadd.s32 $0xFFFFF000  }
0x32: {  	_ =	swait.ge [sflag:s19], $0x1000  }
0x33: {  	[sflag:s19] =	ssyncset.done $0x0  }
0x34: {  	[sflag:s19] =	ssyncadd.s32 $0xFFFFF000  }
0x35: {  	_ =	swait.ge [sflag:s19], $0x1000  }
0x36: {  	[sflag:s19] =	ssyncset.done $0x0  }
0x37: {  	[sflag:s19] =	ssyncadd.s32 $0xFFFFF000  }
0x38: {  	_ =	swait.ge [sflag:s19], $0x1000  }
0x39: {  	[sflag:s19] =	ssyncset.done $0x0  }
0x3a: {  	[sflag:s19] =	ssyncadd.s32 $0xFFFFF000  }
0x3b: {  	_ =	swait.ge [sflag:s19], $0x1000  }
0x3c: {  	[sflag:s19] =	ssyncset.done $0x0  }
0x3d: {  	[sflag:s19] =	ssyncadd.s32 $0xFFFFF000  }
0x3e: {  	_ =	swait.ge [sflag:s19], $0x1000  }
0x3f: {  	[sflag:s19] =	ssyncset.done $0x0  }
0x40: {  	[sflag:s19] =	ssyncadd.s32 $0xFFFFF000  }
0x41: {  	_ =	swait.ge [sflag:s19], $0x1000  }
0x42: {  	[sflag:s19] =	ssyncset.done $0x0  }
0x43: {  	s31 =	sadd.s32 $0x0, s6;
	[sflag:s19] =	ssyncadd.s32 $0xFFFFF000  }
0x44: {  	[hbm4b:s31+s2] =	stream.linear.scatter [tilespmem:s9], [sflag:$0x2], $0xA000, $0x38;
	[tilespmem:$0xB900] =	vst v63  }
0x45: {  	_ =	swait.ge [sflag:s7], $0xA000  }
0x46: {  	s21 =	simm.s32 $0x1400;
	s24 =	simm.s32 $0x2800;
	[sflag:s7] =	ssyncset.done $0x0  }
.LBB2_2:
0x47: {  	s25 =	sshra.s32 s21, $0x2  }
0x48: {  	[sflag:s7] =	ssyncadd.s32 $0xFFFF6000;
	s23 =	smov.u32 s24;
	s22 =	sadd.s32 $0x1400, s24  }
0x49: {  	[tilespmem:s9], [sflag:$0x1] =	stream.indirect.gather [hbm4b:s3+s8], $0x20, s25, s8, $0xb8;
	[tilespmem:$0xB900] =	vst v63  }
0x4a: {  	p0 =	sne.s32 s24, $0x5000;
	s24 =	sadd.s32 $0x80, s25  }
0x4b: {  	[tilespmem:s10], [sflag:$0x1] =	stream.indirect.gather [hbm4b:s3+s8], $0x20, s24, s8, $0xb8;
	[tilespmem:$0xB900] =	vst v63  }
0x4c: {  	s24 =	sadd.s32 $0x100, s25  }
0x4d: {  	[tilespmem:s11], [sflag:$0x1] =	stream.indirect.gather [hbm4b:s3+s8], $0x20, s24, s8, $0xb8;
	[tilespmem:$0xB900] =	vst v63  }
0x4e: {  	s24 =	sadd.s32 $0x180, s25  }
0x4f: {  	[tilespmem:s12], [sflag:$0x1] =	stream.indirect.gather [hbm4b:s3+s8], $0x20, s24, s8, $0xb8;
	[tilespmem:$0xB900] =	vst v63  }
0x50: {  	s24 =	sadd.s32 $0x200, s25  }
0x51: {  	[tilespmem:s13], [sflag:$0x1] =	stream.indirect.gather [hbm4b:s3+s8], $0x20, s24, s8, $0xb8;
	[tilespmem:$0xB900] =	vst v63  }
0x52: {  	s24 =	sadd.s32 $0x280, s25  }
0x53: {  	[tilespmem:s14], [sflag:$0x1] =	stream.indirect.gather [hbm4b:s3+s8], $0x20, s24, s8, $0xb8;
	[tilespmem:$0xB900] =	vst v63  }
0x54: {  	s24 =	sadd.s32 $0x300, s25  }
0x55: {  	[tilespmem:s15], [sflag:$0x1] =	stream.indirect.gather [hbm4b:s3+s8], $0x20, s24, s8, $0xb8;
	[tilespmem:$0xB900] =	vst v63  }
0x56: {  	s24 =	sadd.s32 $0x380, s25  }
0x57: {  	[tilespmem:s16], [sflag:$0x1] =	stream.indirect.gather [hbm4b:s3+s8], $0x20, s24, s8, $0xb8;
	[tilespmem:$0xB900] =	vst v63  }
0x58: {  	s24 =	sadd.s32 $0x400, s25  }
0x59: {  	[tilespmem:s17], [sflag:$0x1] =	stream.indirect.gather [hbm4b:s3+s8], $0x20, s24, s8, $0xb8;
	[tilespmem:$0xB900] =	vst v63  }
0x5a: {  	s24 =	sadd.s32 $0x480, s25  }
0x5b: {  	[tilespmem:s18], [sflag:$0x1] =	stream.indirect.gather [hbm4b:s3+s8], $0x20, s24, s8, $0xb8;
	[tilespmem:$0xB900] =	vst v63  }
0x5c: {  	_ =	swait.ge [sflag:s19], $0x1000  }
0x5d: {  	[sflag:s19] =	ssyncset.done $0x0  }
0x5e: {  	[sflag:s19] =	ssyncadd.s32 $0xFFFFF000  }
0x5f: {  	_ =	swait.ge [sflag:s19], $0x1000  }
0x60: {  	[sflag:s19] =	ssyncset.done $0x0  }
0x61: {  	[sflag:s19] =	ssyncadd.s32 $0xFFFFF000  }
0x62: {  	_ =	swait.ge [sflag:s19], $0x1000  }
0x63: {  	[sflag:s19] =	ssyncset.done $0x0  }
0x64: {  	[sflag:s19] =	ssyncadd.s32 $0xFFFFF000  }
0x65: {  	_ =	swait.ge [sflag:s19], $0x1000  }
0x66: {  	[sflag:s19] =	ssyncset.done $0x0  }
0x67: {  	[sflag:s19] =	ssyncadd.s32 $0xFFFFF000  }
0x68: {  	_ =	swait.ge [sflag:s19], $0x1000  }
0x69: {  	[sflag:s19] =	ssyncset.done $0x0  }
0x6a: {  	[sflag:s19] =	ssyncadd.s32 $0xFFFFF000  }
0x6b: {  	_ =	swait.ge [sflag:s19], $0x1000  }
0x6c: {  	[sflag:s19] =	ssyncset.done $0x0  }
0x6d: {  	[sflag:s19] =	ssyncadd.s32 $0xFFFFF000  }
0x6e: {  	_ =	swait.ge [sflag:s19], $0x1000  }
0x6f: {  	[sflag:s19] =	ssyncset.done $0x0  }
0x70: {  	[sflag:s19] =	ssyncadd.s32 $0xFFFFF000  }
0x71: {  	_ =	swait.ge [sflag:s19], $0x1000  }
0x72: {  	[sflag:s19] =	ssyncset.done $0x0  }
0x73: {  	[sflag:s19] =	ssyncadd.s32 $0xFFFFF000  }
0x74: {  	_ =	swait.ge [sflag:s19], $0x1000  }
0x75: {  	[sflag:s19] =	ssyncset.done $0x0  }
0x76: {  	[sflag:s19] =	ssyncadd.s32 $0xFFFFF000  }
0x77: {  	_ =	swait.ge [sflag:s19], $0x1000  }
.Ltmp0:
0x78: {  	[sflag:s19] =	ssyncset.done $0x0;
	(pc) =	sbr.rel @p0 .LBB2_2-.Ltmp0, $4  }
0x79: {  	s24 =	sadd.s32 s21, s6;
	s21 =	smov.u32 s23;
	[sflag:s19] =	ssyncadd.s32 $0xFFFFF000  }
0x7a: {  	[hbm4b:s24+s2] =	stream.linear.scatter [tilespmem:s9], [sflag:$0x2], $0xA000, $0x38;
	[tilespmem:$0xB900] =	vst v63  }
0x7b: {  	_ =	swait.ge [sflag:s7], $0xA000  }
0x7c: {  	s24 =	smov.u32 s22;
	[sflag:s7] =	ssyncset.done $0x0  }
0x7d: {  	s22 =	sshra.s32 s21, $0x2;
	[sflag:s7] =	ssyncadd.s32 $0xFFFF6000  }
0x7e: {  	[tilespmem:s9], [sflag:$0x1] =	stream.indirect.gather [hbm4b:s3+s8], $0x20, s22, s8, $0xb8;
	[tilespmem:$0xB900] =	vst v63  }
0x7f: {  	s23 =	sadd.s32 $0x80, s22  }
0x80: {  	[tilespmem:s10], [sflag:$0x1] =	stream.indirect.gather [hbm4b:s3+s8], $0x20, s23, s8, $0xb8;
	[tilespmem:$0xB900] =	vst v63  }
0x81: {  	s31 =	sadd.s32 $0x100, s22  }
0x82: {  	[tilespmem:s11], [sflag:$0x1] =	stream.indirect.gather [hbm4b:s3+s8], $0x20, s31, s8, $0xb8;
	[tilespmem:$0xB900] =	vst v63  }
0x83: {  	s24 =	sadd.s32 $0x180, s22  }
0x84: {  	[tilespmem:s12], [sflag:$0x1] =	stream.indirect.gather [hbm4b:s3+s8], $0x20, s24, s8, $0xb8;
	[tilespmem:$0xB900] =	vst v63  }
0x85: {  	s25 =	sadd.s32 $0x200, s22  }
0x86: {  	[tilespmem:s13], [sflag:$0x1] =	stream.indirect.gather [hbm4b:s3+s8], $0x20, s25, s8, $0xb8;
	[tilespmem:$0xB900] =	vst v63  }
0x87: {  	s26 =	sadd.s32 $0x280, s22  }
0x88: {  	[tilespmem:s14], [sflag:$0x1] =	stream.indirect.gather [hbm4b:s3+s8], $0x20, s26, s8, $0xb8;
	[tilespmem:$0xB900] =	vst v63  }
0x89: {  	s28 =	sadd.s32 $0x300, s22  }
0x8a: {  	[tilespmem:s15], [sflag:$0x1] =	stream.indirect.gather [hbm4b:s3+s8], $0x20, s28, s8, $0xb8;
	[tilespmem:$0xB900] =	vst v63  }
0x8b: {  	s29 =	sadd.s32 $0x380, s22  }
0x8c: {  	[tilespmem:s16], [sflag:$0x1] =	stream.indirect.gather [hbm4b:s3+s8], $0x20, s29, s8, $0xb8;
	[tilespmem:$0xB900] =	vst v63  }
0x8d: {  	s30 =	sadd.s32 $0x400, s22  }
0x8e: {  	[tilespmem:s17], [sflag:$0x1] =	stream.indirect.gather [hbm4b:s3+s8], $0x20, s30, s8, $0xb8;
	[tilespmem:$0xB900] =	vst v63  }
0x8f: {  	s22 =	sadd.s32 $0x480, s22  }
0x90: {  	[tilespmem:s18], [sflag:$0x1] =	stream.indirect.gather [hbm4b:s3+s8], $0x20, s22, s8, $0xb8;
	[tilespmem:$0xB900] =	vst v63  }
0x91: {  	_ =	swait.ge [sflag:s19], $0x1000  }
0x92: {  	[sflag:s19] =	ssyncset.done $0x0  }
0x93: {  	[sflag:s19] =	ssyncadd.s32 $0xFFFFF000  }
0x94: {  	_ =	swait.ge [sflag:s19], $0x1000  }
0x95: {  	[sflag:s19] =	ssyncset.done $0x0  }
0x96: {  	[sflag:s19] =	ssyncadd.s32 $0xFFFFF000  }
0x97: {  	_ =	swait.ge [sflag:s19], $0x1000  }
0x98: {  	[sflag:s19] =	ssyncset.done $0x0  }
0x99: {  	[sflag:s19] =	ssyncadd.s32 $0xFFFFF000  }
0x9a: {  	_ =	swait.ge [sflag:s19], $0x1000  }
0x9b: {  	[sflag:s19] =	ssyncset.done $0x0  }
0x9c: {  	[sflag:s19] =	ssyncadd.s32 $0xFFFFF000  }
0x9d: {  	_ =	swait.ge [sflag:s19], $0x1000  }
0x9e: {  	[sflag:s19] =	ssyncset.done $0x0  }
0x9f: {  	[sflag:s19] =	ssyncadd.s32 $0xFFFFF000  }
0xa0: {  	_ =	swait.ge [sflag:s19], $0x1000  }
0xa1: {  	[sflag:s19] =	ssyncset.done $0x0  }
0xa2: {  	[sflag:s19] =	ssyncadd.s32 $0xFFFFF000  }
0xa3: {  	_ =	swait.ge [sflag:s19], $0x1000  }
0xa4: {  	[sflag:s19] =	ssyncset.done $0x0  }
0xa5: {  	[sflag:s19] =	ssyncadd.s32 $0xFFFFF000  }
0xa6: {  	_ =	swait.ge [sflag:s19], $0x1000  }
0xa7: {  	[sflag:s19] =	ssyncset.done $0x0  }
0xa8: {  	[sflag:s19] =	ssyncadd.s32 $0xFFFFF000  }
0xa9: {  	_ =	swait.ge [sflag:s19], $0x1000  }
0xaa: {  	[sflag:s19] =	ssyncset.done $0x0  }
0xab: {  	[sflag:s19] =	ssyncadd.s32 $0xFFFFF000  }
0xac: {  	s20 =	sadd.s32 $0x1, s20;
	_ =	swait.ge [sflag:s19], $0x1000  }
0xad: {  	p0 =	sne.s32 s20, s5;
	[sflag:s19] =	ssyncset.done $0x0  }
.Ltmp1:
0xae: {  	s31 =	sadd.s32 s21, s6;
	[sflag:s19] =	ssyncadd.s32 $0xFFFFF000;
	(pc) =	sbr.rel @p0 .LBB2_1-.Ltmp1, $4  }
0xaf: {  	[hbm4b:s31+s2] =	stream.linear.scatter [tilespmem:s9], [sflag:$0x2], $0xA000, $0x38;
	[tilespmem:$0xB900] =	vst v63  }
0xb0: {  	_ =	swait.ge [sflag:s7], $0xA000  }
0xb1: {  	[sflag:s7] =	ssyncset.done $0x0  }
0xb2: {  	[sflag:s7] =	ssyncadd.s32 $0xFFFF6000  }
0xb3: {  	_ =	sfence.sel $0x180000  }
0xb4: {  	[bflag:$0x0] =	sbarrier.arrive $0xFFFF  }
0xb5: {  	p0 =	sne.s32 s1, $0x0;
	_ =	strace $0x9000004D  }
0xb6: {  	s0 =	sadd.s32 @!p0 $0x100000, s0;
	[bflag:$0x2] =	sbarrier.arrive $0xFFFF  }
0xb7: {  	[sflag:s0] =	ssyncadd.tile.s32 @!p0 $0x1;
	_ =	shalt  }
.Lfunc_end2:
_tile_overlayer_lowered:
.L_overlay_start_2:
0xb8: {  	(tag) =	ssettag $0x2  }
0xb9: {  	s0 =	rddreg [dreg:$0x0];
	s2 =	stileid.u32  }
0xba: {  	s1 =	rddreg [dreg:$0x1];
	p0 =	sne.s32 s2, $0x0  }
0xbb: {  	s3 =	rddreg [dreg:$0x2];
	[bflag:$0x3] =	sbarrier.arrive $0xFFFF;
	s2 =	simm.s32 @!p0 $0x1C02  }
0xbc: {  	[timem:s3], [sflag:s2] =	dma.local @!p0 [hbm:s0], s1  }
0xbd: {  	s0 =	simm.s32 @!p0 $0x2  }
0xbe: {  	_ =	swait.ge @!p0 [sflag:s0], s1  }
0xbf: {  	s1 =	ssub.s32 @!p0 $0x0, s1;
	[sflag:s0] =	ssyncset.done @!p0 $0x0  }
0xc0: {  	[sflag:s0] =	ssyncadd.s32 @!p0 s1  }
0xc1: {  	[bflag:$0x3] =	sbarrier.arrive $0xFFFF  }
0xc2: {  	_ =	shalt  }

// kernel: kernel.9.cloned.1.call-start
scs
__scs_entry_jumppad:
0x0: {  	(pc) =	sbr.rel $0x88, $3  }
0x1: {  	(tag) =	ssettag $0x0;
	lr =	simm.s32 $0x1  }
0x2: {  	[smem:$0x3F92] =	sst lr;
	_ =	strace $0xD0000000  }
0x3: {  	_ = 	snop  }
0x4: {  	_ = 	snop  }
0x5: {  	_ = 	snop  }
0x6: {  	_ = 	snop  }
0x7: {  	_ = 	snop  }
__scs_overlays_trampoline_lowered:
0x8: {  	[smem:$0x3FA1] =	sst s0  }
0x9: {  	[smem:$0x3FA2] =	sst s1  }
0xa: {  	[smem:$0x3FA3] =	sst s2  }
0xb: {  	[smem:$0x3FA4] =	sst s3  }
0xc: {  	[smem:$0x3FA5] =	sst s4  }
0xd: {  	[smem:$0x3FA6] =	sst s5  }
0xe: {  	[smem:$0x3FA7] =	sst s6  }
0xf: {  	[smem:$0x3FA8] =	sst s7  }
0x10: {  	[smem:$0x3FA9] =	sst s8  }
0x11: {  	[smem:$0x3FAA] =	sst s9;
	s0 =	simm.s32 @!p0 $0x0  }
0x12: {  	s1 =	sld [smem:$0x3F90];
	s0 =	simm.s32 @p0 $0x1  }
0x13: {  	[smem:$0x3FAB] =	sst s0;
	s0 =	simm.s32 @!p1 $0x0  }
0x14: {  	s2 =	sld [smem:$0x3F8F];
	s0 =	simm.s32 @p1 $0x1  }
0x15: {  	[smem:$0x3FAC] =	sst s0;
	s0 =	simm.s32 @!p2 $0x0  }
0x16: {  	s3 =	sld [smem:$0x3FDB];
	s0 =	simm.s32 @p2 $0x1  }
0x17: {  	s4 =	simm.s32 $0x1BF5;
	[smem:$0x3FAE] =	sst s0  }
0x18: {  	s0 =	sld [smem:$0x3F91];
	_ =	swait.ge [sflag:s4], $0x0  }
0x19: {  	s7 =	sld [smem:$0x3F92]  }
0x1a: {  	s8 =	sadd.s32 $0xFFFFE003, lr  }
0x1b: {  	s9 =	sadd.s32 $0xFFFFFEF7, lr;
	s5 =	simm.s32 $0xFFFFFFFF;
	p2 =	slt.u32 s8, $0xFFFFF086  }
0x1c: {  	p1 =	slt.u32 s9, $0xF7A;
	s5 =	simm.s32 @!p2 $0x0  }
0x1d: {  	s5 =	simm.s32 @p1 $0x1;
	p0 =	seq.s32 s7, s2  }
0x1e: {  	s7 =	smul.u32 @!p0 $0xF7A, s2;
	p2 =	seq.s32 @!p0 s5, $0x0  }
0x1f: {  	s9 =	smul.u32 $0xF7A, s1;
	s8 =	simm.s32 @!p0 $0x1BF5;
	p2 =	por !p2, p0  }
0x20: {  	[sflag:s8] =	ssyncset.s32 @!p0 $0xFFFFF086;
	s6 =	sadd.s32 @!p0 s3, s7;
	s7 =	simm.s32 @!p0 $0x108  }
0x21: {  	s3 =	sadd.s32 s3, s9;
	s6 =	sadd.s32 @!p0 $0x88, s6;
	s7 =	simm.s32 @p2 $0x1082  }
0x22: {  	[simem:s7], [sflag:s8] =	dma.local @!p0 [hbm:s6], $0xF7A  }
0x23: {  	s9 =	sor.u32 $0xD0000000, s2;
	s6 =	simm.s32 $0x108;
	_ =	swait.ge @!p0 [sflag:s8], $0x0  }
0x24: {  	s3 =	sadd.s32 $0x88, s3;
	s6 =	simm.s32 @!p1 $0x1082;
	[sflag:s4] =	ssyncset.s32 $0xFFFFF086  }
0x25: {  	[simem:s6], [sflag:s4] =	dma.local [hbm:s3], $0xF7A  }
0x26: {  	[smem:$0x3F92] =	sst s1;
	(tag) =	ssettag s2;
	_ =	strace s9  }
0x27: {  	s1 =	sld [smem:$0x3FA2]  }
0x28: {  	s2 =	sld [smem:$0x3FA3]  }
0x29: {  	s4 =	sld [smem:$0x3FA5]  }
0x2a: {  	p0 =	seq.s32 s5, $0x0;
	s5 =	sld [smem:$0x3FA6]  }
0x2b: {  	s6 =	sld [smem:$0x3FA7]  }
0x2c: {  	s7 =	sld [smem:$0x3FA8]  }
0x2d: {  	s3 =	simm.s32 $0x108;
	s8 =	sld [smem:$0x3FA9]  }
0x2e: {  	s3 =	simm.s32 @!p0 $0x1082;
	s9 =	sld [smem:$0x3FAA]  }
0x2f: {  	lr =	sadd.s32 s0, s3;
	s0 =	sld [smem:$0x3FA1]  }
0x30: {  	s3 =	sld [smem:$0x3FA4]  }
0x31: {  	[smem:$0x3FAD] =	sst s10  }
0x32: {  	s10 =	sld [smem:$0x3FAB];
	_ =	sdelay $0x3  }
0x33: {  	p0 =	seq.s32 s10, $0x1;
	s10 =	sld [smem:$0x3FAD];
	_ =	sdelay $0x3  }
0x34: {  	[smem:$0x3FAD] =	sst s10  }
0x35: {  	s10 =	sld [smem:$0x3FAC];
	_ =	sdelay $0x3  }
0x36: {  	p1 =	seq.s32 s10, $0x1;
	s10 =	sld [smem:$0x3FAD];
	_ =	sdelay $0x3  }
0x37: {  	[smem:$0x3FAD] =	sst s10  }
0x38: {  	s10 =	sld [smem:$0x3FAE]  }
0x39: {  	_ = 	snop;
	(pc) =	sbr.ind lr, $3  }
0x3a: {  	_ = 	snop  }
0x3b: {  	_ = 	snop  }
0x3c: {  	p2 =	seq.s32 s10, $0x1;
	s10 =	sld [smem:$0x3FAD]  }
0x3d: {  	_ =	shalt  }
0x3e: {  	_ =	shalt  }
0x3f: {  	_ =	shalt  }
0x40: {  	_ =	shalt  }
0x41: {  	_ =	shalt  }
0x42: {  	_ =	shalt  }
0x43: {  	_ =	shalt  }
0x44: {  	_ =	shalt  }
0x45: {  	_ =	shalt  }
0x46: {  	_ =	shalt  }
0x47: {  	_ =	shalt  }
0x48: {  	_ =	shalt  }
0x49: {  	_ =	shalt  }
0x4a: {  	_ =	shalt  }
0x4b: {  	_ =	shalt  }
0x4c: {  	_ =	shalt  }
0x4d: {  	_ =	shalt  }
0x4e: {  	_ =	shalt  }
0x4f: {  	_ =	shalt  }
0x50: {  	_ =	shalt  }
0x51: {  	_ =	shalt  }
0x52: {  	_ =	shalt  }
0x53: {  	_ =	shalt  }
0x54: {  	_ =	shalt  }
0x55: {  	_ =	shalt  }
0x56: {  	_ =	shalt  }
0x57: {  	_ =	shalt  }
0x58: {  	_ =	shalt  }
0x59: {  	_ =	shalt  }
0x5a: {  	_ =	shalt  }
0x5b: {  	_ =	shalt  }
0x5c: {  	_ =	shalt  }
0x5d: {  	_ =	shalt  }
0x5e: {  	_ =	shalt  }
0x5f: {  	_ =	shalt  }
0x60: {  	_ =	shalt  }
0x61: {  	_ =	shalt  }
0x62: {  	_ =	shalt  }
0x63: {  	_ =	shalt  }
0x64: {  	_ =	shalt  }
0x65: {  	_ =	shalt  }
0x66: {  	_ =	shalt  }
0x67: {  	_ =	shalt  }
0x68: {  	_ =	shalt  }
0x69: {  	_ =	shalt  }
0x6a: {  	_ =	shalt  }
0x6b: {  	_ =	shalt  }
0x6c: {  	_ =	shalt  }
0x6d: {  	_ =	shalt  }
0x6e: {  	_ =	shalt  }
0x6f: {  	_ =	shalt  }
0x70: {  	_ =	shalt  }
0x71: {  	_ =	shalt  }
0x72: {  	_ =	shalt  }
0x73: {  	_ =	shalt  }
0x74: {  	_ =	shalt  }
0x75: {  	_ =	shalt  }
0x76: {  	_ =	shalt  }
0x77: {  	_ =	shalt  }
0x78: {  	_ =	shalt  }
0x79: {  	_ =	shalt  }
0x7a: {  	_ =	shalt  }
0x7b: {  	_ =	shalt  }
0x7c: {  	_ =	shalt  }
0x7d: {  	_ =	shalt  }
0x7e: {  	_ =	shalt  }
0x7f: {  	_ =	shalt  }
0x80: {  	_ =	shalt  }
0x81: {  	_ =	shalt  }
0x82: {  	_ =	shalt  }
0x83: {  	_ =	shalt  }
0x84: {  	_ =	shalt  }
0x85: {  	_ =	shalt  }
0x86: {  	_ =	shalt  }
0x87: {  	_ =	shalt  }
.Lfunc_end0:
.L_simem_size_0:
called_computation.1_lowered:
.L_overlay_start_0:
0x88: {  	s2 =	sld [smem:$0x3FD9]  }
0x89: {  	s3 =	sld [smem:$0x3FFE];
	_ =	sdelay $0x1  }
0x8a: {  	s1 =	srdreg.scid  }
0x8b: {  	s0 =	sand.u32 $0x1, s1  }
0x8c: {  	s17 =	sshll.u32 s0, $0xA;
	s2 =	sadd.s32 s3, s2  }
0x8d: {  	s2 =	sadd.s32 s2, s17  }
0x8e: {  	[smem:$0x3FB9] =	sst s2  }
0x8f: {  	_ = 	snop  }
0x90: {  	s2 =	sld [smem:$0x3FC9]  }
0x91: {  	s18 =	sld [smem:$0x3FC5];
	(tm) =	ssettm $0x1  }
0x92: {  	s4 =	sld [smem:$0x3FFB];
	_ =	sdelay $0x3  }
0x93: {  	_ =	strace s4  }
0x94: {  	s4 =	sld [smem:$0x3FFC];
	_ =	sdelay $0x3  }
0x95: {  	_ =	strace s4  }
0x96: {  	s4 =	sld [smem:$0x3FFD];
	_ =	sdelay $0x3  }
0x97: {  	_ =	strace s4  }
0x98: {  	_ =	strace $0x8FFFFFFF  }
0x99: {  	s19 =	sld [smem:$0x3FDB];
	_ =	sdelay $0x1  }
0x9a: {  	s5 =	simm.s32 $_scs_section_size  }
0x9b: {  	s6 =	simm.s32 $_size__tile_overlayer_lowered;
	s7 =	simm.s32 $_tile_overlayer_lowered  }
0x9c: {  	s22 =	simm.s32 $0x1BFF;
	s21 =	sshll.u32 s7, $0x1;
	s4 =	sadd.s32 s5, s19  }
0x9d: {  	s8 =	simm.s32 $0x0;
	s20 =	sshll.u32 s6, $0x1;
	s6 =	sadd.s32 s21, s4  }
0x9e: {  	[timem:s8], [sflag:s22] =	dma.local [hbm:s6], s20  }
0x9f: {  	_ =	swait.ge [sflag:s22], s20  }
0xa0: {  	s5 =	ssub.s32 $0x0, s20;
	[sflag:s22] =	ssyncset.done $0x0  }
0xa1: {  	[sflag:s22] =	ssyncadd.s32 s5;
	_ =	sdelay $0x1  }
0xa2: {  	s23 =	simm.s32 $0x1B8B  }
0xa3: {  	_ =	swait.ge [sflag:s23], $0x1  }
0xa4: {  	[sflag:s23] =	ssyncset.done $0x0  }
0xa5: {  	s25 =	simm.s32 $0x1B8E;
	s24 =	sld [smem:$0x3FFE];
	[sflag:s23] =	ssyncadd.s32 $0xFFFFFFFF  }
0xa6: {  	s26 =	simm.s32 $execute0_lowered;
	[smem:$0x3FD2] =	sst s25  }
0xa7: {  	s6 =	sshll.u32 s26, $0x1;
	_ =	strace $0x80000046;
	[dreg:$0x1] =	wrdreg $0xFFFFFFFF  }
0xa8: {  	s28 =	simm.s32 $_size_execute0_lowered;
	s4 =	sadd.s32 s4, s6;
	[dreg:$0x0] =	wrdreg $0x0  }
0xa9: {  	s6 =	sshll.u32 s28, $0x1;
	[dreg:$0x2] =	wrdreg s4  }
0xaa: {  	[dreg:$0x3] =	wrdreg s6  }
0xab: {  	[dreg:$0x4] =	wrdreg $0xC0  }
0xac: {  	_ =	task [dreg:s8], $0x5FFFF  }
0xad: {  	[dreg:$0x1] =	wrdreg $0xFFFFFFFF  }
0xae: {  	[dreg:$0x0] =	wrdreg $0x60  }
0xaf: {  	[dreg:$0x2] =	wrdreg s18  }
0xb0: {  	[dreg:$0x3] =	wrdreg s2  }
0xb1: {  	[dreg:$0x4] =	wrdreg s24  }
0xb2: {  	[dreg:$0x5] =	wrdreg $0x9  }
0xb3: {  	_ =	task.clear_ibuf [dreg:s8], $0x6FFFF;
	_ =	strace $0x90000046  }
0xb4: {  	s29 =	simm.s32 $0x9;
	_ =	strace $0x80000048  }
0xb5: {  	_ =	swait.ge [sflag:s29], $0x1  }
0xb6: {  	[sflag:s29] =	ssyncadd.s32 $0xFFFFFFFF  }
0xb7: {  	_ =	strace $0x90000048  }
0xb8: {  	_ =	sfence  }
0xb9: {  	s30 =	sld [smem:$0x0];
	_ =	sdelay $0x2  }
0xba: {  	s31 =	sshll.u32 s1, $0xD;
	s1 =	sshrl.u32 s1, $0x2  }
0xbb: {  	s3 =	sand.u32 $0x4000, s31;
	s1 =	sadd.s32 s1, s30  }
0xbc: {  	s0 =	sor.u32 s3, s0;
	s1 =	sshll.u32 s1, $0x11  }
0xbd: {  	s0 =	sor.u32 s1, s0  }
0xbe: {  	s0 =	sadd.s32 $0x8F2B, s0  }
0xbf: {  	[sflag:s0] =	ssyncadd.remote.s32 $0x1  }
0xc0: {  	_ =	sfence.sel $0xFFFF  }
0xc1: {  	[dreg:$0x0] =	wrdreg $0xFFFFFFFF;
	(pc) =	sbr.abs _section_cstart, $3  }
0xc2: {  	[dreg:$0x1] =	wrdreg $0xFFFFFFFF  }
0xc3: {  	_ =	task.clear_ibuf [dreg:s8], $0x2FFFF;
	_ =	strace $0x9FFFFFFF  }
0xc4: {  	(tm) =	ssettm $0x7FFFFFFF  }
0xc5: {  	_ =	shalt  }
tec
execute0_lowered:
.L_overlay_start_1:
0x0: {  	(tag) =	ssettag $0x1  }
0x1: {  	s1 =	rddreg [dreg:$0x0]  }
0x2: {  	s4 =	rddreg [dreg:$0x1]  }
0x3: {  	s5 =	rddreg [dreg:$0x2]  }
0x4: {  	s0 =	rddreg [dreg:$0x3];
	s3 =	simm.s32 $0x0  }
0x5: {  	s8 =	simm.s32 $0x1080;
	[smem:$0x7FF] =	sst s3  }
0x6: {  	s18 =	simm.s32 $0x2080;
	_ =	strace $0x80000047;
	[dreg:$0x4] =	wrdreg s8  }
0x7: {  	s19 =	simm.s32 $0x3080;
	[dreg:$0x5] =	wrdreg s18  }
0x8: {  	s21 =	simm.s32 $0x4080;
	[dreg:$0x6] =	wrdreg s19  }
0x9: {  	s2 =	stileid.u32;
	s22 =	simm.s32 $0x5080;
	[dreg:$0x7] =	wrdreg s21  }
0xa: {  	s6 =	srdreg.scid;
	s23 =	simm.s32 $0x6080;
	[dreg:$0x8] =	wrdreg s22  }
0xb: {  	s24 =	simm.s32 $0x7080;
	s25 =	simm.s32 $0x8080;
	[dreg:$0x9] =	wrdreg s23  }
0xc: {  	s26 =	simm.s32 $0x9080;
	s28 =	simm.s32 $0xA080;
	[dreg:$0xa] =	wrdreg s24  }
0xd: {  	s29 =	simm.s32 $0xB080;
	s30 =	simm.s32 $0xC080;
	[dreg:$0xb] =	wrdreg s25  }
0xe: {  	s31 =	simm.s32 $0xD080;
	s11 =	simm.s32 $0xE080;
	[dreg:$0xc] =	wrdreg s26  }
0xf: {  	s12 =	simm.s32 $0xF080;
	s7 =	sshll.u32 s2, $0x11;
	[dreg:$0xd] =	wrdreg s28  }
0x10: {  	s6 =	sand.u32 $0x1, s6;
	s20 =	sshll.u32 s2, $0x5;
	[dreg:$0xe] =	wrdreg s29  }
0x11: {  	s7 =	sadd.s32 s7, s5;
	s17 =	ssub.s32 $0x2, s6;
	[dreg:$0xf] =	wrdreg s30  }
0x12: {  	s10 =	sshll.u32 s6, $0x4;
	s6 =	sshll.u32 s6, $0x10;
	[dreg:$0x10] =	wrdreg s31  }
0x13: {  	s8 =	simm.s32 $0x1;
	[dreg:$0x11] =	wrdreg s11;
	s11 =	simm.s32 $0x80  }
0x14: {  	[dreg:$0x12] =	wrdreg s12;
	s12 =	simm.s32 $0x0;
	s9 =	sshrl.u32 s17, $0x1  }
0x15: {  	s6 =	sadd.s32 s6, s7;
	s7 =	simm.s32 $0x2;
	s5 =	ssub.s32 s17, s9  }
0x16: {  	s9 =	sor.u32 s10, s20;
	s6 =	sadd.s32 $0x2A00, s6;
	s10 =	simm.s32 $0x7A1400  }
0x17: {  	s4 =	sadd.s32 s4, s9;
	s5 =	smax.u32 s5, $0x1;
	s9 =	simm.s32 $0x400  }
.LBB2_1:
0x18: {  	[tilespmem:s3], [sflag:$0x2] =	stream.linear.gather [hbm4b:s4+s3], $0x80, $0x38;
	[tilespmem:$0x10080] =	vst v63  }
0x19: {  	_ =	swait.ge [sflag:s7], $0x80  }
0x1a: {  	[sflag:s7] =	ssyncset.done $0x0  }
0x1b: {  	s13 =	smov.u32 s6;
	s14 =	simm.s32 $0x0;
	[sflag:s7] =	ssyncadd.s32 $0xFFFFFF80  }
.LBB2_2:
0x1c: {  	s15 =	sshra.s32 s14, $0x2  }
0x1d: {  	v0 =	vld [tilespmem:s15+$0x0];
	_ =	sdelay $0x4  }
0x1e: {  	(v2sf) =	vpush v0, $0x0;
	_ =	sdelay $0x4  }
0x1f: {  	(v2sf) =	vpush v0, $0x1;
	_ =	sdelay $0x9  }
0x20: {  	s21 =	spop (v2sf)  }
0x21: {  	(v2sf) =	vpush v0, $0x2;
	s16 =	sand.u32 $0x7F, s21  }
0x22: {  	s17 =	sshra.s32 s21, $0x1F;
	p0 =	slt.s32 s21, $0x1;
	p1 =	sne.s32 s16, $0x0  }
0x23: {  	s22 =	sshrl.u32 s17, $0x19;
	p0 =	por !p0, !p1  }
0x24: {  	s17 =	simm.s32 $0x1;
	s16 =	sadd.s32 s22, s21;
	p0 =	por !p0, !p0  }
0x25: {  	s23 =	spop (v2sf);
	s16 =	sshrl.u32 s16, $0x7;
	s17 =	simm.s32 @!p0 $0x0  }
0x26: {  	s24 =	sand.u32 $0x7F, s23;
	s25 =	sshra.s32 s23, $0x1F;
	s16 =	ssub.s32 s16, s17  }
0x27: {  	(v2sf) =	vpush v0, $0x3;
	p1 =	slt.s32 s23, $0x1;
	p2 =	sne.s32 s24, $0x0;
	s16 =	sshll.u32 s16, $0x7  }
0x28: {  	s26 =	sshrl.u32 s25, $0x19;
	p0 =	sgt.s32 s21, $0xF41FF;
	s15 =	sand.u32 $0x1FFFFF80, s16  }
0x29: {  	s17 =	simm.s32 $0x1;
	s15 =	simm.s32 @p0 $0x0;
	p0 =	por !p1, !p2  }
0x2a: {  	s16 =	sadd.s32 s26, s23;
	s15 =	sadd.s32 s1, s15;
	p0 =	por !p0, !p0  }
0x2b: {  	[tilespmem:s11], [sflag:$0x1] =	stream.strided.gather [hbm4b:s15+s9], $0x1000, s10, s9, $0x38;
	[tilespmem:$0x10080] =	vst v63  }
0x2c: {  	s16 =	sshrl.u32 s16, $0x7;
	s17 =	simm.s32 @!p0 $0x0  }
0x2d: {  	s16 =	ssub.s32 s16, s17  }
0x2e: {  	s16 =	sshll.u32 s16, $0x7  }
0x2f: {  	p0 =	sgt.s32 s23, $0xF41FF;
	s15 =	sand.u32 $0x1FFFFF80, s16  }
0x30: {  	s15 =	simm.s32 @p0 $0x0;
	s29 =	spop (v2sf)  }
0x31: {  	s28 =	rddreg [dreg:$0x4];
	s15 =	sadd.s32 s1, s15;
	s30 =	sand.u32 $0x7F, s29  }
0x32: {  	(v2sf) =	vpush v0, $0x4;
	[tilespmem:s28], [sflag:$0x1] =	stream.strided.gather [hbm4b:s15+s9], $0x1000, s10, s9, $0x38;
	[tilespmem:$0x10080] =	vst v63  }
0x33: {  	s31 =	sshra.s32 s29, $0x1F;
	p3 =	slt.s32 s29, $0x1;
	p4 =	sne.s32 s30, $0x0  }
0x34: {  	s19 =	rddreg [dreg:$0x5];
	s18 =	sshrl.u32 s31, $0x19;
	p0 =	por !p3, !p4  }
0x35: {  	s17 =	simm.s32 $0x1;
	s16 =	sadd.s32 s18, s29;
	p0 =	por !p0, !p0  }
0x36: {  	s20 =	spop (v2sf);
	s16 =	sshrl.u32 s16, $0x7;
	s17 =	simm.s32 @!p0 $0x0  }
0x37: {  	s21 =	sand.u32 $0x7F, s20;
	s22 =	sshra.s32 s20, $0x1F;
	s16 =	ssub.s32 s16, s17  }
0x38: {  	(v2sf) =	vpush v0, $0x5;
	p5 =	slt.s32 s20, $0x1;
	p6 =	sne.s32 s21, $0x0;
	s16 =	sshll.u32 s16, $0x7  }
0x39: {  	s23 =	sshrl.u32 s22, $0x19;
	p0 =	sgt.s32 s29, $0xF41FF;
	s15 =	sand.u32 $0x1FFFFF80, s16  }
0x3a: {  	s17 =	simm.s32 $0x1;
	s15 =	simm.s32 @p0 $0x0;
	p0 =	por !p5, !p6  }
0x3b: {  	s16 =	sadd.s32 s23, s20;
	s15 =	sadd.s32 s1, s15;
	p0 =	por !p0, !p0  }
0x3c: {  	[tilespmem:s19], [sflag:$0x1] =	stream.strided.gather [hbm4b:s15+s9], $0x1000, s10, s9, $0x38;
	[tilespmem:$0x10080] =	vst v63  }
0x3d: {  	s16 =	sshrl.u32 s16, $0x7;
	s17 =	simm.s32 @!p0 $0x0  }
0x3e: {  	s16 =	ssub.s32 s16, s17  }
0x3f: {  	s16 =	sshll.u32 s16, $0x7  }
0x40: {  	p0 =	sgt.s32 s20, $0xF41FF;
	s15 =	sand.u32 $0x1FFFFF80, s16  }
0x41: {  	s15 =	simm.s32 @p0 $0x0;
	s25 =	spop (v2sf)  }
0x42: {  	s24 =	rddreg [dreg:$0x6];
	s15 =	sadd.s32 s1, s15;
	s26 =	sand.u32 $0x7F, s25  }
0x43: {  	(v2sf) =	vpush v0, $0x6;
	[tilespmem:s24], [sflag:$0x1] =	stream.strided.gather [hbm4b:s15+s9], $0x1000, s10, s9, $0x38;
	[tilespmem:$0x10080] =	vst v63  }
0x44: {  	s28 =	sshra.s32 s25, $0x1F;
	p1 =	slt.s32 s25, $0x1;
	p2 =	sne.s32 s26, $0x0  }
0x45: {  	s30 =	rddreg [dreg:$0x7];
	s29 =	sshrl.u32 s28, $0x19;
	p0 =	por !p1, !p2  }
0x46: {  	s17 =	simm.s32 $0x1;
	s16 =	sadd.s32 s29, s25;
	p0 =	por !p0, !p0  }
0x47: {  	s31 =	spop (v2sf);
	s16 =	sshrl.u32 s16, $0x7;
	s17 =	simm.s32 @!p0 $0x0  }
0x48: {  	s18 =	sand.u32 $0x7F, s31;
	s19 =	sshra.s32 s31, $0x1F;
	s16 =	ssub.s32 s16, s17  }
0x49: {  	(v2sf) =	vpush v0, $0x7;
	p3 =	slt.s32 s31, $0x1;
	p4 =	sne.s32 s18, $0x0;
	s16 =	sshll.u32 s16, $0x7  }
0x4a: {  	s20 =	sshrl.u32 s19, $0x19;
	p0 =	sgt.s32 s25, $0xF41FF;
	s15 =	sand.u32 $0x1FFFFF80, s16  }
0x4b: {  	s17 =	simm.s32 $0x1;
	s15 =	simm.s32 @p0 $0x0;
	p0 =	por !p3, !p4  }
0x4c: {  	s16 =	sadd.s32 s20, s31;
	s15 =	sadd.s32 s1, s15;
	p0 =	por !p0, !p0  }
0x4d: {  	[tilespmem:s30], [sflag:$0x1] =	stream.strided.gather [hbm4b:s15+s9], $0x1000, s10, s9, $0x38;
	[tilespmem:$0x10080] =	vst v63  }
0x4e: {  	s16 =	sshrl.u32 s16, $0x7;
	s17 =	simm.s32 @!p0 $0x0  }
0x4f: {  	s16 =	ssub.s32 s16, s17  }
0x50: {  	s16 =	sshll.u32 s16, $0x7  }
0x51: {  	p0 =	sgt.s32 s31, $0xF41FF;
	s15 =	sand.u32 $0x1FFFFF80, s16  }
0x52: {  	s15 =	simm.s32 @p0 $0x0;
	s22 =	spop (v2sf)  }
0x53: {  	s21 =	rddreg [dreg:$0x8];
	s15 =	sadd.s32 s1, s15;
	s23 =	sand.u32 $0x7F, s22  }
0x54: {  	(v2sf) =	vpush v0, $0x8;
	[tilespmem:s21], [sflag:$0x1] =	stream.strided.gather [hbm4b:s15+s9], $0x1000, s10, s9, $0x38;
	[tilespmem:$0x10080] =	vst v63  }
0x55: {  	s24 =	sshra.s32 s22, $0x1F;
	p5 =	slt.s32 s22, $0x1;
	p6 =	sne.s32 s23, $0x0  }
0x56: {  	s26 =	rddreg [dreg:$0x9];
	s25 =	sshrl.u32 s24, $0x19;
	p0 =	por !p5, !p6  }
0x57: {  	s17 =	simm.s32 $0x1;
	s16 =	sadd.s32 s25, s22;
	p0 =	por !p0, !p0  }
0x58: {  	s28 =	spop (v2sf);
	s16 =	sshrl.u32 s16, $0x7;
	s17 =	simm.s32 @!p0 $0x0  }
0x59: {  	s29 =	sand.u32 $0x7F, s28;
	s30 =	sshra.s32 s28, $0x1F;
	s16 =	ssub.s32 s16, s17  }
0x5a: {  	(v2sf) =	vpush v0, $0x9;
	p1 =	slt.s32 s28, $0x1;
	p2 =	sne.s32 s29, $0x0;
	s16 =	sshll.u32 s16, $0x7  }
0x5b: {  	s31 =	sshrl.u32 s30, $0x19;
	p0 =	sgt.s32 s22, $0xF41FF;
	s15 =	sand.u32 $0x1FFFFF80, s16  }
0x5c: {  	s17 =	simm.s32 $0x1;
	s15 =	simm.s32 @p0 $0x0;
	p0 =	por !p1, !p2  }
0x5d: {  	s16 =	sadd.s32 s31, s28;
	s15 =	sadd.s32 s1, s15;
	p0 =	por !p0, !p0  }
0x5e: {  	[tilespmem:s26], [sflag:$0x1] =	stream.strided.gather [hbm4b:s15+s9], $0x1000, s10, s9, $0x38;
	[tilespmem:$0x10080] =	vst v63  }
0x5f: {  	s16 =	sshrl.u32 s16, $0x7;
	s17 =	simm.s32 @!p0 $0x0  }
0x60: {  	s16 =	ssub.s32 s16, s17  }
0x61: {  	s16 =	sshll.u32 s16, $0x7  }
0x62: {  	p0 =	sgt.s32 s28, $0xF41FF;
	s15 =	sand.u32 $0x1FFFFF80, s16  }
0x63: {  	s15 =	simm.s32 @p0 $0x0;
	s18 =	spop (v2sf)  }
0x64: {  	s17 =	rddreg [dreg:$0xa];
	s15 =	sadd.s32 s1, s15;
	s19 =	sand.u32 $0x7F, s18  }
0x65: {  	(v2sf) =	vpush v0, $0xA;
	[tilespmem:s17], [sflag:$0x1] =	stream.strided.gather [hbm4b:s15+s9], $0x1000, s10, s9, $0x38;
	[tilespmem:$0x10080] =	vst v63  }
0x66: {  	s20 =	sshra.s32 s18, $0x1F;
	p3 =	slt.s32 s18, $0x1;
	p4 =	sne.s32 s19, $0x0  }
0x67: {  	s22 =	rddreg [dreg:$0xb];
	s21 =	sshrl.u32 s20, $0x19;
	p0 =	por !p3, !p4  }
0x68: {  	s17 =	simm.s32 $0x1;
	s16 =	sadd.s32 s21, s18;
	p0 =	por !p0, !p0  }
0x69: {  	s23 =	spop (v2sf);
	s16 =	sshrl.u32 s16, $0x7;
	s17 =	simm.s32 @!p0 $0x0  }
0x6a: {  	s24 =	sand.u32 $0x7F, s23;
	s25 =	sshra.s32 s23, $0x1F;
	s16 =	ssub.s32 s16, s17  }
0x6b: {  	(v2sf) =	vpush v0, $0xB;
	p5 =	slt.s32 s23, $0x1;
	p6 =	sne.s32 s24, $0x0;
	s16 =	sshll.u32 s16, $0x7  }
0x6c: {  	s26 =	sshrl.u32 s25, $0x19;
	p0 =	sgt.s32 s18, $0xF41FF;
	s15 =	sand.u32 $0x1FFFFF80, s16  }
0x6d: {  	s17 =	simm.s32 $0x1;
	s15 =	simm.s32 @p0 $0x0;
	p0 =	por !p5, !p6  }
0x6e: {  	s16 =	sadd.s32 s26, s23;
	s15 =	sadd.s32 s1, s15;
	p0 =	por !p0, !p0  }
0x6f: {  	[tilespmem:s22], [sflag:$0x1] =	stream.strided.gather [hbm4b:s15+s9], $0x1000, s10, s9, $0x38;
	[tilespmem:$0x10080] =	vst v63  }
0x70: {  	s16 =	sshrl.u32 s16, $0x7;
	s17 =	simm.s32 @!p0 $0x0  }
0x71: {  	s16 =	ssub.s32 s16, s17  }
0x72: {  	s16 =	sshll.u32 s16, $0x7  }
0x73: {  	p0 =	sgt.s32 s23, $0xF41FF;
	s15 =	sand.u32 $0x1FFFFF80, s16  }
0x74: {  	s15 =	simm.s32 @p0 $0x0;
	s29 =	spop (v2sf)  }
0x75: {  	s28 =	rddreg [dreg:$0xc];
	s15 =	sadd.s32 s1, s15;
	s30 =	sand.u32 $0x7F, s29  }
0x76: {  	(v2sf) =	vpush v0, $0xC;
	[tilespmem:s28], [sflag:$0x1] =	stream.strided.gather [hbm4b:s15+s9], $0x1000, s10, s9, $0x38;
	[tilespmem:$0x10080] =	vst v63  }
0x77: {  	s31 =	sshra.s32 s29, $0x1F;
	p1 =	slt.s32 s29, $0x1;
	p2 =	sne.s32 s30, $0x0  }
0x78: {  	s19 =	rddreg [dreg:$0xd];
	s18 =	sshrl.u32 s31, $0x19;
	p0 =	por !p1, !p2  }
0x79: {  	s17 =	simm.s32 $0x1;
	s16 =	sadd.s32 s18, s29;
	p0 =	por !p0, !p0  }
0x7a: {  	s20 =	spop (v2sf);
	s16 =	sshrl.u32 s16, $0x7;
	s17 =	simm.s32 @!p0 $0x0  }
0x7b: {  	s21 =	sand.u32 $0x7F, s20;
	s22 =	sshra.s32 s20, $0x1F;
	s16 =	ssub.s32 s16, s17  }
0x7c: {  	(v2sf) =	vpush v0, $0xD;
	p3 =	slt.s32 s20, $0x1;
	p4 =	sne.s32 s21, $0x0;
	s16 =	sshll.u32 s16, $0x7  }
0x7d: {  	s23 =	sshrl.u32 s22, $0x19;
	p0 =	sgt.s32 s29, $0xF41FF;
	s15 =	sand.u32 $0x1FFFFF80, s16  }
0x7e: {  	s17 =	simm.s32 $0x1;
	s15 =	simm.s32 @p0 $0x0;
	p0 =	por !p3, !p4  }
0x7f: {  	s16 =	sadd.s32 s23, s20;
	s15 =	sadd.s32 s1, s15;
	p0 =	por !p0, !p0  }
0x80: {  	[tilespmem:s19], [sflag:$0x1] =	stream.strided.gather [hbm4b:s15+s9], $0x1000, s10, s9, $0x38;
	[tilespmem:$0x10080] =	vst v63  }
0x81: {  	s16 =	sshrl.u32 s16, $0x7;
	s17 =	simm.s32 @!p0 $0x0  }
0x82: {  	s16 =	ssub.s32 s16, s17  }
0x83: {  	s16 =	sshll.u32 s16, $0x7  }
0x84: {  	p0 =	sgt.s32 s20, $0xF41FF;
	s15 =	sand.u32 $0x1FFFFF80, s16  }
0x85: {  	s15 =	simm.s32 @p0 $0x0;
	s25 =	spop (v2sf)  }
0x86: {  	s24 =	rddreg [dreg:$0xe];
	s15 =	sadd.s32 s1, s15;
	s26 =	sand.u32 $0x7F, s25  }
0x87: {  	(v2sf) =	vpush v0, $0xE;
	[tilespmem:s24], [sflag:$0x1] =	stream.strided.gather [hbm4b:s15+s9], $0x1000, s10, s9, $0x38;
	[tilespmem:$0x10080] =	vst v63  }
0x88: {  	s28 =	sshra.s32 s25, $0x1F;
	p5 =	slt.s32 s25, $0x1;
	p6 =	sne.s32 s26, $0x0  }
0x89: {  	s30 =	rddreg [dreg:$0xf];
	s29 =	sshrl.u32 s28, $0x19;
	p0 =	por !p5, !p6  }
0x8a: {  	s17 =	simm.s32 $0x1;
	s16 =	sadd.s32 s29, s25;
	p0 =	por !p0, !p0  }
0x8b: {  	s31 =	spop (v2sf);
	s16 =	sshrl.u32 s16, $0x7;
	s17 =	simm.s32 @!p0 $0x0  }
0x8c: {  	s18 =	sshra.s32 s31, $0x1F;
	p1 =	slt.s32 s31, $0x1;
	s16 =	ssub.s32 s16, s17  }
0x8d: {  	(v2sf) =	vpush v0, $0xF;
	s19 =	sshrl.u32 s18, $0x19;
	s17 =	sand.u32 $0x7F, s31;
	s16 =	sshll.u32 s16, $0x7  }
0x8e: {  	p0 =	sgt.s32 s25, $0xF41FF;
	p2 =	sne.s32 s17, $0x0;
	s15 =	sand.u32 $0x1FFFFF80, s16  }
0x8f: {  	s17 =	simm.s32 $0x1;
	s15 =	simm.s32 @p0 $0x0;
	p0 =	por !p1, !p2  }
0x90: {  	s16 =	sadd.s32 s19, s31;
	s15 =	sadd.s32 s1, s15;
	p0 =	por !p0, !p0  }
0x91: {  	[tilespmem:s30], [sflag:$0x1] =	stream.strided.gather [hbm4b:s15+s9], $0x1000, s10, s9, $0x38;
	[tilespmem:$0x10080] =	vst v63  }
0x92: {  	s16 =	sshrl.u32 s16, $0x7;
	s17 =	simm.s32 @!p0 $0x0  }
0x93: {  	s16 =	ssub.s32 s16, s17  }
0x94: {  	s16 =	sshll.u32 s16, $0x7  }
0x95: {  	p0 =	sgt.s32 s31, $0xF41FF;
	s15 =	sand.u32 $0x1FFFFF80, s16  }
0x96: {  	s15 =	simm.s32 @p0 $0x0;
	s21 =	spop (v2sf)  }
0x97: {  	s20 =	rddreg [dreg:$0x10];
	s15 =	sadd.s32 s1, s15;
	s22 =	sand.u32 $0x7F, s21  }
0x98: {  	[tilespmem:s20], [sflag:$0x1] =	stream.strided.gather [hbm4b:s15+s9], $0x1000, s10, s9, $0x38;
	[tilespmem:$0x10080] =	vst v63  }
0x99: {  	s23 =	sshra.s32 s21, $0x1F;
	p3 =	slt.s32 s21, $0x1;
	p4 =	sne.s32 s22, $0x0  }
0x9a: {  	s25 =	rddreg [dreg:$0x11];
	s24 =	sshrl.u32 s23, $0x19;
	p0 =	por !p3, !p4  }
0x9b: {  	s16 =	simm.s32 $0x1;
	s15 =	sadd.s32 s24, s21;
	p0 =	por !p0, !p0  }
0x9c: {  	s26 =	spop (v2sf);
	s15 =	sshrl.u32 s15, $0x7;
	s16 =	simm.s32 @!p0 $0x0  }
0x9d: {  	s17 =	simm.s32 $0x1;
	s28 =	sand.u32 $0x7F, s26;
	s15 =	ssub.s32 s15, s16  }
0x9e: {  	s29 =	sshra.s32 s26, $0x1F;
	p5 =	slt.s32 s26, $0x1;
	s15 =	sshll.u32 s15, $0x7  }
0x9f: {  	p6 =	sne.s32 s28, $0x0;
	p0 =	sgt.s32 s21, $0xF41FF;
	s15 =	sand.u32 $0x1FFFFF80, s15  }
0xa0: {  	s30 =	sshrl.u32 s29, $0x19;
	s15 =	simm.s32 @p0 $0x0;
	p0 =	por !p5, !p6  }
0xa1: {  	s16 =	sadd.s32 s30, s26;
	s15 =	sadd.s32 s1, s15;
	p0 =	por !p0, !p0  }
0xa2: {  	[tilespmem:s25], [sflag:$0x1] =	stream.strided.gather [hbm4b:s15+s9], $0x1000, s10, s9, $0x38;
	[tilespmem:$0x10080] =	vst v63  }
0xa3: {  	s16 =	sshrl.u32 s16, $0x7;
	s17 =	simm.s32 @!p0 $0x0  }
0xa4: {  	s16 =	ssub.s32 s16, s17  }
0xa5: {  	s16 =	sshll.u32 s16, $0x7  }
0xa6: {  	p0 =	sgt.s32 s26, $0xF41FF;
	s15 =	sand.u32 $0x1FFFFF80, s16  }
0xa7: {  	s15 =	simm.s32 @p0 $0x0  }
0xa8: {  	s31 =	rddreg [dreg:$0x12];
	s15 =	sadd.s32 s1, s15  }
0xa9: {  	[tilespmem:s31], [sflag:$0x1] =	stream.strided.gather [hbm4b:s15+s9], $0x1000, s10, s9, $0x38;
	[tilespmem:$0x10080] =	vst v63  }
0xaa: {  	_ =	swait.ge [sflag:s8], $0x1000  }
0xab: {  	[sflag:s8] =	ssyncset.done $0x0  }
0xac: {  	[sflag:s8] =	ssyncadd.s32 $0xFFFFF000  }
0xad: {  	_ =	swait.ge [sflag:s8], $0x1000  }
0xae: {  	[sflag:s8] =	ssyncset.done $0x0  }
0xaf: {  	[sflag:s8] =	ssyncadd.s32 $0xFFFFF000  }
0xb0: {  	_ =	swait.ge [sflag:s8], $0x1000  }
0xb1: {  	[sflag:s8] =	ssyncset.done $0x0  }
0xb2: {  	[sflag:s8] =	ssyncadd.s32 $0xFFFFF000  }
0xb3: {  	_ =	swait.ge [sflag:s8], $0x1000  }
0xb4: {  	[sflag:s8] =	ssyncset.done $0x0  }
0xb5: {  	[sflag:s8] =	ssyncadd.s32 $0xFFFFF000  }
0xb6: {  	_ =	swait.ge [sflag:s8], $0x1000  }
0xb7: {  	[sflag:s8] =	ssyncset.done $0x0  }
0xb8: {  	[sflag:s8] =	ssyncadd.s32 $0xFFFFF000  }
0xb9: {  	_ =	swait.ge [sflag:s8], $0x1000  }
0xba: {  	[sflag:s8] =	ssyncset.done $0x0  }
0xbb: {  	[sflag:s8] =	ssyncadd.s32 $0xFFFFF000  }
0xbc: {  	_ =	swait.ge [sflag:s8], $0x1000  }
0xbd: {  	[sflag:s8] =	ssyncset.done $0x0  }
0xbe: {  	[sflag:s8] =	ssyncadd.s32 $0xFFFFF000  }
0xbf: {  	_ =	swait.ge [sflag:s8], $0x1000  }
0xc0: {  	[sflag:s8] =	ssyncset.done $0x0  }
0xc1: {  	[sflag:s8] =	ssyncadd.s32 $0xFFFFF000  }
0xc2: {  	_ =	swait.ge [sflag:s8], $0x1000  }
0xc3: {  	[sflag:s8] =	ssyncset.done $0x0  }
0xc4: {  	[sflag:s8] =	ssyncadd.s32 $0xFFFFF000  }
0xc5: {  	_ =	swait.ge [sflag:s8], $0x1000  }
0xc6: {  	[sflag:s8] =	ssyncset.done $0x0  }
0xc7: {  	[sflag:s8] =	ssyncadd.s32 $0xFFFFF000  }
0xc8: {  	_ =	swait.ge [sflag:s8], $0x1000  }
0xc9: {  	[sflag:s8] =	ssyncset.done $0x0  }
0xca: {  	[sflag:s8] =	ssyncadd.s32 $0xFFFFF000  }
0xcb: {  	_ =	swait.ge [sflag:s8], $0x1000  }
0xcc: {  	[sflag:s8] =	ssyncset.done $0x0  }
0xcd: {  	[sflag:s8] =	ssyncadd.s32 $0xFFFFF000  }
0xce: {  	_ =	swait.ge [sflag:s8], $0x1000  }
0xcf: {  	[sflag:s8] =	ssyncset.done $0x0  }
0xd0: {  	[sflag:s8] =	ssyncadd.s32 $0xFFFFF000  }
0xd1: {  	_ =	swait.ge [sflag:s8], $0x1000  }
0xd2: {  	[sflag:s8] =	ssyncset.done $0x0  }
0xd3: {  	[sflag:s8] =	ssyncadd.s32 $0xFFFFF000  }
0xd4: {  	_ =	swait.ge [sflag:s8], $0x1000  }
0xd5: {  	[sflag:s8] =	ssyncset.done $0x0  }
0xd6: {  	[sflag:s8] =	ssyncadd.s32 $0xFFFFF000  }
0xd7: {  	_ =	swait.ge [sflag:s8], $0x1000  }
0xd8: {  	p0 =	sne.s32 s14, $0x1C0;
	[sflag:s8] =	ssyncset.done $0x0  }
.Ltmp0:
0xd9: {  	[sflag:s8] =	ssyncadd.s32 $0xFFFFF000;
	(pc) =	sbr.rel @p0 .LBB2_2-.Ltmp0, $4  }
0xda: {  	[hbm4b:s13+s3] =	stream.linear.scatter [tilespmem:s11], [sflag:$0x2], $0x10000, $0x38;
	[tilespmem:$0x10080] =	vst v63  }
0xdb: {  	_ =	swait.ge [sflag:s7], $0x10000  }
0xdc: {  	[sflag:s7] =	ssyncset.done $0x0  }
0xdd: {  	s14 =	sadd.s32 $0x40, s14;
	s13 =	sadd.s32 $0x2000, s13;
	[sflag:s7] =	ssyncadd.s32 $0xFFFF0000  }
0xde: {  	s12 =	sadd.s32 $0x1, s12  }
0xdf: {  	p0 =	sne.s32 s12, s5  }
.Ltmp1:
0xe0: {  	_ = 	snop;
	(pc) =	sbr.rel @p0 .LBB2_1-.Ltmp1, $1  }
0xe1: {  	_ =	sdelay $0x3  }
0xe2: {  	_ =	sfence.sel $0x180000  }
0xe3: {  	[bflag:$0x0] =	sbarrier.arrive $0xFFFF  }
0xe4: {  	p0 =	sne.s32 s2, $0x0;
	_ =	strace $0x90000047  }
0xe5: {  	s0 =	sadd.s32 @!p0 $0x100000, s0;
	[bflag:$0x2] =	sbarrier.arrive $0xFFFF  }
0xe6: {  	[sflag:s0] =	ssyncadd.tile.s32 @!p0 $0x1;
	_ =	shalt  }
.Lfunc_end2:
_tile_overlayer_lowered:
.L_overlay_start_2:
0xe7: {  	(tag) =	ssettag $0x2  }
0xe8: {  	s0 =	rddreg [dreg:$0x0];
	s2 =	stileid.u32  }
0xe9: {  	s1 =	rddreg [dreg:$0x1];
	p0 =	sne.s32 s2, $0x0  }
0xea: {  	s3 =	rddreg [dreg:$0x2];
	[bflag:$0x3] =	sbarrier.arrive $0xFFFF;
	s2 =	simm.s32 @!p0 $0x1C02  }
0xeb: {  	[timem:s3], [sflag:s2] =	dma.local @!p0 [hbm:s0], s1  }
0xec: {  	s0 =	simm.s32 @!p0 $0x2  }
0xed: {  	_ =	swait.ge @!p0 [sflag:s0], s1  }
0xee: {  	s1 =	ssub.s32 @!p0 $0x0, s1;
	[sflag:s0] =	ssyncset.done @!p0 $0x0  }
0xef: {  	[sflag:s0] =	ssyncadd.s32 @!p0 s1  }
0xf0: {  	[bflag:$0x3] =	sbarrier.arrive $0xFFFF  }
0xf1: {  	_ =	shalt  }

</sc_bundles>
